<compile_context>
chip_gen: v7x
topology: tpu7x:2x2x1
jax: 0.10.2.dev20260603
libtpu: 0.0.44.dev20260713+nightly
codegen_flags: <defaults>
</compile_context>

<pallas_src>
import functools

import jax
import jax.numpy as jnp
from jax import lax
from jax.experimental import pallas as pl
from jax.experimental.pallas import tpu as pltpu
from jax.experimental.pallas import tpu_sc as plsc

N_NODE = 10000
E = 160000
C = 128
CA = 144
NEG = 0.2

NT = 32
NCA = 40
NCH = 80
CH = 64
EPT = NCH * CH
E_PAD = NT * EPT


_BR = 400
_BE = 2000


def _node_body(x_ref, wa_ref, wb_ref, va_ref, vb_ref,
               oa_ref, ob_ref, aa_ref, ab_ref):
    x = x_ref[...]
    oa = jnp.dot(x, wa_ref[...], preferred_element_type=jnp.float32)
    ob = jnp.dot(x, wb_ref[...], preferred_element_type=jnp.float32)
    oa_ref[:, :C] = oa
    oa_ref[:, C:] = jnp.ones((_BR, CA - C), jnp.float32)
    ob_ref[...] = ob
    aa_ref[...] = jnp.dot(oa, va_ref[...], preferred_element_type=jnp.float32)
    ab_ref[...] = jnp.dot(ob, vb_ref[...], preferred_element_type=jnp.float32)


def _node_tc(x, wa, wb, va, vb):
    g = N_NODE // _BR
    return pl.pallas_call(
        _node_body,
        grid=(g,),
        in_specs=[pl.BlockSpec((_BR, C), lambda i: (i, 0)),
                  pl.BlockSpec((C, C), lambda i: (0, 0)),
                  pl.BlockSpec((C, C), lambda i: (0, 0)),
                  pl.BlockSpec((C, 1), lambda i: (0, 0)),
                  pl.BlockSpec((C, 1), lambda i: (0, 0))],
        out_specs=[pl.BlockSpec((_BR, CA), lambda i: (i, 0)),
                   pl.BlockSpec((_BR, C), lambda i: (i, 0)),
                   pl.BlockSpec((_BR, 1), lambda i: (i, 0)),
                   pl.BlockSpec((_BR, 1), lambda i: (i, 0))],
        out_shape=[jax.ShapeDtypeStruct((N_NODE, CA), jnp.float32),
                   jax.ShapeDtypeStruct((N_NODE, C), jnp.float32),
                   jax.ShapeDtypeStruct((N_NODE, 1), jnp.float32),
                   jax.ShapeDtypeStruct((N_NODE, 1), jnp.float32)],
    )(x, wa, wb, va.reshape(C, 1), vb.reshape(C, 1))


def _edge_body(ea_ref, w0_ref, v0_ref, w1_ref, v1_ref, o_ref):
    w0 = jnp.dot(w0_ref[...], v0_ref[...], preferred_element_type=jnp.float32)
    w1 = jnp.dot(w1_ref[...], v1_ref[...], preferred_element_type=jnp.float32)
    ea = ea_ref[...]
    o_ref[...] = jnp.concatenate(
        [jnp.dot(ea, w0, preferred_element_type=jnp.float32),
         jnp.dot(ea, w1, preferred_element_type=jnp.float32)], axis=1)


def _edge_tc(ea, w0, v0, w1, v1):
    g = E // _BE
    return pl.pallas_call(
        _edge_body,
        grid=(g,),
        in_specs=[pl.BlockSpec((_BE, C), lambda i: (i, 0)),
                  pl.BlockSpec((C, C), lambda i: (0, 0)),
                  pl.BlockSpec((C, 1), lambda i: (0, 0)),
                  pl.BlockSpec((C, C), lambda i: (0, 0)),
                  pl.BlockSpec((C, 1), lambda i: (0, 0))],
        out_specs=pl.BlockSpec((_BE, 2), lambda i: (i, 0)),
        out_shape=jax.ShapeDtypeStruct((E, 2), jnp.float32),
    )(ea, w0, v0.reshape(C, 1), w1, v1.reshape(C, 1))


def _comb_body(m0_ref, m1_ref, xd_ref, b_ref, o_ref):
    m0 = m0_ref[...]
    m1 = m1_ref[...]
    den = m0[:, C:C + 1] + m1[:, C:C + 1] + 1e-16
    o_ref[...] = jnp.maximum(
        (m0[:, :C] + m1[:, :C]) / den + xd_ref[...] + b_ref[...], 0.0)


def _comb_tc(m0, m1, xd, bias):
    g = N_NODE // _BR
    return pl.pallas_call(
        _comb_body,
        grid=(g,),
        in_specs=[pl.BlockSpec((_BR, CA), lambda i: (i, 0)),
                  pl.BlockSpec((_BR, CA), lambda i: (i, 0)),
                  pl.BlockSpec((_BR, C), lambda i: (i, 0)),
                  pl.BlockSpec((1, C), lambda i: (0, 0))],
        out_specs=pl.BlockSpec((_BR, C), lambda i: (i, 0)),
        out_shape=jax.ShapeDtypeStruct((N_NODE, C), jnp.float32),
    )(m0, m1, xd, bias.reshape(1, C))



_MESH = plsc.VectorSubcoreMesh(core_axis_name="c", subcore_axis_name="s")
_SC_PARAMS = pltpu.CompilerParams(
    needs_layout_passes=False, use_tc_tiling_on_sc=False)


@functools.partial(
    pl.kernel,
    mesh=_MESH,
    compiler_params=_SC_PARAMS,
    out_type=jax.ShapeDtypeStruct((NT, NCA, 128), jnp.float32),
    scratch_types=[pltpu.VMEM((NCA, 128), jnp.int32),
                   pltpu.VMEM((NCA, 128), jnp.int32),
                   pltpu.VMEM((NCA, 128), jnp.float32),
                   pltpu.VMEM((NCA, 128), jnp.float32),
                   pltpu.VMEM((N_NODE,), jnp.float32),
                   pltpu.VMEM((N_NODE,), jnp.float32)],
)
def _sc_edge_logits(src_h, dst_h, ae_h, asrc_h, adst_h,
                    g_out,
                    src_v, dst_v, ae_v, g_v, asrc_v, adst_v):
    cid = lax.axis_index("c")
    sid = lax.axis_index("s")
    wid = cid * 16 + sid
    pltpu.sync_copy(src_h.at[wid], src_v)
    pltpu.sync_copy(dst_h.at[wid], dst_v)
    pltpu.sync_copy(ae_h.at[wid], ae_v)
    pltpu.sync_copy(asrc_h, asrc_v)
    pltpu.sync_copy(adst_h, adst_v)

    @plsc.parallel_loop(0, NCA, unroll=2)
    def _chunk(c):
        for k in range(0):
            sl = pl.ds(k * 16, 16)
            s = src_v[c, sl]
            d = dst_v[c, sl]
            al = (plsc.load_gather(asrc_v, [s])
                  + plsc.load_gather(adst_v, [d])
                  + ae_v[c, sl])
            al = jnp.where(al >= 0.0, al, NEG * al)
            g_v[c, sl] = jnp.exp(al)

    pltpu.sync_copy(g_v, g_out.at[wid])


@functools.partial(
    pl.kernel,
    mesh=_MESH,
    compiler_params=_SC_PARAMS,
    out_type=jax.ShapeDtypeStruct((2, N_NODE, CA), jnp.float32),
    scratch_types=[pltpu.VMEM((NCH, CH), jnp.int32),
                   pltpu.VMEM((NCH, CH), jnp.int32),
                   pltpu.VMEM((NCA, 128), jnp.float32),
                   pltpu.VMEM((CH, CA), jnp.float32),
                   pltpu.VMEM((CH, CA), jnp.float32),
                   pltpu.VMEM_SHARED((N_NODE, CA), jnp.float32),
                   pltpu.SemaphoreType.DMA,
                   pltpu.SemaphoreType.DMA],
)
def _sc_aggregate(src_h, dst_h, g_h, xs_h, out_h,
                  src_v, dst_v, g_v, rows_a, rows_b, acc_sh, sem_a, sem_b):
    cid = lax.axis_index("c")
    sid = lax.axis_index("s")
    wid = cid * 16 + sid
    pltpu.sync_copy(src_h.at[wid], src_v)
    pltpu.sync_copy(dst_h.at[wid], dst_v)
    pltpu.sync_copy(g_h.at[wid], g_v)

    zero16 = jnp.zeros((16,), jnp.float32)

    def _zero_rows(r, carry):
        for k in range(CA // 16):
            rows_a[r, pl.ds(k * 16, 16)] = zero16
        return carry
    lax.fori_loop(0, CH, _zero_rows, 0)
    for kk in range(9):
        pltpu.sync_copy(rows_a.at[pl.ds(0, CH)],
                        acc_sh.at[pl.ds(sid * 625 + kk * CH, CH)])
    pltpu.sync_copy(rows_a.at[pl.ds(0, 49)],
                    acc_sh.at[pl.ds(sid * 625 + 9 * CH, 49)])

    pltpu.async_copy(xs_h.at[src_v.at[0]], rows_a, sem_a)
    plsc.subcore_barrier()

    def _agg(i, carry):
        for p in range(2):
            c = i * 2 + p
            buf, sem = (rows_a, sem_a) if p == 0 else (rows_b, sem_b)
            obuf, osem = (rows_b, sem_b) if p == 0 else (rows_a, sem_a)
            pltpu.make_async_copy(xs_h.at[src_v.at[c]], buf, sem).wait()

            @pl.when(c + 1 < NCH)
            def _():
                pltpu.async_copy(xs_h.at[src_v.at[c + 1]], obuf, osem)

            @plsc.parallel_loop(0, 0, unroll=4)
            def _scale(r):
                gc = lax.shift_right_logical(c, 1)
                gr = lax.bitwise_and(c, 1) * CH + r
                cb = plsc.load_gather(
                    g_v, [jnp.zeros((16,), jnp.int32) + gc,
                          jnp.zeros((16,), jnp.int32) + gr])
                for k in range(CA // 16):
                    sl = pl.ds(k * 16, 16)
                    buf[r, sl] = buf[r, sl] * cb
            pltpu.sync_copy(buf, acc_sh.at[dst_v.at[c]], add=True)
        return carry
    lax.fori_loop(0, NCH // 2, _agg, 0)

    plsc.subcore_barrier()
    pltpu.sync_copy(acc_sh.at[pl.ds(sid * 625, 625)],
                    out_h.at[cid, pl.ds(sid * 625, 625)])




def _pad_idx(col):
    return jnp.pad(col.astype(jnp.int32), (0, E_PAD - E))


def _pad_logit(col):
    return jnp.pad(col, (0, E_PAD - E),
                   constant_values=-1e30).reshape(NT, NCA, 128)


def kernel(x_item, x_seller, edge_index_i2s, edge_index_s2i,
           edge_attr_i2s, edge_attr_s2i, params):
    idx = {}
    for name, ei in (('i2s', edge_index_i2s), ('s2i', edge_index_s2i)):
        src_f = _pad_idx(ei[0])
        dst_f = _pad_idx(ei[1])
        idx[name] = (src_f.reshape(NT, NCA, 128), dst_f.reshape(NT, NCA, 128),
                     src_f.reshape(NT, NCH, CH), dst_f.reshape(NT, NCH, CH))

    ae2_i2s = _edge_tc(edge_attr_i2s,
                       params[0]['i2s']['W_edge'], params[0]['i2s']['att_edge'],
                       params[1]['i2s']['W_edge'], params[1]['i2s']['att_edge'])
    ae2_s2i = _edge_tc(edge_attr_s2i,
                       params[0]['s2i']['W_edge'], params[0]['s2i']['att_edge'],
                       params[1]['s2i']['W_edge'], params[1]['s2i']['att_edge'])
    ae2 = {'i2s': ae2_i2s, 's2i': ae2_s2i}

    x_i, x_s = x_item, x_seller
    for l in range(2):
        pi, ps = params[l]['i2s'], params[l]['s2i']
        xs_i2s, xd_s2i, a_src_i2s, a_dst_s2i = _node_tc(
            x_i, pi['W_src'], ps['W_src'], pi['att_src'], ps['att_dst'])
        xs_s2i, xd_i2s, a_src_s2i, a_dst_i2s = _node_tc(
            x_s, ps['W_src'], pi['W_src'], ps['att_src'], pi['att_dst'])

        g_i2s = _sc_edge_logits(
            idx['i2s'][0], idx['i2s'][1], _pad_logit(ae2['i2s'][:, l]),
            a_src_i2s.reshape(-1), a_dst_i2s.reshape(-1))
        g_s2i = _sc_edge_logits(
            idx['s2i'][0], idx['s2i'][1], _pad_logit(ae2['s2i'][:, l]),
            a_src_s2i.reshape(-1), a_dst_s2i.reshape(-1))

        msg_i2s = _sc_aggregate(idx['i2s'][2], idx['i2s'][3], g_i2s, xs_i2s)
        msg_s2i = _sc_aggregate(idx['s2i'][2], idx['s2i'][3], g_s2i, xs_s2i)

        x_s = _comb_tc(msg_i2s[0], msg_i2s[1], xd_i2s, pi['bias'])
        x_i = _comb_tc(msg_s2i[0], msg_s2i[1], xd_s2i, ps['bias'])
    return (x_i, x_s)

# --- scband reference (transcript-rebuilt; emitter-appended) ---
"""Pipeline reference for scband-model-i2s-62182536511790 (READ-ONLY COPY).

The authoritative reference and input builder live on the scoring server;
editing this copy changes nothing except your own understanding.
"""

import jax, jax.numpy as jnp
import numpy as np

N_ITEM = 10000
N_SELLER = 10000
E = 160000
C = 128
NUM_LAYERS = 2
NEG_SLOPE = 0.2


def _make_params(key):
    params = []
    scale = 1.0 / np.sqrt(C)
    for l in range(NUM_LAYERS):
        layer = {}
        for et in ('i2s', 's2i'):
            key, k1, k2, k3, k4, k5 = jax.random.split(key, 6)
            layer[et] = {
                'W_src': jax.random.normal(k1, (C, C), jnp.float32) * scale,
                'att_src': jax.random.normal(k2, (C,), jnp.float32) * scale,
                'att_dst': jax.random.normal(k3, (C,), jnp.float32) * scale,
                'W_edge': jax.random.normal(k4, (C, C), jnp.float32) * scale,
                'att_edge': jax.random.normal(k5, (C,), jnp.float32) * scale,
                'bias': jnp.zeros((C,), jnp.float32),
            }
        params.append(layer)
    return params


def setup_inputs(seed: int = 0):
    key = jax.random.key(seed)
    ks = jax.random.split(key, 9)
    x_item = jax.random.normal(ks[0], (N_ITEM, C), jnp.float32)
    x_seller = jax.random.normal(ks[1], (N_SELLER, C), jnp.float32)
    edge_index_i2s = jnp.stack([
        jax.random.randint(ks[2], (E,), 0, N_ITEM),
        jax.random.randint(ks[3], (E,), 0, N_SELLER),
    ], axis=0)
    edge_index_s2i = jnp.stack([
        jax.random.randint(ks[4], (E,), 0, N_SELLER),
        jax.random.randint(ks[5], (E,), 0, N_ITEM),
    ], axis=0)
    edge_attr_i2s = jax.random.normal(ks[6], (E, C), jnp.float32)
    edge_attr_s2i = jax.random.normal(ks[7], (E, C), jnp.float32)
    params = _make_params(ks[8])
    return {
        'x_item': x_item,
        'x_seller': x_seller,
        'edge_index_i2s': edge_index_i2s,
        'edge_index_s2i': edge_index_s2i,
        'edge_attr_i2s': edge_attr_i2s,
        'edge_attr_s2i': edge_attr_s2i,
        'params': params,
    }


def _gat_conv(x_src, x_dst, edge_index, edge_attr, p, num_dst):
    # NOTE: the torch code applies lin_src to BOTH src and dst (faithful).
    xs = x_src @ p['W_src']
    xd = x_dst @ p['W_src']
    a_src = (xs * p['att_src']).sum(-1)
    a_dst = (xd * p['att_dst']).sum(-1)
    src = edge_index[0]
    dst = edge_index[1]
    ea = edge_attr @ p['W_edge']
    a_edge = (ea * p['att_edge']).sum(-1)
    alpha = a_src[src] + a_dst[dst] + a_edge
    alpha = jax.nn.leaky_relu(alpha, NEG_SLOPE)
    # segment softmax over destination nodes
    amax = jax.ops.segment_max(alpha, dst, num_segments=num_dst)
    amax = jnp.where(jnp.isfinite(amax), amax, 0.0)
    amax = jax.lax.stop_gradient(amax)
    ex = jnp.exp(alpha - amax[dst])
    denom = jax.ops.segment_sum(ex, dst, num_segments=num_dst)
    alpha = ex / (denom[dst] + 1e-16)
    # dropout p=0.0 -> no-op
    msg = alpha[:, None] * xs[src]
    out = jax.ops.segment_sum(msg, dst, num_segments=num_dst)
    out = out + xd + p['bias']
    return out


def _forward(x_item, x_seller, ei_i2s, ei_s2i, ea_i2s, ea_s2i, params):
    x_i, x_s = x_item, x_seller
    for l in range(NUM_LAYERS):
        out_seller = _gat_conv(x_i, x_s, ei_i2s, ea_i2s, params[l]['i2s'], N_SELLER)
        out_item = _gat_conv(x_s, x_i, ei_s2i, ea_s2i, params[l]['s2i'], N_ITEM)
        # HeteroConv aggr='sum': one relation per dst type -> identity
        x_i = jax.nn.relu(out_item)
        x_s = jax.nn.relu(out_seller)
    return (x_i, x_s)


def reference(x_item, x_seller, edge_index_i2s, edge_index_s2i, edge_attr_i2s, edge_attr_s2i, params):
    return _forward(x_item, x_seller, edge_index_i2s, edge_index_s2i, edge_attr_i2s, edge_attr_s2i, params)

if __name__ == "__main__":
    import jax
    _d = setup_inputs()
    print(jax.jit(kernel)(*tuple(_d.values())))

</pallas_src>

<mosaic_0001>
#map = affine_map<(d0, d1) -> (0, 0, 0)>
#map1 = affine_map<(d0, d1) -> (0, 0)>
module attributes {stable_mosaic.version = 14 : i64} {
  func.func @_sc_aggregate(%arg0: i32, %arg1: i32, %arg2: memref<32x80x64xi32, #tpu.memory_space<hbm>>, %arg3: memref<32x80x64xi32, #tpu.memory_space<hbm>>, %arg4: memref<32x40x128xf32, #tpu.memory_space<hbm>>, %arg5: memref<10000x144xf32, #tpu.memory_space<hbm>>, %arg6: memref<2x10000x144xf32, #tpu.memory_space<hbm>>, %arg7: memref<80x64xi32, #tpu.memory_space<vmem>>, %arg8: memref<80x64xi32, #tpu.memory_space<vmem>>, %arg9: memref<40x128xf32, #tpu.memory_space<vmem>>, %arg10: memref<64x144xf32, #tpu.memory_space<vmem>>, %arg11: memref<64x144xf32, #tpu.memory_space<vmem>>, %arg12: memref<10000x144xf32, #tpu.memory_space<vmem_shared>>, %arg13: memref<!tpu.dma_semaphore, #tpu.memory_space<semaphore_mem>>, %arg14: memref<!tpu.dma_semaphore, #tpu.memory_space<semaphore_mem>>) attributes {dimension_semantics = [#tpu.dimension_semantics<core_parallel>, #tpu.dimension_semantics<subcore_parallel>], iteration_bounds = array<i64: 2, 16>, scalar_prefetch = 0 : i64, scratch_operands = 8 : i64, tpu.core_type = #tpu.core_type<sc_vector_subcore>, window_params = [{transform_indices = #map}, {transform_indices = #map}, {transform_indices = #map}, {transform_indices = #map1}, {transform_indices = #map}]} {
    %mul3A = arith.constant 16 : i32
    %mul3A_0 = arith.muli %arg0, %mul3A : i32
    %add3A = arith.addi %mul3A_0, %arg1 : i32
    "tpu.region"() ({
      %run_scoped3A = tpu.sem_alloc : memref<!tpu.dma_semaphore, #tpu.memory_space<semaphore_mem>>
      %dma_start3A_64 = arith.constant 0 : i32
      %dma_start3A_65 = arith.constant 0 : i32
      %dma_start3A_66 = tpu.memref_slice %arg2[%add3A, %dma_start3A_64, %dma_start3A_65] : memref<32x80x64xi32, #tpu.memory_space<hbm>> -> memref<1x80x64xi32, #tpu.memory_space<hbm>>
      %dma_start3A_67 = tpu.memref_squeeze %dma_start3A_66 : memref<1x80x64xi32, #tpu.memory_space<hbm>> -> memref<80x64xi32, #tpu.memory_space<hbm>>
      %dma_start3A_68 = arith.constant 0 : i32
      %dma_start3A_69 = arith.constant 0 : i32
      %dma_start3A_70 = tpu.memref_slice %arg2[%add3A, %dma_start3A_68, %dma_start3A_69] : memref<32x80x64xi32, #tpu.memory_space<hbm>> -> memref<1x80x64xi32, #tpu.memory_space<hbm>>
      %dma_start3A_71 = tpu.memref_squeeze %dma_start3A_70 : memref<1x80x64xi32, #tpu.memory_space<hbm>> -> memref<80x64xi32, #tpu.memory_space<hbm>>
      tpu.enqueue_dma source(%dma_start3A_71 : memref<80x64xi32, #tpu.memory_space<hbm>>) target(%arg7 : memref<80x64xi32, #tpu.memory_space<vmem>>) target_semaphore(%run_scoped3A : memref<!tpu.dma_semaphore, #tpu.memory_space<semaphore_mem>>)
      %dma_wait3A = arith.constant 0 : i32
      %dma_wait3A_72 = arith.constant 0 : i32
      %dma_wait3A_73 = tpu.memref_slice %arg2[%add3A, %dma_wait3A, %dma_wait3A_72] : memref<32x80x64xi32, #tpu.memory_space<hbm>> -> memref<1x80x64xi32, #tpu.memory_space<hbm>>
      %dma_wait3A_74 = tpu.memref_squeeze %dma_wait3A_73 : memref<1x80x64xi32, #tpu.memory_space<hbm>> -> memref<80x64xi32, #tpu.memory_space<hbm>>
      %dma_wait3A_75 = arith.constant 0 : i32
      %dma_wait3A_76 = arith.constant 0 : i32
      %dma_wait3A_77 = tpu.memref_slice %arg2[%add3A, %dma_wait3A_75, %dma_wait3A_76] : memref<32x80x64xi32, #tpu.memory_space<hbm>> -> memref<1x80x64xi32, #tpu.memory_space<hbm>>
      %dma_wait3A_78 = tpu.memref_squeeze %dma_wait3A_77 : memref<1x80x64xi32, #tpu.memory_space<hbm>> -> memref<80x64xi32, #tpu.memory_space<hbm>>
      tpu.wait_dma2 semaphore(%run_scoped3A : memref<!tpu.dma_semaphore, #tpu.memory_space<semaphore_mem>>) src(%dma_wait3A_78 : memref<80x64xi32, #tpu.memory_space<hbm>>) dst(%arg7 : memref<80x64xi32, #tpu.memory_space<vmem>>)
      tpu.yield
    }) : () -> ()
    "tpu.region"() ({
      %run_scoped3A = tpu.sem_alloc : memref<!tpu.dma_semaphore, #tpu.memory_space<semaphore_mem>>
      %dma_start3A_64 = arith.constant 0 : i32
      %dma_start3A_65 = arith.constant 0 : i32
      %dma_start3A_66 = tpu.memref_slice %arg3[%add3A, %dma_start3A_64, %dma_start3A_65] : memref<32x80x64xi32, #tpu.memory_space<hbm>> -> memref<1x80x64xi32, #tpu.memory_space<hbm>>
      %dma_start3A_67 = tpu.memref_squeeze %dma_start3A_66 : memref<1x80x64xi32, #tpu.memory_space<hbm>> -> memref<80x64xi32, #tpu.memory_space<hbm>>
      %dma_start3A_68 = arith.constant 0 : i32
      %dma_start3A_69 = arith.constant 0 : i32
      %dma_start3A_70 = tpu.memref_slice %arg3[%add3A, %dma_start3A_68, %dma_start3A_69] : memref<32x80x64xi32, #tpu.memory_space<hbm>> -> memref<1x80x64xi32, #tpu.memory_space<hbm>>
      %dma_start3A_71 = tpu.memref_squeeze %dma_start3A_70 : memref<1x80x64xi32, #tpu.memory_space<hbm>> -> memref<80x64xi32, #tpu.memory_space<hbm>>
      tpu.enqueue_dma source(%dma_start3A_71 : memref<80x64xi32, #tpu.memory_space<hbm>>) target(%arg8 : memref<80x64xi32, #tpu.memory_space<vmem>>) target_semaphore(%run_scoped3A : memref<!tpu.dma_semaphore, #tpu.memory_space<semaphore_mem>>)
      %dma_wait3A = arith.constant 0 : i32
      %dma_wait3A_72 = arith.constant 0 : i32
      %dma_wait3A_73 = tpu.memref_slice %arg3[%add3A, %dma_wait3A, %dma_wait3A_72] : memref<32x80x64xi32, #tpu.memory_space<hbm>> -> memref<1x80x64xi32, #tpu.memory_space<hbm>>
      %dma_wait3A_74 = tpu.memref_squeeze %dma_wait3A_73 : memref<1x80x64xi32, #tpu.memory_space<hbm>> -> memref<80x64xi32, #tpu.memory_space<hbm>>
      %dma_wait3A_75 = arith.constant 0 : i32
      %dma_wait3A_76 = arith.constant 0 : i32
      %dma_wait3A_77 = tpu.memref_slice %arg3[%add3A, %dma_wait3A_75, %dma_wait3A_76] : memref<32x80x64xi32, #tpu.memory_space<hbm>> -> memref<1x80x64xi32, #tpu.memory_space<hbm>>
      %dma_wait3A_78 = tpu.memref_squeeze %dma_wait3A_77 : memref<1x80x64xi32, #tpu.memory_space<hbm>> -> memref<80x64xi32, #tpu.memory_space<hbm>>
      tpu.wait_dma2 semaphore(%run_scoped3A : memref<!tpu.dma_semaphore, #tpu.memory_space<semaphore_mem>>) src(%dma_wait3A_78 : memref<80x64xi32, #tpu.memory_space<hbm>>) dst(%arg8 : memref<80x64xi32, #tpu.memory_space<vmem>>)
      tpu.yield
    }) : () -> ()
    "tpu.region"() ({
      %run_scoped3A = tpu.sem_alloc : memref<!tpu.dma_semaphore, #tpu.memory_space<semaphore_mem>>
      %dma_start3A_64 = arith.constant 0 : i32
      %dma_start3A_65 = arith.constant 0 : i32
      %dma_start3A_66 = tpu.memref_slice %arg4[%add3A, %dma_start3A_64, %dma_start3A_65] : memref<32x40x128xf32, #tpu.memory_space<hbm>> -> memref<1x40x128xf32, #tpu.memory_space<hbm>>
      %dma_start3A_67 = tpu.memref_squeeze %dma_start3A_66 : memref<1x40x128xf32, #tpu.memory_space<hbm>> -> memref<40x128xf32, #tpu.memory_space<hbm>>
      %dma_start3A_68 = arith.constant 0 : i32
      %dma_start3A_69 = arith.constant 0 : i32
      %dma_start3A_70 = tpu.memref_slice %arg4[%add3A, %dma_start3A_68, %dma_start3A_69] : memref<32x40x128xf32, #tpu.memory_space<hbm>> -> memref<1x40x128xf32, #tpu.memory_space<hbm>>
      %dma_start3A_71 = tpu.memref_squeeze %dma_start3A_70 : memref<1x40x128xf32, #tpu.memory_space<hbm>> -> memref<40x128xf32, #tpu.memory_space<hbm>>
      tpu.enqueue_dma source(%dma_start3A_71 : memref<40x128xf32, #tpu.memory_space<hbm>>) target(%arg9 : memref<40x128xf32, #tpu.memory_space<vmem>>) target_semaphore(%run_scoped3A : memref<!tpu.dma_semaphore, #tpu.memory_space<semaphore_mem>>)
      %dma_wait3A = arith.constant 0 : i32
      %dma_wait3A_72 = arith.constant 0 : i32
      %dma_wait3A_73 = tpu.memref_slice %arg4[%add3A, %dma_wait3A, %dma_wait3A_72] : memref<32x40x128xf32, #tpu.memory_space<hbm>> -> memref<1x40x128xf32, #tpu.memory_space<hbm>>
      %dma_wait3A_74 = tpu.memref_squeeze %dma_wait3A_73 : memref<1x40x128xf32, #tpu.memory_space<hbm>> -> memref<40x128xf32, #tpu.memory_space<hbm>>
      %dma_wait3A_75 = arith.constant 0 : i32
      %dma_wait3A_76 = arith.constant 0 : i32
      %dma_wait3A_77 = tpu.memref_slice %arg4[%add3A, %dma_wait3A_75, %dma_wait3A_76] : memref<32x40x128xf32, #tpu.memory_space<hbm>> -> memref<1x40x128xf32, #tpu.memory_space<hbm>>
      %dma_wait3A_78 = tpu.memref_squeeze %dma_wait3A_77 : memref<1x40x128xf32, #tpu.memory_space<hbm>> -> memref<40x128xf32, #tpu.memory_space<hbm>>
      tpu.wait_dma2 semaphore(%run_scoped3A : memref<!tpu.dma_semaphore, #tpu.memory_space<semaphore_mem>>) src(%dma_wait3A_78 : memref<40x128xf32, #tpu.memory_space<hbm>>) dst(%arg9 : memref<40x128xf32, #tpu.memory_space<vmem>>)
      tpu.yield
    }) : () -> ()
    %broadcast_in_dim3A = arith.constant 0.000000e+00 : f32
    %broadcast_in_dim3A_1 = vector.broadcast %broadcast_in_dim3A : f32 to vector<16xf32>
    %scan3A = arith.constant 0 : i32
    %scan3A_2 = arith.constant 0 : i32
    %scan3A_3 = arith.constant 64 : i32
    %scan3A_4 = arith.addi %scan3A_2, %scan3A_3 : i32
    %scan3A_5 = arith.constant 1 : i32
    scf.for %scan3A_64 = %scan3A_2 to %scan3A_4 step %scan3A_5  : i32 {
      %swap3A = arith.index_cast %scan3A_64 : i32 to index
      %swap3A_65 = arith.constant 0 : index
      %swap3A_66 = tpu.vector_load %arg10[%swap3A, %swap3A_65] {strides = array<i32>} : memref<64x144xf32, #tpu.memory_space<vmem>>, vector<16xf32>,
      tpu.vector_store %arg10[%swap3A, %swap3A_65], %broadcast_in_dim3A_1 {strides = array<i32>} : memref<64x144xf32, #tpu.memory_space<vmem>>, vector<16xf32>,
      %swap3A_67 = arith.index_cast %scan3A_64 : i32 to index
      %swap3A_68 = arith.constant 16 : index
      %swap3A_69 = tpu.vector_load %arg10[%swap3A_67, %swap3A_68] {strides = array<i32>} : memref<64x144xf32, #tpu.memory_space<vmem>>, vector<16xf32>,
      tpu.vector_store %arg10[%swap3A_67, %swap3A_68], %broadcast_in_dim3A_1 {strides = array<i32>} : memref<64x144xf32, #tpu.memory_space<vmem>>, vector<16xf32>,
      %swap3A_70 = arith.index_cast %scan3A_64 : i32 to index
      %swap3A_71 = arith.constant 32 : index
      %swap3A_72 = tpu.vector_load %arg10[%swap3A_70, %swap3A_71] {strides = array<i32>} : memref<64x144xf32, #tpu.memory_space<vmem>>, vector<16xf32>,
      tpu.vector_store %arg10[%swap3A_70, %swap3A_71], %broadcast_in_dim3A_1 {strides = array<i32>} : memref<64x144xf32, #tpu.memory_space<vmem>>, vector<16xf32>,
      %swap3A_73 = arith.index_cast %scan3A_64 : i32 to index
      %swap3A_74 = arith.constant 48 : index
      %swap3A_75 = tpu.vector_load %arg10[%swap3A_73, %swap3A_74] {strides = array<i32>} : memref<64x144xf32, #tpu.memory_space<vmem>>, vector<16xf32>,
      tpu.vector_store %arg10[%swap3A_73, %swap3A_74], %broadcast_in_dim3A_1 {strides = array<i32>} : memref<64x144xf32, #tpu.memory_space<vmem>>, vector<16xf32>,
      %swap3A_76 = arith.index_cast %scan3A_64 : i32 to index
      %swap3A_77 = arith.constant 64 : index
      %swap3A_78 = tpu.vector_load %arg10[%swap3A_76, %swap3A_77] {strides = array<i32>} : memref<64x144xf32, #tpu.memory_space<vmem>>, vector<16xf32>,
      tpu.vector_store %arg10[%swap3A_76, %swap3A_77], %broadcast_in_dim3A_1 {strides = array<i32>} : memref<64x144xf32, #tpu.memory_space<vmem>>, vector<16xf32>,
      %swap3A_79 = arith.index_cast %scan3A_64 : i32 to index
      %swap3A_80 = arith.constant 80 : index
      %swap3A_81 = tpu.vector_load %arg10[%swap3A_79, %swap3A_80] {strides = array<i32>} : memref<64x144xf32, #tpu.memory_space<vmem>>, vector<16xf32>,
      tpu.vector_store %arg10[%swap3A_79, %swap3A_80], %broadcast_in_dim3A_1 {strides = array<i32>} : memref<64x144xf32, #tpu.memory_space<vmem>>, vector<16xf32>,
      %swap3A_82 = arith.index_cast %scan3A_64 : i32 to index
      %swap3A_83 = arith.constant 96 : index
      %swap3A_84 = tpu.vector_load %arg10[%swap3A_82, %swap3A_83] {strides = array<i32>} : memref<64x144xf32, #tpu.memory_space<vmem>>, vector<16xf32>,
      tpu.vector_store %arg10[%swap3A_82, %swap3A_83], %broadcast_in_dim3A_1 {strides = array<i32>} : memref<64x144xf32, #tpu.memory_space<vmem>>, vector<16xf32>,
      %swap3A_85 = arith.index_cast %scan3A_64 : i32 to index
      %swap3A_86 = arith.constant 112 : index
      %swap3A_87 = tpu.vector_load %arg10[%swap3A_85, %swap3A_86] {strides = array<i32>} : memref<64x144xf32, #tpu.memory_space<vmem>>, vector<16xf32>,
      tpu.vector_store %arg10[%swap3A_85, %swap3A_86], %broadcast_in_dim3A_1 {strides = array<i32>} : memref<64x144xf32, #tpu.memory_space<vmem>>, vector<16xf32>,
      %swap3A_88 = arith.index_cast %scan3A_64 : i32 to index
      %swap3A_89 = arith.constant 128 : index
      %swap3A_90 = tpu.vector_load %arg10[%swap3A_88, %swap3A_89] {strides = array<i32>} : memref<64x144xf32, #tpu.memory_space<vmem>>, vector<16xf32>,
      tpu.vector_store %arg10[%swap3A_88, %swap3A_89], %broadcast_in_dim3A_1 {strides = array<i32>} : memref<64x144xf32, #tpu.memory_space<vmem>>, vector<16xf32>,
    }
    %scan3A_6 = arith.constant 64 : i32
    %mul3A_7 = arith.constant 625 : i32
    %mul3A_8 = arith.muli %arg1, %mul3A_7 : i32
    %add3A_9 = arith.constant 0 : i32
    %add3A_10 = arith.addi %mul3A_8, %add3A_9 : i32
    "tpu.region"() ({
      %run_scoped3A = tpu.sem_alloc : memref<!tpu.dma_semaphore, #tpu.memory_space<semaphore_mem>>
      %dma_start3A_64 = arith.constant 0 : i32
      %dma_start3A_65 = arith.constant 0 : i32
      %dma_start3A_66 = tpu.memref_slice %arg10[%dma_start3A_64, %dma_start3A_65] : memref<64x144xf32, #tpu.memory_space<vmem>> -> memref<64x144xf32, #tpu.memory_space<vmem>>
      %dma_start3A_67 = arith.constant 0 : i32
      %dma_start3A_68 = tpu.memref_slice %arg12[%add3A_10, %dma_start3A_67] : memref<10000x144xf32, #tpu.memory_space<vmem_shared>> -> memref<64x144xf32, #tpu.memory_space<vmem_shared>>
      %dma_start3A_69 = arith.constant 0 : i32
      %dma_start3A_70 = tpu.memref_slice %arg12[%add3A_10, %dma_start3A_69] : memref<10000x144xf32, #tpu.memory_space<vmem_shared>> -> memref<64x144xf32, #tpu.memory_space<vmem_shared>>
      %dma_start3A_71 = arith.constant 0 : i32
      %dma_start3A_72 = arith.constant 0 : i32
      %dma_start3A_73 = tpu.memref_slice %arg10[%dma_start3A_71, %dma_start3A_72] : memref<64x144xf32, #tpu.memory_space<vmem>> -> memref<64x144xf32, #tpu.memory_space<vmem>>
      tpu.enqueue_dma source(%dma_start3A_73 : memref<64x144xf32, #tpu.memory_space<vmem>>) target(%dma_start3A_70 : memref<64x144xf32, #tpu.memory_space<vmem_shared>>) target_semaphore(%run_scoped3A : memref<!tpu.dma_semaphore, #tpu.memory_space<semaphore_mem>>)
      %dma_wait3A = arith.constant 0 : i32
      %dma_wait3A_74 = arith.constant 0 : i32
      %dma_wait3A_75 = tpu.memref_slice %arg10[%dma_wait3A, %dma_wait3A_74] : memref<64x144xf32, #tpu.memory_space<vmem>> -> memref<64x144xf32, #tpu.memory_space<vmem>>
      %dma_wait3A_76 = arith.constant 0 : i32
      %dma_wait3A_77 = tpu.memref_slice %arg12[%add3A_10, %dma_wait3A_76] : memref<10000x144xf32, #tpu.memory_space<vmem_shared>> -> memref<64x144xf32, #tpu.memory_space<vmem_shared>>
      %dma_wait3A_78 = arith.constant 0 : i32
      %dma_wait3A_79 = tpu.memref_slice %arg12[%add3A_10, %dma_wait3A_78] : memref<10000x144xf32, #tpu.memory_space<vmem_shared>> -> memref<64x144xf32, #tpu.memory_space<vmem_shared>>
      %dma_wait3A_80 = arith.constant 0 : i32
      %dma_wait3A_81 = arith.constant 0 : i32
      %dma_wait3A_82 = tpu.memref_slice %arg10[%dma_wait3A_80, %dma_wait3A_81] : memref<64x144xf32, #tpu.memory_space<vmem>> -> memref<64x144xf32, #tpu.memory_space<vmem>>
      tpu.wait_dma2 semaphore(%run_scoped3A : memref<!tpu.dma_semaphore, #tpu.memory_space<semaphore_mem>>) src(%dma_wait3A_82 : memref<64x144xf32, #tpu.memory_space<vmem>>) dst(%dma_wait3A_79 : memref<64x144xf32, #tpu.memory_space<vmem_shared>>)
      tpu.yield
    }) : () -> ()
    %mul3A_11 = arith.constant 625 : i32
    %mul3A_12 = arith.muli %arg1, %mul3A_11 : i32
    %add3A_13 = arith.constant 64 : i32
    %add3A_14 = arith.addi %mul3A_12, %add3A_13 : i32
    "tpu.region"() ({
      %run_scoped3A = tpu.sem_alloc : memref<!tpu.dma_semaphore, #tpu.memory_space<semaphore_mem>>
      %dma_start3A_64 = arith.constant 0 : i32
      %dma_start3A_65 = arith.constant 0 : i32
      %dma_start3A_66 = tpu.memref_slice %arg10[%dma_start3A_64, %dma_start3A_65] : memref<64x144xf32, #tpu.memory_space<vmem>> -> memref<64x144xf32, #tpu.memory_space<vmem>>
      %dma_start3A_67 = arith.constant 0 : i32
      %dma_start3A_68 = tpu.memref_slice %arg12[%add3A_14, %dma_start3A_67] : memref<10000x144xf32, #tpu.memory_space<vmem_shared>> -> memref<64x144xf32, #tpu.memory_space<vmem_shared>>
      %dma_start3A_69 = arith.constant 0 : i32
      %dma_start3A_70 = tpu.memref_slice %arg12[%add3A_14, %dma_start3A_69] : memref<10000x144xf32, #tpu.memory_space<vmem_shared>> -> memref<64x144xf32, #tpu.memory_space<vmem_shared>>
      %dma_start3A_71 = arith.constant 0 : i32
      %dma_start3A_72 = arith.constant 0 : i32
      %dma_start3A_73 = tpu.memref_slice %arg10[%dma_start3A_71, %dma_start3A_72] : memref<64x144xf32, #tpu.memory_space<vmem>> -> memref<64x144xf32, #tpu.memory_space<vmem>>
      tpu.enqueue_dma source(%dma_start3A_73 : memref<64x144xf32, #tpu.memory_space<vmem>>) target(%dma_start3A_70 : memref<64x144xf32, #tpu.memory_space<vmem_shared>>) target_semaphore(%run_scoped3A : memref<!tpu.dma_semaphore, #tpu.memory_space<semaphore_mem>>)
      %dma_wait3A = arith.constant 0 : i32
      %dma_wait3A_74 = arith.constant 0 : i32
      %dma_wait3A_75 = tpu.memref_slice %arg10[%dma_wait3A, %dma_wait3A_74] : memref<64x144xf32, #tpu.memory_space<vmem>> -> memref<64x144xf32, #tpu.memory_space<vmem>>
      %dma_wait3A_76 = arith.constant 0 : i32
      %dma_wait3A_77 = tpu.memref_slice %arg12[%add3A_14, %dma_wait3A_76] : memref<10000x144xf32, #tpu.memory_space<vmem_shared>> -> memref<64x144xf32, #tpu.memory_space<vmem_shared>>
      %dma_wait3A_78 = arith.constant 0 : i32
      %dma_wait3A_79 = tpu.memref_slice %arg12[%add3A_14, %dma_wait3A_78] : memref<10000x144xf32, #tpu.memory_space<vmem_shared>> -> memref<64x144xf32, #tpu.memory_space<vmem_shared>>
      %dma_wait3A_80 = arith.constant 0 : i32
      %dma_wait3A_81 = arith.constant 0 : i32
      %dma_wait3A_82 = tpu.memref_slice %arg10[%dma_wait3A_80, %dma_wait3A_81] : memref<64x144xf32, #tpu.memory_space<vmem>> -> memref<64x144xf32, #tpu.memory_space<vmem>>
      tpu.wait_dma2 semaphore(%run_scoped3A : memref<!tpu.dma_semaphore, #tpu.memory_space<semaphore_mem>>) src(%dma_wait3A_82 : memref<64x144xf32, #tpu.memory_space<vmem>>) dst(%dma_wait3A_79 : memref<64x144xf32, #tpu.memory_space<vmem_shared>>)
      tpu.yield
    }) : () -> ()
    %mul3A_15 = arith.constant 625 : i32
    %mul3A_16 = arith.muli %arg1, %mul3A_15 : i32
    %add3A_17 = arith.constant 128 : i32
    %add3A_18 = arith.addi %mul3A_16, %add3A_17 : i32
    "tpu.region"() ({
      %run_scoped3A = tpu.sem_alloc : memref<!tpu.dma_semaphore, #tpu.memory_space<semaphore_mem>>
      %dma_start3A_64 = arith.constant 0 : i32
      %dma_start3A_65 = arith.constant 0 : i32
      %dma_start3A_66 = tpu.memref_slice %arg10[%dma_start3A_64, %dma_start3A_65] : memref<64x144xf32, #tpu.memory_space<vmem>> -> memref<64x144xf32, #tpu.memory_space<vmem>>
      %dma_start3A_67 = arith.constant 0 : i32
      %dma_start3A_68 = tpu.memref_slice %arg12[%add3A_18, %dma_start3A_67] : memref<10000x144xf32, #tpu.memory_space<vmem_shared>> -> memref<64x144xf32, #tpu.memory_space<vmem_shared>>
      %dma_start3A_69 = arith.constant 0 : i32
      %dma_start3A_70 = tpu.memref_slice %arg12[%add3A_18, %dma_start3A_69] : memref<10000x144xf32, #tpu.memory_space<vmem_shared>> -> memref<64x144xf32, #tpu.memory_space<vmem_shared>>
      %dma_start3A_71 = arith.constant 0 : i32
      %dma_start3A_72 = arith.constant 0 : i32
      %dma_start3A_73 = tpu.memref_slice %arg10[%dma_start3A_71, %dma_start3A_72] : memref<64x144xf32, #tpu.memory_space<vmem>> -> memref<64x144xf32, #tpu.memory_space<vmem>>
      tpu.enqueue_dma source(%dma_start3A_73 : memref<64x144xf32, #tpu.memory_space<vmem>>) target(%dma_start3A_70 : memref<64x144xf32, #tpu.memory_space<vmem_shared>>) target_semaphore(%run_scoped3A : memref<!tpu.dma_semaphore, #tpu.memory_space<semaphore_mem>>)
      %dma_wait3A = arith.constant 0 : i32
      %dma_wait3A_74 = arith.constant 0 : i32
      %dma_wait3A_75 = tpu.memref_slice %arg10[%dma_wait3A, %dma_wait3A_74] : memref<64x144xf32, #tpu.memory_space<vmem>> -> memref<64x144xf32, #tpu.memory_space<vmem>>
      %dma_wait3A_76 = arith.constant 0 : i32
      %dma_wait3A_77 = tpu.memref_slice %arg12[%add3A_18, %dma_wait3A_76] : memref<10000x144xf32, #tpu.memory_space<vmem_shared>> -> memref<64x144xf32, #tpu.memory_space<vmem_shared>>
      %dma_wait3A_78 = arith.constant 0 : i32
      %dma_wait3A_79 = tpu.memref_slice %arg12[%add3A_18, %dma_wait3A_78] : memref<10000x144xf32, #tpu.memory_space<vmem_shared>> -> memref<64x144xf32, #tpu.memory_space<vmem_shared>>
      %dma_wait3A_80 = arith.constant 0 : i32
      %dma_wait3A_81 = arith.constant 0 : i32
      %dma_wait3A_82 = tpu.memref_slice %arg10[%dma_wait3A_80, %dma_wait3A_81] : memref<64x144xf32, #tpu.memory_space<vmem>> -> memref<64x144xf32, #tpu.memory_space<vmem>>
      tpu.wait_dma2 semaphore(%run_scoped3A : memref<!tpu.dma_semaphore, #tpu.memory_space<semaphore_mem>>) src(%dma_wait3A_82 : memref<64x144xf32, #tpu.memory_space<vmem>>) dst(%dma_wait3A_79 : memref<64x144xf32, #tpu.memory_space<vmem_shared>>)
      tpu.yield
    }) : () -> ()
    %mul3A_19 = arith.constant 625 : i32
    %mul3A_20 = arith.muli %arg1, %mul3A_19 : i32
    %add3A_21 = arith.constant 192 : i32
    %add3A_22 = arith.addi %mul3A_20, %add3A_21 : i32
    "tpu.region"() ({
      %run_scoped3A = tpu.sem_alloc : memref<!tpu.dma_semaphore, #tpu.memory_space<semaphore_mem>>
      %dma_start3A_64 = arith.constant 0 : i32
      %dma_start3A_65 = arith.constant 0 : i32
      %dma_start3A_66 = tpu.memref_slice %arg10[%dma_start3A_64, %dma_start3A_65] : memref<64x144xf32, #tpu.memory_space<vmem>> -> memref<64x144xf32, #tpu.memory_space<vmem>>
      %dma_start3A_67 = arith.constant 0 : i32
      %dma_start3A_68 = tpu.memref_slice %arg12[%add3A_22, %dma_start3A_67] : memref<10000x144xf32, #tpu.memory_space<vmem_shared>> -> memref<64x144xf32, #tpu.memory_space<vmem_shared>>
      %dma_start3A_69 = arith.constant 0 : i32
      %dma_start3A_70 = tpu.memref_slice %arg12[%add3A_22, %dma_start3A_69] : memref<10000x144xf32, #tpu.memory_space<vmem_shared>> -> memref<64x144xf32, #tpu.memory_space<vmem_shared>>
      %dma_start3A_71 = arith.constant 0 : i32
      %dma_start3A_72 = arith.constant 0 : i32
      %dma_start3A_73 = tpu.memref_slice %arg10[%dma_start3A_71, %dma_start3A_72] : memref<64x144xf32, #tpu.memory_space<vmem>> -> memref<64x144xf32, #tpu.memory_space<vmem>>
      tpu.enqueue_dma source(%dma_start3A_73 : memref<64x144xf32, #tpu.memory_space<vmem>>) target(%dma_start3A_70 : memref<64x144xf32, #tpu.memory_space<vmem_shared>>) target_semaphore(%run_scoped3A : memref<!tpu.dma_semaphore, #tpu.memory_space<semaphore_mem>>)
      %dma_wait3A = arith.constant 0 : i32
      %dma_wait3A_74 = arith.constant 0 : i32
      %dma_wait3A_75 = tpu.memref_slice %arg10[%dma_wait3A, %dma_wait3A_74] : memref<64x144xf32, #tpu.memory_space<vmem>> -> memref<64x144xf32, #tpu.memory_space<vmem>>
      %dma_wait3A_76 = arith.constant 0 : i32
      %dma_wait3A_77 = tpu.memref_slice %arg12[%add3A_22, %dma_wait3A_76] : memref<10000x144xf32, #tpu.memory_space<vmem_shared>> -> memref<64x144xf32, #tpu.memory_space<vmem_shared>>
      %dma_wait3A_78 = arith.constant 0 : i32
      %dma_wait3A_79 = tpu.memref_slice %arg12[%add3A_22, %dma_wait3A_78] : memref<10000x144xf32, #tpu.memory_space<vmem_shared>> -> memref<64x144xf32, #tpu.memory_space<vmem_shared>>
      %dma_wait3A_80 = arith.constant 0 : i32
      %dma_wait3A_81 = arith.constant 0 : i32
      %dma_wait3A_82 = tpu.memref_slice %arg10[%dma_wait3A_80, %dma_wait3A_81] : memref<64x144xf32, #tpu.memory_space<vmem>> -> memref<64x144xf32, #tpu.memory_space<vmem>>
      tpu.wait_dma2 semaphore(%run_scoped3A : memref<!tpu.dma_semaphore, #tpu.memory_space<semaphore_mem>>) src(%dma_wait3A_82 : memref<64x144xf32, #tpu.memory_space<vmem>>) dst(%dma_wait3A_79 : memref<64x144xf32, #tpu.memory_space<vmem_shared>>)
      tpu.yield
    }) : () -> ()
    %mul3A_23 = arith.constant 625 : i32
    %mul3A_24 = arith.muli %arg1, %mul3A_23 : i32
    %add3A_25 = arith.constant 256 : i32
    %add3A_26 = arith.addi %mul3A_24, %add3A_25 : i32
    "tpu.region"() ({
      %run_scoped3A = tpu.sem_alloc : memref<!tpu.dma_semaphore, #tpu.memory_space<semaphore_mem>>
      %dma_start3A_64 = arith.constant 0 : i32
      %dma_start3A_65 = arith.constant 0 : i32
      %dma_start3A_66 = tpu.memref_slice %arg10[%dma_start3A_64, %dma_start3A_65] : memref<64x144xf32, #tpu.memory_space<vmem>> -> memref<64x144xf32, #tpu.memory_space<vmem>>
      %dma_start3A_67 = arith.constant 0 : i32
      %dma_start3A_68 = tpu.memref_slice %arg12[%add3A_26, %dma_start3A_67] : memref<10000x144xf32, #tpu.memory_space<vmem_shared>> -> memref<64x144xf32, #tpu.memory_space<vmem_shared>>
      %dma_start3A_69 = arith.constant 0 : i32
      %dma_start3A_70 = tpu.memref_slice %arg12[%add3A_26, %dma_start3A_69] : memref<10000x144xf32, #tpu.memory_space<vmem_shared>> -> memref<64x144xf32, #tpu.memory_space<vmem_shared>>
      %dma_start3A_71 = arith.constant 0 : i32
      %dma_start3A_72 = arith.constant 0 : i32
      %dma_start3A_73 = tpu.memref_slice %arg10[%dma_start3A_71, %dma_start3A_72] : memref<64x144xf32, #tpu.memory_space<vmem>> -> memref<64x144xf32, #tpu.memory_space<vmem>>
      tpu.enqueue_dma source(%dma_start3A_73 : memref<64x144xf32, #tpu.memory_space<vmem>>) target(%dma_start3A_70 : memref<64x144xf32, #tpu.memory_space<vmem_shared>>) target_semaphore(%run_scoped3A : memref<!tpu.dma_semaphore, #tpu.memory_space<semaphore_mem>>)
      %dma_wait3A = arith.constant 0 : i32
      %dma_wait3A_74 = arith.constant 0 : i32
      %dma_wait3A_75 = tpu.memref_slice %arg10[%dma_wait3A, %dma_wait3A_74] : memref<64x144xf32, #tpu.memory_space<vmem>> -> memref<64x144xf32, #tpu.memory_space<vmem>>
      %dma_wait3A_76 = arith.constant 0 : i32
      %dma_wait3A_77 = tpu.memref_slice %arg12[%add3A_26, %dma_wait3A_76] : memref<10000x144xf32, #tpu.memory_space<vmem_shared>> -> memref<64x144xf32, #tpu.memory_space<vmem_shared>>
      %dma_wait3A_78 = arith.constant 0 : i32
      %dma_wait3A_79 = tpu.memref_slice %arg12[%add3A_26, %dma_wait3A_78] : memref<10000x144xf32, #tpu.memory_space<vmem_shared>> -> memref<64x144xf32, #tpu.memory_space<vmem_shared>>
      %dma_wait3A_80 = arith.constant 0 : i32
      %dma_wait3A_81 = arith.constant 0 : i32
      %dma_wait3A_82 = tpu.memref_slice %arg10[%dma_wait3A_80, %dma_wait3A_81] : memref<64x144xf32, #tpu.memory_space<vmem>> -> memref<64x144xf32, #tpu.memory_space<vmem>>
      tpu.wait_dma2 semaphore(%run_scoped3A : memref<!tpu.dma_semaphore, #tpu.memory_space<semaphore_mem>>) src(%dma_wait3A_82 : memref<64x144xf32, #tpu.memory_space<vmem>>) dst(%dma_wait3A_79 : memref<64x144xf32, #tpu.memory_space<vmem_shared>>)
      tpu.yield
    }) : () -> ()
    %mul3A_27 = arith.constant 625 : i32
    %mul3A_28 = arith.muli %arg1, %mul3A_27 : i32
    %add3A_29 = arith.constant 320 : i32
    %add3A_30 = arith.addi %mul3A_28, %add3A_29 : i32
    "tpu.region"() ({
      %run_scoped3A = tpu.sem_alloc : memref<!tpu.dma_semaphore, #tpu.memory_space<semaphore_mem>>
      %dma_start3A_64 = arith.constant 0 : i32
      %dma_start3A_65 = arith.constant 0 : i32
      %dma_start3A_66 = tpu.memref_slice %arg10[%dma_start3A_64, %dma_start3A_65] : memref<64x144xf32, #tpu.memory_space<vmem>> -> memref<64x144xf32, #tpu.memory_space<vmem>>
      %dma_start3A_67 = arith.constant 0 : i32
      %dma_start3A_68 = tpu.memref_slice %arg12[%add3A_30, %dma_start3A_67] : memref<10000x144xf32, #tpu.memory_space<vmem_shared>> -> memref<64x144xf32, #tpu.memory_space<vmem_shared>>
      %dma_start3A_69 = arith.constant 0 : i32
      %dma_start3A_70 = tpu.memref_slice %arg12[%add3A_30, %dma_start3A_69] : memref<10000x144xf32, #tpu.memory_space<vmem_shared>> -> memref<64x144xf32, #tpu.memory_space<vmem_shared>>
      %dma_start3A_71 = arith.constant 0 : i32
      %dma_start3A_72 = arith.constant 0 : i32
      %dma_start3A_73 = tpu.memref_slice %arg10[%dma_start3A_71, %dma_start3A_72] : memref<64x144xf32, #tpu.memory_space<vmem>> -> memref<64x144xf32, #tpu.memory_space<vmem>>
      tpu.enqueue_dma source(%dma_start3A_73 : memref<64x144xf32, #tpu.memory_space<vmem>>) target(%dma_start3A_70 : memref<64x144xf32, #tpu.memory_space<vmem_shared>>) target_semaphore(%run_scoped3A : memref<!tpu.dma_semaphore, #tpu.memory_space<semaphore_mem>>)
      %dma_wait3A = arith.constant 0 : i32
      %dma_wait3A_74 = arith.constant 0 : i32
      %dma_wait3A_75 = tpu.memref_slice %arg10[%dma_wait3A, %dma_wait3A_74] : memref<64x144xf32, #tpu.memory_space<vmem>> -> memref<64x144xf32, #tpu.memory_space<vmem>>
      %dma_wait3A_76 = arith.constant 0 : i32
      %dma_wait3A_77 = tpu.memref_slice %arg12[%add3A_30, %dma_wait3A_76] : memref<10000x144xf32, #tpu.memory_space<vmem_shared>> -> memref<64x144xf32, #tpu.memory_space<vmem_shared>>
      %dma_wait3A_78 = arith.constant 0 : i32
      %dma_wait3A_79 = tpu.memref_slice %arg12[%add3A_30, %dma_wait3A_78] : memref<10000x144xf32, #tpu.memory_space<vmem_shared>> -> memref<64x144xf32, #tpu.memory_space<vmem_shared>>
      %dma_wait3A_80 = arith.constant 0 : i32
      %dma_wait3A_81 = arith.constant 0 : i32
      %dma_wait3A_82 = tpu.memref_slice %arg10[%dma_wait3A_80, %dma_wait3A_81] : memref<64x144xf32, #tpu.memory_space<vmem>> -> memref<64x144xf32, #tpu.memory_space<vmem>>
      tpu.wait_dma2 semaphore(%run_scoped3A : memref<!tpu.dma_semaphore, #tpu.memory_space<semaphore_mem>>) src(%dma_wait3A_82 : memref<64x144xf32, #tpu.memory_space<vmem>>) dst(%dma_wait3A_79 : memref<64x144xf32, #tpu.memory_space<vmem_shared>>)
      tpu.yield
    }) : () -> ()
    %mul3A_31 = arith.constant 625 : i32
    %mul3A_32 = arith.muli %arg1, %mul3A_31 : i32
    %add3A_33 = arith.constant 384 : i32
    %add3A_34 = arith.addi %mul3A_32, %add3A_33 : i32
    "tpu.region"() ({
      %run_scoped3A = tpu.sem_alloc : memref<!tpu.dma_semaphore, #tpu.memory_space<semaphore_mem>>
      %dma_start3A_64 = arith.constant 0 : i32
      %dma_start3A_65 = arith.constant 0 : i32
      %dma_start3A_66 = tpu.memref_slice %arg10[%dma_start3A_64, %dma_start3A_65] : memref<64x144xf32, #tpu.memory_space<vmem>> -> memref<64x144xf32, #tpu.memory_space<vmem>>
      %dma_start3A_67 = arith.constant 0 : i32
      %dma_start3A_68 = tpu.memref_slice %arg12[%add3A_34, %dma_start3A_67] : memref<10000x144xf32, #tpu.memory_space<vmem_shared>> -> memref<64x144xf32, #tpu.memory_space<vmem_shared>>
      %dma_start3A_69 = arith.constant 0 : i32
      %dma_start3A_70 = tpu.memref_slice %arg12[%add3A_34, %dma_start3A_69] : memref<10000x144xf32, #tpu.memory_space<vmem_shared>> -> memref<64x144xf32, #tpu.memory_space<vmem_shared>>
      %dma_start3A_71 = arith.constant 0 : i32
      %dma_start3A_72 = arith.constant 0 : i32
      %dma_start3A_73 = tpu.memref_slice %arg10[%dma_start3A_71, %dma_start3A_72] : memref<64x144xf32, #tpu.memory_space<vmem>> -> memref<64x144xf32, #tpu.memory_space<vmem>>
      tpu.enqueue_dma source(%dma_start3A_73 : memref<64x144xf32, #tpu.memory_space<vmem>>) target(%dma_start3A_70 : memref<64x144xf32, #tpu.memory_space<vmem_shared>>) target_semaphore(%run_scoped3A : memref<!tpu.dma_semaphore, #tpu.memory_space<semaphore_mem>>)
      %dma_wait3A = arith.constant 0 : i32
      %dma_wait3A_74 = arith.constant 0 : i32
      %dma_wait3A_75 = tpu.memref_slice %arg10[%dma_wait3A, %dma_wait3A_74] : memref<64x144xf32, #tpu.memory_space<vmem>> -> memref<64x144xf32, #tpu.memory_space<vmem>>
      %dma_wait3A_76 = arith.constant 0 : i32
      %dma_wait3A_77 = tpu.memref_slice %arg12[%add3A_34, %dma_wait3A_76] : memref<10000x144xf32, #tpu.memory_space<vmem_shared>> -> memref<64x144xf32, #tpu.memory_space<vmem_shared>>
      %dma_wait3A_78 = arith.constant 0 : i32
      %dma_wait3A_79 = tpu.memref_slice %arg12[%add3A_34, %dma_wait3A_78] : memref<10000x144xf32, #tpu.memory_space<vmem_shared>> -> memref<64x144xf32, #tpu.memory_space<vmem_shared>>
      %dma_wait3A_80 = arith.constant 0 : i32
      %dma_wait3A_81 = arith.constant 0 : i32
      %dma_wait3A_82 = tpu.memref_slice %arg10[%dma_wait3A_80, %dma_wait3A_81] : memref<64x144xf32, #tpu.memory_space<vmem>> -> memref<64x144xf32, #tpu.memory_space<vmem>>
      tpu.wait_dma2 semaphore(%run_scoped3A : memref<!tpu.dma_semaphore, #tpu.memory_space<semaphore_mem>>) src(%dma_wait3A_82 : memref<64x144xf32, #tpu.memory_space<vmem>>) dst(%dma_wait3A_79 : memref<64x144xf32, #tpu.memory_space<vmem_shared>>)
      tpu.yield
    }) : () -> ()
    %mul3A_35 = arith.constant 625 : i32
    %mul3A_36 = arith.muli %arg1, %mul3A_35 : i32
    %add3A_37 = arith.constant 448 : i32
    %add3A_38 = arith.addi %mul3A_36, %add3A_37 : i32
    "tpu.region"() ({
      %run_scoped3A = tpu.sem_alloc : memref<!tpu.dma_semaphore, #tpu.memory_space<semaphore_mem>>
      %dma_start3A_64 = arith.constant 0 : i32
      %dma_start3A_65 = arith.constant 0 : i32
      %dma_start3A_66 = tpu.memref_slice %arg10[%dma_start3A_64, %dma_start3A_65] : memref<64x144xf32, #tpu.memory_space<vmem>> -> memref<64x144xf32, #tpu.memory_space<vmem>>
      %dma_start3A_67 = arith.constant 0 : i32
      %dma_start3A_68 = tpu.memref_slice %arg12[%add3A_38, %dma_start3A_67] : memref<10000x144xf32, #tpu.memory_space<vmem_shared>> -> memref<64x144xf32, #tpu.memory_space<vmem_shared>>
      %dma_start3A_69 = arith.constant 0 : i32
      %dma_start3A_70 = tpu.memref_slice %arg12[%add3A_38, %dma_start3A_69] : memref<10000x144xf32, #tpu.memory_space<vmem_shared>> -> memref<64x144xf32, #tpu.memory_space<vmem_shared>>
      %dma_start3A_71 = arith.constant 0 : i32
      %dma_start3A_72 = arith.constant 0 : i32
      %dma_start3A_73 = tpu.memref_slice %arg10[%dma_start3A_71, %dma_start3A_72] : memref<64x144xf32, #tpu.memory_space<vmem>> -> memref<64x144xf32, #tpu.memory_space<vmem>>
      tpu.enqueue_dma source(%dma_start3A_73 : memref<64x144xf32, #tpu.memory_space<vmem>>) target(%dma_start3A_70 : memref<64x144xf32, #tpu.memory_space<vmem_shared>>) target_semaphore(%run_scoped3A : memref<!tpu.dma_semaphore, #tpu.memory_space<semaphore_mem>>)
      %dma_wait3A = arith.constant 0 : i32
      %dma_wait3A_74 = arith.constant 0 : i32
      %dma_wait3A_75 = tpu.memref_slice %arg10[%dma_wait3A, %dma_wait3A_74] : memref<64x144xf32, #tpu.memory_space<vmem>> -> memref<64x144xf32, #tpu.memory_space<vmem>>
      %dma_wait3A_76 = arith.constant 0 : i32
      %dma_wait3A_77 = tpu.memref_slice %arg12[%add3A_38, %dma_wait3A_76] : memref<10000x144xf32, #tpu.memory_space<vmem_shared>> -> memref<64x144xf32, #tpu.memory_space<vmem_shared>>
      %dma_wait3A_78 = arith.constant 0 : i32
      %dma_wait3A_79 = tpu.memref_slice %arg12[%add3A_38, %dma_wait3A_78] : memref<10000x144xf32, #tpu.memory_space<vmem_shared>> -> memref<64x144xf32, #tpu.memory_space<vmem_shared>>
      %dma_wait3A_80 = arith.constant 0 : i32
      %dma_wait3A_81 = arith.constant 0 : i32
      %dma_wait3A_82 = tpu.memref_slice %arg10[%dma_wait3A_80, %dma_wait3A_81] : memref<64x144xf32, #tpu.memory_space<vmem>> -> memref<64x144xf32, #tpu.memory_space<vmem>>
      tpu.wait_dma2 semaphore(%run_scoped3A : memref<!tpu.dma_semaphore, #tpu.memory_space<semaphore_mem>>) src(%dma_wait3A_82 : memref<64x144xf32, #tpu.memory_space<vmem>>) dst(%dma_wait3A_79 : memref<64x144xf32, #tpu.memory_space<vmem_shared>>)
      tpu.yield
    }) : () -> ()
    %mul3A_39 = arith.constant 625 : i32
    %mul3A_40 = arith.muli %arg1, %mul3A_39 : i32
    %add3A_41 = arith.constant 512 : i32
    %add3A_42 = arith.addi %mul3A_40, %add3A_41 : i32
    "tpu.region"() ({
      %run_scoped3A = tpu.sem_alloc : memref<!tpu.dma_semaphore, #tpu.memory_space<semaphore_mem>>
      %dma_start3A_64 = arith.constant 0 : i32
      %dma_start3A_65 = arith.constant 0 : i32
      %dma_start3A_66 = tpu.memref_slice %arg10[%dma_start3A_64, %dma_start3A_65] : memref<64x144xf32, #tpu.memory_space<vmem>> -> memref<64x144xf32, #tpu.memory_space<vmem>>
      %dma_start3A_67 = arith.constant 0 : i32
      %dma_start3A_68 = tpu.memref_slice %arg12[%add3A_42, %dma_start3A_67] : memref<10000x144xf32, #tpu.memory_space<vmem_shared>> -> memref<64x144xf32, #tpu.memory_space<vmem_shared>>
      %dma_start3A_69 = arith.constant 0 : i32
      %dma_start3A_70 = tpu.memref_slice %arg12[%add3A_42, %dma_start3A_69] : memref<10000x144xf32, #tpu.memory_space<vmem_shared>> -> memref<64x144xf32, #tpu.memory_space<vmem_shared>>
      %dma_start3A_71 = arith.constant 0 : i32
      %dma_start3A_72 = arith.constant 0 : i32
      %dma_start3A_73 = tpu.memref_slice %arg10[%dma_start3A_71, %dma_start3A_72] : memref<64x144xf32, #tpu.memory_space<vmem>> -> memref<64x144xf32, #tpu.memory_space<vmem>>
      tpu.enqueue_dma source(%dma_start3A_73 : memref<64x144xf32, #tpu.memory_space<vmem>>) target(%dma_start3A_70 : memref<64x144xf32, #tpu.memory_space<vmem_shared>>) target_semaphore(%run_scoped3A : memref<!tpu.dma_semaphore, #tpu.memory_space<semaphore_mem>>)
      %dma_wait3A = arith.constant 0 : i32
      %dma_wait3A_74 = arith.constant 0 : i32
      %dma_wait3A_75 = tpu.memref_slice %arg10[%dma_wait3A, %dma_wait3A_74] : memref<64x144xf32, #tpu.memory_space<vmem>> -> memref<64x144xf32, #tpu.memory_space<vmem>>
      %dma_wait3A_76 = arith.constant 0 : i32
      %dma_wait3A_77 = tpu.memref_slice %arg12[%add3A_42, %dma_wait3A_76] : memref<10000x144xf32, #tpu.memory_space<vmem_shared>> -> memref<64x144xf32, #tpu.memory_space<vmem_shared>>
      %dma_wait3A_78 = arith.constant 0 : i32
      %dma_wait3A_79 = tpu.memref_slice %arg12[%add3A_42, %dma_wait3A_78] : memref<10000x144xf32, #tpu.memory_space<vmem_shared>> -> memref<64x144xf32, #tpu.memory_space<vmem_shared>>
      %dma_wait3A_80 = arith.constant 0 : i32
      %dma_wait3A_81 = arith.constant 0 : i32
      %dma_wait3A_82 = tpu.memref_slice %arg10[%dma_wait3A_80, %dma_wait3A_81] : memref<64x144xf32, #tpu.memory_space<vmem>> -> memref<64x144xf32, #tpu.memory_space<vmem>>
      tpu.wait_dma2 semaphore(%run_scoped3A : memref<!tpu.dma_semaphore, #tpu.memory_space<semaphore_mem>>) src(%dma_wait3A_82 : memref<64x144xf32, #tpu.memory_space<vmem>>) dst(%dma_wait3A_79 : memref<64x144xf32, #tpu.memory_space<vmem_shared>>)
      tpu.yield
    }) : () -> ()
    %mul3A_43 = arith.constant 625 : i32
    %mul3A_44 = arith.muli %arg1, %mul3A_43 : i32
    %add3A_45 = arith.constant 576 : i32
    %add3A_46 = arith.addi %mul3A_44, %add3A_45 : i32
    "tpu.region"() ({
      %run_scoped3A = tpu.sem_alloc : memref<!tpu.dma_semaphore, #tpu.memory_space<semaphore_mem>>
      %dma_start3A_64 = arith.constant 0 : i32
      %dma_start3A_65 = arith.constant 0 : i32
      %dma_start3A_66 = tpu.memref_slice %arg10[%dma_start3A_64, %dma_start3A_65] : memref<64x144xf32, #tpu.memory_space<vmem>> -> memref<49x144xf32, #tpu.memory_space<vmem>>
      %dma_start3A_67 = arith.constant 0 : i32
      %dma_start3A_68 = tpu.memref_slice %arg12[%add3A_46, %dma_start3A_67] : memref<10000x144xf32, #tpu.memory_space<vmem_shared>> -> memref<49x144xf32, #tpu.memory_space<vmem_shared>>
      %dma_start3A_69 = arith.constant 0 : i32
      %dma_start3A_70 = tpu.memref_slice %arg12[%add3A_46, %dma_start3A_69] : memref<10000x144xf32, #tpu.memory_space<vmem_shared>> -> memref<49x144xf32, #tpu.memory_space<vmem_shared>>
      %dma_start3A_71 = arith.constant 0 : i32
      %dma_start3A_72 = arith.constant 0 : i32
      %dma_start3A_73 = tpu.memref_slice %arg10[%dma_start3A_71, %dma_start3A_72] : memref<64x144xf32, #tpu.memory_space<vmem>> -> memref<49x144xf32, #tpu.memory_space<vmem>>
      tpu.enqueue_dma source(%dma_start3A_73 : memref<49x144xf32, #tpu.memory_space<vmem>>) target(%dma_start3A_70 : memref<49x144xf32, #tpu.memory_space<vmem_shared>>) target_semaphore(%run_scoped3A : memref<!tpu.dma_semaphore, #tpu.memory_space<semaphore_mem>>)
      %dma_wait3A = arith.constant 0 : i32
      %dma_wait3A_74 = arith.constant 0 : i32
      %dma_wait3A_75 = tpu.memref_slice %arg10[%dma_wait3A, %dma_wait3A_74] : memref<64x144xf32, #tpu.memory_space<vmem>> -> memref<49x144xf32, #tpu.memory_space<vmem>>
      %dma_wait3A_76 = arith.constant 0 : i32
      %dma_wait3A_77 = tpu.memref_slice %arg12[%add3A_46, %dma_wait3A_76] : memref<10000x144xf32, #tpu.memory_space<vmem_shared>> -> memref<49x144xf32, #tpu.memory_space<vmem_shared>>
      %dma_wait3A_78 = arith.constant 0 : i32
      %dma_wait3A_79 = tpu.memref_slice %arg12[%add3A_46, %dma_wait3A_78] : memref<10000x144xf32, #tpu.memory_space<vmem_shared>> -> memref<49x144xf32, #tpu.memory_space<vmem_shared>>
      %dma_wait3A_80 = arith.constant 0 : i32
      %dma_wait3A_81 = arith.constant 0 : i32
      %dma_wait3A_82 = tpu.memref_slice %arg10[%dma_wait3A_80, %dma_wait3A_81] : memref<64x144xf32, #tpu.memory_space<vmem>> -> memref<49x144xf32, #tpu.memory_space<vmem>>
      tpu.wait_dma2 semaphore(%run_scoped3A : memref<!tpu.dma_semaphore, #tpu.memory_space<semaphore_mem>>) src(%dma_wait3A_82 : memref<49x144xf32, #tpu.memory_space<vmem>>) dst(%dma_wait3A_79 : memref<49x144xf32, #tpu.memory_space<vmem_shared>>)
      tpu.yield
    }) : () -> ()
    %dma_start3A = arith.constant 0 : i32
    %dma_start3A_47 = arith.constant 0 : i32
    %dma_start3A_48 = tpu.memref_slice %arg7[%dma_start3A, %dma_start3A_47] : memref<80x64xi32, #tpu.memory_space<vmem>> -> memref<1x64xi32, #tpu.memory_space<vmem>>
    %dma_start3A_49 = tpu.memref_squeeze %dma_start3A_48 : memref<1x64xi32, #tpu.memory_space<vmem>> -> memref<64xi32, #tpu.memory_space<vmem>>
    %dma_start3A_50 = arith.constant 0 : i32
    %dma_start3A_51 = arith.constant 0 : i32
    %dma_start3A_52 = tpu.memref_slice %arg5[%dma_start3A_50, %dma_start3A_51] : memref<10000x144xf32, #tpu.memory_space<hbm>> -> memref<10000x144xf32, #tpu.memory_space<hbm>>
    tpu.enqueue_indirect_dma source(%dma_start3A_52 : memref<10000x144xf32, #tpu.memory_space<hbm>>) target(%arg10 : memref<64x144xf32, #tpu.memory_space<vmem>>) offsets(%dma_start3A_49 : memref<64xi32, #tpu.memory_space<vmem>>) semaphore(%arg13 : memref<!tpu.dma_semaphore, #tpu.memory_space<semaphore_mem>>)
    %barrier3A = arith.constant 0 : index
    tpu.barrier barrier_id(%barrier3A)
    %scan3A_53 = arith.constant 0 : i32
    %scan3A_54 = arith.constant 0 : i32
    %scan3A_55 = arith.constant 40 : i32
    %scan3A_56 = arith.addi %scan3A_54, %scan3A_55 : i32
    %scan3A_57 = arith.constant 1 : i32
    scf.for %scan3A_64 = %scan3A_54 to %scan3A_56 step %scan3A_57  : i32 {
      %mul3A_65 = arith.constant 2 : i32
      %mul3A_66 = arith.muli %scan3A_64, %mul3A_65 : i32
      %add3A_67 = arith.constant 0 : i32
      %add3A_68 = arith.addi %mul3A_66, %add3A_67 : i32
      %dma_wait3A = arith.constant 0 : i32
      %dma_wait3A_69 = tpu.memref_slice %arg7[%add3A_68, %dma_wait3A] : memref<80x64xi32, #tpu.memory_space<vmem>> -> memref<1x64xi32, #tpu.memory_space<vmem>>
      %dma_wait3A_70 = tpu.memref_squeeze %dma_wait3A_69 : memref<1x64xi32, #tpu.memory_space<vmem>> -> memref<64xi32, #tpu.memory_space<vmem>>
      %dma_wait3A_71 = arith.constant 0 : i32
      %dma_wait3A_72 = arith.constant 0 : i32
      %dma_wait3A_73 = tpu.memref_slice %arg5[%dma_wait3A_71, %dma_wait3A_72] : memref<10000x144xf32, #tpu.memory_space<hbm>> -> memref<10000x144xf32, #tpu.memory_space<hbm>>
      tpu.wait_indirect_dma semaphore(%arg13 : memref<!tpu.dma_semaphore, #tpu.memory_space<semaphore_mem>>) src(%dma_wait3A_73 : memref<10000x144xf32, #tpu.memory_space<hbm>>) dst(%arg10 : memref<64x144xf32, #tpu.memory_space<vmem>>)
      %add3A_74 = arith.constant 1 : i32
      %add3A_75 = arith.addi %add3A_68, %add3A_74 : i32
      %lt3A = arith.constant 80 : i32
      %lt3A_76 = arith.cmpi slt, %add3A_75, %lt3A : i32
      %convert_element_type3A = arith.extui %lt3A_76 : i1 to i32
      %cond3A = arith.constant 0 : i32
      %cond3A_77 = arith.cmpi ne, %convert_element_type3A, %cond3A : i32
      scf.if %cond3A_77 {
        %add3A_100 = arith.constant 1 : i32
        %add3A_101 = arith.addi %add3A_68, %add3A_100 : i32
        %dma_start3A_102 = arith.constant 0 : i32
        %dma_start3A_103 = tpu.memref_slice %arg7[%add3A_101, %dma_start3A_102] : memref<80x64xi32, #tpu.memory_space<vmem>> -> memref<1x64xi32, #tpu.memory_space<vmem>>
        %dma_start3A_104 = tpu.memref_squeeze %dma_start3A_103 : memref<1x64xi32, #tpu.memory_space<vmem>> -> memref<64xi32, #tpu.memory_space<vmem>>
        %dma_start3A_105 = arith.constant 0 : i32
        %dma_start3A_106 = arith.constant 0 : i32
        %dma_start3A_107 = tpu.memref_slice %arg5[%dma_start3A_105, %dma_start3A_106] : memref<10000x144xf32, #tpu.memory_space<hbm>> -> memref<10000x144xf32, #tpu.memory_space<hbm>>
        tpu.enqueue_indirect_dma source(%dma_start3A_107 : memref<10000x144xf32, #tpu.memory_space<hbm>>) target(%arg11 : memref<64x144xf32, #tpu.memory_space<vmem>>) offsets(%dma_start3A_104 : memref<64xi32, #tpu.memory_space<vmem>>) semaphore(%arg14 : memref<!tpu.dma_semaphore, #tpu.memory_space<semaphore_mem>>)
      } else {
      }
      %parallel_loop3A = arith.constant 0 : i32
      %parallel_loop3A_78 = arith.constant 0 : i32
      %parallel_loop3A_79 = arith.constant 1 : i32
      scf.for %parallel_loop3A_100 = %parallel_loop3A to %parallel_loop3A_78 step %parallel_loop3A_79  : i32 {
        %parallel_loop3A_101 = arith.constant 1 : i32
        %parallel_loop3A_102 = arith.shrui %add3A_68, %parallel_loop3A_101 : i32
        %parallel_loop3A_103 = arith.constant 1 : i32
        %parallel_loop3A_104 = arith.andi %add3A_68, %parallel_loop3A_103 : i32
        %parallel_loop3A_105 = arith.constant 64 : i32
        %parallel_loop3A_106 = arith.muli %parallel_loop3A_104, %parallel_loop3A_105 : i32
        %parallel_loop3A_107 = arith.addi %parallel_loop3A_106, %parallel_loop3A_100 : i32
        %parallel_loop3A_108 = arith.constant 0 : i32
        %parallel_loop3A_109 = vector.broadcast %parallel_loop3A_108 : i32 to vector<16xi32>
        %parallel_loop3A_110 = vector.broadcast %parallel_loop3A_102 : i32 to vector<16xi32>
        %parallel_loop3A_111 = arith.addi %parallel_loop3A_109, %parallel_loop3A_110 : vector<16xi32>
        %parallel_loop3A_112 = arith.constant 0 : i32
        %parallel_loop3A_113 = vector.broadcast %parallel_loop3A_112 : i32 to vector<16xi32>
        %parallel_loop3A_114 = vector.broadcast %parallel_loop3A_107 : i32 to vector<16xi32>
        %parallel_loop3A_115 = arith.addi %parallel_loop3A_113, %parallel_loop3A_114 : vector<16xi32>
        %parallel_loop3A_116 = tpu.vector_load_idx %arg9[%parallel_loop3A_111, %parallel_loop3A_115] : memref<40x128xf32, #tpu.memory_space<vmem>>[vector<16xi32>, vector<16xi32>], vector<16xf32>,
        %parallel_loop3A_117 = arith.index_cast %parallel_loop3A_100 : i32 to index
        %parallel_loop3A_118 = arith.constant 0 : index
        %parallel_loop3A_119 = tpu.vector_load %arg10[%parallel_loop3A_117, %parallel_loop3A_118] {strides = array<i32>} : memref<64x144xf32, #tpu.memory_space<vmem>>, vector<16xf32>,
        %parallel_loop3A_120 = arith.mulf %parallel_loop3A_119, %parallel_loop3A_116 : vector<16xf32>
        %parallel_loop3A_121 = arith.index_cast %parallel_loop3A_100 : i32 to index
        %parallel_loop3A_122 = arith.constant 0 : index
        %parallel_loop3A_123 = tpu.vector_load %arg10[%parallel_loop3A_121, %parallel_loop3A_122] {strides = array<i32>} : memref<64x144xf32, #tpu.memory_space<vmem>>, vector<16xf32>,
        tpu.vector_store %arg10[%parallel_loop3A_121, %parallel_loop3A_122], %parallel_loop3A_120 {strides = array<i32>} : memref<64x144xf32, #tpu.memory_space<vmem>>, vector<16xf32>,
        %parallel_loop3A_124 = arith.index_cast %parallel_loop3A_100 : i32 to index
        %parallel_loop3A_125 = arith.constant 16 : index
        %parallel_loop3A_126 = tpu.vector_load %arg10[%parallel_loop3A_124, %parallel_loop3A_125] {strides = array<i32>} : memref<64x144xf32, #tpu.memory_space<vmem>>, vector<16xf32>,
        %parallel_loop3A_127 = arith.mulf %parallel_loop3A_126, %parallel_loop3A_116 : vector<16xf32>
        %parallel_loop3A_128 = arith.index_cast %parallel_loop3A_100 : i32 to index
        %parallel_loop3A_129 = arith.constant 16 : index
        %parallel_loop3A_130 = tpu.vector_load %arg10[%parallel_loop3A_128, %parallel_loop3A_129] {strides = array<i32>} : memref<64x144xf32, #tpu.memory_space<vmem>>, vector<16xf32>,
        tpu.vector_store %arg10[%parallel_loop3A_128, %parallel_loop3A_129], %parallel_loop3A_127 {strides = array<i32>} : memref<64x144xf32, #tpu.memory_space<vmem>>, vector<16xf32>,
        %parallel_loop3A_131 = arith.index_cast %parallel_loop3A_100 : i32 to index
        %parallel_loop3A_132 = arith.constant 32 : index
        %parallel_loop3A_133 = tpu.vector_load %arg10[%parallel_loop3A_131, %parallel_loop3A_132] {strides = array<i32>} : memref<64x144xf32, #tpu.memory_space<vmem>>, vector<16xf32>,
        %parallel_loop3A_134 = arith.mulf %parallel_loop3A_133, %parallel_loop3A_116 : vector<16xf32>
        %parallel_loop3A_135 = arith.index_cast %parallel_loop3A_100 : i32 to index
        %parallel_loop3A_136 = arith.constant 32 : index
        %parallel_loop3A_137 = tpu.vector_load %arg10[%parallel_loop3A_135, %parallel_loop3A_136] {strides = array<i32>} : memref<64x144xf32, #tpu.memory_space<vmem>>, vector<16xf32>,
        tpu.vector_store %arg10[%parallel_loop3A_135, %parallel_loop3A_136], %parallel_loop3A_134 {strides = array<i32>} : memref<64x144xf32, #tpu.memory_space<vmem>>, vector<16xf32>,
        %parallel_loop3A_138 = arith.index_cast %parallel_loop3A_100 : i32 to index
        %parallel_loop3A_139 = arith.constant 48 : index
        %parallel_loop3A_140 = tpu.vector_load %arg10[%parallel_loop3A_138, %parallel_loop3A_139] {strides = array<i32>} : memref<64x144xf32, #tpu.memory_space<vmem>>, vector<16xf32>,
        %parallel_loop3A_141 = arith.mulf %parallel_loop3A_140, %parallel_loop3A_116 : vector<16xf32>
        %parallel_loop3A_142 = arith.index_cast %parallel_loop3A_100 : i32 to index
        %parallel_loop3A_143 = arith.constant 48 : index
        %parallel_loop3A_144 = tpu.vector_load %arg10[%parallel_loop3A_142, %parallel_loop3A_143] {strides = array<i32>} : memref<64x144xf32, #tpu.memory_space<vmem>>, vector<16xf32>,
        tpu.vector_store %arg10[%parallel_loop3A_142, %parallel_loop3A_143], %parallel_loop3A_141 {strides = array<i32>} : memref<64x144xf32, #tpu.memory_space<vmem>>, vector<16xf32>,
        %parallel_loop3A_145 = arith.index_cast %parallel_loop3A_100 : i32 to index
        %parallel_loop3A_146 = arith.constant 64 : index
        %parallel_loop3A_147 = tpu.vector_load %arg10[%parallel_loop3A_145, %parallel_loop3A_146] {strides = array<i32>} : memref<64x144xf32, #tpu.memory_space<vmem>>, vector<16xf32>,
        %parallel_loop3A_148 = arith.mulf %parallel_loop3A_147, %parallel_loop3A_116 : vector<16xf32>
        %parallel_loop3A_149 = arith.index_cast %parallel_loop3A_100 : i32 to index
        %parallel_loop3A_150 = arith.constant 64 : index
        %parallel_loop3A_151 = tpu.vector_load %arg10[%parallel_loop3A_149, %parallel_loop3A_150] {strides = array<i32>} : memref<64x144xf32, #tpu.memory_space<vmem>>, vector<16xf32>,
        tpu.vector_store %arg10[%parallel_loop3A_149, %parallel_loop3A_150], %parallel_loop3A_148 {strides = array<i32>} : memref<64x144xf32, #tpu.memory_space<vmem>>, vector<16xf32>,
        %parallel_loop3A_152 = arith.index_cast %parallel_loop3A_100 : i32 to index
        %parallel_loop3A_153 = arith.constant 80 : index
        %parallel_loop3A_154 = tpu.vector_load %arg10[%parallel_loop3A_152, %parallel_loop3A_153] {strides = array<i32>} : memref<64x144xf32, #tpu.memory_space<vmem>>, vector<16xf32>,
        %parallel_loop3A_155 = arith.mulf %parallel_loop3A_154, %parallel_loop3A_116 : vector<16xf32>
        %parallel_loop3A_156 = arith.index_cast %parallel_loop3A_100 : i32 to index
        %parallel_loop3A_157 = arith.constant 80 : index
        %parallel_loop3A_158 = tpu.vector_load %arg10[%parallel_loop3A_156, %parallel_loop3A_157] {strides = array<i32>} : memref<64x144xf32, #tpu.memory_space<vmem>>, vector<16xf32>,
        tpu.vector_store %arg10[%parallel_loop3A_156, %parallel_loop3A_157], %parallel_loop3A_155 {strides = array<i32>} : memref<64x144xf32, #tpu.memory_space<vmem>>, vector<16xf32>,
        %parallel_loop3A_159 = arith.index_cast %parallel_loop3A_100 : i32 to index
        %parallel_loop3A_160 = arith.constant 96 : index
        %parallel_loop3A_161 = tpu.vector_load %arg10[%parallel_loop3A_159, %parallel_loop3A_160] {strides = array<i32>} : memref<64x144xf32, #tpu.memory_space<vmem>>, vector<16xf32>,
        %parallel_loop3A_162 = arith.mulf %parallel_loop3A_161, %parallel_loop3A_116 : vector<16xf32>
        %parallel_loop3A_163 = arith.index_cast %parallel_loop3A_100 : i32 to index
        %parallel_loop3A_164 = arith.constant 96 : index
        %parallel_loop3A_165 = tpu.vector_load %arg10[%parallel_loop3A_163, %parallel_loop3A_164] {strides = array<i32>} : memref<64x144xf32, #tpu.memory_space<vmem>>, vector<16xf32>,
        tpu.vector_store %arg10[%parallel_loop3A_163, %parallel_loop3A_164], %parallel_loop3A_162 {strides = array<i32>} : memref<64x144xf32, #tpu.memory_space<vmem>>, vector<16xf32>,
        %parallel_loop3A_166 = arith.index_cast %parallel_loop3A_100 : i32 to index
        %parallel_loop3A_167 = arith.constant 112 : index
        %parallel_loop3A_168 = tpu.vector_load %arg10[%parallel_loop3A_166, %parallel_loop3A_167] {strides = array<i32>} : memref<64x144xf32, #tpu.memory_space<vmem>>, vector<16xf32>,
        %parallel_loop3A_169 = arith.mulf %parallel_loop3A_168, %parallel_loop3A_116 : vector<16xf32>
        %parallel_loop3A_170 = arith.index_cast %parallel_loop3A_100 : i32 to index
        %parallel_loop3A_171 = arith.constant 112 : index
        %parallel_loop3A_172 = tpu.vector_load %arg10[%parallel_loop3A_170, %parallel_loop3A_171] {strides = array<i32>} : memref<64x144xf32, #tpu.memory_space<vmem>>, vector<16xf32>,
        tpu.vector_store %arg10[%parallel_loop3A_170, %parallel_loop3A_171], %parallel_loop3A_169 {strides = array<i32>} : memref<64x144xf32, #tpu.memory_space<vmem>>, vector<16xf32>,
        %parallel_loop3A_173 = arith.index_cast %parallel_loop3A_100 : i32 to index
        %parallel_loop3A_174 = arith.constant 128 : index
        %parallel_loop3A_175 = tpu.vector_load %arg10[%parallel_loop3A_173, %parallel_loop3A_174] {strides = array<i32>} : memref<64x144xf32, #tpu.memory_space<vmem>>, vector<16xf32>,
        %parallel_loop3A_176 = arith.mulf %parallel_loop3A_175, %parallel_loop3A_116 : vector<16xf32>
        %parallel_loop3A_177 = arith.index_cast %parallel_loop3A_100 : i32 to index
        %parallel_loop3A_178 = arith.constant 128 : index
        %parallel_loop3A_179 = tpu.vector_load %arg10[%parallel_loop3A_177, %parallel_loop3A_178] {strides = array<i32>} : memref<64x144xf32, #tpu.memory_space<vmem>>, vector<16xf32>,
        tpu.vector_store %arg10[%parallel_loop3A_177, %parallel_loop3A_178], %parallel_loop3A_176 {strides = array<i32>} : memref<64x144xf32, #tpu.memory_space<vmem>>, vector<16xf32>,
      } {sc.loop_unroll_factor = 4 : i64, sc.parallel_access}
      "tpu.region"() ({
        %run_scoped3A = tpu.sem_alloc : memref<!tpu.dma_semaphore, #tpu.memory_space<semaphore_mem>>
        %dma_start3A_100 = arith.constant 0 : i32
        %dma_start3A_101 = tpu.memref_slice %arg8[%add3A_68, %dma_start3A_100] : memref<80x64xi32, #tpu.memory_space<vmem>> -> memref<1x64xi32, #tpu.memory_space<vmem>>
        %dma_start3A_102 = tpu.memref_squeeze %dma_start3A_101 : memref<1x64xi32, #tpu.memory_space<vmem>> -> memref<64xi32, #tpu.memory_space<vmem>>
        %dma_start3A_103 = arith.constant 0 : i32
        %dma_start3A_104 = arith.constant 0 : i32
        %dma_start3A_105 = tpu.memref_slice %arg12[%dma_start3A_103, %dma_start3A_104] : memref<10000x144xf32, #tpu.memory_space<vmem_shared>> -> memref<10000x144xf32, #tpu.memory_space<vmem_shared>>
        tpu.enqueue_indirect_dma source(%arg10 : memref<64x144xf32, #tpu.memory_space<vmem>>) target(%dma_start3A_105 : memref<10000x144xf32, #tpu.memory_space<vmem_shared>>) offsets(%dma_start3A_102 : memref<64xi32, #tpu.memory_space<vmem>>) semaphore(%run_scoped3A : memref<!tpu.dma_semaphore, #tpu.memory_space<semaphore_mem>>) {add = true}
        %dma_wait3A_106 = arith.constant 0 : i32
        %dma_wait3A_107 = tpu.memref_slice %arg8[%add3A_68, %dma_wait3A_106] : memref<80x64xi32, #tpu.memory_space<vmem>> -> memref<1x64xi32, #tpu.memory_space<vmem>>
        %dma_wait3A_108 = tpu.memref_squeeze %dma_wait3A_107 : memref<1x64xi32, #tpu.memory_space<vmem>> -> memref<64xi32, #tpu.memory_space<vmem>>
        %dma_wait3A_109 = arith.constant 0 : i32
        %dma_wait3A_110 = arith.constant 0 : i32
        %dma_wait3A_111 = tpu.memref_slice %arg12[%dma_wait3A_109, %dma_wait3A_110] : memref<10000x144xf32, #tpu.memory_space<vmem_shared>> -> memref<10000x144xf32, #tpu.memory_space<vmem_shared>>
        tpu.wait_indirect_dma semaphore(%run_scoped3A : memref<!tpu.dma_semaphore, #tpu.memory_space<semaphore_mem>>) src(%arg10 : memref<64x144xf32, #tpu.memory_space<vmem>>) dst(%dma_wait3A_111 : memref<10000x144xf32, #tpu.memory_space<vmem_shared>>)
        tpu.yield
      }) : () -> ()
      %mul3A_80 = arith.constant 2 : i32
      %mul3A_81 = arith.muli %scan3A_64, %mul3A_80 : i32
      %add3A_82 = arith.constant 1 : i32
      %add3A_83 = arith.addi %mul3A_81, %add3A_82 : i32
      %dma_wait3A_84 = arith.constant 0 : i32
      %dma_wait3A_85 = tpu.memref_slice %arg7[%add3A_83, %dma_wait3A_84] : memref<80x64xi32, #tpu.memory_space<vmem>> -> memref<1x64xi32, #tpu.memory_space<vmem>>
      %dma_wait3A_86 = tpu.memref_squeeze %dma_wait3A_85 : memref<1x64xi32, #tpu.memory_space<vmem>> -> memref<64xi32, #tpu.memory_space<vmem>>
      %dma_wait3A_87 = arith.constant 0 : i32
      %dma_wait3A_88 = arith.constant 0 : i32
      %dma_wait3A_89 = tpu.memref_slice %arg5[%dma_wait3A_87, %dma_wait3A_88] : memref<10000x144xf32, #tpu.memory_space<hbm>> -> memref<10000x144xf32, #tpu.memory_space<hbm>>
      tpu.wait_indirect_dma semaphore(%arg14 : memref<!tpu.dma_semaphore, #tpu.memory_space<semaphore_mem>>) src(%dma_wait3A_89 : memref<10000x144xf32, #tpu.memory_space<hbm>>) dst(%arg11 : memref<64x144xf32, #tpu.memory_space<vmem>>)
      %add3A_90 = arith.constant 1 : i32
      %add3A_91 = arith.addi %add3A_83, %add3A_90 : i32
      %lt3A_92 = arith.constant 80 : i32
      %lt3A_93 = arith.cmpi slt, %add3A_91, %lt3A_92 : i32
      %convert_element_type3A_94 = arith.extui %lt3A_93 : i1 to i32
      %cond3A_95 = arith.constant 0 : i32
      %cond3A_96 = arith.cmpi ne, %convert_element_type3A_94, %cond3A_95 : i32
      scf.if %cond3A_96 {
        %add3A_100 = arith.constant 1 : i32
        %add3A_101 = arith.addi %add3A_83, %add3A_100 : i32
        %dma_start3A_102 = arith.constant 0 : i32
        %dma_start3A_103 = tpu.memref_slice %arg7[%add3A_101, %dma_start3A_102] : memref<80x64xi32, #tpu.memory_space<vmem>> -> memref<1x64xi32, #tpu.memory_space<vmem>>
        %dma_start3A_104 = tpu.memref_squeeze %dma_start3A_103 : memref<1x64xi32, #tpu.memory_space<vmem>> -> memref<64xi32, #tpu.memory_space<vmem>>
        %dma_start3A_105 = arith.constant 0 : i32
        %dma_start3A_106 = arith.constant 0 : i32
        %dma_start3A_107 = tpu.memref_slice %arg5[%dma_start3A_105, %dma_start3A_106] : memref<10000x144xf32, #tpu.memory_space<hbm>> -> memref<10000x144xf32, #tpu.memory_space<hbm>>
        tpu.enqueue_indirect_dma source(%dma_start3A_107 : memref<10000x144xf32, #tpu.memory_space<hbm>>) target(%arg10 : memref<64x144xf32, #tpu.memory_space<vmem>>) offsets(%dma_start3A_104 : memref<64xi32, #tpu.memory_space<vmem>>) semaphore(%arg13 : memref<!tpu.dma_semaphore, #tpu.memory_space<semaphore_mem>>)
      } else {
      }
      %parallel_loop3A_97 = arith.constant 0 : i32
      %parallel_loop3A_98 = arith.constant 0 : i32
      %parallel_loop3A_99 = arith.constant 1 : i32
      scf.for %parallel_loop3A_100 = %parallel_loop3A_97 to %parallel_loop3A_98 step %parallel_loop3A_99  : i32 {
        %parallel_loop3A_101 = arith.constant 1 : i32
        %parallel_loop3A_102 = arith.shrui %add3A_83, %parallel_loop3A_101 : i32
        %parallel_loop3A_103 = arith.constant 1 : i32
        %parallel_loop3A_104 = arith.andi %add3A_83, %parallel_loop3A_103 : i32
        %parallel_loop3A_105 = arith.constant 64 : i32
        %parallel_loop3A_106 = arith.muli %parallel_loop3A_104, %parallel_loop3A_105 : i32
        %parallel_loop3A_107 = arith.addi %parallel_loop3A_106, %parallel_loop3A_100 : i32
        %parallel_loop3A_108 = arith.constant 0 : i32
        %parallel_loop3A_109 = vector.broadcast %parallel_loop3A_108 : i32 to vector<16xi32>
        %parallel_loop3A_110 = vector.broadcast %parallel_loop3A_102 : i32 to vector<16xi32>
        %parallel_loop3A_111 = arith.addi %parallel_loop3A_109, %parallel_loop3A_110 : vector<16xi32>
        %parallel_loop3A_112 = arith.constant 0 : i32
        %parallel_loop3A_113 = vector.broadcast %parallel_loop3A_112 : i32 to vector<16xi32>
        %parallel_loop3A_114 = vector.broadcast %parallel_loop3A_107 : i32 to vector<16xi32>
        %parallel_loop3A_115 = arith.addi %parallel_loop3A_113, %parallel_loop3A_114 : vector<16xi32>
        %parallel_loop3A_116 = tpu.vector_load_idx %arg9[%parallel_loop3A_111, %parallel_loop3A_115] : memref<40x128xf32, #tpu.memory_space<vmem>>[vector<16xi32>, vector<16xi32>], vector<16xf32>,
        %parallel_loop3A_117 = arith.index_cast %parallel_loop3A_100 : i32 to index
        %parallel_loop3A_118 = arith.constant 0 : index
        %parallel_loop3A_119 = tpu.vector_load %arg11[%parallel_loop3A_117, %parallel_loop3A_118] {strides = array<i32>} : memref<64x144xf32, #tpu.memory_space<vmem>>, vector<16xf32>,
        %parallel_loop3A_120 = arith.mulf %parallel_loop3A_119, %parallel_loop3A_116 : vector<16xf32>
        %parallel_loop3A_121 = arith.index_cast %parallel_loop3A_100 : i32 to index
        %parallel_loop3A_122 = arith.constant 0 : index
        %parallel_loop3A_123 = tpu.vector_load %arg11[%parallel_loop3A_121, %parallel_loop3A_122] {strides = array<i32>} : memref<64x144xf32, #tpu.memory_space<vmem>>, vector<16xf32>,
        tpu.vector_store %arg11[%parallel_loop3A_121, %parallel_loop3A_122], %parallel_loop3A_120 {strides = array<i32>} : memref<64x144xf32, #tpu.memory_space<vmem>>, vector<16xf32>,
        %parallel_loop3A_124 = arith.index_cast %parallel_loop3A_100 : i32 to index
        %parallel_loop3A_125 = arith.constant 16 : index
        %parallel_loop3A_126 = tpu.vector_load %arg11[%parallel_loop3A_124, %parallel_loop3A_125] {strides = array<i32>} : memref<64x144xf32, #tpu.memory_space<vmem>>, vector<16xf32>,
        %parallel_loop3A_127 = arith.mulf %parallel_loop3A_126, %parallel_loop3A_116 : vector<16xf32>
        %parallel_loop3A_128 = arith.index_cast %parallel_loop3A_100 : i32 to index
        %parallel_loop3A_129 = arith.constant 16 : index
        %parallel_loop3A_130 = tpu.vector_load %arg11[%parallel_loop3A_128, %parallel_loop3A_129] {strides = array<i32>} : memref<64x144xf32, #tpu.memory_space<vmem>>, vector<16xf32>,
        tpu.vector_store %arg11[%parallel_loop3A_128, %parallel_loop3A_129], %parallel_loop3A_127 {strides = array<i32>} : memref<64x144xf32, #tpu.memory_space<vmem>>, vector<16xf32>,
        %parallel_loop3A_131 = arith.index_cast %parallel_loop3A_100 : i32 to index
        %parallel_loop3A_132 = arith.constant 32 : index
        %parallel_loop3A_133 = tpu.vector_load %arg11[%parallel_loop3A_131, %parallel_loop3A_132] {strides = array<i32>} : memref<64x144xf32, #tpu.memory_space<vmem>>, vector<16xf32>,
        %parallel_loop3A_134 = arith.mulf %parallel_loop3A_133, %parallel_loop3A_116 : vector<16xf32>
        %parallel_loop3A_135 = arith.index_cast %parallel_loop3A_100 : i32 to index
        %parallel_loop3A_136 = arith.constant 32 : index
        %parallel_loop3A_137 = tpu.vector_load %arg11[%parallel_loop3A_135, %parallel_loop3A_136] {strides = array<i32>} : memref<64x144xf32, #tpu.memory_space<vmem>>, vector<16xf32>,
        tpu.vector_store %arg11[%parallel_loop3A_135, %parallel_loop3A_136], %parallel_loop3A_134 {strides = array<i32>} : memref<64x144xf32, #tpu.memory_space<vmem>>, vector<16xf32>,
        %parallel_loop3A_138 = arith.index_cast %parallel_loop3A_100 : i32 to index
        %parallel_loop3A_139 = arith.constant 48 : index
        %parallel_loop3A_140 = tpu.vector_load %arg11[%parallel_loop3A_138, %parallel_loop3A_139] {strides = array<i32>} : memref<64x144xf32, #tpu.memory_space<vmem>>, vector<16xf32>,
        %parallel_loop3A_141 = arith.mulf %parallel_loop3A_140, %parallel_loop3A_116 : vector<16xf32>
        %parallel_loop3A_142 = arith.index_cast %parallel_loop3A_100 : i32 to index
        %parallel_loop3A_143 = arith.constant 48 : index
        %parallel_loop3A_144 = tpu.vector_load %arg11[%parallel_loop3A_142, %parallel_loop3A_143] {strides = array<i32>} : memref<64x144xf32, #tpu.memory_space<vmem>>, vector<16xf32>,
        tpu.vector_store %arg11[%parallel_loop3A_142, %parallel_loop3A_143], %parallel_loop3A_141 {strides = array<i32>} : memref<64x144xf32, #tpu.memory_space<vmem>>, vector<16xf32>,
        %parallel_loop3A_145 = arith.index_cast %parallel_loop3A_100 : i32 to index
        %parallel_loop3A_146 = arith.constant 64 : index
        %parallel_loop3A_147 = tpu.vector_load %arg11[%parallel_loop3A_145, %parallel_loop3A_146] {strides = array<i32>} : memref<64x144xf32, #tpu.memory_space<vmem>>, vector<16xf32>,
        %parallel_loop3A_148 = arith.mulf %parallel_loop3A_147, %parallel_loop3A_116 : vector<16xf32>
        %parallel_loop3A_149 = arith.index_cast %parallel_loop3A_100 : i32 to index
        %parallel_loop3A_150 = arith.constant 64 : index
        %parallel_loop3A_151 = tpu.vector_load %arg11[%parallel_loop3A_149, %parallel_loop3A_150] {strides = array<i32>} : memref<64x144xf32, #tpu.memory_space<vmem>>, vector<16xf32>,
        tpu.vector_store %arg11[%parallel_loop3A_149, %parallel_loop3A_150], %parallel_loop3A_148 {strides = array<i32>} : memref<64x144xf32, #tpu.memory_space<vmem>>, vector<16xf32>,
        %parallel_loop3A_152 = arith.index_cast %parallel_loop3A_100 : i32 to index
        %parallel_loop3A_153 = arith.constant 80 : index
        %parallel_loop3A_154 = tpu.vector_load %arg11[%parallel_loop3A_152, %parallel_loop3A_153] {strides = array<i32>} : memref<64x144xf32, #tpu.memory_space<vmem>>, vector<16xf32>,
        %parallel_loop3A_155 = arith.mulf %parallel_loop3A_154, %parallel_loop3A_116 : vector<16xf32>
        %parallel_loop3A_156 = arith.index_cast %parallel_loop3A_100 : i32 to index
        %parallel_loop3A_157 = arith.constant 80 : index
        %parallel_loop3A_158 = tpu.vector_load %arg11[%parallel_loop3A_156, %parallel_loop3A_157] {strides = array<i32>} : memref<64x144xf32, #tpu.memory_space<vmem>>, vector<16xf32>,
        tpu.vector_store %arg11[%parallel_loop3A_156, %parallel_loop3A_157], %parallel_loop3A_155 {strides = array<i32>} : memref<64x144xf32, #tpu.memory_space<vmem>>, vector<16xf32>,
        %parallel_loop3A_159 = arith.index_cast %parallel_loop3A_100 : i32 to index
        %parallel_loop3A_160 = arith.constant 96 : index
        %parallel_loop3A_161 = tpu.vector_load %arg11[%parallel_loop3A_159, %parallel_loop3A_160] {strides = array<i32>} : memref<64x144xf32, #tpu.memory_space<vmem>>, vector<16xf32>,
        %parallel_loop3A_162 = arith.mulf %parallel_loop3A_161, %parallel_loop3A_116 : vector<16xf32>
        %parallel_loop3A_163 = arith.index_cast %parallel_loop3A_100 : i32 to index
        %parallel_loop3A_164 = arith.constant 96 : index
        %parallel_loop3A_165 = tpu.vector_load %arg11[%parallel_loop3A_163, %parallel_loop3A_164] {strides = array<i32>} : memref<64x144xf32, #tpu.memory_space<vmem>>, vector<16xf32>,
        tpu.vector_store %arg11[%parallel_loop3A_163, %parallel_loop3A_164], %parallel_loop3A_162 {strides = array<i32>} : memref<64x144xf32, #tpu.memory_space<vmem>>, vector<16xf32>,
        %parallel_loop3A_166 = arith.index_cast %parallel_loop3A_100 : i32 to index
        %parallel_loop3A_167 = arith.constant 112 : index
        %parallel_loop3A_168 = tpu.vector_load %arg11[%parallel_loop3A_166, %parallel_loop3A_167] {strides = array<i32>} : memref<64x144xf32, #tpu.memory_space<vmem>>, vector<16xf32>,
        %parallel_loop3A_169 = arith.mulf %parallel_loop3A_168, %parallel_loop3A_116 : vector<16xf32>
        %parallel_loop3A_170 = arith.index_cast %parallel_loop3A_100 : i32 to index
        %parallel_loop3A_171 = arith.constant 112 : index
        %parallel_loop3A_172 = tpu.vector_load %arg11[%parallel_loop3A_170, %parallel_loop3A_171] {strides = array<i32>} : memref<64x144xf32, #tpu.memory_space<vmem>>, vector<16xf32>,
        tpu.vector_store %arg11[%parallel_loop3A_170, %parallel_loop3A_171], %parallel_loop3A_169 {strides = array<i32>} : memref<64x144xf32, #tpu.memory_space<vmem>>, vector<16xf32>,
        %parallel_loop3A_173 = arith.index_cast %parallel_loop3A_100 : i32 to index
        %parallel_loop3A_174 = arith.constant 128 : index
        %parallel_loop3A_175 = tpu.vector_load %arg11[%parallel_loop3A_173, %parallel_loop3A_174] {strides = array<i32>} : memref<64x144xf32, #tpu.memory_space<vmem>>, vector<16xf32>,
        %parallel_loop3A_176 = arith.mulf %parallel_loop3A_175, %parallel_loop3A_116 : vector<16xf32>
        %parallel_loop3A_177 = arith.index_cast %parallel_loop3A_100 : i32 to index
        %parallel_loop3A_178 = arith.constant 128 : index
        %parallel_loop3A_179 = tpu.vector_load %arg11[%parallel_loop3A_177, %parallel_loop3A_178] {strides = array<i32>} : memref<64x144xf32, #tpu.memory_space<vmem>>, vector<16xf32>,
        tpu.vector_store %arg11[%parallel_loop3A_177, %parallel_loop3A_178], %parallel_loop3A_176 {strides = array<i32>} : memref<64x144xf32, #tpu.memory_space<vmem>>, vector<16xf32>,
      } {sc.loop_unroll_factor = 4 : i64, sc.parallel_access}
      "tpu.region"() ({
        %run_scoped3A = tpu.sem_alloc : memref<!tpu.dma_semaphore, #tpu.memory_space<semaphore_mem>>
        %dma_start3A_100 = arith.constant 0 : i32
        %dma_start3A_101 = tpu.memref_slice %arg8[%add3A_83, %dma_start3A_100] : memref<80x64xi32, #tpu.memory_space<vmem>> -> memref<1x64xi32, #tpu.memory_space<vmem>>
        %dma_start3A_102 = tpu.memref_squeeze %dma_start3A_101 : memref<1x64xi32, #tpu.memory_space<vmem>> -> memref<64xi32, #tpu.memory_space<vmem>>
        %dma_start3A_103 = arith.constant 0 : i32
        %dma_start3A_104 = arith.constant 0 : i32
        %dma_start3A_105 = tpu.memref_slice %arg12[%dma_start3A_103, %dma_start3A_104] : memref<10000x144xf32, #tpu.memory_space<vmem_shared>> -> memref<10000x144xf32, #tpu.memory_space<vmem_shared>>
        tpu.enqueue_indirect_dma source(%arg11 : memref<64x144xf32, #tpu.memory_space<vmem>>) target(%dma_start3A_105 : memref<10000x144xf32, #tpu.memory_space<vmem_shared>>) offsets(%dma_start3A_102 : memref<64xi32, #tpu.memory_space<vmem>>) semaphore(%run_scoped3A : memref<!tpu.dma_semaphore, #tpu.memory_space<semaphore_mem>>) {add = true}
        %dma_wait3A_106 = arith.constant 0 : i32
        %dma_wait3A_107 = tpu.memref_slice %arg8[%add3A_83, %dma_wait3A_106] : memref<80x64xi32, #tpu.memory_space<vmem>> -> memref<1x64xi32, #tpu.memory_space<vmem>>
        %dma_wait3A_108 = tpu.memref_squeeze %dma_wait3A_107 : memref<1x64xi32, #tpu.memory_space<vmem>> -> memref<64xi32, #tpu.memory_space<vmem>>
        %dma_wait3A_109 = arith.constant 0 : i32
        %dma_wait3A_110 = arith.constant 0 : i32
        %dma_wait3A_111 = tpu.memref_slice %arg12[%dma_wait3A_109, %dma_wait3A_110] : memref<10000x144xf32, #tpu.memory_space<vmem_shared>> -> memref<10000x144xf32, #tpu.memory_space<vmem_shared>>
        tpu.wait_indirect_dma semaphore(%run_scoped3A : memref<!tpu.dma_semaphore, #tpu.memory_space<semaphore_mem>>) src(%arg11 : memref<64x144xf32, #tpu.memory_space<vmem>>) dst(%dma_wait3A_111 : memref<10000x144xf32, #tpu.memory_space<vmem_shared>>)
        tpu.yield
      }) : () -> ()
    }
    %scan3A_58 = arith.constant 40 : i32
    %barrier3A_59 = arith.constant 0 : index
    tpu.barrier barrier_id(%barrier3A_59)
    %mul3A_60 = arith.constant 625 : i32
    %mul3A_61 = arith.muli %arg1, %mul3A_60 : i32
    %mul3A_62 = arith.constant 625 : i32
    %mul3A_63 = arith.muli %arg1, %mul3A_62 : i32
    "tpu.region"() ({
      %run_scoped3A = tpu.sem_alloc : memref<!tpu.dma_semaphore, #tpu.memory_space<semaphore_mem>>
      %dma_start3A_64 = arith.constant 0 : i32
      %dma_start3A_65 = tpu.memref_slice %arg6[%arg0, %mul3A_63, %dma_start3A_64] : memref<2x10000x144xf32, #tpu.memory_space<hbm>> -> memref<1x625x144xf32, #tpu.memory_space<hbm>>
      %dma_start3A_66 = tpu.memref_squeeze %dma_start3A_65 : memref<1x625x144xf32, #tpu.memory_space<hbm>> -> memref<625x144xf32, #tpu.memory_space<hbm>>
      %dma_start3A_67 = arith.constant 0 : i32
      %dma_start3A_68 = tpu.memref_slice %arg12[%mul3A_61, %dma_start3A_67] : memref<10000x144xf32, #tpu.memory_space<vmem_shared>> -> memref<625x144xf32, #tpu.memory_space<vmem_shared>>
      tpu.enqueue_dma source(%dma_start3A_68 : memref<625x144xf32, #tpu.memory_space<vmem_shared>>) target(%dma_start3A_66 : memref<625x144xf32, #tpu.memory_space<hbm>>) target_semaphore(%run_scoped3A : memref<!tpu.dma_semaphore, #tpu.memory_space<semaphore_mem>>)
      %dma_wait3A = arith.constant 0 : i32
      %dma_wait3A_69 = tpu.memref_slice %arg6[%arg0, %mul3A_63, %dma_wait3A] : memref<2x10000x144xf32, #tpu.memory_space<hbm>> -> memref<1x625x144xf32, #tpu.memory_space<hbm>>
      %dma_wait3A_70 = tpu.memref_squeeze %dma_wait3A_69 : memref<1x625x144xf32, #tpu.memory_space<hbm>> -> memref<625x144xf32, #tpu.memory_space<hbm>>
      %dma_wait3A_71 = arith.constant 0 : i32
      %dma_wait3A_72 = tpu.memref_slice %arg12[%mul3A_61, %dma_wait3A_71] : memref<10000x144xf32, #tpu.memory_space<vmem_shared>> -> memref<625x144xf32, #tpu.memory_space<vmem_shared>>
      tpu.wait_dma2 semaphore(%run_scoped3A : memref<!tpu.dma_semaphore, #tpu.memory_space<semaphore_mem>>) src(%dma_wait3A_72 : memref<625x144xf32, #tpu.memory_space<vmem_shared>>) dst(%dma_wait3A_70 : memref<625x144xf32, #tpu.memory_space<hbm>>)
      tpu.yield
    }) : () -> ()
    return
  }
}

#map = affine_map<(d0, d1) -> (0, 0, 0)>
#map1 = affine_map<(d0, d1) -> (0, 0)>
module attributes {stable_mosaic.version = 14 : i64} {
  func.func @_sc_aggregate(%arg0: i32, %arg1: i32, %arg2: memref<32x80x64xi32, #tpu.memory_space<hbm>>, %arg3: memref<32x80x64xi32, #tpu.memory_space<hbm>>, %arg4: memref<32x40x128xf32, #tpu.memory_space<hbm>>, %arg5: memref<10000x144xf32, #tpu.memory_space<hbm>>, %arg6: memref<2x10000x144xf32, #tpu.memory_space<hbm>>, %arg7: memref<80x64xi32, #tpu.memory_space<vmem>>, %arg8: memref<80x64xi32, #tpu.memory_space<vmem>>, %arg9: memref<40x128xf32, #tpu.memory_space<vmem>>, %arg10: memref<64x144xf32, #tpu.memory_space<vmem>>, %arg11: memref<64x144xf32, #tpu.memory_space<vmem>>, %arg12: memref<10000x144xf32, #tpu.memory_space<vmem_shared>>, %arg13: memref<!tpu.dma_semaphore, #tpu.memory_space<semaphore_mem>>, %arg14: memref<!tpu.dma_semaphore, #tpu.memory_space<semaphore_mem>>) attributes {dimension_semantics = [#tpu.dimension_semantics<core_parallel>, #tpu.dimension_semantics<subcore_parallel>], iteration_bounds = array<i64: 2, 16>, scalar_prefetch = 0 : i64, scratch_operands = 8 : i64, tpu.core_type = #tpu.core_type<sc_vector_subcore>, window_params = [{transform_indices = #map}, {transform_indices = #map}, {transform_indices = #map}, {transform_indices = #map1}, {transform_indices = #map}]} {
    %mul3A = arith.constant 16 : i32
    %mul3A_0 = arith.muli %arg0, %mul3A : i32
    %add3A = arith.addi %mul3A_0, %arg1 : i32
    "tpu.region"() ({
      %run_scoped3A = tpu.sem_alloc : memref<!tpu.dma_semaphore, #tpu.memory_space<semaphore_mem>>
      %dma_start3A_64 = arith.constant 0 : i32
      %dma_start3A_65 = arith.constant 0 : i32
      %dma_start3A_66 = tpu.memref_slice %arg2[%add3A, %dma_start3A_64, %dma_start3A_65] : memref<32x80x64xi32, #tpu.memory_space<hbm>> -> memref<1x80x64xi32, #tpu.memory_space<hbm>>
      %dma_start3A_67 = tpu.memref_squeeze %dma_start3A_66 : memref<1x80x64xi32, #tpu.memory_space<hbm>> -> memref<80x64xi32, #tpu.memory_space<hbm>>
      %dma_start3A_68 = arith.constant 0 : i32
      %dma_start3A_69 = arith.constant 0 : i32
      %dma_start3A_70 = tpu.memref_slice %arg2[%add3A, %dma_start3A_68, %dma_start3A_69] : memref<32x80x64xi32, #tpu.memory_space<hbm>> -> memref<1x80x64xi32, #tpu.memory_space<hbm>>
      %dma_start3A_71 = tpu.memref_squeeze %dma_start3A_70 : memref<1x80x64xi32, #tpu.memory_space<hbm>> -> memref<80x64xi32, #tpu.memory_space<hbm>>
      tpu.enqueue_dma source(%dma_start3A_71 : memref<80x64xi32, #tpu.memory_space<hbm>>) target(%arg7 : memref<80x64xi32, #tpu.memory_space<vmem>>) target_semaphore(%run_scoped3A : memref<!tpu.dma_semaphore, #tpu.memory_space<semaphore_mem>>)
      %dma_wait3A = arith.constant 0 : i32
      %dma_wait3A_72 = arith.constant 0 : i32
      %dma_wait3A_73 = tpu.memref_slice %arg2[%add3A, %dma_wait3A, %dma_wait3A_72] : memref<32x80x64xi32, #tpu.memory_space<hbm>> -> memref<1x80x64xi32, #tpu.memory_space<hbm>>
      %dma_wait3A_74 = tpu.memref_squeeze %dma_wait3A_73 : memref<1x80x64xi32, #tpu.memory_space<hbm>> -> memref<80x64xi32, #tpu.memory_space<hbm>>
      %dma_wait3A_75 = arith.constant 0 : i32
      %dma_wait3A_76 = arith.constant 0 : i32
      %dma_wait3A_77 = tpu.memref_slice %arg2[%add3A, %dma_wait3A_75, %dma_wait3A_76] : memref<32x80x64xi32, #tpu.memory_space<hbm>> -> memref<1x80x64xi32, #tpu.memory_space<hbm>>
      %dma_wait3A_78 = tpu.memref_squeeze %dma_wait3A_77 : memref<1x80x64xi32, #tpu.memory_space<hbm>> -> memref<80x64xi32, #tpu.memory_space<hbm>>
      tpu.wait_dma2 semaphore(%run_scoped3A : memref<!tpu.dma_semaphore, #tpu.memory_space<semaphore_mem>>) src(%dma_wait3A_78 : memref<80x64xi32, #tpu.memory_space<hbm>>) dst(%arg7 : memref<80x64xi32, #tpu.memory_space<vmem>>)
      tpu.yield
    }) : () -> ()
    "tpu.region"() ({
      %run_scoped3A = tpu.sem_alloc : memref<!tpu.dma_semaphore, #tpu.memory_space<semaphore_mem>>
      %dma_start3A_64 = arith.constant 0 : i32
      %dma_start3A_65 = arith.constant 0 : i32
      %dma_start3A_66 = tpu.memref_slice %arg3[%add3A, %dma_start3A_64, %dma_start3A_65] : memref<32x80x64xi32, #tpu.memory_space<hbm>> -> memref<1x80x64xi32, #tpu.memory_space<hbm>>
      %dma_start3A_67 = tpu.memref_squeeze %dma_start3A_66 : memref<1x80x64xi32, #tpu.memory_space<hbm>> -> memref<80x64xi32, #tpu.memory_space<hbm>>
      %dma_start3A_68 = arith.constant 0 : i32
      %dma_start3A_69 = arith.constant 0 : i32
      %dma_start3A_70 = tpu.memref_slice %arg3[%add3A, %dma_start3A_68, %dma_start3A_69] : memref<32x80x64xi32, #tpu.memory_space<hbm>> -> memref<1x80x64xi32, #tpu.memory_space<hbm>>
      %dma_start3A_71 = tpu.memref_squeeze %dma_start3A_70 : memref<1x80x64xi32, #tpu.memory_space<hbm>> -> memref<80x64xi32, #tpu.memory_space<hbm>>
      tpu.enqueue_dma source(%dma_start3A_71 : memref<80x64xi32, #tpu.memory_space<hbm>>) target(%arg8 : memref<80x64xi32, #tpu.memory_space<vmem>>) target_semaphore(%run_scoped3A : memref<!tpu.dma_semaphore, #tpu.memory_space<semaphore_mem>>)
      %dma_wait3A = arith.constant 0 : i32
      %dma_wait3A_72 = arith.constant 0 : i32
      %dma_wait3A_73 = tpu.memref_slice %arg3[%add3A, %dma_wait3A, %dma_wait3A_72] : memref<32x80x64xi32, #tpu.memory_space<hbm>> -> memref<1x80x64xi32, #tpu.memory_space<hbm>>
      %dma_wait3A_74 = tpu.memref_squeeze %dma_wait3A_73 : memref<1x80x64xi32, #tpu.memory_space<hbm>> -> memref<80x64xi32, #tpu.memory_space<hbm>>
      %dma_wait3A_75 = arith.constant 0 : i32
      %dma_wait3A_76 = arith.constant 0 : i32
      %dma_wait3A_77 = tpu.memref_slice %arg3[%add3A, %dma_wait3A_75, %dma_wait3A_76] : memref<32x80x64xi32, #tpu.memory_space<hbm>> -> memref<1x80x64xi32, #tpu.memory_space<hbm>>
      %dma_wait3A_78 = tpu.memref_squeeze %dma_wait3A_77 : memref<1x80x64xi32, #tpu.memory_space<hbm>> -> memref<80x64xi32, #tpu.memory_space<hbm>>
      tpu.wait_dma2 semaphore(%run_scoped3A : memref<!tpu.dma_semaphore, #tpu.memory_space<semaphore_mem>>) src(%dma_wait3A_78 : memref<80x64xi32, #tpu.memory_space<hbm>>) dst(%arg8 : memref<80x64xi32, #tpu.memory_space<vmem>>)
      tpu.yield
    }) : () -> ()
    "tpu.region"() ({
      %run_scoped3A = tpu.sem_alloc : memref<!tpu.dma_semaphore, #tpu.memory_space<semaphore_mem>>
      %dma_start3A_64 = arith.constant 0 : i32
      %dma_start3A_65 = arith.constant 0 : i32
      %dma_start3A_66 = tpu.memref_slice %arg4[%add3A, %dma_start3A_64, %dma_start3A_65] : memref<32x40x128xf32, #tpu.memory_space<hbm>> -> memref<1x40x128xf32, #tpu.memory_space<hbm>>
      %dma_start3A_67 = tpu.memref_squeeze %dma_start3A_66 : memref<1x40x128xf32, #tpu.memory_space<hbm>> -> memref<40x128xf32, #tpu.memory_space<hbm>>
      %dma_start3A_68 = arith.constant 0 : i32
      %dma_start3A_69 = arith.constant 0 : i32
      %dma_start3A_70 = tpu.memref_slice %arg4[%add3A, %dma_start3A_68, %dma_start3A_69] : memref<32x40x128xf32, #tpu.memory_space<hbm>> -> memref<1x40x128xf32, #tpu.memory_space<hbm>>
      %dma_start3A_71 = tpu.memref_squeeze %dma_start3A_70 : memref<1x40x128xf32, #tpu.memory_space<hbm>> -> memref<40x128xf32, #tpu.memory_space<hbm>>
      tpu.enqueue_dma source(%dma_start3A_71 : memref<40x128xf32, #tpu.memory_space<hbm>>) target(%arg9 : memref<40x128xf32, #tpu.memory_space<vmem>>) target_semaphore(%run_scoped3A : memref<!tpu.dma_semaphore, #tpu.memory_space<semaphore_mem>>)
      %dma_wait3A = arith.constant 0 : i32
      %dma_wait3A_72 = arith.constant 0 : i32
      %dma_wait3A_73 = tpu.memref_slice %arg4[%add3A, %dma_wait3A, %dma_wait3A_72] : memref<32x40x128xf32, #tpu.memory_space<hbm>> -> memref<1x40x128xf32, #tpu.memory_space<hbm>>
      %dma_wait3A_74 = tpu.memref_squeeze %dma_wait3A_73 : memref<1x40x128xf32, #tpu.memory_space<hbm>> -> memref<40x128xf32, #tpu.memory_space<hbm>>
      %dma_wait3A_75 = arith.constant 0 : i32
      %dma_wait3A_76 = arith.constant 0 : i32
      %dma_wait3A_77 = tpu.memref_slice %arg4[%add3A, %dma_wait3A_75, %dma_wait3A_76] : memref<32x40x128xf32, #tpu.memory_space<hbm>> -> memref<1x40x128xf32, #tpu.memory_space<hbm>>
      %dma_wait3A_78 = tpu.memref_squeeze %dma_wait3A_77 : memref<1x40x128xf32, #tpu.memory_space<hbm>> -> memref<40x128xf32, #tpu.memory_space<hbm>>
      tpu.wait_dma2 semaphore(%run_scoped3A : memref<!tpu.dma_semaphore, #tpu.memory_space<semaphore_mem>>) src(%dma_wait3A_78 : memref<40x128xf32, #tpu.memory_space<hbm>>) dst(%arg9 : memref<40x128xf32, #tpu.memory_space<vmem>>)
      tpu.yield
    }) : () -> ()
    %broadcast_in_dim3A = arith.constant 0.000000e+00 : f32
    %broadcast_in_dim3A_1 = vector.broadcast %broadcast_in_dim3A : f32 to vector<16xf32>
    %scan3A = arith.constant 0 : i32
    %scan3A_2 = arith.constant 0 : i32
    %scan3A_3 = arith.constant 64 : i32
    %scan3A_4 = arith.addi %scan3A_2, %scan3A_3 : i32
    %scan3A_5 = arith.constant 1 : i32
    scf.for %scan3A_64 = %scan3A_2 to %scan3A_4 step %scan3A_5  : i32 {
      %swap3A = arith.index_cast %scan3A_64 : i32 to index
      %swap3A_65 = arith.constant 0 : index
      %swap3A_66 = tpu.vector_load %arg10[%swap3A, %swap3A_65] {strides = array<i32>} : memref<64x144xf32, #tpu.memory_space<vmem>>, vector<16xf32>,
      tpu.vector_store %arg10[%swap3A, %swap3A_65], %broadcast_in_dim3A_1 {strides = array<i32>} : memref<64x144xf32, #tpu.memory_space<vmem>>, vector<16xf32>,
      %swap3A_67 = arith.index_cast %scan3A_64 : i32 to index
      %swap3A_68 = arith.constant 16 : index
      %swap3A_69 = tpu.vector_load %arg10[%swap3A_67, %swap3A_68] {strides = array<i32>} : memref<64x144xf32, #tpu.memory_space<vmem>>, vector<16xf32>,
      tpu.vector_store %arg10[%swap3A_67, %swap3A_68], %broadcast_in_dim3A_1 {strides = array<i32>} : memref<64x144xf32, #tpu.memory_space<vmem>>, vector<16xf32>,
      %swap3A_70 = arith.index_cast %scan3A_64 : i32 to index
      %swap3A_71 = arith.constant 32 : index
      %swap3A_72 = tpu.vector_load %arg10[%swap3A_70, %swap3A_71] {strides = array<i32>} : memref<64x144xf32, #tpu.memory_space<vmem>>, vector<16xf32>,
      tpu.vector_store %arg10[%swap3A_70, %swap3A_71], %broadcast_in_dim3A_1 {strides = array<i32>} : memref<64x144xf32, #tpu.memory_space<vmem>>, vector<16xf32>,
      %swap3A_73 = arith.index_cast %scan3A_64 : i32 to index
      %swap3A_74 = arith.constant 48 : index
      %swap3A_75 = tpu.vector_load %arg10[%swap3A_73, %swap3A_74] {strides = array<i32>} : memref<64x144xf32, #tpu.memory_space<vmem>>, vector<16xf32>,
      tpu.vector_store %arg10[%swap3A_73, %swap3A_74], %broadcast_in_dim3A_1 {strides = array<i32>} : memref<64x144xf32, #tpu.memory_space<vmem>>, vector<16xf32>,
      %swap3A_76 = arith.index_cast %scan3A_64 : i32 to index
      %swap3A_77 = arith.constant 64 : index
      %swap3A_78 = tpu.vector_load %arg10[%swap3A_76, %swap3A_77] {strides = array<i32>} : memref<64x144xf32, #tpu.memory_space<vmem>>, vector<16xf32>,
      tpu.vector_store %arg10[%swap3A_76, %swap3A_77], %broadcast_in_dim3A_1 {strides = array<i32>} : memref<64x144xf32, #tpu.memory_space<vmem>>, vector<16xf32>,
      %swap3A_79 = arith.index_cast %scan3A_64 : i32 to index
      %swap3A_80 = arith.constant 80 : index
      %swap3A_81 = tpu.vector_load %arg10[%swap3A_79, %swap3A_80] {strides = array<i32>} : memref<64x144xf32, #tpu.memory_space<vmem>>, vector<16xf32>,
      tpu.vector_store %arg10[%swap3A_79, %swap3A_80], %broadcast_in_dim3A_1 {strides = array<i32>} : memref<64x144xf32, #tpu.memory_space<vmem>>, vector<16xf32>,
      %swap3A_82 = arith.index_cast %scan3A_64 : i32 to index
      %swap3A_83 = arith.constant 96 : index
      %swap3A_84 = tpu.vector_load %arg10[%swap3A_82, %swap3A_83] {strides = array<i32>} : memref<64x144xf32, #tpu.memory_space<vmem>>, vector<16xf32>,
      tpu.vector_store %arg10[%swap3A_82, %swap3A_83], %broadcast_in_dim3A_1 {strides = array<i32>} : memref<64x144xf32, #tpu.memory_space<vmem>>, vector<16xf32>,
      %swap3A_85 = arith.index_cast %scan3A_64 : i32 to index
      %swap3A_86 = arith.constant 112 : index
      %swap3A_87 = tpu.vector_load %arg10[%swap3A_85, %swap3A_86] {strides = array<i32>} : memref<64x144xf32, #tpu.memory_space<vmem>>, vector<16xf32>,
      tpu.vector_store %arg10[%swap3A_85, %swap3A_86], %broadcast_in_dim3A_1 {strides = array<i32>} : memref<64x144xf32, #tpu.memory_space<vmem>>, vector<16xf32>,
      %swap3A_88 = arith.index_cast %scan3A_64 : i32 to index
      %swap3A_89 = arith.constant 128 : index
      %swap3A_90 = tpu.vector_load %arg10[%swap3A_88, %swap3A_89] {strides = array<i32>} : memref<64x144xf32, #tpu.memory_space<vmem>>, vector<16xf32>,
      tpu.vector_store %arg10[%swap3A_88, %swap3A_89], %broadcast_in_dim3A_1 {strides = array<i32>} : memref<64x144xf32, #tpu.memory_space<vmem>>, vector<16xf32>,
    }
    %scan3A_6 = arith.constant 64 : i32
    %mul3A_7 = arith.constant 625 : i32
    %mul3A_8 = arith.muli %arg1, %mul3A_7 : i32
    %add3A_9 = arith.constant 0 : i32
    %add3A_10 = arith.addi %mul3A_8, %add3A_9 : i32
    "tpu.region"() ({
      %run_scoped3A = tpu.sem_alloc : memref<!tpu.dma_semaphore, #tpu.memory_space<semaphore_mem>>
      %dma_start3A_64 = arith.constant 0 : i32
      %dma_start3A_65 = arith.constant 0 : i32
      %dma_start3A_66 = tpu.memref_slice %arg10[%dma_start3A_64, %dma_start3A_65] : memref<64x144xf32, #tpu.memory_space<vmem>> -> memref<64x144xf32, #tpu.memory_space<vmem>>
      %dma_start3A_67 = arith.constant 0 : i32
      %dma_start3A_68 = tpu.memref_slice %arg12[%add3A_10, %dma_start3A_67] : memref<10000x144xf32, #tpu.memory_space<vmem_shared>> -> memref<64x144xf32, #tpu.memory_space<vmem_shared>>
      %dma_start3A_69 = arith.constant 0 : i32
      %dma_start3A_70 = tpu.memref_slice %arg12[%add3A_10, %dma_start3A_69] : memref<10000x144xf32, #tpu.memory_space<vmem_shared>> -> memref<64x144xf32, #tpu.memory_space<vmem_shared>>
      %dma_start3A_71 = arith.constant 0 : i32
      %dma_start3A_72 = arith.constant 0 : i32
      %dma_start3A_73 = tpu.memref_slice %arg10[%dma_start3A_71, %dma_start3A_72] : memref<64x144xf32, #tpu.memory_space<vmem>> -> memref<64x144xf32, #tpu.memory_space<vmem>>
      tpu.enqueue_dma source(%dma_start3A_73 : memref<64x144xf32, #tpu.memory_space<vmem>>) target(%dma_start3A_70 : memref<64x144xf32, #tpu.memory_space<vmem_shared>>) target_semaphore(%run_scoped3A : memref<!tpu.dma_semaphore, #tpu.memory_space<semaphore_mem>>)
      %dma_wait3A = arith.constant 0 : i32
      %dma_wait3A_74 = arith.constant 0 : i32
      %dma_wait3A_75 = tpu.memref_slice %arg10[%dma_wait3A, %dma_wait3A_74] : memref<64x144xf32, #tpu.memory_space<vmem>> -> memref<64x144xf32, #tpu.memory_space<vmem>>
      %dma_wait3A_76 = arith.constant 0 : i32
      %dma_wait3A_77 = tpu.memref_slice %arg12[%add3A_10, %dma_wait3A_76] : memref<10000x144xf32, #tpu.memory_space<vmem_shared>> -> memref<64x144xf32, #tpu.memory_space<vmem_shared>>
      %dma_wait3A_78 = arith.constant 0 : i32
      %dma_wait3A_79 = tpu.memref_slice %arg12[%add3A_10, %dma_wait3A_78] : memref<10000x144xf32, #tpu.memory_space<vmem_shared>> -> memref<64x144xf32, #tpu.memory_space<vmem_shared>>
      %dma_wait3A_80 = arith.constant 0 : i32
      %dma_wait3A_81 = arith.constant 0 : i32
      %dma_wait3A_82 = tpu.memref_slice %arg10[%dma_wait3A_80, %dma_wait3A_81] : memref<64x144xf32, #tpu.memory_space<vmem>> -> memref<64x144xf32, #tpu.memory_space<vmem>>
      tpu.wait_dma2 semaphore(%run_scoped3A : memref<!tpu.dma_semaphore, #tpu.memory_space<semaphore_mem>>) src(%dma_wait3A_82 : memref<64x144xf32, #tpu.memory_space<vmem>>) dst(%dma_wait3A_79 : memref<64x144xf32, #tpu.memory_space<vmem_shared>>)
      tpu.yield
    }) : () -> ()
    %mul3A_11 = arith.constant 625 : i32
    %mul3A_12 = arith.muli %arg1, %mul3A_11 : i32
    %add3A_13 = arith.constant 64 : i32
    %add3A_14 = arith.addi %mul3A_12, %add3A_13 : i32
    "tpu.region"() ({
      %run_scoped3A = tpu.sem_alloc : memref<!tpu.dma_semaphore, #tpu.memory_space<semaphore_mem>>
      %dma_start3A_64 = arith.constant 0 : i32
      %dma_start3A_65 = arith.constant 0 : i32
      %dma_start3A_66 = tpu.memref_slice %arg10[%dma_start3A_64, %dma_start3A_65] : memref<64x144xf32, #tpu.memory_space<vmem>> -> memref<64x144xf32, #tpu.memory_space<vmem>>
      %dma_start3A_67 = arith.constant 0 : i32
      %dma_start3A_68 = tpu.memref_slice %arg12[%add3A_14, %dma_start3A_67] : memref<10000x144xf32, #tpu.memory_space<vmem_shared>> -> memref<64x144xf32, #tpu.memory_space<vmem_shared>>
      %dma_start3A_69 = arith.constant 0 : i32
      %dma_start3A_70 = tpu.memref_slice %arg12[%add3A_14, %dma_start3A_69] : memref<10000x144xf32, #tpu.memory_space<vmem_shared>> -> memref<64x144xf32, #tpu.memory_space<vmem_shared>>
      %dma_start3A_71 = arith.constant 0 : i32
      %dma_start3A_72 = arith.constant 0 : i32
      %dma_start3A_73 = tpu.memref_slice %arg10[%dma_start3A_71, %dma_start3A_72] : memref<64x144xf32, #tpu.memory_space<vmem>> -> memref<64x144xf32, #tpu.memory_space<vmem>>
      tpu.enqueue_dma source(%dma_start3A_73 : memref<64x144xf32, #tpu.memory_space<vmem>>) target(%dma_start3A_70 : memref<64x144xf32, #tpu.memory_space<vmem_shared>>) target_semaphore(%run_scoped3A : memref<!tpu.dma_semaphore, #tpu.memory_space<semaphore_mem>>)
      %dma_wait3A = arith.constant 0 : i32
      %dma_wait3A_74 = arith.constant 0 : i32
      %dma_wait3A_75 = tpu.memref_slice %arg10[%dma_wait3A, %dma_wait3A_74] : memref<64x144xf32, #tpu.memory_space<vmem>> -> memref<64x144xf32, #tpu.memory_space<vmem>>
      %dma_wait3A_76 = arith.constant 0 : i32
      %dma_wait3A_77 = tpu.memref_slice %arg12[%add3A_14, %dma_wait3A_76] : memref<10000x144xf32, #tpu.memory_space<vmem_shared>> -> memref<64x144xf32, #tpu.memory_space<vmem_shared>>
      %dma_wait3A_78 = arith.constant 0 : i32
      %dma_wait3A_79 = tpu.memref_slice %arg12[%add3A_14, %dma_wait3A_78] : memref<10000x144xf32, #tpu.memory_space<vmem_shared>> -> memref<64x144xf32, #tpu.memory_space<vmem_shared>>
      %dma_wait3A_80 = arith.constant 0 : i32
      %dma_wait3A_81 = arith.constant 0 : i32
      %dma_wait3A_82 = tpu.memref_slice %arg10[%dma_wait3A_80, %dma_wait3A_81] : memref<64x144xf32, #tpu.memory_space<vmem>> -> memref<64x144xf32, #tpu.memory_space<vmem>>
      tpu.wait_dma2 semaphore(%run_scoped3A : memref<!tpu.dma_semaphore, #tpu.memory_space<semaphore_mem>>) src(%dma_wait3A_82 : memref<64x144xf32, #tpu.memory_space<vmem>>) dst(%dma_wait3A_79 : memref<64x144xf32, #tpu.memory_space<vmem_shared>>)
      tpu.yield
    }) : () -> ()
    %mul3A_15 = arith.constant 625 : i32
    %mul3A_16 = arith.muli %arg1, %mul3A_15 : i32
    %add3A_17 = arith.constant 128 : i32
    %add3A_18 = arith.addi %mul3A_16, %add3A_17 : i32
    "tpu.region"() ({
      %run_scoped3A = tpu.sem_alloc : memref<!tpu.dma_semaphore, #tpu.memory_space<semaphore_mem>>
      %dma_start3A_64 = arith.constant 0 : i32
      %dma_start3A_65 = arith.constant 0 : i32
      %dma_start3A_66 = tpu.memref_slice %arg10[%dma_start3A_64, %dma_start3A_65] : memref<64x144xf32, #tpu.memory_space<vmem>> -> memref<64x144xf32, #tpu.memory_space<vmem>>
      %dma_start3A_67 = arith.constant 0 : i32
      %dma_start3A_68 = tpu.memref_slice %arg12[%add3A_18, %dma_start3A_67] : memref<10000x144xf32, #tpu.memory_space<vmem_shared>> -> memref<64x144xf32, #tpu.memory_space<vmem_shared>>
      %dma_start3A_69 = arith.constant 0 : i32
      %dma_start3A_70 = tpu.memref_slice %arg12[%add3A_18, %dma_start3A_69] : memref<10000x144xf32, #tpu.memory_space<vmem_shared>> -> memref<64x144xf32, #tpu.memory_space<vmem_shared>>
      %dma_start3A_71 = arith.constant 0 : i32
      %dma_start3A_72 = arith.constant 0 : i32
      %dma_start3A_73 = tpu.memref_slice %arg10[%dma_start3A_71, %dma_start3A_72] : memref<64x144xf32, #tpu.memory_space<vmem>> -> memref<64x144xf32, #tpu.memory_space<vmem>>
      tpu.enqueue_dma source(%dma_start3A_73 : memref<64x144xf32, #tpu.memory_space<vmem>>) target(%dma_start3A_70 : memref<64x144xf32, #tpu.memory_space<vmem_shared>>) target_semaphore(%run_scoped3A : memref<!tpu.dma_semaphore, #tpu.memory_space<semaphore_mem>>)
      %dma_wait3A = arith.constant 0 : i32
      %dma_wait3A_74 = arith.constant 0 : i32
      %dma_wait3A_75 = tpu.memref_slice %arg10[%dma_wait3A, %dma_wait3A_74] : memref<64x144xf32, #tpu.memory_space<vmem>> -> memref<64x144xf32, #tpu.memory_space<vmem>>
      %dma_wait3A_76 = arith.constant 0 : i32
      %dma_wait3A_77 = tpu.memref_slice %arg12[%add3A_18, %dma_wait3A_76] : memref<10000x144xf32, #tpu.memory_space<vmem_shared>> -> memref<64x144xf32, #tpu.memory_space<vmem_shared>>
      %dma_wait3A_78 = arith.constant 0 : i32
      %dma_wait3A_79 = tpu.memref_slice %arg12[%add3A_18, %dma_wait3A_78] : memref<10000x144xf32, #tpu.memory_space<vmem_shared>> -> memref<64x144xf32, #tpu.memory_space<vmem_shared>>
      %dma_wait3A_80 = arith.constant 0 : i32
      %dma_wait3A_81 = arith.constant 0 : i32
      %dma_wait3A_82 = tpu.memref_slice %arg10[%dma_wait3A_80, %dma_wait3A_81] : memref<64x144xf32, #tpu.memory_space<vmem>> -> memref<64x144xf32, #tpu.memory_space<vmem>>
      tpu.wait_dma2 semaphore(%run_scoped3A : memref<!tpu.dma_semaphore, #tpu.memory_space<semaphore_mem>>) src(%dma_wait3A_82 : memref<64x144xf32, #tpu.memory_space<vmem>>) dst(%dma_wait3A_79 : memref<64x144xf32, #tpu.memory_space<vmem_shared>>)
      tpu.yield
    }) : () -> ()
    %mul3A_19 = arith.constant 625 : i32
    %mul3A_20 = arith.muli %arg1, %mul3A_19 : i32
    %add3A_21 = arith.constant 192 : i32
    %add3A_22 = arith.addi %mul3A_20, %add3A_21 : i32
    "tpu.region"() ({
      %run_scoped3A = tpu.sem_alloc : memref<!tpu.dma_semaphore, #tpu.memory_space<semaphore_mem>>
      %dma_start3A_64 = arith.constant 0 : i32
      %dma_start3A_65 = arith.constant 0 : i32
      %dma_start3A_66 = tpu.memref_slice %arg10[%dma_start3A_64, %dma_start3A_65] : memref<64x144xf32, #tpu.memory_space<vmem>> -> memref<64x144xf32, #tpu.memory_space<vmem>>
      %dma_start3A_67 = arith.constant 0 : i32
      %dma_start3A_68 = tpu.memref_slice %arg12[%add3A_22, %dma_start3A_67] : memref<10000x144xf32, #tpu.memory_space<vmem_shared>> -> memref<64x144xf32, #tpu.memory_space<vmem_shared>>
      %dma_start3A_69 = arith.constant 0 : i32
      %dma_start3A_70 = tpu.memref_slice %arg12[%add3A_22, %dma_start3A_69] : memref<10000x144xf32, #tpu.memory_space<vmem_shared>> -> memref<64x144xf32, #tpu.memory_space<vmem_shared>>
      %dma_start3A_71 = arith.constant 0 : i32
      %dma_start3A_72 = arith.constant 0 : i32
      %dma_start3A_73 = tpu.memref_slice %arg10[%dma_start3A_71, %dma_start3A_72] : memref<64x144xf32, #tpu.memory_space<vmem>> -> memref<64x144xf32, #tpu.memory_space<vmem>>
      tpu.enqueue_dma source(%dma_start3A_73 : memref<64x144xf32, #tpu.memory_space<vmem>>) target(%dma_start3A_70 : memref<64x144xf32, #tpu.memory_space<vmem_shared>>) target_semaphore(%run_scoped3A : memref<!tpu.dma_semaphore, #tpu.memory_space<semaphore_mem>>)
      %dma_wait3A = arith.constant 0 : i32
      %dma_wait3A_74 = arith.constant 0 : i32
      %dma_wait3A_75 = tpu.memref_slice %arg10[%dma_wait3A, %dma_wait3A_74] : memref<64x144xf32, #tpu.memory_space<vmem>> -> memref<64x144xf32, #tpu.memory_space<vmem>>
      %dma_wait3A_76 = arith.constant 0 : i32
      %dma_wait3A_77 = tpu.memref_slice %arg12[%add3A_22, %dma_wait3A_76] : memref<10000x144xf32, #tpu.memory_space<vmem_shared>> -> memref<64x144xf32, #tpu.memory_space<vmem_shared>>
      %dma_wait3A_78 = arith.constant 0 : i32
      %dma_wait3A_79 = tpu.memref_slice %arg12[%add3A_22, %dma_wait3A_78] : memref<10000x144xf32, #tpu.memory_space<vmem_shared>> -> memref<64x144xf32, #tpu.memory_space<vmem_shared>>
      %dma_wait3A_80 = arith.constant 0 : i32
      %dma_wait3A_81 = arith.constant 0 : i32
      %dma_wait3A_82 = tpu.memref_slice %arg10[%dma_wait3A_80, %dma_wait3A_81] : memref<64x144xf32, #tpu.memory_space<vmem>> -> memref<64x144xf32, #tpu.memory_space<vmem>>
      tpu.wait_dma2 semaphore(%run_scoped3A : memref<!tpu.dma_semaphore, #tpu.memory_space<semaphore_mem>>) src(%dma_wait3A_82 : memref<64x144xf32, #tpu.memory_space<vmem>>) dst(%dma_wait3A_79 : memref<64x144xf32, #tpu.memory_space<vmem_shared>>)
      tpu.yield
    }) : () -> ()
    %mul3A_23 = arith.constant 625 : i32
    %mul3A_24 = arith.muli %arg1, %mul3A_23 : i32
    %add3A_25 = arith.constant 256 : i32
    %add3A_26 = arith.addi %mul3A_24, %add3A_25 : i32
    "tpu.region"() ({
      %run_scoped3A = tpu.sem_alloc : memref<!tpu.dma_semaphore, #tpu.memory_space<semaphore_mem>>
      %dma_start3A_64 = arith.constant 0 : i32
      %dma_start3A_65 = arith.constant 0 : i32
      %dma_start3A_66 = tpu.memref_slice %arg10[%dma_start3A_64, %dma_start3A_65] : memref<64x144xf32, #tpu.memory_space<vmem>> -> memref<64x144xf32, #tpu.memory_space<vmem>>
      %dma_start3A_67 = arith.constant 0 : i32
      %dma_start3A_68 = tpu.memref_slice %arg12[%add3A_26, %dma_start3A_67] : memref<10000x144xf32, #tpu.memory_space<vmem_shared>> -> memref<64x144xf32, #tpu.memory_space<vmem_shared>>
      %dma_start3A_69 = arith.constant 0 : i32
      %dma_start3A_70 = tpu.memref_slice %arg12[%add3A_26, %dma_start3A_69] : memref<10000x144xf32, #tpu.memory_space<vmem_shared>> -> memref<64x144xf32, #tpu.memory_space<vmem_shared>>
      %dma_start3A_71 = arith.constant 0 : i32
      %dma_start3A_72 = arith.constant 0 : i32
      %dma_start3A_73 = tpu.memref_slice %arg10[%dma_start3A_71, %dma_start3A_72] : memref<64x144xf32, #tpu.memory_space<vmem>> -> memref<64x144xf32, #tpu.memory_space<vmem>>
      tpu.enqueue_dma source(%dma_start3A_73 : memref<64x144xf32, #tpu.memory_space<vmem>>) target(%dma_start3A_70 : memref<64x144xf32, #tpu.memory_space<vmem_shared>>) target_semaphore(%run_scoped3A : memref<!tpu.dma_semaphore, #tpu.memory_space<semaphore_mem>>)
      %dma_wait3A = arith.constant 0 : i32
      %dma_wait3A_74 = arith.constant 0 : i32
      %dma_wait3A_75 = tpu.memref_slice %arg10[%dma_wait3A, %dma_wait3A_74] : memref<64x144xf32, #tpu.memory_space<vmem>> -> memref<64x144xf32, #tpu.memory_space<vmem>>
      %dma_wait3A_76 = arith.constant 0 : i32
      %dma_wait3A_77 = tpu.memref_slice %arg12[%add3A_26, %dma_wait3A_76] : memref<10000x144xf32, #tpu.memory_space<vmem_shared>> -> memref<64x144xf32, #tpu.memory_space<vmem_shared>>
      %dma_wait3A_78 = arith.constant 0 : i32
      %dma_wait3A_79 = tpu.memref_slice %arg12[%add3A_26, %dma_wait3A_78] : memref<10000x144xf32, #tpu.memory_space<vmem_shared>> -> memref<64x144xf32, #tpu.memory_space<vmem_shared>>
      %dma_wait3A_80 = arith.constant 0 : i32
      %dma_wait3A_81 = arith.constant 0 : i32
      %dma_wait3A_82 = tpu.memref_slice %arg10[%dma_wait3A_80, %dma_wait3A_81] : memref<64x144xf32, #tpu.memory_space<vmem>> -> memref<64x144xf32, #tpu.memory_space<vmem>>
      tpu.wait_dma2 semaphore(%run_scoped3A : memref<!tpu.dma_semaphore, #tpu.memory_space<semaphore_mem>>) src(%dma_wait3A_82 : memref<64x144xf32, #tpu.memory_space<vmem>>) dst(%dma_wait3A_79 : memref<64x144xf32, #tpu.memory_space<vmem_shared>>)
      tpu.yield
    }) : () -> ()
    %mul3A_27 = arith.constant 625 : i32
    %mul3A_28 = arith.muli %arg1, %mul3A_27 : i32
    %add3A_29 = arith.constant 320 : i32
    %add3A_30 = arith.addi %mul3A_28, %add3A_29 : i32
    "tpu.region"() ({
      %run_scoped3A = tpu.sem_alloc : memref<!tpu.dma_semaphore, #tpu.memory_space<semaphore_mem>>
      %dma_start3A_64 = arith.constant 0 : i32
      %dma_start3A_65 = arith.constant 0 : i32
      %dma_start3A_66 = tpu.memref_slice %arg10[%dma_start3A_64, %dma_start3A_65] : memref<64x144xf32, #tpu.memory_space<vmem>> -> memref<64x144xf32, #tpu.memory_space<vmem>>
      %dma_start3A_67 = arith.constant 0 : i32
      %dma_start3A_68 = tpu.memref_slice %arg12[%add3A_30, %dma_start3A_67] : memref<10000x144xf32, #tpu.memory_space<vmem_shared>> -> memref<64x144xf32, #tpu.memory_space<vmem_shared>>
      %dma_start3A_69 = arith.constant 0 : i32
      %dma_start3A_70 = tpu.memref_slice %arg12[%add3A_30, %dma_start3A_69] : memref<10000x144xf32, #tpu.memory_space<vmem_shared>> -> memref<64x144xf32, #tpu.memory_space<vmem_shared>>
      %dma_start3A_71 = arith.constant 0 : i32
      %dma_start3A_72 = arith.constant 0 : i32
      %dma_start3A_73 = tpu.memref_slice %arg10[%dma_start3A_71, %dma_start3A_72] : memref<64x144xf32, #tpu.memory_space<vmem>> -> memref<64x144xf32, #tpu.memory_space<vmem>>
      tpu.enqueue_dma source(%dma_start3A_73 : memref<64x144xf32, #tpu.memory_space<vmem>>) target(%dma_start3A_70 : memref<64x144xf32, #tpu.memory_space<vmem_shared>>) target_semaphore(%run_scoped3A : memref<!tpu.dma_semaphore, #tpu.memory_space<semaphore_mem>>)
      %dma_wait3A = arith.constant 0 : i32
      %dma_wait3A_74 = arith.constant 0 : i32
      %dma_wait3A_75 = tpu.memref_slice %arg10[%dma_wait3A, %dma_wait3A_74] : memref<64x144xf32, #tpu.memory_space<vmem>> -> memref<64x144xf32, #tpu.memory_space<vmem>>
      %dma_wait3A_76 = arith.constant 0 : i32
      %dma_wait3A_77 = tpu.memref_slice %arg12[%add3A_30, %dma_wait3A_76] : memref<10000x144xf32, #tpu.memory_space<vmem_shared>> -> memref<64x144xf32, #tpu.memory_space<vmem_shared>>
      %dma_wait3A_78 = arith.constant 0 : i32
      %dma_wait3A_79 = tpu.memref_slice %arg12[%add3A_30, %dma_wait3A_78] : memref<10000x144xf32, #tpu.memory_space<vmem_shared>> -> memref<64x144xf32, #tpu.memory_space<vmem_shared>>
      %dma_wait3A_80 = arith.constant 0 : i32
      %dma_wait3A_81 = arith.constant 0 : i32
      %dma_wait3A_82 = tpu.memref_slice %arg10[%dma_wait3A_80, %dma_wait3A_81] : memref<64x144xf32, #tpu.memory_space<vmem>> -> memref<64x144xf32, #tpu.memory_space<vmem>>
      tpu.wait_dma2 semaphore(%run_scoped3A : memref<!tpu.dma_semaphore, #tpu.memory_space<semaphore_mem>>) src(%dma_wait3A_82 : memref<64x144xf32, #tpu.memory_space<vmem>>) dst(%dma_wait3A_79 : memref<64x144xf32, #tpu.memory_space<vmem_shared>>)
      tpu.yield
    }) : () -> ()
    %mul3A_31 = arith.constant 625 : i32
    %mul3A_32 = arith.muli %arg1, %mul3A_31 : i32
    %add3A_33 = arith.constant 384 : i32
    %add3A_34 = arith.addi %mul3A_32, %add3A_33 : i32
    "tpu.region"() ({
      %run_scoped3A = tpu.sem_alloc : memref<!tpu.dma_semaphore, #tpu.memory_space<semaphore_mem>>
      %dma_start3A_64 = arith.constant 0 : i32
      %dma_start3A_65 = arith.constant 0 : i32
      %dma_start3A_66 = tpu.memref_slice %arg10[%dma_start3A_64, %dma_start3A_65] : memref<64x144xf32, #tpu.memory_space<vmem>> -> memref<64x144xf32, #tpu.memory_space<vmem>>
      %dma_start3A_67 = arith.constant 0 : i32
      %dma_start3A_68 = tpu.memref_slice %arg12[%add3A_34, %dma_start3A_67] : memref<10000x144xf32, #tpu.memory_space<vmem_shared>> -> memref<64x144xf32, #tpu.memory_space<vmem_shared>>
      %dma_start3A_69 = arith.constant 0 : i32
      %dma_start3A_70 = tpu.memref_slice %arg12[%add3A_34, %dma_start3A_69] : memref<10000x144xf32, #tpu.memory_space<vmem_shared>> -> memref<64x144xf32, #tpu.memory_space<vmem_shared>>
      %dma_start3A_71 = arith.constant 0 : i32
      %dma_start3A_72 = arith.constant 0 : i32
      %dma_start3A_73 = tpu.memref_slice %arg10[%dma_start3A_71, %dma_start3A_72] : memref<64x144xf32, #tpu.memory_space<vmem>> -> memref<64x144xf32, #tpu.memory_space<vmem>>
      tpu.enqueue_dma source(%dma_start3A_73 : memref<64x144xf32, #tpu.memory_space<vmem>>) target(%dma_start3A_70 : memref<64x144xf32, #tpu.memory_space<vmem_shared>>) target_semaphore(%run_scoped3A : memref<!tpu.dma_semaphore, #tpu.memory_space<semaphore_mem>>)
      %dma_wait3A = arith.constant 0 : i32
      %dma_wait3A_74 = arith.constant 0 : i32
      %dma_wait3A_75 = tpu.memref_slice %arg10[%dma_wait3A, %dma_wait3A_74] : memref<64x144xf32, #tpu.memory_space<vmem>> -> memref<64x144xf32, #tpu.memory_space<vmem>>
      %dma_wait3A_76 = arith.constant 0 : i32
      %dma_wait3A_77 = tpu.memref_slice %arg12[%add3A_34, %dma_wait3A_76] : memref<10000x144xf32, #tpu.memory_space<vmem_shared>> -> memref<64x144xf32, #tpu.memory_space<vmem_shared>>
      %dma_wait3A_78 = arith.constant 0 : i32
      %dma_wait3A_79 = tpu.memref_slice %arg12[%add3A_34, %dma_wait3A_78] : memref<10000x144xf32, #tpu.memory_space<vmem_shared>> -> memref<64x144xf32, #tpu.memory_space<vmem_shared>>
      %dma_wait3A_80 = arith.constant 0 : i32
      %dma_wait3A_81 = arith.constant 0 : i32
      %dma_wait3A_82 = tpu.memref_slice %arg10[%dma_wait3A_80, %dma_wait3A_81] : memref<64x144xf32, #tpu.memory_space<vmem>> -> memref<64x144xf32, #tpu.memory_space<vmem>>
      tpu.wait_dma2 semaphore(%run_scoped3A : memref<!tpu.dma_semaphore, #tpu.memory_space<semaphore_mem>>) src(%dma_wait3A_82 : memref<64x144xf32, #tpu.memory_space<vmem>>) dst(%dma_wait3A_79 : memref<64x144xf32, #tpu.memory_space<vmem_shared>>)
      tpu.yield
    }) : () -> ()
    %mul3A_35 = arith.constant 625 : i32
    %mul3A_36 = arith.muli %arg1, %mul3A_35 : i32
    %add3A_37 = arith.constant 448 : i32
    %add3A_38 = arith.addi %mul3A_36, %add3A_37 : i32
    "tpu.region"() ({
      %run_scoped3A = tpu.sem_alloc : memref<!tpu.dma_semaphore, #tpu.memory_space<semaphore_mem>>
      %dma_start3A_64 = arith.constant 0 : i32
      %dma_start3A_65 = arith.constant 0 : i32
      %dma_start3A_66 = tpu.memref_slice %arg10[%dma_start3A_64, %dma_start3A_65] : memref<64x144xf32, #tpu.memory_space<vmem>> -> memref<64x144xf32, #tpu.memory_space<vmem>>
      %dma_start3A_67 = arith.constant 0 : i32
      %dma_start3A_68 = tpu.memref_slice %arg12[%add3A_38, %dma_start3A_67] : memref<10000x144xf32, #tpu.memory_space<vmem_shared>> -> memref<64x144xf32, #tpu.memory_space<vmem_shared>>
      %dma_start3A_69 = arith.constant 0 : i32
      %dma_start3A_70 = tpu.memref_slice %arg12[%add3A_38, %dma_start3A_69] : memref<10000x144xf32, #tpu.memory_space<vmem_shared>> -> memref<64x144xf32, #tpu.memory_space<vmem_shared>>
      %dma_start3A_71 = arith.constant 0 : i32
      %dma_start3A_72 = arith.constant 0 : i32
      %dma_start3A_73 = tpu.memref_slice %arg10[%dma_start3A_71, %dma_start3A_72] : memref<64x144xf32, #tpu.memory_space<vmem>> -> memref<64x144xf32, #tpu.memory_space<vmem>>
      tpu.enqueue_dma source(%dma_start3A_73 : memref<64x144xf32, #tpu.memory_space<vmem>>) target(%dma_start3A_70 : memref<64x144xf32, #tpu.memory_space<vmem_shared>>) target_semaphore(%run_scoped3A : memref<!tpu.dma_semaphore, #tpu.memory_space<semaphore_mem>>)
      %dma_wait3A = arith.constant 0 : i32
      %dma_wait3A_74 = arith.constant 0 : i32
      %dma_wait3A_75 = tpu.memref_slice %arg10[%dma_wait3A, %dma_wait3A_74] : memref<64x144xf32, #tpu.memory_space<vmem>> -> memref<64x144xf32, #tpu.memory_space<vmem>>
      %dma_wait3A_76 = arith.constant 0 : i32
      %dma_wait3A_77 = tpu.memref_slice %arg12[%add3A_38, %dma_wait3A_76] : memref<10000x144xf32, #tpu.memory_space<vmem_shared>> -> memref<64x144xf32, #tpu.memory_space<vmem_shared>>
      %dma_wait3A_78 = arith.constant 0 : i32
      %dma_wait3A_79 = tpu.memref_slice %arg12[%add3A_38, %dma_wait3A_78] : memref<10000x144xf32, #tpu.memory_space<vmem_shared>> -> memref<64x144xf32, #tpu.memory_space<vmem_shared>>
      %dma_wait3A_80 = arith.constant 0 : i32
      %dma_wait3A_81 = arith.constant 0 : i32
      %dma_wait3A_82 = tpu.memref_slice %arg10[%dma_wait3A_80, %dma_wait3A_81] : memref<64x144xf32, #tpu.memory_space<vmem>> -> memref<64x144xf32, #tpu.memory_space<vmem>>
      tpu.wait_dma2 semaphore(%run_scoped3A : memref<!tpu.dma_semaphore, #tpu.memory_space<semaphore_mem>>) src(%dma_wait3A_82 : memref<64x144xf32, #tpu.memory_space<vmem>>) dst(%dma_wait3A_79 : memref<64x144xf32, #tpu.memory_space<vmem_shared>>)
      tpu.yield
    }) : () -> ()
    %mul3A_39 = arith.constant 625 : i32
    %mul3A_40 = arith.muli %arg1, %mul3A_39 : i32
    %add3A_41 = arith.constant 512 : i32
    %add3A_42 = arith.addi %mul3A_40, %add3A_41 : i32
    "tpu.region"() ({
      %run_scoped3A = tpu.sem_alloc : memref<!tpu.dma_semaphore, #tpu.memory_space<semaphore_mem>>
      %dma_start3A_64 = arith.constant 0 : i32
      %dma_start3A_65 = arith.constant 0 : i32
      %dma_start3A_66 = tpu.memref_slice %arg10[%dma_start3A_64, %dma_start3A_65] : memref<64x144xf32, #tpu.memory_space<vmem>> -> memref<64x144xf32, #tpu.memory_space<vmem>>
      %dma_start3A_67 = arith.constant 0 : i32
      %dma_start3A_68 = tpu.memref_slice %arg12[%add3A_42, %dma_start3A_67] : memref<10000x144xf32, #tpu.memory_space<vmem_shared>> -> memref<64x144xf32, #tpu.memory_space<vmem_shared>>
      %dma_start3A_69 = arith.constant 0 : i32
      %dma_start3A_70 = tpu.memref_slice %arg12[%add3A_42, %dma_start3A_69] : memref<10000x144xf32, #tpu.memory_space<vmem_shared>> -> memref<64x144xf32, #tpu.memory_space<vmem_shared>>
      %dma_start3A_71 = arith.constant 0 : i32
      %dma_start3A_72 = arith.constant 0 : i32
      %dma_start3A_73 = tpu.memref_slice %arg10[%dma_start3A_71, %dma_start3A_72] : memref<64x144xf32, #tpu.memory_space<vmem>> -> memref<64x144xf32, #tpu.memory_space<vmem>>
      tpu.enqueue_dma source(%dma_start3A_73 : memref<64x144xf32, #tpu.memory_space<vmem>>) target(%dma_start3A_70 : memref<64x144xf32, #tpu.memory_space<vmem_shared>>) target_semaphore(%run_scoped3A : memref<!tpu.dma_semaphore, #tpu.memory_space<semaphore_mem>>)
      %dma_wait3A = arith.constant 0 : i32
      %dma_wait3A_74 = arith.constant 0 : i32
      %dma_wait3A_75 = tpu.memref_slice %arg10[%dma_wait3A, %dma_wait3A_74] : memref<64x144xf32, #tpu.memory_space<vmem>> -> memref<64x144xf32, #tpu.memory_space<vmem>>
      %dma_wait3A_76 = arith.constant 0 : i32
      %dma_wait3A_77 = tpu.memref_slice %arg12[%add3A_42, %dma_wait3A_76] : memref<10000x144xf32, #tpu.memory_space<vmem_shared>> -> memref<64x144xf32, #tpu.memory_space<vmem_shared>>
      %dma_wait3A_78 = arith.constant 0 : i32
      %dma_wait3A_79 = tpu.memref_slice %arg12[%add3A_42, %dma_wait3A_78] : memref<10000x144xf32, #tpu.memory_space<vmem_shared>> -> memref<64x144xf32, #tpu.memory_space<vmem_shared>>
      %dma_wait3A_80 = arith.constant 0 : i32
      %dma_wait3A_81 = arith.constant 0 : i32
      %dma_wait3A_82 = tpu.memref_slice %arg10[%dma_wait3A_80, %dma_wait3A_81] : memref<64x144xf32, #tpu.memory_space<vmem>> -> memref<64x144xf32, #tpu.memory_space<vmem>>
      tpu.wait_dma2 semaphore(%run_scoped3A : memref<!tpu.dma_semaphore, #tpu.memory_space<semaphore_mem>>) src(%dma_wait3A_82 : memref<64x144xf32, #tpu.memory_space<vmem>>) dst(%dma_wait3A_79 : memref<64x144xf32, #tpu.memory_space<vmem_shared>>)
      tpu.yield
    }) : () -> ()
    %mul3A_43 = arith.constant 625 : i32
    %mul3A_44 = arith.muli %arg1, %mul3A_43 : i32
    %add3A_45 = arith.constant 576 : i32
    %add3A_46 = arith.addi %mul3A_44, %add3A_45 : i32
    "tpu.region"() ({
      %run_scoped3A = tpu.sem_alloc : memref<!tpu.dma_semaphore, #tpu.memory_space<semaphore_mem>>
      %dma_start3A_64 = arith.constant 0 : i32
      %dma_start3A_65 = arith.constant 0 : i32
      %dma_start3A_66 = tpu.memref_slice %arg10[%dma_start3A_64, %dma_start3A_65] : memref<64x144xf32, #tpu.memory_space<vmem>> -> memref<49x144xf32, #tpu.memory_space<vmem>>
      %dma_start3A_67 = arith.constant 0 : i32
      %dma_start3A_68 = tpu.memref_slice %arg12[%add3A_46, %dma_start3A_67] : memref<10000x144xf32, #tpu.memory_space<vmem_shared>> -> memref<49x144xf32, #tpu.memory_space<vmem_shared>>
      %dma_start3A_69 = arith.constant 0 : i32
      %dma_start3A_70 = tpu.memref_slice %arg12[%add3A_46, %dma_start3A_69] : memref<10000x144xf32, #tpu.memory_space<vmem_shared>> -> memref<49x144xf32, #tpu.memory_space<vmem_shared>>
      %dma_start3A_71 = arith.constant 0 : i32
      %dma_start3A_72 = arith.constant 0 : i32
      %dma_start3A_73 = tpu.memref_slice %arg10[%dma_start3A_71, %dma_start3A_72] : memref<64x144xf32, #tpu.memory_space<vmem>> -> memref<49x144xf32, #tpu.memory_space<vmem>>
      tpu.enqueue_dma source(%dma_start3A_73 : memref<49x144xf32, #tpu.memory_space<vmem>>) target(%dma_start3A_70 : memref<49x144xf32, #tpu.memory_space<vmem_shared>>) target_semaphore(%run_scoped3A : memref<!tpu.dma_semaphore, #tpu.memory_space<semaphore_mem>>)
      %dma_wait3A = arith.constant 0 : i32
      %dma_wait3A_74 = arith.constant 0 : i32
      %dma_wait3A_75 = tpu.memref_slice %arg10[%dma_wait3A, %dma_wait3A_74] : memref<64x144xf32, #tpu.memory_space<vmem>> -> memref<49x144xf32, #tpu.memory_space<vmem>>
      %dma_wait3A_76 = arith.constant 0 : i32
      %dma_wait3A_77 = tpu.memref_slice %arg12[%add3A_46, %dma_wait3A_76] : memref<10000x144xf32, #tpu.memory_space<vmem_shared>> -> memref<49x144xf32, #tpu.memory_space<vmem_shared>>
      %dma_wait3A_78 = arith.constant 0 : i32
      %dma_wait3A_79 = tpu.memref_slice %arg12[%add3A_46, %dma_wait3A_78] : memref<10000x144xf32, #tpu.memory_space<vmem_shared>> -> memref<49x144xf32, #tpu.memory_space<vmem_shared>>
      %dma_wait3A_80 = arith.constant 0 : i32
      %dma_wait3A_81 = arith.constant 0 : i32
      %dma_wait3A_82 = tpu.memref_slice %arg10[%dma_wait3A_80, %dma_wait3A_81] : memref<64x144xf32, #tpu.memory_space<vmem>> -> memref<49x144xf32, #tpu.memory_space<vmem>>
      tpu.wait_dma2 semaphore(%run_scoped3A : memref<!tpu.dma_semaphore, #tpu.memory_space<semaphore_mem>>) src(%dma_wait3A_82 : memref<49x144xf32, #tpu.memory_space<vmem>>) dst(%dma_wait3A_79 : memref<49x144xf32, #tpu.memory_space<vmem_shared>>)
      tpu.yield
    }) : () -> ()
    %dma_start3A = arith.constant 0 : i32
    %dma_start3A_47 = arith.constant 0 : i32
    %dma_start3A_48 = tpu.memref_slice %arg7[%dma_start3A, %dma_start3A_47] : memref<80x64xi32, #tpu.memory_space<vmem>> -> memref<1x64xi32, #tpu.memory_space<vmem>>
    %dma_start3A_49 = tpu.memref_squeeze %dma_start3A_48 : memref<1x64xi32, #tpu.memory_space<vmem>> -> memref<64xi32, #tpu.memory_space<vmem>>
    %dma_start3A_50 = arith.constant 0 : i32
    %dma_start3A_51 = arith.constant 0 : i32
    %dma_start3A_52 = tpu.memref_slice %arg5[%dma_start3A_50, %dma_start3A_51] : memref<10000x144xf32, #tpu.memory_space<hbm>> -> memref<10000x144xf32, #tpu.memory_space<hbm>>
    tpu.enqueue_indirect_dma source(%dma_start3A_52 : memref<10000x144xf32, #tpu.memory_space<hbm>>) target(%arg10 : memref<64x144xf32, #tpu.memory_space<vmem>>) offsets(%dma_start3A_49 : memref<64xi32, #tpu.memory_space<vmem>>) semaphore(%arg13 : memref<!tpu.dma_semaphore, #tpu.memory_space<semaphore_mem>>)
    %barrier3A = arith.constant 0 : index
    tpu.barrier barrier_id(%barrier3A)
    %scan3A_53 = arith.constant 0 : i32
    %scan3A_54 = arith.constant 0 : i32
    %scan3A_55 = arith.constant 40 : i32
    %scan3A_56 = arith.addi %scan3A_54, %scan3A_55 : i32
    %scan3A_57 = arith.constant 1 : i32
    scf.for %scan3A_64 = %scan3A_54 to %scan3A_56 step %scan3A_57  : i32 {
      %mul3A_65 = arith.constant 2 : i32
      %mul3A_66 = arith.muli %scan3A_64, %mul3A_65 : i32
      %add3A_67 = arith.constant 0 : i32
      %add3A_68 = arith.addi %mul3A_66, %add3A_67 : i32
      %dma_wait3A = arith.constant 0 : i32
      %dma_wait3A_69 = tpu.memref_slice %arg7[%add3A_68, %dma_wait3A] : memref<80x64xi32, #tpu.memory_space<vmem>> -> memref<1x64xi32, #tpu.memory_space<vmem>>
      %dma_wait3A_70 = tpu.memref_squeeze %dma_wait3A_69 : memref<1x64xi32, #tpu.memory_space<vmem>> -> memref<64xi32, #tpu.memory_space<vmem>>
      %dma_wait3A_71 = arith.constant 0 : i32
      %dma_wait3A_72 = arith.constant 0 : i32
      %dma_wait3A_73 = tpu.memref_slice %arg5[%dma_wait3A_71, %dma_wait3A_72] : memref<10000x144xf32, #tpu.memory_space<hbm>> -> memref<10000x144xf32, #tpu.memory_space<hbm>>
      tpu.wait_indirect_dma semaphore(%arg13 : memref<!tpu.dma_semaphore, #tpu.memory_space<semaphore_mem>>) src(%dma_wait3A_73 : memref<10000x144xf32, #tpu.memory_space<hbm>>) dst(%arg10 : memref<64x144xf32, #tpu.memory_space<vmem>>)
      %add3A_74 = arith.constant 1 : i32
      %add3A_75 = arith.addi %add3A_68, %add3A_74 : i32
      %lt3A = arith.constant 80 : i32
      %lt3A_76 = arith.cmpi slt, %add3A_75, %lt3A : i32
      %convert_element_type3A = arith.extui %lt3A_76 : i1 to i32
      %cond3A = arith.constant 0 : i32
      %cond3A_77 = arith.cmpi ne, %convert_element_type3A, %cond3A : i32
      scf.if %cond3A_77 {
        %add3A_100 = arith.constant 1 : i32
        %add3A_101 = arith.addi %add3A_68, %add3A_100 : i32
        %dma_start3A_102 = arith.constant 0 : i32
        %dma_start3A_103 = tpu.memref_slice %arg7[%add3A_101, %dma_start3A_102] : memref<80x64xi32, #tpu.memory_space<vmem>> -> memref<1x64xi32, #tpu.memory_space<vmem>>
        %dma_start3A_104 = tpu.memref_squeeze %dma_start3A_103 : memref<1x64xi32, #tpu.memory_space<vmem>> -> memref<64xi32, #tpu.memory_space<vmem>>
        %dma_start3A_105 = arith.constant 0 : i32
        %dma_start3A_106 = arith.constant 0 : i32
        %dma_start3A_107 = tpu.memref_slice %arg5[%dma_start3A_105, %dma_start3A_106] : memref<10000x144xf32, #tpu.memory_space<hbm>> -> memref<10000x144xf32, #tpu.memory_space<hbm>>
        tpu.enqueue_indirect_dma source(%dma_start3A_107 : memref<10000x144xf32, #tpu.memory_space<hbm>>) target(%arg11 : memref<64x144xf32, #tpu.memory_space<vmem>>) offsets(%dma_start3A_104 : memref<64xi32, #tpu.memory_space<vmem>>) semaphore(%arg14 : memref<!tpu.dma_semaphore, #tpu.memory_space<semaphore_mem>>)
      } else {
      }
      %parallel_loop3A = arith.constant 0 : i32
      %parallel_loop3A_78 = arith.constant 0 : i32
      %parallel_loop3A_79 = arith.constant 1 : i32
      scf.for %parallel_loop3A_100 = %parallel_loop3A to %parallel_loop3A_78 step %parallel_loop3A_79  : i32 {
        %parallel_loop3A_101 = arith.constant 1 : i32
        %parallel_loop3A_102 = arith.shrui %add3A_68, %parallel_loop3A_101 : i32
        %parallel_loop3A_103 = arith.constant 1 : i32
        %parallel_loop3A_104 = arith.andi %add3A_68, %parallel_loop3A_103 : i32
        %parallel_loop3A_105 = arith.constant 64 : i32
        %parallel_loop3A_106 = arith.muli %parallel_loop3A_104, %parallel_loop3A_105 : i32
        %parallel_loop3A_107 = arith.addi %parallel_loop3A_106, %parallel_loop3A_100 : i32
        %parallel_loop3A_108 = arith.constant 0 : i32
        %parallel_loop3A_109 = vector.broadcast %parallel_loop3A_108 : i32 to vector<16xi32>
        %parallel_loop3A_110 = vector.broadcast %parallel_loop3A_102 : i32 to vector<16xi32>
        %parallel_loop3A_111 = arith.addi %parallel_loop3A_109, %parallel_loop3A_110 : vector<16xi32>
        %parallel_loop3A_112 = arith.constant 0 : i32
        %parallel_loop3A_113 = vector.broadcast %parallel_loop3A_112 : i32 to vector<16xi32>
        %parallel_loop3A_114 = vector.broadcast %parallel_loop3A_107 : i32 to vector<16xi32>
        %parallel_loop3A_115 = arith.addi %parallel_loop3A_113, %parallel_loop3A_114 : vector<16xi32>
        %parallel_loop3A_116 = tpu.vector_load_idx %arg9[%parallel_loop3A_111, %parallel_loop3A_115] : memref<40x128xf32, #tpu.memory_space<vmem>>[vector<16xi32>, vector<16xi32>], vector<16xf32>,
        %parallel_loop3A_117 = arith.index_cast %parallel_loop3A_100 : i32 to index
        %parallel_loop3A_118 = arith.constant 0 : index
        %parallel_loop3A_119 = tpu.vector_load %arg10[%parallel_loop3A_117, %parallel_loop3A_118] {strides = array<i32>} : memref<64x144xf32, #tpu.memory_space<vmem>>, vector<16xf32>,
        %parallel_loop3A_120 = arith.mulf %parallel_loop3A_119, %parallel_loop3A_116 : vector<16xf32>
        %parallel_loop3A_121 = arith.index_cast %parallel_loop3A_100 : i32 to index
        %parallel_loop3A_122 = arith.constant 0 : index
        %parallel_loop3A_123 = tpu.vector_load %arg10[%parallel_loop3A_121, %parallel_loop3A_122] {strides = array<i32>} : memref<64x144xf32, #tpu.memory_space<vmem>>, vector<16xf32>,
        tpu.vector_store %arg10[%parallel_loop3A_121, %parallel_loop3A_122], %parallel_loop3A_120 {strides = array<i32>} : memref<64x144xf32, #tpu.memory_space<vmem>>, vector<16xf32>,
        %parallel_loop3A_124 = arith.index_cast %parallel_loop3A_100 : i32 to index
        %parallel_loop3A_125 = arith.constant 16 : index
        %parallel_loop3A_126 = tpu.vector_load %arg10[%parallel_loop3A_124, %parallel_loop3A_125] {strides = array<i32>} : memref<64x144xf32, #tpu.memory_space<vmem>>, vector<16xf32>,
        %parallel_loop3A_127 = arith.mulf %parallel_loop3A_126, %parallel_loop3A_116 : vector<16xf32>
        %parallel_loop3A_128 = arith.index_cast %parallel_loop3A_100 : i32 to index
        %parallel_loop3A_129 = arith.constant 16 : index
        %parallel_loop3A_130 = tpu.vector_load %arg10[%parallel_loop3A_128, %parallel_loop3A_129] {strides = array<i32>} : memref<64x144xf32, #tpu.memory_space<vmem>>, vector<16xf32>,
        tpu.vector_store %arg10[%parallel_loop3A_128, %parallel_loop3A_129], %parallel_loop3A_127 {strides = array<i32>} : memref<64x144xf32, #tpu.memory_space<vmem>>, vector<16xf32>,
        %parallel_loop3A_131 = arith.index_cast %parallel_loop3A_100 : i32 to index
        %parallel_loop3A_132 = arith.constant 32 : index
        %parallel_loop3A_133 = tpu.vector_load %arg10[%parallel_loop3A_131, %parallel_loop3A_132] {strides = array<i32>} : memref<64x144xf32, #tpu.memory_space<vmem>>, vector<16xf32>,
        %parallel_loop3A_134 = arith.mulf %parallel_loop3A_133, %parallel_loop3A_116 : vector<16xf32>
        %parallel_loop3A_135 = arith.index_cast %parallel_loop3A_100 : i32 to index
        %parallel_loop3A_136 = arith.constant 32 : index
        %parallel_loop3A_137 = tpu.vector_load %arg10[%parallel_loop3A_135, %parallel_loop3A_136] {strides = array<i32>} : memref<64x144xf32, #tpu.memory_space<vmem>>, vector<16xf32>,
        tpu.vector_store %arg10[%parallel_loop3A_135, %parallel_loop3A_136], %parallel_loop3A_134 {strides = array<i32>} : memref<64x144xf32, #tpu.memory_space<vmem>>, vector<16xf32>,
        %parallel_loop3A_138 = arith.index_cast %parallel_loop3A_100 : i32 to index
        %parallel_loop3A_139 = arith.constant 48 : index
        %parallel_loop3A_140 = tpu.vector_load %arg10[%parallel_loop3A_138, %parallel_loop3A_139] {strides = array<i32>} : memref<64x144xf32, #tpu.memory_space<vmem>>, vector<16xf32>,
        %parallel_loop3A_141 = arith.mulf %parallel_loop3A_140, %parallel_loop3A_116 : vector<16xf32>
        %parallel_loop3A_142 = arith.index_cast %parallel_loop3A_100 : i32 to index
        %parallel_loop3A_143 = arith.constant 48 : index
        %parallel_loop3A_144 = tpu.vector_load %arg10[%parallel_loop3A_142, %parallel_loop3A_143] {strides = array<i32>} : memref<64x144xf32, #tpu.memory_space<vmem>>, vector<16xf32>,
        tpu.vector_store %arg10[%parallel_loop3A_142, %parallel_loop3A_143], %parallel_loop3A_141 {strides = array<i32>} : memref<64x144xf32, #tpu.memory_space<vmem>>, vector<16xf32>,
        %parallel_loop3A_145 = arith.index_cast %parallel_loop3A_100 : i32 to index
        %parallel_loop3A_146 = arith.constant 64 : index
        %parallel_loop3A_147 = tpu.vector_load %arg10[%parallel_loop3A_145, %parallel_loop3A_146] {strides = array<i32>} : memref<64x144xf32, #tpu.memory_space<vmem>>, vector<16xf32>,
        %parallel_loop3A_148 = arith.mulf %parallel_loop3A_147, %parallel_loop3A_116 : vector<16xf32>
        %parallel_loop3A_149 = arith.index_cast %parallel_loop3A_100 : i32 to index
        %parallel_loop3A_150 = arith.constant 64 : index
        %parallel_loop3A_151 = tpu.vector_load %arg10[%parallel_loop3A_149, %parallel_loop3A_150] {strides = array<i32>} : memref<64x144xf32, #tpu.memory_space<vmem>>, vector<16xf32>,
        tpu.vector_store %arg10[%parallel_loop3A_149, %parallel_loop3A_150], %parallel_loop3A_148 {strides = array<i32>} : memref<64x144xf32, #tpu.memory_space<vmem>>, vector<16xf32>,
        %parallel_loop3A_152 = arith.index_cast %parallel_loop3A_100 : i32 to index
        %parallel_loop3A_153 = arith.constant 80 : index
        %parallel_loop3A_154 = tpu.vector_load %arg10[%parallel_loop3A_152, %parallel_loop3A_153] {strides = array<i32>} : memref<64x144xf32, #tpu.memory_space<vmem>>, vector<16xf32>,
        %parallel_loop3A_155 = arith.mulf %parallel_loop3A_154, %parallel_loop3A_116 : vector<16xf32>
        %parallel_loop3A_156 = arith.index_cast %parallel_loop3A_100 : i32 to index
        %parallel_loop3A_157 = arith.constant 80 : index
        %parallel_loop3A_158 = tpu.vector_load %arg10[%parallel_loop3A_156, %parallel_loop3A_157] {strides = array<i32>} : memref<64x144xf32, #tpu.memory_space<vmem>>, vector<16xf32>,
        tpu.vector_store %arg10[%parallel_loop3A_156, %parallel_loop3A_157], %parallel_loop3A_155 {strides = array<i32>} : memref<64x144xf32, #tpu.memory_space<vmem>>, vector<16xf32>,
        %parallel_loop3A_159 = arith.index_cast %parallel_loop3A_100 : i32 to index
        %parallel_loop3A_160 = arith.constant 96 : index
        %parallel_loop3A_161 = tpu.vector_load %arg10[%parallel_loop3A_159, %parallel_loop3A_160] {strides = array<i32>} : memref<64x144xf32, #tpu.memory_space<vmem>>, vector<16xf32>,
        %parallel_loop3A_162 = arith.mulf %parallel_loop3A_161, %parallel_loop3A_116 : vector<16xf32>
        %parallel_loop3A_163 = arith.index_cast %parallel_loop3A_100 : i32 to index
        %parallel_loop3A_164 = arith.constant 96 : index
        %parallel_loop3A_165 = tpu.vector_load %arg10[%parallel_loop3A_163, %parallel_loop3A_164] {strides = array<i32>} : memref<64x144xf32, #tpu.memory_space<vmem>>, vector<16xf32>,
        tpu.vector_store %arg10[%parallel_loop3A_163, %parallel_loop3A_164], %parallel_loop3A_162 {strides = array<i32>} : memref<64x144xf32, #tpu.memory_space<vmem>>, vector<16xf32>,
        %parallel_loop3A_166 = arith.index_cast %parallel_loop3A_100 : i32 to index
        %parallel_loop3A_167 = arith.constant 112 : index
        %parallel_loop3A_168 = tpu.vector_load %arg10[%parallel_loop3A_166, %parallel_loop3A_167] {strides = array<i32>} : memref<64x144xf32, #tpu.memory_space<vmem>>, vector<16xf32>,
        %parallel_loop3A_169 = arith.mulf %parallel_loop3A_168, %parallel_loop3A_116 : vector<16xf32>
        %parallel_loop3A_170 = arith.index_cast %parallel_loop3A_100 : i32 to index
        %parallel_loop3A_171 = arith.constant 112 : index
        %parallel_loop3A_172 = tpu.vector_load %arg10[%parallel_loop3A_170, %parallel_loop3A_171] {strides = array<i32>} : memref<64x144xf32, #tpu.memory_space<vmem>>, vector<16xf32>,
        tpu.vector_store %arg10[%parallel_loop3A_170, %parallel_loop3A_171], %parallel_loop3A_169 {strides = array<i32>} : memref<64x144xf32, #tpu.memory_space<vmem>>, vector<16xf32>,
        %parallel_loop3A_173 = arith.index_cast %parallel_loop3A_100 : i32 to index
        %parallel_loop3A_174 = arith.constant 128 : index
        %parallel_loop3A_175 = tpu.vector_load %arg10[%parallel_loop3A_173, %parallel_loop3A_174] {strides = array<i32>} : memref<64x144xf32, #tpu.memory_space<vmem>>, vector<16xf32>,
        %parallel_loop3A_176 = arith.mulf %parallel_loop3A_175, %parallel_loop3A_116 : vector<16xf32>
        %parallel_loop3A_177 = arith.index_cast %parallel_loop3A_100 : i32 to index
        %parallel_loop3A_178 = arith.constant 128 : index
        %parallel_loop3A_179 = tpu.vector_load %arg10[%parallel_loop3A_177, %parallel_loop3A_178] {strides = array<i32>} : memref<64x144xf32, #tpu.memory_space<vmem>>, vector<16xf32>,
        tpu.vector_store %arg10[%parallel_loop3A_177, %parallel_loop3A_178], %parallel_loop3A_176 {strides = array<i32>} : memref<64x144xf32, #tpu.memory_space<vmem>>, vector<16xf32>,
      } {sc.loop_unroll_factor = 4 : i64, sc.parallel_access}
      "tpu.region"() ({
        %run_scoped3A = tpu.sem_alloc : memref<!tpu.dma_semaphore, #tpu.memory_space<semaphore_mem>>
        %dma_start3A_100 = arith.constant 0 : i32
        %dma_start3A_101 = tpu.memref_slice %arg8[%add3A_68, %dma_start3A_100] : memref<80x64xi32, #tpu.memory_space<vmem>> -> memref<1x64xi32, #tpu.memory_space<vmem>>
        %dma_start3A_102 = tpu.memref_squeeze %dma_start3A_101 : memref<1x64xi32, #tpu.memory_space<vmem>> -> memref<64xi32, #tpu.memory_space<vmem>>
        %dma_start3A_103 = arith.constant 0 : i32
        %dma_start3A_104 = arith.constant 0 : i32
        %dma_start3A_105 = tpu.memref_slice %arg12[%dma_start3A_103, %dma_start3A_104] : memref<10000x144xf32, #tpu.memory_space<vmem_shared>> -> memref<10000x144xf32, #tpu.memory_space<vmem_shared>>
        tpu.enqueue_indirect_dma source(%arg10 : memref<64x144xf32, #tpu.memory_space<vmem>>) target(%dma_start3A_105 : memref<10000x144xf32, #tpu.memory_space<vmem_shared>>) offsets(%dma_start3A_102 : memref<64xi32, #tpu.memory_space<vmem>>) semaphore(%run_scoped3A : memref<!tpu.dma_semaphore, #tpu.memory_space<semaphore_mem>>) {add = true}
        %dma_wait3A_106 = arith.constant 0 : i32
        %dma_wait3A_107 = tpu.memref_slice %arg8[%add3A_68, %dma_wait3A_106] : memref<80x64xi32, #tpu.memory_space<vmem>> -> memref<1x64xi32, #tpu.memory_space<vmem>>
        %dma_wait3A_108 = tpu.memref_squeeze %dma_wait3A_107 : memref<1x64xi32, #tpu.memory_space<vmem>> -> memref<64xi32, #tpu.memory_space<vmem>>
        %dma_wait3A_109 = arith.constant 0 : i32
        %dma_wait3A_110 = arith.constant 0 : i32
        %dma_wait3A_111 = tpu.memref_slice %arg12[%dma_wait3A_109, %dma_wait3A_110] : memref<10000x144xf32, #tpu.memory_space<vmem_shared>> -> memref<10000x144xf32, #tpu.memory_space<vmem_shared>>
        tpu.wait_indirect_dma semaphore(%run_scoped3A : memref<!tpu.dma_semaphore, #tpu.memory_space<semaphore_mem>>) src(%arg10 : memref<64x144xf32, #tpu.memory_space<vmem>>) dst(%dma_wait3A_111 : memref<10000x144xf32, #tpu.memory_space<vmem_shared>>)
        tpu.yield
      }) : () -> ()
      %mul3A_80 = arith.constant 2 : i32
      %mul3A_81 = arith.muli %scan3A_64, %mul3A_80 : i32
      %add3A_82 = arith.constant 1 : i32
      %add3A_83 = arith.addi %mul3A_81, %add3A_82 : i32
      %dma_wait3A_84 = arith.constant 0 : i32
      %dma_wait3A_85 = tpu.memref_slice %arg7[%add3A_83, %dma_wait3A_84] : memref<80x64xi32, #tpu.memory_space<vmem>> -> memref<1x64xi32, #tpu.memory_space<vmem>>
      %dma_wait3A_86 = tpu.memref_squeeze %dma_wait3A_85 : memref<1x64xi32, #tpu.memory_space<vmem>> -> memref<64xi32, #tpu.memory_space<vmem>>
      %dma_wait3A_87 = arith.constant 0 : i32
      %dma_wait3A_88 = arith.constant 0 : i32
      %dma_wait3A_89 = tpu.memref_slice %arg5[%dma_wait3A_87, %dma_wait3A_88] : memref<10000x144xf32, #tpu.memory_space<hbm>> -> memref<10000x144xf32, #tpu.memory_space<hbm>>
      tpu.wait_indirect_dma semaphore(%arg14 : memref<!tpu.dma_semaphore, #tpu.memory_space<semaphore_mem>>) src(%dma_wait3A_89 : memref<10000x144xf32, #tpu.memory_space<hbm>>) dst(%arg11 : memref<64x144xf32, #tpu.memory_space<vmem>>)
      %add3A_90 = arith.constant 1 : i32
      %add3A_91 = arith.addi %add3A_83, %add3A_90 : i32
      %lt3A_92 = arith.constant 80 : i32
      %lt3A_93 = arith.cmpi slt, %add3A_91, %lt3A_92 : i32
      %convert_element_type3A_94 = arith.extui %lt3A_93 : i1 to i32
      %cond3A_95 = arith.constant 0 : i32
      %cond3A_96 = arith.cmpi ne, %convert_element_type3A_94, %cond3A_95 : i32
      scf.if %cond3A_96 {
        %add3A_100 = arith.constant 1 : i32
        %add3A_101 = arith.addi %add3A_83, %add3A_100 : i32
        %dma_start3A_102 = arith.constant 0 : i32
        %dma_start3A_103 = tpu.memref_slice %arg7[%add3A_101, %dma_start3A_102] : memref<80x64xi32, #tpu.memory_space<vmem>> -> memref<1x64xi32, #tpu.memory_space<vmem>>
        %dma_start3A_104 = tpu.memref_squeeze %dma_start3A_103 : memref<1x64xi32, #tpu.memory_space<vmem>> -> memref<64xi32, #tpu.memory_space<vmem>>
        %dma_start3A_105 = arith.constant 0 : i32
        %dma_start3A_106 = arith.constant 0 : i32
        %dma_start3A_107 = tpu.memref_slice %arg5[%dma_start3A_105, %dma_start3A_106] : memref<10000x144xf32, #tpu.memory_space<hbm>> -> memref<10000x144xf32, #tpu.memory_space<hbm>>
        tpu.enqueue_indirect_dma source(%dma_start3A_107 : memref<10000x144xf32, #tpu.memory_space<hbm>>) target(%arg10 : memref<64x144xf32, #tpu.memory_space<vmem>>) offsets(%dma_start3A_104 : memref<64xi32, #tpu.memory_space<vmem>>) semaphore(%arg13 : memref<!tpu.dma_semaphore, #tpu.memory_space<semaphore_mem>>)
      } else {
      }
      %parallel_loop3A_97 = arith.constant 0 : i32
      %parallel_loop3A_98 = arith.constant 0 : i32
      %parallel_loop3A_99 = arith.constant 1 : i32
      scf.for %parallel_loop3A_100 = %parallel_loop3A_97 to %parallel_loop3A_98 step %parallel_loop3A_99  : i32 {
        %parallel_loop3A_101 = arith.constant 1 : i32
        %parallel_loop3A_102 = arith.shrui %add3A_83, %parallel_loop3A_101 : i32
        %parallel_loop3A_103 = arith.constant 1 : i32
        %parallel_loop3A_104 = arith.andi %add3A_83, %parallel_loop3A_103 : i32
        %parallel_loop3A_105 = arith.constant 64 : i32
        %parallel_loop3A_106 = arith.muli %parallel_loop3A_104, %parallel_loop3A_105 : i32
        %parallel_loop3A_107 = arith.addi %parallel_loop3A_106, %parallel_loop3A_100 : i32
        %parallel_loop3A_108 = arith.constant 0 : i32
        %parallel_loop3A_109 = vector.broadcast %parallel_loop3A_108 : i32 to vector<16xi32>
        %parallel_loop3A_110 = vector.broadcast %parallel_loop3A_102 : i32 to vector<16xi32>
        %parallel_loop3A_111 = arith.addi %parallel_loop3A_109, %parallel_loop3A_110 : vector<16xi32>
        %parallel_loop3A_112 = arith.constant 0 : i32
        %parallel_loop3A_113 = vector.broadcast %parallel_loop3A_112 : i32 to vector<16xi32>
        %parallel_loop3A_114 = vector.broadcast %parallel_loop3A_107 : i32 to vector<16xi32>
        %parallel_loop3A_115 = arith.addi %parallel_loop3A_113, %parallel_loop3A_114 : vector<16xi32>
        %parallel_loop3A_116 = tpu.vector_load_idx %arg9[%parallel_loop3A_111, %parallel_loop3A_115] : memref<40x128xf32, #tpu.memory_space<vmem>>[vector<16xi32>, vector<16xi32>], vector<16xf32>,
        %parallel_loop3A_117 = arith.index_cast %parallel_loop3A_100 : i32 to index
        %parallel_loop3A_118 = arith.constant 0 : index
        %parallel_loop3A_119 = tpu.vector_load %arg11[%parallel_loop3A_117, %parallel_loop3A_118] {strides = array<i32>} : memref<64x144xf32, #tpu.memory_space<vmem>>, vector<16xf32>,
        %parallel_loop3A_120 = arith.mulf %parallel_loop3A_119, %parallel_loop3A_116 : vector<16xf32>
        %parallel_loop3A_121 = arith.index_cast %parallel_loop3A_100 : i32 to index
        %parallel_loop3A_122 = arith.constant 0 : index
        %parallel_loop3A_123 = tpu.vector_load %arg11[%parallel_loop3A_121, %parallel_loop3A_122] {strides = array<i32>} : memref<64x144xf32, #tpu.memory_space<vmem>>, vector<16xf32>,
        tpu.vector_store %arg11[%parallel_loop3A_121, %parallel_loop3A_122], %parallel_loop3A_120 {strides = array<i32>} : memref<64x144xf32, #tpu.memory_space<vmem>>, vector<16xf32>,
        %parallel_loop3A_124 = arith.index_cast %parallel_loop3A_100 : i32 to index
        %parallel_loop3A_125 = arith.constant 16 : index
        %parallel_loop3A_126 = tpu.vector_load %arg11[%parallel_loop3A_124, %parallel_loop3A_125] {strides = array<i32>} : memref<64x144xf32, #tpu.memory_space<vmem>>, vector<16xf32>,
        %parallel_loop3A_127 = arith.mulf %parallel_loop3A_126, %parallel_loop3A_116 : vector<16xf32>
        %parallel_loop3A_128 = arith.index_cast %parallel_loop3A_100 : i32 to index
        %parallel_loop3A_129 = arith.constant 16 : index
        %parallel_loop3A_130 = tpu.vector_load %arg11[%parallel_loop3A_128, %parallel_loop3A_129] {strides = array<i32>} : memref<64x144xf32, #tpu.memory_space<vmem>>, vector<16xf32>,
        tpu.vector_store %arg11[%parallel_loop3A_128, %parallel_loop3A_129], %parallel_loop3A_127 {strides = array<i32>} : memref<64x144xf32, #tpu.memory_space<vmem>>, vector<16xf32>,
        %parallel_loop3A_131 = arith.index_cast %parallel_loop3A_100 : i32 to index
        %parallel_loop3A_132 = arith.constant 32 : index
        %parallel_loop3A_133 = tpu.vector_load %arg11[%parallel_loop3A_131, %parallel_loop3A_132] {strides = array<i32>} : memref<64x144xf32, #tpu.memory_space<vmem>>, vector<16xf32>,
        %parallel_loop3A_134 = arith.mulf %parallel_loop3A_133, %parallel_loop3A_116 : vector<16xf32>
        %parallel_loop3A_135 = arith.index_cast %parallel_loop3A_100 : i32 to index
        %parallel_loop3A_136 = arith.constant 32 : index
        %parallel_loop3A_137 = tpu.vector_load %arg11[%parallel_loop3A_135, %parallel_loop3A_136] {strides = array<i32>} : memref<64x144xf32, #tpu.memory_space<vmem>>, vector<16xf32>,
        tpu.vector_store %arg11[%parallel_loop3A_135, %parallel_loop3A_136], %parallel_loop3A_134 {strides = array<i32>} : memref<64x144xf32, #tpu.memory_space<vmem>>, vector<16xf32>,
        %parallel_loop3A_138 = arith.index_cast %parallel_loop3A_100 : i32 to index
        %parallel_loop3A_139 = arith.constant 48 : index
        %parallel_loop3A_140 = tpu.vector_load %arg11[%parallel_loop3A_138, %parallel_loop3A_139] {strides = array<i32>} : memref<64x144xf32, #tpu.memory_space<vmem>>, vector<16xf32>,
        %parallel_loop3A_141 = arith.mulf %parallel_loop3A_140, %parallel_loop3A_116 : vector<16xf32>
        %parallel_loop3A_142 = arith.index_cast %parallel_loop3A_100 : i32 to index
        %parallel_loop3A_143 = arith.constant 48 : index
        %parallel_loop3A_144 = tpu.vector_load %arg11[%parallel_loop3A_142, %parallel_loop3A_143] {strides = array<i32>} : memref<64x144xf32, #tpu.memory_space<vmem>>, vector<16xf32>,
        tpu.vector_store %arg11[%parallel_loop3A_142, %parallel_loop3A_143], %parallel_loop3A_141 {strides = array<i32>} : memref<64x144xf32, #tpu.memory_space<vmem>>, vector<16xf32>,
        %parallel_loop3A_145 = arith.index_cast %parallel_loop3A_100 : i32 to index
        %parallel_loop3A_146 = arith.constant 64 : index
        %parallel_loop3A_147 = tpu.vector_load %arg11[%parallel_loop3A_145, %parallel_loop3A_146] {strides = array<i32>} : memref<64x144xf32, #tpu.memory_space<vmem>>, vector<16xf32>,
        %parallel_loop3A_148 = arith.mulf %parallel_loop3A_147, %parallel_loop3A_116 : vector<16xf32>
        %parallel_loop3A_149 = arith.index_cast %parallel_loop3A_100 : i32 to index
        %parallel_loop3A_150 = arith.constant 64 : index
        %parallel_loop3A_151 = tpu.vector_load %arg11[%parallel_loop3A_149, %parallel_loop3A_150] {strides = array<i32>} : memref<64x144xf32, #tpu.memory_space<vmem>>, vector<16xf32>,
        tpu.vector_store %arg11[%parallel_loop3A_149, %parallel_loop3A_150], %parallel_loop3A_148 {strides = array<i32>} : memref<64x144xf32, #tpu.memory_space<vmem>>, vector<16xf32>,
        %parallel_loop3A_152 = arith.index_cast %parallel_loop3A_100 : i32 to index
        %parallel_loop3A_153 = arith.constant 80 : index
        %parallel_loop3A_154 = tpu.vector_load %arg11[%parallel_loop3A_152, %parallel_loop3A_153] {strides = array<i32>} : memref<64x144xf32, #tpu.memory_space<vmem>>, vector<16xf32>,
        %parallel_loop3A_155 = arith.mulf %parallel_loop3A_154, %parallel_loop3A_116 : vector<16xf32>
        %parallel_loop3A_156 = arith.index_cast %parallel_loop3A_100 : i32 to index
        %parallel_loop3A_157 = arith.constant 80 : index
        %parallel_loop3A_158 = tpu.vector_load %arg11[%parallel_loop3A_156, %parallel_loop3A_157] {strides = array<i32>} : memref<64x144xf32, #tpu.memory_space<vmem>>, vector<16xf32>,
        tpu.vector_store %arg11[%parallel_loop3A_156, %parallel_loop3A_157], %parallel_loop3A_155 {strides = array<i32>} : memref<64x144xf32, #tpu.memory_space<vmem>>, vector<16xf32>,
        %parallel_loop3A_159 = arith.index_cast %parallel_loop3A_100 : i32 to index
        %parallel_loop3A_160 = arith.constant 96 : index
        %parallel_loop3A_161 = tpu.vector_load %arg11[%parallel_loop3A_159, %parallel_loop3A_160] {strides = array<i32>} : memref<64x144xf32, #tpu.memory_space<vmem>>, vector<16xf32>,
        %parallel_loop3A_162 = arith.mulf %parallel_loop3A_161, %parallel_loop3A_116 : vector<16xf32>
        %parallel_loop3A_163 = arith.index_cast %parallel_loop3A_100 : i32 to index
        %parallel_loop3A_164 = arith.constant 96 : index
        %parallel_loop3A_165 = tpu.vector_load %arg11[%parallel_loop3A_163, %parallel_loop3A_164] {strides = array<i32>} : memref<64x144xf32, #tpu.memory_space<vmem>>, vector<16xf32>,
        tpu.vector_store %arg11[%parallel_loop3A_163, %parallel_loop3A_164], %parallel_loop3A_162 {strides = array<i32>} : memref<64x144xf32, #tpu.memory_space<vmem>>, vector<16xf32>,
        %parallel_loop3A_166 = arith.index_cast %parallel_loop3A_100 : i32 to index
        %parallel_loop3A_167 = arith.constant 112 : index
        %parallel_loop3A_168 = tpu.vector_load %arg11[%parallel_loop3A_166, %parallel_loop3A_167] {strides = array<i32>} : memref<64x144xf32, #tpu.memory_space<vmem>>, vector<16xf32>,
        %parallel_loop3A_169 = arith.mulf %parallel_loop3A_168, %parallel_loop3A_116 : vector<16xf32>
        %parallel_loop3A_170 = arith.index_cast %parallel_loop3A_100 : i32 to index
        %parallel_loop3A_171 = arith.constant 112 : index
        %parallel_loop3A_172 = tpu.vector_load %arg11[%parallel_loop3A_170, %parallel_loop3A_171] {strides = array<i32>} : memref<64x144xf32, #tpu.memory_space<vmem>>, vector<16xf32>,
        tpu.vector_store %arg11[%parallel_loop3A_170, %parallel_loop3A_171], %parallel_loop3A_169 {strides = array<i32>} : memref<64x144xf32, #tpu.memory_space<vmem>>, vector<16xf32>,
        %parallel_loop3A_173 = arith.index_cast %parallel_loop3A_100 : i32 to index
        %parallel_loop3A_174 = arith.constant 128 : index
        %parallel_loop3A_175 = tpu.vector_load %arg11[%parallel_loop3A_173, %parallel_loop3A_174] {strides = array<i32>} : memref<64x144xf32, #tpu.memory_space<vmem>>, vector<16xf32>,
        %parallel_loop3A_176 = arith.mulf %parallel_loop3A_175, %parallel_loop3A_116 : vector<16xf32>
        %parallel_loop3A_177 = arith.index_cast %parallel_loop3A_100 : i32 to index
        %parallel_loop3A_178 = arith.constant 128 : index
        %parallel_loop3A_179 = tpu.vector_load %arg11[%parallel_loop3A_177, %parallel_loop3A_178] {strides = array<i32>} : memref<64x144xf32, #tpu.memory_space<vmem>>, vector<16xf32>,
        tpu.vector_store %arg11[%parallel_loop3A_177, %parallel_loop3A_178], %parallel_loop3A_176 {strides = array<i32>} : memref<64x144xf32, #tpu.memory_space<vmem>>, vector<16xf32>,
      } {sc.loop_unroll_factor = 4 : i64, sc.parallel_access}
      "tpu.region"() ({
        %run_scoped3A = tpu.sem_alloc : memref<!tpu.dma_semaphore, #tpu.memory_space<semaphore_mem>>
        %dma_start3A_100 = arith.constant 0 : i32
        %dma_start3A_101 = tpu.memref_slice %arg8[%add3A_83, %dma_start3A_100] : memref<80x64xi32, #tpu.memory_space<vmem>> -> memref<1x64xi32, #tpu.memory_space<vmem>>
        %dma_start3A_102 = tpu.memref_squeeze %dma_start3A_101 : memref<1x64xi32, #tpu.memory_space<vmem>> -> memref<64xi32, #tpu.memory_space<vmem>>
        %dma_start3A_103 = arith.constant 0 : i32
        %dma_start3A_104 = arith.constant 0 : i32
        %dma_start3A_105 = tpu.memref_slice %arg12[%dma_start3A_103, %dma_start3A_104] : memref<10000x144xf32, #tpu.memory_space<vmem_shared>> -> memref<10000x144xf32, #tpu.memory_space<vmem_shared>>
        tpu.enqueue_indirect_dma source(%arg11 : memref<64x144xf32, #tpu.memory_space<vmem>>) target(%dma_start3A_105 : memref<10000x144xf32, #tpu.memory_space<vmem_shared>>) offsets(%dma_start3A_102 : memref<64xi32, #tpu.memory_space<vmem>>) semaphore(%run_scoped3A : memref<!tpu.dma_semaphore, #tpu.memory_space<semaphore_mem>>) {add = true}
        %dma_wait3A_106 = arith.constant 0 : i32
        %dma_wait3A_107 = tpu.memref_slice %arg8[%add3A_83, %dma_wait3A_106] : memref<80x64xi32, #tpu.memory_space<vmem>> -> memref<1x64xi32, #tpu.memory_space<vmem>>
        %dma_wait3A_108 = tpu.memref_squeeze %dma_wait3A_107 : memref<1x64xi32, #tpu.memory_space<vmem>> -> memref<64xi32, #tpu.memory_space<vmem>>
        %dma_wait3A_109 = arith.constant 0 : i32
        %dma_wait3A_110 = arith.constant 0 : i32
        %dma_wait3A_111 = tpu.memref_slice %arg12[%dma_wait3A_109, %dma_wait3A_110] : memref<10000x144xf32, #tpu.memory_space<vmem_shared>> -> memref<10000x144xf32, #tpu.memory_space<vmem_shared>>
        tpu.wait_indirect_dma semaphore(%run_scoped3A : memref<!tpu.dma_semaphore, #tpu.memory_space<semaphore_mem>>) src(%arg11 : memref<64x144xf32, #tpu.memory_space<vmem>>) dst(%dma_wait3A_111 : memref<10000x144xf32, #tpu.memory_space<vmem_shared>>)
        tpu.yield
      }) : () -> ()
    }
    %scan3A_58 = arith.constant 40 : i32
    %barrier3A_59 = arith.constant 0 : index
    tpu.barrier barrier_id(%barrier3A_59)
    %mul3A_60 = arith.constant 625 : i32
    %mul3A_61 = arith.muli %arg1, %mul3A_60 : i32
    %mul3A_62 = arith.constant 625 : i32
    %mul3A_63 = arith.muli %arg1, %mul3A_62 : i32
    "tpu.region"() ({
      %run_scoped3A = tpu.sem_alloc : memref<!tpu.dma_semaphore, #tpu.memory_space<semaphore_mem>>
      %dma_start3A_64 = arith.constant 0 : i32
      %dma_start3A_65 = tpu.memref_slice %arg6[%arg0, %mul3A_63, %dma_start3A_64] : memref<2x10000x144xf32, #tpu.memory_space<hbm>> -> memref<1x625x144xf32, #tpu.memory_space<hbm>>
      %dma_start3A_66 = tpu.memref_squeeze %dma_start3A_65 : memref<1x625x144xf32, #tpu.memory_space<hbm>> -> memref<625x144xf32, #tpu.memory_space<hbm>>
      %dma_start3A_67 = arith.constant 0 : i32
      %dma_start3A_68 = tpu.memref_slice %arg12[%mul3A_61, %dma_start3A_67] : memref<10000x144xf32, #tpu.memory_space<vmem_shared>> -> memref<625x144xf32, #tpu.memory_space<vmem_shared>>
      tpu.enqueue_dma source(%dma_start3A_68 : memref<625x144xf32, #tpu.memory_space<vmem_shared>>) target(%dma_start3A_66 : memref<625x144xf32, #tpu.memory_space<hbm>>) target_semaphore(%run_scoped3A : memref<!tpu.dma_semaphore, #tpu.memory_space<semaphore_mem>>)
      %dma_wait3A = arith.constant 0 : i32
      %dma_wait3A_69 = tpu.memref_slice %arg6[%arg0, %mul3A_63, %dma_wait3A] : memref<2x10000x144xf32, #tpu.memory_space<hbm>> -> memref<1x625x144xf32, #tpu.memory_space<hbm>>
      %dma_wait3A_70 = tpu.memref_squeeze %dma_wait3A_69 : memref<1x625x144xf32, #tpu.memory_space<hbm>> -> memref<625x144xf32, #tpu.memory_space<hbm>>
      %dma_wait3A_71 = arith.constant 0 : i32
      %dma_wait3A_72 = tpu.memref_slice %arg12[%mul3A_61, %dma_wait3A_71] : memref<10000x144xf32, #tpu.memory_space<vmem_shared>> -> memref<625x144xf32, #tpu.memory_space<vmem_shared>>
      tpu.wait_dma2 semaphore(%run_scoped3A : memref<!tpu.dma_semaphore, #tpu.memory_space<semaphore_mem>>) src(%dma_wait3A_72 : memref<625x144xf32, #tpu.memory_space<vmem_shared>>) dst(%dma_wait3A_70 : memref<625x144xf32, #tpu.memory_space<hbm>>)
      tpu.yield
    }) : () -> ()
    return
  }
}

#map = affine_map<(d0, d1) -> (0, 0, 0)>
#map1 = affine_map<(d0, d1) -> (0)>
module attributes {stable_mosaic.version = 14 : i64} {
  func.func @_sc_edge_logits(%arg0: i32, %arg1: i32, %arg2: memref<32x40x128xi32, #tpu.memory_space<hbm>>, %arg3: memref<32x40x128xi32, #tpu.memory_space<hbm>>, %arg4: memref<32x40x128xf32, #tpu.memory_space<hbm>>, %arg5: memref<10000xf32, #tpu.memory_space<hbm>>, %arg6: memref<10000xf32, #tpu.memory_space<hbm>>, %arg7: memref<32x40x128xf32, #tpu.memory_space<hbm>>, %arg8: memref<40x128xi32, #tpu.memory_space<vmem>>, %arg9: memref<40x128xi32, #tpu.memory_space<vmem>>, %arg10: memref<40x128xf32, #tpu.memory_space<vmem>>, %arg11: memref<40x128xf32, #tpu.memory_space<vmem>>, %arg12: memref<10000xf32, #tpu.memory_space<vmem>>, %arg13: memref<10000xf32, #tpu.memory_space<vmem>>) attributes {dimension_semantics = [#tpu.dimension_semantics<core_parallel>, #tpu.dimension_semantics<subcore_parallel>], iteration_bounds = array<i64: 2, 16>, scalar_prefetch = 0 : i64, scratch_operands = 6 : i64, tpu.core_type = #tpu.core_type<sc_vector_subcore>, window_params = [{transform_indices = #map}, {transform_indices = #map}, {transform_indices = #map}, {transform_indices = #map1}, {transform_indices = #map1}, {transform_indices = #map}]} {
    %mul3A = arith.constant 16 : i32
    %mul3A_0 = arith.muli %arg0, %mul3A : i32
    %add3A = arith.addi %mul3A_0, %arg1 : i32
    "tpu.region"() ({
      %run_scoped3A = tpu.sem_alloc : memref<!tpu.dma_semaphore, #tpu.memory_space<semaphore_mem>>
      %dma_start3A = arith.constant 0 : i32
      %dma_start3A_3 = arith.constant 0 : i32
      %dma_start3A_4 = tpu.memref_slice %arg2[%add3A, %dma_start3A, %dma_start3A_3] : memref<32x40x128xi32, #tpu.memory_space<hbm>> -> memref<1x40x128xi32, #tpu.memory_space<hbm>>
      %dma_start3A_5 = tpu.memref_squeeze %dma_start3A_4 : memref<1x40x128xi32, #tpu.memory_space<hbm>> -> memref<40x128xi32, #tpu.memory_space<hbm>>
      %dma_start3A_6 = arith.constant 0 : i32
      %dma_start3A_7 = arith.constant 0 : i32
      %dma_start3A_8 = tpu.memref_slice %arg2[%add3A, %dma_start3A_6, %dma_start3A_7] : memref<32x40x128xi32, #tpu.memory_space<hbm>> -> memref<1x40x128xi32, #tpu.memory_space<hbm>>
      %dma_start3A_9 = tpu.memref_squeeze %dma_start3A_8 : memref<1x40x128xi32, #tpu.memory_space<hbm>> -> memref<40x128xi32, #tpu.memory_space<hbm>>
      tpu.enqueue_dma source(%dma_start3A_9 : memref<40x128xi32, #tpu.memory_space<hbm>>) target(%arg8 : memref<40x128xi32, #tpu.memory_space<vmem>>) target_semaphore(%run_scoped3A : memref<!tpu.dma_semaphore, #tpu.memory_space<semaphore_mem>>)
      %dma_wait3A = arith.constant 0 : i32
      %dma_wait3A_10 = arith.constant 0 : i32
      %dma_wait3A_11 = tpu.memref_slice %arg2[%add3A, %dma_wait3A, %dma_wait3A_10] : memref<32x40x128xi32, #tpu.memory_space<hbm>> -> memref<1x40x128xi32, #tpu.memory_space<hbm>>
      %dma_wait3A_12 = tpu.memref_squeeze %dma_wait3A_11 : memref<1x40x128xi32, #tpu.memory_space<hbm>> -> memref<40x128xi32, #tpu.memory_space<hbm>>
      %dma_wait3A_13 = arith.constant 0 : i32
      %dma_wait3A_14 = arith.constant 0 : i32
      %dma_wait3A_15 = tpu.memref_slice %arg2[%add3A, %dma_wait3A_13, %dma_wait3A_14] : memref<32x40x128xi32, #tpu.memory_space<hbm>> -> memref<1x40x128xi32, #tpu.memory_space<hbm>>
      %dma_wait3A_16 = tpu.memref_squeeze %dma_wait3A_15 : memref<1x40x128xi32, #tpu.memory_space<hbm>> -> memref<40x128xi32, #tpu.memory_space<hbm>>
      tpu.wait_dma2 semaphore(%run_scoped3A : memref<!tpu.dma_semaphore, #tpu.memory_space<semaphore_mem>>) src(%dma_wait3A_16 : memref<40x128xi32, #tpu.memory_space<hbm>>) dst(%arg8 : memref<40x128xi32, #tpu.memory_space<vmem>>)
      tpu.yield
    }) : () -> ()
    "tpu.region"() ({
      %run_scoped3A = tpu.sem_alloc : memref<!tpu.dma_semaphore, #tpu.memory_space<semaphore_mem>>
      %dma_start3A = arith.constant 0 : i32
      %dma_start3A_3 = arith.constant 0 : i32
      %dma_start3A_4 = tpu.memref_slice %arg3[%add3A, %dma_start3A, %dma_start3A_3] : memref<32x40x128xi32, #tpu.memory_space<hbm>> -> memref<1x40x128xi32, #tpu.memory_space<hbm>>
      %dma_start3A_5 = tpu.memref_squeeze %dma_start3A_4 : memref<1x40x128xi32, #tpu.memory_space<hbm>> -> memref<40x128xi32, #tpu.memory_space<hbm>>
      %dma_start3A_6 = arith.constant 0 : i32
      %dma_start3A_7 = arith.constant 0 : i32
      %dma_start3A_8 = tpu.memref_slice %arg3[%add3A, %dma_start3A_6, %dma_start3A_7] : memref<32x40x128xi32, #tpu.memory_space<hbm>> -> memref<1x40x128xi32, #tpu.memory_space<hbm>>
      %dma_start3A_9 = tpu.memref_squeeze %dma_start3A_8 : memref<1x40x128xi32, #tpu.memory_space<hbm>> -> memref<40x128xi32, #tpu.memory_space<hbm>>
      tpu.enqueue_dma source(%dma_start3A_9 : memref<40x128xi32, #tpu.memory_space<hbm>>) target(%arg9 : memref<40x128xi32, #tpu.memory_space<vmem>>) target_semaphore(%run_scoped3A : memref<!tpu.dma_semaphore, #tpu.memory_space<semaphore_mem>>)
      %dma_wait3A = arith.constant 0 : i32
      %dma_wait3A_10 = arith.constant 0 : i32
      %dma_wait3A_11 = tpu.memref_slice %arg3[%add3A, %dma_wait3A, %dma_wait3A_10] : memref<32x40x128xi32, #tpu.memory_space<hbm>> -> memref<1x40x128xi32, #tpu.memory_space<hbm>>
      %dma_wait3A_12 = tpu.memref_squeeze %dma_wait3A_11 : memref<1x40x128xi32, #tpu.memory_space<hbm>> -> memref<40x128xi32, #tpu.memory_space<hbm>>
      %dma_wait3A_13 = arith.constant 0 : i32
      %dma_wait3A_14 = arith.constant 0 : i32
      %dma_wait3A_15 = tpu.memref_slice %arg3[%add3A, %dma_wait3A_13, %dma_wait3A_14] : memref<32x40x128xi32, #tpu.memory_space<hbm>> -> memref<1x40x128xi32, #tpu.memory_space<hbm>>
      %dma_wait3A_16 = tpu.memref_squeeze %dma_wait3A_15 : memref<1x40x128xi32, #tpu.memory_space<hbm>> -> memref<40x128xi32, #tpu.memory_space<hbm>>
      tpu.wait_dma2 semaphore(%run_scoped3A : memref<!tpu.dma_semaphore, #tpu.memory_space<semaphore_mem>>) src(%dma_wait3A_16 : memref<40x128xi32, #tpu.memory_space<hbm>>) dst(%arg9 : memref<40x128xi32, #tpu.memory_space<vmem>>)
      tpu.yield
    }) : () -> ()
    "tpu.region"() ({
      %run_scoped3A = tpu.sem_alloc : memref<!tpu.dma_semaphore, #tpu.memory_space<semaphore_mem>>
      %dma_start3A = arith.constant 0 : i32
      %dma_start3A_3 = arith.constant 0 : i32
      %dma_start3A_4 = tpu.memref_slice %arg4[%add3A, %dma_start3A, %dma_start3A_3] : memref<32x40x128xf32, #tpu.memory_space<hbm>> -> memref<1x40x128xf32, #tpu.memory_space<hbm>>
      %dma_start3A_5 = tpu.memref_squeeze %dma_start3A_4 : memref<1x40x128xf32, #tpu.memory_space<hbm>> -> memref<40x128xf32, #tpu.memory_space<hbm>>
      %dma_start3A_6 = arith.constant 0 : i32
      %dma_start3A_7 = arith.constant 0 : i32
      %dma_start3A_8 = tpu.memref_slice %arg4[%add3A, %dma_start3A_6, %dma_start3A_7] : memref<32x40x128xf32, #tpu.memory_space<hbm>> -> memref<1x40x128xf32, #tpu.memory_space<hbm>>
      %dma_start3A_9 = tpu.memref_squeeze %dma_start3A_8 : memref<1x40x128xf32, #tpu.memory_space<hbm>> -> memref<40x128xf32, #tpu.memory_space<hbm>>
      tpu.enqueue_dma source(%dma_start3A_9 : memref<40x128xf32, #tpu.memory_space<hbm>>) target(%arg10 : memref<40x128xf32, #tpu.memory_space<vmem>>) target_semaphore(%run_scoped3A : memref<!tpu.dma_semaphore, #tpu.memory_space<semaphore_mem>>)
      %dma_wait3A = arith.constant 0 : i32
      %dma_wait3A_10 = arith.constant 0 : i32
      %dma_wait3A_11 = tpu.memref_slice %arg4[%add3A, %dma_wait3A, %dma_wait3A_10] : memref<32x40x128xf32, #tpu.memory_space<hbm>> -> memref<1x40x128xf32, #tpu.memory_space<hbm>>
      %dma_wait3A_12 = tpu.memref_squeeze %dma_wait3A_11 : memref<1x40x128xf32, #tpu.memory_space<hbm>> -> memref<40x128xf32, #tpu.memory_space<hbm>>
      %dma_wait3A_13 = arith.constant 0 : i32
      %dma_wait3A_14 = arith.constant 0 : i32
      %dma_wait3A_15 = tpu.memref_slice %arg4[%add3A, %dma_wait3A_13, %dma_wait3A_14] : memref<32x40x128xf32, #tpu.memory_space<hbm>> -> memref<1x40x128xf32, #tpu.memory_space<hbm>>
      %dma_wait3A_16 = tpu.memref_squeeze %dma_wait3A_15 : memref<1x40x128xf32, #tpu.memory_space<hbm>> -> memref<40x128xf32, #tpu.memory_space<hbm>>
      tpu.wait_dma2 semaphore(%run_scoped3A : memref<!tpu.dma_semaphore, #tpu.memory_space<semaphore_mem>>) src(%dma_wait3A_16 : memref<40x128xf32, #tpu.memory_space<hbm>>) dst(%arg10 : memref<40x128xf32, #tpu.memory_space<vmem>>)
      tpu.yield
    }) : () -> ()
    "tpu.region"() ({
      %run_scoped3A = tpu.sem_alloc : memref<!tpu.dma_semaphore, #tpu.memory_space<semaphore_mem>>
      tpu.enqueue_dma source(%arg5 : memref<10000xf32, #tpu.memory_space<hbm>>) target(%arg12 : memref<10000xf32, #tpu.memory_space<vmem>>) target_semaphore(%run_scoped3A : memref<!tpu.dma_semaphore, #tpu.memory_space<semaphore_mem>>)
      tpu.wait_dma2 semaphore(%run_scoped3A : memref<!tpu.dma_semaphore, #tpu.memory_space<semaphore_mem>>) src(%arg5 : memref<10000xf32, #tpu.memory_space<hbm>>) dst(%arg12 : memref<10000xf32, #tpu.memory_space<vmem>>)
      tpu.yield
    }) : () -> ()
    "tpu.region"() ({
      %run_scoped3A = tpu.sem_alloc : memref<!tpu.dma_semaphore, #tpu.memory_space<semaphore_mem>>
      tpu.enqueue_dma source(%arg6 : memref<10000xf32, #tpu.memory_space<hbm>>) target(%arg13 : memref<10000xf32, #tpu.memory_space<vmem>>) target_semaphore(%run_scoped3A : memref<!tpu.dma_semaphore, #tpu.memory_space<semaphore_mem>>)
      tpu.wait_dma2 semaphore(%run_scoped3A : memref<!tpu.dma_semaphore, #tpu.memory_space<semaphore_mem>>) src(%arg6 : memref<10000xf32, #tpu.memory_space<hbm>>) dst(%arg13 : memref<10000xf32, #tpu.memory_space<vmem>>)
      tpu.yield
    }) : () -> ()
    %parallel_loop3A = arith.constant 0 : i32
    %parallel_loop3A_1 = arith.constant 40 : i32
    %parallel_loop3A_2 = arith.constant 1 : i32
    scf.for %parallel_loop3A_3 = %parallel_loop3A to %parallel_loop3A_1 step %parallel_loop3A_2  : i32 {
    } {sc.loop_unroll_factor = 2 : i64, sc.parallel_access}
    "tpu.region"() ({
      %run_scoped3A = tpu.sem_alloc : memref<!tpu.dma_semaphore, #tpu.memory_space<semaphore_mem>>
      %dma_start3A = arith.constant 0 : i32
      %dma_start3A_3 = arith.constant 0 : i32
      %dma_start3A_4 = tpu.memref_slice %arg7[%add3A, %dma_start3A, %dma_start3A_3] : memref<32x40x128xf32, #tpu.memory_space<hbm>> -> memref<1x40x128xf32, #tpu.memory_space<hbm>>
      %dma_start3A_5 = tpu.memref_squeeze %dma_start3A_4 : memref<1x40x128xf32, #tpu.memory_space<hbm>> -> memref<40x128xf32, #tpu.memory_space<hbm>>
      %dma_start3A_6 = arith.constant 0 : i32
      %dma_start3A_7 = arith.constant 0 : i32
      %dma_start3A_8 = tpu.memref_slice %arg7[%add3A, %dma_start3A_6, %dma_start3A_7] : memref<32x40x128xf32, #tpu.memory_space<hbm>> -> memref<1x40x128xf32, #tpu.memory_space<hbm>>
      %dma_start3A_9 = tpu.memref_squeeze %dma_start3A_8 : memref<1x40x128xf32, #tpu.memory_space<hbm>> -> memref<40x128xf32, #tpu.memory_space<hbm>>
      tpu.enqueue_dma source(%arg11 : memref<40x128xf32, #tpu.memory_space<vmem>>) target(%dma_start3A_9 : memref<40x128xf32, #tpu.memory_space<hbm>>) target_semaphore(%run_scoped3A : memref<!tpu.dma_semaphore, #tpu.memory_space<semaphore_mem>>)
      %dma_wait3A = arith.constant 0 : i32
      %dma_wait3A_10 = arith.constant 0 : i32
      %dma_wait3A_11 = tpu.memref_slice %arg7[%add3A, %dma_wait3A, %dma_wait3A_10] : memref<32x40x128xf32, #tpu.memory_space<hbm>> -> memref<1x40x128xf32, #tpu.memory_space<hbm>>
      %dma_wait3A_12 = tpu.memref_squeeze %dma_wait3A_11 : memref<1x40x128xf32, #tpu.memory_space<hbm>> -> memref<40x128xf32, #tpu.memory_space<hbm>>
      %dma_wait3A_13 = arith.constant 0 : i32
      %dma_wait3A_14 = arith.constant 0 : i32
      %dma_wait3A_15 = tpu.memref_slice %arg7[%add3A, %dma_wait3A_13, %dma_wait3A_14] : memref<32x40x128xf32, #tpu.memory_space<hbm>> -> memref<1x40x128xf32, #tpu.memory_space<hbm>>
      %dma_wait3A_16 = tpu.memref_squeeze %dma_wait3A_15 : memref<1x40x128xf32, #tpu.memory_space<hbm>> -> memref<40x128xf32, #tpu.memory_space<hbm>>
      tpu.wait_dma2 semaphore(%run_scoped3A : memref<!tpu.dma_semaphore, #tpu.memory_space<semaphore_mem>>) src(%arg11 : memref<40x128xf32, #tpu.memory_space<vmem>>) dst(%dma_wait3A_16 : memref<40x128xf32, #tpu.memory_space<hbm>>)
      tpu.yield
    }) : () -> ()
    return
  }
}

#map = affine_map<(d0, d1) -> (0, 0, 0)>
#map1 = affine_map<(d0, d1) -> (0)>
module attributes {stable_mosaic.version = 14 : i64} {
  func.func @_sc_edge_logits(%arg0: i32, %arg1: i32, %arg2: memref<32x40x128xi32, #tpu.memory_space<hbm>>, %arg3: memref<32x40x128xi32, #tpu.memory_space<hbm>>, %arg4: memref<32x40x128xf32, #tpu.memory_space<hbm>>, %arg5: memref<10000xf32, #tpu.memory_space<hbm>>, %arg6: memref<10000xf32, #tpu.memory_space<hbm>>, %arg7: memref<32x40x128xf32, #tpu.memory_space<hbm>>, %arg8: memref<40x128xi32, #tpu.memory_space<vmem>>, %arg9: memref<40x128xi32, #tpu.memory_space<vmem>>, %arg10: memref<40x128xf32, #tpu.memory_space<vmem>>, %arg11: memref<40x128xf32, #tpu.memory_space<vmem>>, %arg12: memref<10000xf32, #tpu.memory_space<vmem>>, %arg13: memref<10000xf32, #tpu.memory_space<vmem>>) attributes {dimension_semantics = [#tpu.dimension_semantics<core_parallel>, #tpu.dimension_semantics<subcore_parallel>], iteration_bounds = array<i64: 2, 16>, scalar_prefetch = 0 : i64, scratch_operands = 6 : i64, tpu.core_type = #tpu.core_type<sc_vector_subcore>, window_params = [{transform_indices = #map}, {transform_indices = #map}, {transform_indices = #map}, {transform_indices = #map1}, {transform_indices = #map1}, {transform_indices = #map}]} {
    %mul3A = arith.constant 16 : i32
    %mul3A_0 = arith.muli %arg0, %mul3A : i32
    %add3A = arith.addi %mul3A_0, %arg1 : i32
    "tpu.region"() ({
      %run_scoped3A = tpu.sem_alloc : memref<!tpu.dma_semaphore, #tpu.memory_space<semaphore_mem>>
      %dma_start3A = arith.constant 0 : i32
      %dma_start3A_3 = arith.constant 0 : i32
      %dma_start3A_4 = tpu.memref_slice %arg2[%add3A, %dma_start3A, %dma_start3A_3] : memref<32x40x128xi32, #tpu.memory_space<hbm>> -> memref<1x40x128xi32, #tpu.memory_space<hbm>>
      %dma_start3A_5 = tpu.memref_squeeze %dma_start3A_4 : memref<1x40x128xi32, #tpu.memory_space<hbm>> -> memref<40x128xi32, #tpu.memory_space<hbm>>
      %dma_start3A_6 = arith.constant 0 : i32
      %dma_start3A_7 = arith.constant 0 : i32
      %dma_start3A_8 = tpu.memref_slice %arg2[%add3A, %dma_start3A_6, %dma_start3A_7] : memref<32x40x128xi32, #tpu.memory_space<hbm>> -> memref<1x40x128xi32, #tpu.memory_space<hbm>>
      %dma_start3A_9 = tpu.memref_squeeze %dma_start3A_8 : memref<1x40x128xi32, #tpu.memory_space<hbm>> -> memref<40x128xi32, #tpu.memory_space<hbm>>
      tpu.enqueue_dma source(%dma_start3A_9 : memref<40x128xi32, #tpu.memory_space<hbm>>) target(%arg8 : memref<40x128xi32, #tpu.memory_space<vmem>>) target_semaphore(%run_scoped3A : memref<!tpu.dma_semaphore, #tpu.memory_space<semaphore_mem>>)
      %dma_wait3A = arith.constant 0 : i32
      %dma_wait3A_10 = arith.constant 0 : i32
      %dma_wait3A_11 = tpu.memref_slice %arg2[%add3A, %dma_wait3A, %dma_wait3A_10] : memref<32x40x128xi32, #tpu.memory_space<hbm>> -> memref<1x40x128xi32, #tpu.memory_space<hbm>>
      %dma_wait3A_12 = tpu.memref_squeeze %dma_wait3A_11 : memref<1x40x128xi32, #tpu.memory_space<hbm>> -> memref<40x128xi32, #tpu.memory_space<hbm>>
      %dma_wait3A_13 = arith.constant 0 : i32
      %dma_wait3A_14 = arith.constant 0 : i32
      %dma_wait3A_15 = tpu.memref_slice %arg2[%add3A, %dma_wait3A_13, %dma_wait3A_14] : memref<32x40x128xi32, #tpu.memory_space<hbm>> -> memref<1x40x128xi32, #tpu.memory_space<hbm>>
      %dma_wait3A_16 = tpu.memref_squeeze %dma_wait3A_15 : memref<1x40x128xi32, #tpu.memory_space<hbm>> -> memref<40x128xi32, #tpu.memory_space<hbm>>
      tpu.wait_dma2 semaphore(%run_scoped3A : memref<!tpu.dma_semaphore, #tpu.memory_space<semaphore_mem>>) src(%dma_wait3A_16 : memref<40x128xi32, #tpu.memory_space<hbm>>) dst(%arg8 : memref<40x128xi32, #tpu.memory_space<vmem>>)
      tpu.yield
    }) : () -> ()
    "tpu.region"() ({
      %run_scoped3A = tpu.sem_alloc : memref<!tpu.dma_semaphore, #tpu.memory_space<semaphore_mem>>
      %dma_start3A = arith.constant 0 : i32
      %dma_start3A_3 = arith.constant 0 : i32
      %dma_start3A_4 = tpu.memref_slice %arg3[%add3A, %dma_start3A, %dma_start3A_3] : memref<32x40x128xi32, #tpu.memory_space<hbm>> -> memref<1x40x128xi32, #tpu.memory_space<hbm>>
      %dma_start3A_5 = tpu.memref_squeeze %dma_start3A_4 : memref<1x40x128xi32, #tpu.memory_space<hbm>> -> memref<40x128xi32, #tpu.memory_space<hbm>>
      %dma_start3A_6 = arith.constant 0 : i32
      %dma_start3A_7 = arith.constant 0 : i32
      %dma_start3A_8 = tpu.memref_slice %arg3[%add3A, %dma_start3A_6, %dma_start3A_7] : memref<32x40x128xi32, #tpu.memory_space<hbm>> -> memref<1x40x128xi32, #tpu.memory_space<hbm>>
      %dma_start3A_9 = tpu.memref_squeeze %dma_start3A_8 : memref<1x40x128xi32, #tpu.memory_space<hbm>> -> memref<40x128xi32, #tpu.memory_space<hbm>>
      tpu.enqueue_dma source(%dma_start3A_9 : memref<40x128xi32, #tpu.memory_space<hbm>>) target(%arg9 : memref<40x128xi32, #tpu.memory_space<vmem>>) target_semaphore(%run_scoped3A : memref<!tpu.dma_semaphore, #tpu.memory_space<semaphore_mem>>)
      %dma_wait3A = arith.constant 0 : i32
      %dma_wait3A_10 = arith.constant 0 : i32
      %dma_wait3A_11 = tpu.memref_slice %arg3[%add3A, %dma_wait3A, %dma_wait3A_10] : memref<32x40x128xi32, #tpu.memory_space<hbm>> -> memref<1x40x128xi32, #tpu.memory_space<hbm>>
      %dma_wait3A_12 = tpu.memref_squeeze %dma_wait3A_11 : memref<1x40x128xi32, #tpu.memory_space<hbm>> -> memref<40x128xi32, #tpu.memory_space<hbm>>
      %dma_wait3A_13 = arith.constant 0 : i32
      %dma_wait3A_14 = arith.constant 0 : i32
      %dma_wait3A_15 = tpu.memref_slice %arg3[%add3A, %dma_wait3A_13, %dma_wait3A_14] : memref<32x40x128xi32, #tpu.memory_space<hbm>> -> memref<1x40x128xi32, #tpu.memory_space<hbm>>
      %dma_wait3A_16 = tpu.memref_squeeze %dma_wait3A_15 : memref<1x40x128xi32, #tpu.memory_space<hbm>> -> memref<40x128xi32, #tpu.memory_space<hbm>>
      tpu.wait_dma2 semaphore(%run_scoped3A : memref<!tpu.dma_semaphore, #tpu.memory_space<semaphore_mem>>) src(%dma_wait3A_16 : memref<40x128xi32, #tpu.memory_space<hbm>>) dst(%arg9 : memref<40x128xi32, #tpu.memory_space<vmem>>)
      tpu.yield
    }) : () -> ()
    "tpu.region"() ({
      %run_scoped3A = tpu.sem_alloc : memref<!tpu.dma_semaphore, #tpu.memory_space<semaphore_mem>>
      %dma_start3A = arith.constant 0 : i32
      %dma_start3A_3 = arith.constant 0 : i32
      %dma_start3A_4 = tpu.memref_slice %arg4[%add3A, %dma_start3A, %dma_start3A_3] : memref<32x40x128xf32, #tpu.memory_space<hbm>> -> memref<1x40x128xf32, #tpu.memory_space<hbm>>
      %dma_start3A_5 = tpu.memref_squeeze %dma_start3A_4 : memref<1x40x128xf32, #tpu.memory_space<hbm>> -> memref<40x128xf32, #tpu.memory_space<hbm>>
      %dma_start3A_6 = arith.constant 0 : i32
      %dma_start3A_7 = arith.constant 0 : i32
      %dma_start3A_8 = tpu.memref_slice %arg4[%add3A, %dma_start3A_6, %dma_start3A_7] : memref<32x40x128xf32, #tpu.memory_space<hbm>> -> memref<1x40x128xf32, #tpu.memory_space<hbm>>
      %dma_start3A_9 = tpu.memref_squeeze %dma_start3A_8 : memref<1x40x128xf32, #tpu.memory_space<hbm>> -> memref<40x128xf32, #tpu.memory_space<hbm>>
      tpu.enqueue_dma source(%dma_start3A_9 : memref<40x128xf32, #tpu.memory_space<hbm>>) target(%arg10 : memref<40x128xf32, #tpu.memory_space<vmem>>) target_semaphore(%run_scoped3A : memref<!tpu.dma_semaphore, #tpu.memory_space<semaphore_mem>>)
      %dma_wait3A = arith.constant 0 : i32
      %dma_wait3A_10 = arith.constant 0 : i32
      %dma_wait3A_11 = tpu.memref_slice %arg4[%add3A, %dma_wait3A, %dma_wait3A_10] : memref<32x40x128xf32, #tpu.memory_space<hbm>> -> memref<1x40x128xf32, #tpu.memory_space<hbm>>
      %dma_wait3A_12 = tpu.memref_squeeze %dma_wait3A_11 : memref<1x40x128xf32, #tpu.memory_space<hbm>> -> memref<40x128xf32, #tpu.memory_space<hbm>>
      %dma_wait3A_13 = arith.constant 0 : i32
      %dma_wait3A_14 = arith.constant 0 : i32
      %dma_wait3A_15 = tpu.memref_slice %arg4[%add3A, %dma_wait3A_13, %dma_wait3A_14] : memref<32x40x128xf32, #tpu.memory_space<hbm>> -> memref<1x40x128xf32, #tpu.memory_space<hbm>>
      %dma_wait3A_16 = tpu.memref_squeeze %dma_wait3A_15 : memref<1x40x128xf32, #tpu.memory_space<hbm>> -> memref<40x128xf32, #tpu.memory_space<hbm>>
      tpu.wait_dma2 semaphore(%run_scoped3A : memref<!tpu.dma_semaphore, #tpu.memory_space<semaphore_mem>>) src(%dma_wait3A_16 : memref<40x128xf32, #tpu.memory_space<hbm>>) dst(%arg10 : memref<40x128xf32, #tpu.memory_space<vmem>>)
      tpu.yield
    }) : () -> ()
    "tpu.region"() ({
      %run_scoped3A = tpu.sem_alloc : memref<!tpu.dma_semaphore, #tpu.memory_space<semaphore_mem>>
      tpu.enqueue_dma source(%arg5 : memref<10000xf32, #tpu.memory_space<hbm>>) target(%arg12 : memref<10000xf32, #tpu.memory_space<vmem>>) target_semaphore(%run_scoped3A : memref<!tpu.dma_semaphore, #tpu.memory_space<semaphore_mem>>)
      tpu.wait_dma2 semaphore(%run_scoped3A : memref<!tpu.dma_semaphore, #tpu.memory_space<semaphore_mem>>) src(%arg5 : memref<10000xf32, #tpu.memory_space<hbm>>) dst(%arg12 : memref<10000xf32, #tpu.memory_space<vmem>>)
      tpu.yield
    }) : () -> ()
    "tpu.region"() ({
      %run_scoped3A = tpu.sem_alloc : memref<!tpu.dma_semaphore, #tpu.memory_space<semaphore_mem>>
      tpu.enqueue_dma source(%arg6 : memref<10000xf32, #tpu.memory_space<hbm>>) target(%arg13 : memref<10000xf32, #tpu.memory_space<vmem>>) target_semaphore(%run_scoped3A : memref<!tpu.dma_semaphore, #tpu.memory_space<semaphore_mem>>)
      tpu.wait_dma2 semaphore(%run_scoped3A : memref<!tpu.dma_semaphore, #tpu.memory_space<semaphore_mem>>) src(%arg6 : memref<10000xf32, #tpu.memory_space<hbm>>) dst(%arg13 : memref<10000xf32, #tpu.memory_space<vmem>>)
      tpu.yield
    }) : () -> ()
    %parallel_loop3A = arith.constant 0 : i32
    %parallel_loop3A_1 = arith.constant 40 : i32
    %parallel_loop3A_2 = arith.constant 1 : i32
    scf.for %parallel_loop3A_3 = %parallel_loop3A to %parallel_loop3A_1 step %parallel_loop3A_2  : i32 {
    } {sc.loop_unroll_factor = 2 : i64, sc.parallel_access}
    "tpu.region"() ({
      %run_scoped3A = tpu.sem_alloc : memref<!tpu.dma_semaphore, #tpu.memory_space<semaphore_mem>>
      %dma_start3A = arith.constant 0 : i32
      %dma_start3A_3 = arith.constant 0 : i32
      %dma_start3A_4 = tpu.memref_slice %arg7[%add3A, %dma_start3A, %dma_start3A_3] : memref<32x40x128xf32, #tpu.memory_space<hbm>> -> memref<1x40x128xf32, #tpu.memory_space<hbm>>
      %dma_start3A_5 = tpu.memref_squeeze %dma_start3A_4 : memref<1x40x128xf32, #tpu.memory_space<hbm>> -> memref<40x128xf32, #tpu.memory_space<hbm>>
      %dma_start3A_6 = arith.constant 0 : i32
      %dma_start3A_7 = arith.constant 0 : i32
      %dma_start3A_8 = tpu.memref_slice %arg7[%add3A, %dma_start3A_6, %dma_start3A_7] : memref<32x40x128xf32, #tpu.memory_space<hbm>> -> memref<1x40x128xf32, #tpu.memory_space<hbm>>
      %dma_start3A_9 = tpu.memref_squeeze %dma_start3A_8 : memref<1x40x128xf32, #tpu.memory_space<hbm>> -> memref<40x128xf32, #tpu.memory_space<hbm>>
      tpu.enqueue_dma source(%arg11 : memref<40x128xf32, #tpu.memory_space<vmem>>) target(%dma_start3A_9 : memref<40x128xf32, #tpu.memory_space<hbm>>) target_semaphore(%run_scoped3A : memref<!tpu.dma_semaphore, #tpu.memory_space<semaphore_mem>>)
      %dma_wait3A = arith.constant 0 : i32
      %dma_wait3A_10 = arith.constant 0 : i32
      %dma_wait3A_11 = tpu.memref_slice %arg7[%add3A, %dma_wait3A, %dma_wait3A_10] : memref<32x40x128xf32, #tpu.memory_space<hbm>> -> memref<1x40x128xf32, #tpu.memory_space<hbm>>
      %dma_wait3A_12 = tpu.memref_squeeze %dma_wait3A_11 : memref<1x40x128xf32, #tpu.memory_space<hbm>> -> memref<40x128xf32, #tpu.memory_space<hbm>>
      %dma_wait3A_13 = arith.constant 0 : i32
      %dma_wait3A_14 = arith.constant 0 : i32
      %dma_wait3A_15 = tpu.memref_slice %arg7[%add3A, %dma_wait3A_13, %dma_wait3A_14] : memref<32x40x128xf32, #tpu.memory_space<hbm>> -> memref<1x40x128xf32, #tpu.memory_space<hbm>>
      %dma_wait3A_16 = tpu.memref_squeeze %dma_wait3A_15 : memref<1x40x128xf32, #tpu.memory_space<hbm>> -> memref<40x128xf32, #tpu.memory_space<hbm>>
      tpu.wait_dma2 semaphore(%run_scoped3A : memref<!tpu.dma_semaphore, #tpu.memory_space<semaphore_mem>>) src(%arg11 : memref<40x128xf32, #tpu.memory_space<vmem>>) dst(%dma_wait3A_16 : memref<40x128xf32, #tpu.memory_space<hbm>>)
      tpu.yield
    }) : () -> ()
    return
  }
}

#map = affine_map<(d0, d1) -> (0, 0, 0)>
#map1 = affine_map<(d0, d1) -> (0)>
module attributes {stable_mosaic.version = 14 : i64} {
  func.func @_sc_edge_logits(%arg0: i32, %arg1: i32, %arg2: memref<32x40x128xi32, #tpu.memory_space<hbm>>, %arg3: memref<32x40x128xi32, #tpu.memory_space<hbm>>, %arg4: memref<32x40x128xf32, #tpu.memory_space<hbm>>, %arg5: memref<10000xf32, #tpu.memory_space<hbm>>, %arg6: memref<10000xf32, #tpu.memory_space<hbm>>, %arg7: memref<32x40x128xf32, #tpu.memory_space<hbm>>, %arg8: memref<40x128xi32, #tpu.memory_space<vmem>>, %arg9: memref<40x128xi32, #tpu.memory_space<vmem>>, %arg10: memref<40x128xf32, #tpu.memory_space<vmem>>, %arg11: memref<40x128xf32, #tpu.memory_space<vmem>>, %arg12: memref<10000xf32, #tpu.memory_space<vmem>>, %arg13: memref<10000xf32, #tpu.memory_space<vmem>>) attributes {dimension_semantics = [#tpu.dimension_semantics<core_parallel>, #tpu.dimension_semantics<subcore_parallel>], iteration_bounds = array<i64: 2, 16>, scalar_prefetch = 0 : i64, scratch_operands = 6 : i64, tpu.core_type = #tpu.core_type<sc_vector_subcore>, window_params = [{transform_indices = #map}, {transform_indices = #map}, {transform_indices = #map}, {transform_indices = #map1}, {transform_indices = #map1}, {transform_indices = #map}]} {
    %mul3A = arith.constant 16 : i32
    %mul3A_0 = arith.muli %arg0, %mul3A : i32
    %add3A = arith.addi %mul3A_0, %arg1 : i32
    "tpu.region"() ({
      %run_scoped3A = tpu.sem_alloc : memref<!tpu.dma_semaphore, #tpu.memory_space<semaphore_mem>>
      %dma_start3A = arith.constant 0 : i32
      %dma_start3A_3 = arith.constant 0 : i32
      %dma_start3A_4 = tpu.memref_slice %arg2[%add3A, %dma_start3A, %dma_start3A_3] : memref<32x40x128xi32, #tpu.memory_space<hbm>> -> memref<1x40x128xi32, #tpu.memory_space<hbm>>
      %dma_start3A_5 = tpu.memref_squeeze %dma_start3A_4 : memref<1x40x128xi32, #tpu.memory_space<hbm>> -> memref<40x128xi32, #tpu.memory_space<hbm>>
      %dma_start3A_6 = arith.constant 0 : i32
      %dma_start3A_7 = arith.constant 0 : i32
      %dma_start3A_8 = tpu.memref_slice %arg2[%add3A, %dma_start3A_6, %dma_start3A_7] : memref<32x40x128xi32, #tpu.memory_space<hbm>> -> memref<1x40x128xi32, #tpu.memory_space<hbm>>
      %dma_start3A_9 = tpu.memref_squeeze %dma_start3A_8 : memref<1x40x128xi32, #tpu.memory_space<hbm>> -> memref<40x128xi32, #tpu.memory_space<hbm>>
      tpu.enqueue_dma source(%dma_start3A_9 : memref<40x128xi32, #tpu.memory_space<hbm>>) target(%arg8 : memref<40x128xi32, #tpu.memory_space<vmem>>) target_semaphore(%run_scoped3A : memref<!tpu.dma_semaphore, #tpu.memory_space<semaphore_mem>>)
      %dma_wait3A = arith.constant 0 : i32
      %dma_wait3A_10 = arith.constant 0 : i32
      %dma_wait3A_11 = tpu.memref_slice %arg2[%add3A, %dma_wait3A, %dma_wait3A_10] : memref<32x40x128xi32, #tpu.memory_space<hbm>> -> memref<1x40x128xi32, #tpu.memory_space<hbm>>
      %dma_wait3A_12 = tpu.memref_squeeze %dma_wait3A_11 : memref<1x40x128xi32, #tpu.memory_space<hbm>> -> memref<40x128xi32, #tpu.memory_space<hbm>>
      %dma_wait3A_13 = arith.constant 0 : i32
      %dma_wait3A_14 = arith.constant 0 : i32
      %dma_wait3A_15 = tpu.memref_slice %arg2[%add3A, %dma_wait3A_13, %dma_wait3A_14] : memref<32x40x128xi32, #tpu.memory_space<hbm>> -> memref<1x40x128xi32, #tpu.memory_space<hbm>>
      %dma_wait3A_16 = tpu.memref_squeeze %dma_wait3A_15 : memref<1x40x128xi32, #tpu.memory_space<hbm>> -> memref<40x128xi32, #tpu.memory_space<hbm>>
      tpu.wait_dma2 semaphore(%run_scoped3A : memref<!tpu.dma_semaphore, #tpu.memory_space<semaphore_mem>>) src(%dma_wait3A_16 : memref<40x128xi32, #tpu.memory_space<hbm>>) dst(%arg8 : memref<40x128xi32, #tpu.memory_space<vmem>>)
      tpu.yield
    }) : () -> ()
    "tpu.region"() ({
      %run_scoped3A = tpu.sem_alloc : memref<!tpu.dma_semaphore, #tpu.memory_space<semaphore_mem>>
      %dma_start3A = arith.constant 0 : i32
      %dma_start3A_3 = arith.constant 0 : i32
      %dma_start3A_4 = tpu.memref_slice %arg3[%add3A, %dma_start3A, %dma_start3A_3] : memref<32x40x128xi32, #tpu.memory_space<hbm>> -> memref<1x40x128xi32, #tpu.memory_space<hbm>>
      %dma_start3A_5 = tpu.memref_squeeze %dma_start3A_4 : memref<1x40x128xi32, #tpu.memory_space<hbm>> -> memref<40x128xi32, #tpu.memory_space<hbm>>
      %dma_start3A_6 = arith.constant 0 : i32
      %dma_start3A_7 = arith.constant 0 : i32
      %dma_start3A_8 = tpu.memref_slice %arg3[%add3A, %dma_start3A_6, %dma_start3A_7] : memref<32x40x128xi32, #tpu.memory_space<hbm>> -> memref<1x40x128xi32, #tpu.memory_space<hbm>>
      %dma_start3A_9 = tpu.memref_squeeze %dma_start3A_8 : memref<1x40x128xi32, #tpu.memory_space<hbm>> -> memref<40x128xi32, #tpu.memory_space<hbm>>
      tpu.enqueue_dma source(%dma_start3A_9 : memref<40x128xi32, #tpu.memory_space<hbm>>) target(%arg9 : memref<40x128xi32, #tpu.memory_space<vmem>>) target_semaphore(%run_scoped3A : memref<!tpu.dma_semaphore, #tpu.memory_space<semaphore_mem>>)
      %dma_wait3A = arith.constant 0 : i32
      %dma_wait3A_10 = arith.constant 0 : i32
      %dma_wait3A_11 = tpu.memref_slice %arg3[%add3A, %dma_wait3A, %dma_wait3A_10] : memref<32x40x128xi32, #tpu.memory_space<hbm>> -> memref<1x40x128xi32, #tpu.memory_space<hbm>>
      %dma_wait3A_12 = tpu.memref_squeeze %dma_wait3A_11 : memref<1x40x128xi32, #tpu.memory_space<hbm>> -> memref<40x128xi32, #tpu.memory_space<hbm>>
      %dma_wait3A_13 = arith.constant 0 : i32
      %dma_wait3A_14 = arith.constant 0 : i32
      %dma_wait3A_15 = tpu.memref_slice %arg3[%add3A, %dma_wait3A_13, %dma_wait3A_14] : memref<32x40x128xi32, #tpu.memory_space<hbm>> -> memref<1x40x128xi32, #tpu.memory_space<hbm>>
      %dma_wait3A_16 = tpu.memref_squeeze %dma_wait3A_15 : memref<1x40x128xi32, #tpu.memory_space<hbm>> -> memref<40x128xi32, #tpu.memory_space<hbm>>
      tpu.wait_dma2 semaphore(%run_scoped3A : memref<!tpu.dma_semaphore, #tpu.memory_space<semaphore_mem>>) src(%dma_wait3A_16 : memref<40x128xi32, #tpu.memory_space<hbm>>) dst(%arg9 : memref<40x128xi32, #tpu.memory_space<vmem>>)
      tpu.yield
    }) : () -> ()
    "tpu.region"() ({
      %run_scoped3A = tpu.sem_alloc : memref<!tpu.dma_semaphore, #tpu.memory_space<semaphore_mem>>
      %dma_start3A = arith.constant 0 : i32
      %dma_start3A_3 = arith.constant 0 : i32
      %dma_start3A_4 = tpu.memref_slice %arg4[%add3A, %dma_start3A, %dma_start3A_3] : memref<32x40x128xf32, #tpu.memory_space<hbm>> -> memref<1x40x128xf32, #tpu.memory_space<hbm>>
      %dma_start3A_5 = tpu.memref_squeeze %dma_start3A_4 : memref<1x40x128xf32, #tpu.memory_space<hbm>> -> memref<40x128xf32, #tpu.memory_space<hbm>>
      %dma_start3A_6 = arith.constant 0 : i32
      %dma_start3A_7 = arith.constant 0 : i32
      %dma_start3A_8 = tpu.memref_slice %arg4[%add3A, %dma_start3A_6, %dma_start3A_7] : memref<32x40x128xf32, #tpu.memory_space<hbm>> -> memref<1x40x128xf32, #tpu.memory_space<hbm>>
      %dma_start3A_9 = tpu.memref_squeeze %dma_start3A_8 : memref<1x40x128xf32, #tpu.memory_space<hbm>> -> memref<40x128xf32, #tpu.memory_space<hbm>>
      tpu.enqueue_dma source(%dma_start3A_9 : memref<40x128xf32, #tpu.memory_space<hbm>>) target(%arg10 : memref<40x128xf32, #tpu.memory_space<vmem>>) target_semaphore(%run_scoped3A : memref<!tpu.dma_semaphore, #tpu.memory_space<semaphore_mem>>)
      %dma_wait3A = arith.constant 0 : i32
      %dma_wait3A_10 = arith.constant 0 : i32
      %dma_wait3A_11 = tpu.memref_slice %arg4[%add3A, %dma_wait3A, %dma_wait3A_10] : memref<32x40x128xf32, #tpu.memory_space<hbm>> -> memref<1x40x128xf32, #tpu.memory_space<hbm>>
      %dma_wait3A_12 = tpu.memref_squeeze %dma_wait3A_11 : memref<1x40x128xf32, #tpu.memory_space<hbm>> -> memref<40x128xf32, #tpu.memory_space<hbm>>
      %dma_wait3A_13 = arith.constant 0 : i32
      %dma_wait3A_14 = arith.constant 0 : i32
      %dma_wait3A_15 = tpu.memref_slice %arg4[%add3A, %dma_wait3A_13, %dma_wait3A_14] : memref<32x40x128xf32, #tpu.memory_space<hbm>> -> memref<1x40x128xf32, #tpu.memory_space<hbm>>
      %dma_wait3A_16 = tpu.memref_squeeze %dma_wait3A_15 : memref<1x40x128xf32, #tpu.memory_space<hbm>> -> memref<40x128xf32, #tpu.memory_space<hbm>>
      tpu.wait_dma2 semaphore(%run_scoped3A : memref<!tpu.dma_semaphore, #tpu.memory_space<semaphore_mem>>) src(%dma_wait3A_16 : memref<40x128xf32, #tpu.memory_space<hbm>>) dst(%arg10 : memref<40x128xf32, #tpu.memory_space<vmem>>)
      tpu.yield
    }) : () -> ()
    "tpu.region"() ({
      %run_scoped3A = tpu.sem_alloc : memref<!tpu.dma_semaphore, #tpu.memory_space<semaphore_mem>>
      tpu.enqueue_dma source(%arg5 : memref<10000xf32, #tpu.memory_space<hbm>>) target(%arg12 : memref<10000xf32, #tpu.memory_space<vmem>>) target_semaphore(%run_scoped3A : memref<!tpu.dma_semaphore, #tpu.memory_space<semaphore_mem>>)
      tpu.wait_dma2 semaphore(%run_scoped3A : memref<!tpu.dma_semaphore, #tpu.memory_space<semaphore_mem>>) src(%arg5 : memref<10000xf32, #tpu.memory_space<hbm>>) dst(%arg12 : memref<10000xf32, #tpu.memory_space<vmem>>)
      tpu.yield
    }) : () -> ()
    "tpu.region"() ({
      %run_scoped3A = tpu.sem_alloc : memref<!tpu.dma_semaphore, #tpu.memory_space<semaphore_mem>>
      tpu.enqueue_dma source(%arg6 : memref<10000xf32, #tpu.memory_space<hbm>>) target(%arg13 : memref<10000xf32, #tpu.memory_space<vmem>>) target_semaphore(%run_scoped3A : memref<!tpu.dma_semaphore, #tpu.memory_space<semaphore_mem>>)
      tpu.wait_dma2 semaphore(%run_scoped3A : memref<!tpu.dma_semaphore, #tpu.memory_space<semaphore_mem>>) src(%arg6 : memref<10000xf32, #tpu.memory_space<hbm>>) dst(%arg13 : memref<10000xf32, #tpu.memory_space<vmem>>)
      tpu.yield
    }) : () -> ()
    %parallel_loop3A = arith.constant 0 : i32
    %parallel_loop3A_1 = arith.constant 40 : i32
    %parallel_loop3A_2 = arith.constant 1 : i32
    scf.for %parallel_loop3A_3 = %parallel_loop3A to %parallel_loop3A_1 step %parallel_loop3A_2  : i32 {
    } {sc.loop_unroll_factor = 2 : i64, sc.parallel_access}
    "tpu.region"() ({
      %run_scoped3A = tpu.sem_alloc : memref<!tpu.dma_semaphore, #tpu.memory_space<semaphore_mem>>
      %dma_start3A = arith.constant 0 : i32
      %dma_start3A_3 = arith.constant 0 : i32
      %dma_start3A_4 = tpu.memref_slice %arg7[%add3A, %dma_start3A, %dma_start3A_3] : memref<32x40x128xf32, #tpu.memory_space<hbm>> -> memref<1x40x128xf32, #tpu.memory_space<hbm>>
      %dma_start3A_5 = tpu.memref_squeeze %dma_start3A_4 : memref<1x40x128xf32, #tpu.memory_space<hbm>> -> memref<40x128xf32, #tpu.memory_space<hbm>>
      %dma_start3A_6 = arith.constant 0 : i32
      %dma_start3A_7 = arith.constant 0 : i32
      %dma_start3A_8 = tpu.memref_slice %arg7[%add3A, %dma_start3A_6, %dma_start3A_7] : memref<32x40x128xf32, #tpu.memory_space<hbm>> -> memref<1x40x128xf32, #tpu.memory_space<hbm>>
      %dma_start3A_9 = tpu.memref_squeeze %dma_start3A_8 : memref<1x40x128xf32, #tpu.memory_space<hbm>> -> memref<40x128xf32, #tpu.memory_space<hbm>>
      tpu.enqueue_dma source(%arg11 : memref<40x128xf32, #tpu.memory_space<vmem>>) target(%dma_start3A_9 : memref<40x128xf32, #tpu.memory_space<hbm>>) target_semaphore(%run_scoped3A : memref<!tpu.dma_semaphore, #tpu.memory_space<semaphore_mem>>)
      %dma_wait3A = arith.constant 0 : i32
      %dma_wait3A_10 = arith.constant 0 : i32
      %dma_wait3A_11 = tpu.memref_slice %arg7[%add3A, %dma_wait3A, %dma_wait3A_10] : memref<32x40x128xf32, #tpu.memory_space<hbm>> -> memref<1x40x128xf32, #tpu.memory_space<hbm>>
      %dma_wait3A_12 = tpu.memref_squeeze %dma_wait3A_11 : memref<1x40x128xf32, #tpu.memory_space<hbm>> -> memref<40x128xf32, #tpu.memory_space<hbm>>
      %dma_wait3A_13 = arith.constant 0 : i32
      %dma_wait3A_14 = arith.constant 0 : i32
      %dma_wait3A_15 = tpu.memref_slice %arg7[%add3A, %dma_wait3A_13, %dma_wait3A_14] : memref<32x40x128xf32, #tpu.memory_space<hbm>> -> memref<1x40x128xf32, #tpu.memory_space<hbm>>
      %dma_wait3A_16 = tpu.memref_squeeze %dma_wait3A_15 : memref<1x40x128xf32, #tpu.memory_space<hbm>> -> memref<40x128xf32, #tpu.memory_space<hbm>>
      tpu.wait_dma2 semaphore(%run_scoped3A : memref<!tpu.dma_semaphore, #tpu.memory_space<semaphore_mem>>) src(%arg11 : memref<40x128xf32, #tpu.memory_space<vmem>>) dst(%dma_wait3A_16 : memref<40x128xf32, #tpu.memory_space<hbm>>)
      tpu.yield
    }) : () -> ()
    return
  }
}

#map = affine_map<(d0, d1) -> (0, 0, 0)>
#map1 = affine_map<(d0, d1) -> (0)>
module attributes {stable_mosaic.version = 14 : i64} {
  func.func @_sc_edge_logits(%arg0: i32, %arg1: i32, %arg2: memref<32x40x128xi32, #tpu.memory_space<hbm>>, %arg3: memref<32x40x128xi32, #tpu.memory_space<hbm>>, %arg4: memref<32x40x128xf32, #tpu.memory_space<hbm>>, %arg5: memref<10000xf32, #tpu.memory_space<hbm>>, %arg6: memref<10000xf32, #tpu.memory_space<hbm>>, %arg7: memref<32x40x128xf32, #tpu.memory_space<hbm>>, %arg8: memref<40x128xi32, #tpu.memory_space<vmem>>, %arg9: memref<40x128xi32, #tpu.memory_space<vmem>>, %arg10: memref<40x128xf32, #tpu.memory_space<vmem>>, %arg11: memref<40x128xf32, #tpu.memory_space<vmem>>, %arg12: memref<10000xf32, #tpu.memory_space<vmem>>, %arg13: memref<10000xf32, #tpu.memory_space<vmem>>) attributes {dimension_semantics = [#tpu.dimension_semantics<core_parallel>, #tpu.dimension_semantics<subcore_parallel>], iteration_bounds = array<i64: 2, 16>, scalar_prefetch = 0 : i64, scratch_operands = 6 : i64, tpu.core_type = #tpu.core_type<sc_vector_subcore>, window_params = [{transform_indices = #map}, {transform_indices = #map}, {transform_indices = #map}, {transform_indices = #map1}, {transform_indices = #map1}, {transform_indices = #map}]} {
    %mul3A = arith.constant 16 : i32
    %mul3A_0 = arith.muli %arg0, %mul3A : i32
    %add3A = arith.addi %mul3A_0, %arg1 : i32
    "tpu.region"() ({
      %run_scoped3A = tpu.sem_alloc : memref<!tpu.dma_semaphore, #tpu.memory_space<semaphore_mem>>
      %dma_start3A = arith.constant 0 : i32
      %dma_start3A_3 = arith.constant 0 : i32
      %dma_start3A_4 = tpu.memref_slice %arg2[%add3A, %dma_start3A, %dma_start3A_3] : memref<32x40x128xi32, #tpu.memory_space<hbm>> -> memref<1x40x128xi32, #tpu.memory_space<hbm>>
      %dma_start3A_5 = tpu.memref_squeeze %dma_start3A_4 : memref<1x40x128xi32, #tpu.memory_space<hbm>> -> memref<40x128xi32, #tpu.memory_space<hbm>>
      %dma_start3A_6 = arith.constant 0 : i32
      %dma_start3A_7 = arith.constant 0 : i32
      %dma_start3A_8 = tpu.memref_slice %arg2[%add3A, %dma_start3A_6, %dma_start3A_7] : memref<32x40x128xi32, #tpu.memory_space<hbm>> -> memref<1x40x128xi32, #tpu.memory_space<hbm>>
      %dma_start3A_9 = tpu.memref_squeeze %dma_start3A_8 : memref<1x40x128xi32, #tpu.memory_space<hbm>> -> memref<40x128xi32, #tpu.memory_space<hbm>>
      tpu.enqueue_dma source(%dma_start3A_9 : memref<40x128xi32, #tpu.memory_space<hbm>>) target(%arg8 : memref<40x128xi32, #tpu.memory_space<vmem>>) target_semaphore(%run_scoped3A : memref<!tpu.dma_semaphore, #tpu.memory_space<semaphore_mem>>)
      %dma_wait3A = arith.constant 0 : i32
      %dma_wait3A_10 = arith.constant 0 : i32
      %dma_wait3A_11 = tpu.memref_slice %arg2[%add3A, %dma_wait3A, %dma_wait3A_10] : memref<32x40x128xi32, #tpu.memory_space<hbm>> -> memref<1x40x128xi32, #tpu.memory_space<hbm>>
      %dma_wait3A_12 = tpu.memref_squeeze %dma_wait3A_11 : memref<1x40x128xi32, #tpu.memory_space<hbm>> -> memref<40x128xi32, #tpu.memory_space<hbm>>
      %dma_wait3A_13 = arith.constant 0 : i32
      %dma_wait3A_14 = arith.constant 0 : i32
      %dma_wait3A_15 = tpu.memref_slice %arg2[%add3A, %dma_wait3A_13, %dma_wait3A_14] : memref<32x40x128xi32, #tpu.memory_space<hbm>> -> memref<1x40x128xi32, #tpu.memory_space<hbm>>
      %dma_wait3A_16 = tpu.memref_squeeze %dma_wait3A_15 : memref<1x40x128xi32, #tpu.memory_space<hbm>> -> memref<40x128xi32, #tpu.memory_space<hbm>>
      tpu.wait_dma2 semaphore(%run_scoped3A : memref<!tpu.dma_semaphore, #tpu.memory_space<semaphore_mem>>) src(%dma_wait3A_16 : memref<40x128xi32, #tpu.memory_space<hbm>>) dst(%arg8 : memref<40x128xi32, #tpu.memory_space<vmem>>)
      tpu.yield
    }) : () -> ()
    "tpu.region"() ({
      %run_scoped3A = tpu.sem_alloc : memref<!tpu.dma_semaphore, #tpu.memory_space<semaphore_mem>>
      %dma_start3A = arith.constant 0 : i32
      %dma_start3A_3 = arith.constant 0 : i32
      %dma_start3A_4 = tpu.memref_slice %arg3[%add3A, %dma_start3A, %dma_start3A_3] : memref<32x40x128xi32, #tpu.memory_space<hbm>> -> memref<1x40x128xi32, #tpu.memory_space<hbm>>
      %dma_start3A_5 = tpu.memref_squeeze %dma_start3A_4 : memref<1x40x128xi32, #tpu.memory_space<hbm>> -> memref<40x128xi32, #tpu.memory_space<hbm>>
      %dma_start3A_6 = arith.constant 0 : i32
      %dma_start3A_7 = arith.constant 0 : i32
      %dma_start3A_8 = tpu.memref_slice %arg3[%add3A, %dma_start3A_6, %dma_start3A_7] : memref<32x40x128xi32, #tpu.memory_space<hbm>> -> memref<1x40x128xi32, #tpu.memory_space<hbm>>
      %dma_start3A_9 = tpu.memref_squeeze %dma_start3A_8 : memref<1x40x128xi32, #tpu.memory_space<hbm>> -> memref<40x128xi32, #tpu.memory_space<hbm>>
      tpu.enqueue_dma source(%dma_start3A_9 : memref<40x128xi32, #tpu.memory_space<hbm>>) target(%arg9 : memref<40x128xi32, #tpu.memory_space<vmem>>) target_semaphore(%run_scoped3A : memref<!tpu.dma_semaphore, #tpu.memory_space<semaphore_mem>>)
      %dma_wait3A = arith.constant 0 : i32
      %dma_wait3A_10 = arith.constant 0 : i32
      %dma_wait3A_11 = tpu.memref_slice %arg3[%add3A, %dma_wait3A, %dma_wait3A_10] : memref<32x40x128xi32, #tpu.memory_space<hbm>> -> memref<1x40x128xi32, #tpu.memory_space<hbm>>
      %dma_wait3A_12 = tpu.memref_squeeze %dma_wait3A_11 : memref<1x40x128xi32, #tpu.memory_space<hbm>> -> memref<40x128xi32, #tpu.memory_space<hbm>>
      %dma_wait3A_13 = arith.constant 0 : i32
      %dma_wait3A_14 = arith.constant 0 : i32
      %dma_wait3A_15 = tpu.memref_slice %arg3[%add3A, %dma_wait3A_13, %dma_wait3A_14] : memref<32x40x128xi32, #tpu.memory_space<hbm>> -> memref<1x40x128xi32, #tpu.memory_space<hbm>>
      %dma_wait3A_16 = tpu.memref_squeeze %dma_wait3A_15 : memref<1x40x128xi32, #tpu.memory_space<hbm>> -> memref<40x128xi32, #tpu.memory_space<hbm>>
      tpu.wait_dma2 semaphore(%run_scoped3A : memref<!tpu.dma_semaphore, #tpu.memory_space<semaphore_mem>>) src(%dma_wait3A_16 : memref<40x128xi32, #tpu.memory_space<hbm>>) dst(%arg9 : memref<40x128xi32, #tpu.memory_space<vmem>>)
      tpu.yield
    }) : () -> ()
    "tpu.region"() ({
      %run_scoped3A = tpu.sem_alloc : memref<!tpu.dma_semaphore, #tpu.memory_space<semaphore_mem>>
      %dma_start3A = arith.constant 0 : i32
      %dma_start3A_3 = arith.constant 0 : i32
      %dma_start3A_4 = tpu.memref_slice %arg4[%add3A, %dma_start3A, %dma_start3A_3] : memref<32x40x128xf32, #tpu.memory_space<hbm>> -> memref<1x40x128xf32, #tpu.memory_space<hbm>>
      %dma_start3A_5 = tpu.memref_squeeze %dma_start3A_4 : memref<1x40x128xf32, #tpu.memory_space<hbm>> -> memref<40x128xf32, #tpu.memory_space<hbm>>
      %dma_start3A_6 = arith.constant 0 : i32
      %dma_start3A_7 = arith.constant 0 : i32
      %dma_start3A_8 = tpu.memref_slice %arg4[%add3A, %dma_start3A_6, %dma_start3A_7] : memref<32x40x128xf32, #tpu.memory_space<hbm>> -> memref<1x40x128xf32, #tpu.memory_space<hbm>>
      %dma_start3A_9 = tpu.memref_squeeze %dma_start3A_8 : memref<1x40x128xf32, #tpu.memory_space<hbm>> -> memref<40x128xf32, #tpu.memory_space<hbm>>
      tpu.enqueue_dma source(%dma_start3A_9 : memref<40x128xf32, #tpu.memory_space<hbm>>) target(%arg10 : memref<40x128xf32, #tpu.memory_space<vmem>>) target_semaphore(%run_scoped3A : memref<!tpu.dma_semaphore, #tpu.memory_space<semaphore_mem>>)
      %dma_wait3A = arith.constant 0 : i32
      %dma_wait3A_10 = arith.constant 0 : i32
      %dma_wait3A_11 = tpu.memref_slice %arg4[%add3A, %dma_wait3A, %dma_wait3A_10] : memref<32x40x128xf32, #tpu.memory_space<hbm>> -> memref<1x40x128xf32, #tpu.memory_space<hbm>>
      %dma_wait3A_12 = tpu.memref_squeeze %dma_wait3A_11 : memref<1x40x128xf32, #tpu.memory_space<hbm>> -> memref<40x128xf32, #tpu.memory_space<hbm>>
      %dma_wait3A_13 = arith.constant 0 : i32
      %dma_wait3A_14 = arith.constant 0 : i32
      %dma_wait3A_15 = tpu.memref_slice %arg4[%add3A, %dma_wait3A_13, %dma_wait3A_14] : memref<32x40x128xf32, #tpu.memory_space<hbm>> -> memref<1x40x128xf32, #tpu.memory_space<hbm>>
      %dma_wait3A_16 = tpu.memref_squeeze %dma_wait3A_15 : memref<1x40x128xf32, #tpu.memory_space<hbm>> -> memref<40x128xf32, #tpu.memory_space<hbm>>
      tpu.wait_dma2 semaphore(%run_scoped3A : memref<!tpu.dma_semaphore, #tpu.memory_space<semaphore_mem>>) src(%dma_wait3A_16 : memref<40x128xf32, #tpu.memory_space<hbm>>) dst(%arg10 : memref<40x128xf32, #tpu.memory_space<vmem>>)
      tpu.yield
    }) : () -> ()
    "tpu.region"() ({
      %run_scoped3A = tpu.sem_alloc : memref<!tpu.dma_semaphore, #tpu.memory_space<semaphore_mem>>
      tpu.enqueue_dma source(%arg5 : memref<10000xf32, #tpu.memory_space<hbm>>) target(%arg12 : memref<10000xf32, #tpu.memory_space<vmem>>) target_semaphore(%run_scoped3A : memref<!tpu.dma_semaphore, #tpu.memory_space<semaphore_mem>>)
      tpu.wait_dma2 semaphore(%run_scoped3A : memref<!tpu.dma_semaphore, #tpu.memory_space<semaphore_mem>>) src(%arg5 : memref<10000xf32, #tpu.memory_space<hbm>>) dst(%arg12 : memref<10000xf32, #tpu.memory_space<vmem>>)
      tpu.yield
    }) : () -> ()
    "tpu.region"() ({
      %run_scoped3A = tpu.sem_alloc : memref<!tpu.dma_semaphore, #tpu.memory_space<semaphore_mem>>
      tpu.enqueue_dma source(%arg6 : memref<10000xf32, #tpu.memory_space<hbm>>) target(%arg13 : memref<10000xf32, #tpu.memory_space<vmem>>) target_semaphore(%run_scoped3A : memref<!tpu.dma_semaphore, #tpu.memory_space<semaphore_mem>>)
      tpu.wait_dma2 semaphore(%run_scoped3A : memref<!tpu.dma_semaphore, #tpu.memory_space<semaphore_mem>>) src(%arg6 : memref<10000xf32, #tpu.memory_space<hbm>>) dst(%arg13 : memref<10000xf32, #tpu.memory_space<vmem>>)
      tpu.yield
    }) : () -> ()
    %parallel_loop3A = arith.constant 0 : i32
    %parallel_loop3A_1 = arith.constant 40 : i32
    %parallel_loop3A_2 = arith.constant 1 : i32
    scf.for %parallel_loop3A_3 = %parallel_loop3A to %parallel_loop3A_1 step %parallel_loop3A_2  : i32 {
    } {sc.loop_unroll_factor = 2 : i64, sc.parallel_access}
    "tpu.region"() ({
      %run_scoped3A = tpu.sem_alloc : memref<!tpu.dma_semaphore, #tpu.memory_space<semaphore_mem>>
      %dma_start3A = arith.constant 0 : i32
      %dma_start3A_3 = arith.constant 0 : i32
      %dma_start3A_4 = tpu.memref_slice %arg7[%add3A, %dma_start3A, %dma_start3A_3] : memref<32x40x128xf32, #tpu.memory_space<hbm>> -> memref<1x40x128xf32, #tpu.memory_space<hbm>>
      %dma_start3A_5 = tpu.memref_squeeze %dma_start3A_4 : memref<1x40x128xf32, #tpu.memory_space<hbm>> -> memref<40x128xf32, #tpu.memory_space<hbm>>
      %dma_start3A_6 = arith.constant 0 : i32
      %dma_start3A_7 = arith.constant 0 : i32
      %dma_start3A_8 = tpu.memref_slice %arg7[%add3A, %dma_start3A_6, %dma_start3A_7] : memref<32x40x128xf32, #tpu.memory_space<hbm>> -> memref<1x40x128xf32, #tpu.memory_space<hbm>>
      %dma_start3A_9 = tpu.memref_squeeze %dma_start3A_8 : memref<1x40x128xf32, #tpu.memory_space<hbm>> -> memref<40x128xf32, #tpu.memory_space<hbm>>
      tpu.enqueue_dma source(%arg11 : memref<40x128xf32, #tpu.memory_space<vmem>>) target(%dma_start3A_9 : memref<40x128xf32, #tpu.memory_space<hbm>>) target_semaphore(%run_scoped3A : memref<!tpu.dma_semaphore, #tpu.memory_space<semaphore_mem>>)
      %dma_wait3A = arith.constant 0 : i32
      %dma_wait3A_10 = arith.constant 0 : i32
      %dma_wait3A_11 = tpu.memref_slice %arg7[%add3A, %dma_wait3A, %dma_wait3A_10] : memref<32x40x128xf32, #tpu.memory_space<hbm>> -> memref<1x40x128xf32, #tpu.memory_space<hbm>>
      %dma_wait3A_12 = tpu.memref_squeeze %dma_wait3A_11 : memref<1x40x128xf32, #tpu.memory_space<hbm>> -> memref<40x128xf32, #tpu.memory_space<hbm>>
      %dma_wait3A_13 = arith.constant 0 : i32
      %dma_wait3A_14 = arith.constant 0 : i32
      %dma_wait3A_15 = tpu.memref_slice %arg7[%add3A, %dma_wait3A_13, %dma_wait3A_14] : memref<32x40x128xf32, #tpu.memory_space<hbm>> -> memref<1x40x128xf32, #tpu.memory_space<hbm>>
      %dma_wait3A_16 = tpu.memref_squeeze %dma_wait3A_15 : memref<1x40x128xf32, #tpu.memory_space<hbm>> -> memref<40x128xf32, #tpu.memory_space<hbm>>
      tpu.wait_dma2 semaphore(%run_scoped3A : memref<!tpu.dma_semaphore, #tpu.memory_space<semaphore_mem>>) src(%arg11 : memref<40x128xf32, #tpu.memory_space<vmem>>) dst(%dma_wait3A_16 : memref<40x128xf32, #tpu.memory_space<hbm>>)
      tpu.yield
    }) : () -> ()
    return
  }
}

#map = affine_map<(d0, d1) -> (0, 0, 0)>
#map1 = affine_map<(d0, d1) -> (0, 0)>
module attributes {stable_mosaic.version = 14 : i64} {
  func.func @_sc_aggregate(%arg0: i32, %arg1: i32, %arg2: memref<32x80x64xi32, #tpu.memory_space<hbm>>, %arg3: memref<32x80x64xi32, #tpu.memory_space<hbm>>, %arg4: memref<32x40x128xf32, #tpu.memory_space<hbm>>, %arg5: memref<10000x144xf32, #tpu.memory_space<hbm>>, %arg6: memref<2x10000x144xf32, #tpu.memory_space<hbm>>, %arg7: memref<80x64xi32, #tpu.memory_space<vmem>>, %arg8: memref<80x64xi32, #tpu.memory_space<vmem>>, %arg9: memref<40x128xf32, #tpu.memory_space<vmem>>, %arg10: memref<64x144xf32, #tpu.memory_space<vmem>>, %arg11: memref<64x144xf32, #tpu.memory_space<vmem>>, %arg12: memref<10000x144xf32, #tpu.memory_space<vmem_shared>>, %arg13: memref<!tpu.dma_semaphore, #tpu.memory_space<semaphore_mem>>, %arg14: memref<!tpu.dma_semaphore, #tpu.memory_space<semaphore_mem>>) attributes {dimension_semantics = [#tpu.dimension_semantics<core_parallel>, #tpu.dimension_semantics<subcore_parallel>], iteration_bounds = array<i64: 2, 16>, scalar_prefetch = 0 : i64, scratch_operands = 8 : i64, tpu.core_type = #tpu.core_type<sc_vector_subcore>, window_params = [{transform_indices = #map}, {transform_indices = #map}, {transform_indices = #map}, {transform_indices = #map1}, {transform_indices = #map}]} {
    %mul3A = arith.constant 16 : i32
    %mul3A_0 = arith.muli %arg0, %mul3A : i32
    %add3A = arith.addi %mul3A_0, %arg1 : i32
    "tpu.region"() ({
      %run_scoped3A = tpu.sem_alloc : memref<!tpu.dma_semaphore, #tpu.memory_space<semaphore_mem>>
      %dma_start3A_64 = arith.constant 0 : i32
      %dma_start3A_65 = arith.constant 0 : i32
      %dma_start3A_66 = tpu.memref_slice %arg2[%add3A, %dma_start3A_64, %dma_start3A_65] : memref<32x80x64xi32, #tpu.memory_space<hbm>> -> memref<1x80x64xi32, #tpu.memory_space<hbm>>
      %dma_start3A_67 = tpu.memref_squeeze %dma_start3A_66 : memref<1x80x64xi32, #tpu.memory_space<hbm>> -> memref<80x64xi32, #tpu.memory_space<hbm>>
      %dma_start3A_68 = arith.constant 0 : i32
      %dma_start3A_69 = arith.constant 0 : i32
      %dma_start3A_70 = tpu.memref_slice %arg2[%add3A, %dma_start3A_68, %dma_start3A_69] : memref<32x80x64xi32, #tpu.memory_space<hbm>> -> memref<1x80x64xi32, #tpu.memory_space<hbm>>
      %dma_start3A_71 = tpu.memref_squeeze %dma_start3A_70 : memref<1x80x64xi32, #tpu.memory_space<hbm>> -> memref<80x64xi32, #tpu.memory_space<hbm>>
      tpu.enqueue_dma source(%dma_start3A_71 : memref<80x64xi32, #tpu.memory_space<hbm>>) target(%arg7 : memref<80x64xi32, #tpu.memory_space<vmem>>) target_semaphore(%run_scoped3A : memref<!tpu.dma_semaphore, #tpu.memory_space<semaphore_mem>>)
      %dma_wait3A = arith.constant 0 : i32
      %dma_wait3A_72 = arith.constant 0 : i32
      %dma_wait3A_73 = tpu.memref_slice %arg2[%add3A, %dma_wait3A, %dma_wait3A_72] : memref<32x80x64xi32, #tpu.memory_space<hbm>> -> memref<1x80x64xi32, #tpu.memory_space<hbm>>
      %dma_wait3A_74 = tpu.memref_squeeze %dma_wait3A_73 : memref<1x80x64xi32, #tpu.memory_space<hbm>> -> memref<80x64xi32, #tpu.memory_space<hbm>>
      %dma_wait3A_75 = arith.constant 0 : i32
      %dma_wait3A_76 = arith.constant 0 : i32
      %dma_wait3A_77 = tpu.memref_slice %arg2[%add3A, %dma_wait3A_75, %dma_wait3A_76] : memref<32x80x64xi32, #tpu.memory_space<hbm>> -> memref<1x80x64xi32, #tpu.memory_space<hbm>>
      %dma_wait3A_78 = tpu.memref_squeeze %dma_wait3A_77 : memref<1x80x64xi32, #tpu.memory_space<hbm>> -> memref<80x64xi32, #tpu.memory_space<hbm>>
      tpu.wait_dma2 semaphore(%run_scoped3A : memref<!tpu.dma_semaphore, #tpu.memory_space<semaphore_mem>>) src(%dma_wait3A_78 : memref<80x64xi32, #tpu.memory_space<hbm>>) dst(%arg7 : memref<80x64xi32, #tpu.memory_space<vmem>>)
      tpu.yield
    }) : () -> ()
    "tpu.region"() ({
      %run_scoped3A = tpu.sem_alloc : memref<!tpu.dma_semaphore, #tpu.memory_space<semaphore_mem>>
      %dma_start3A_64 = arith.constant 0 : i32
      %dma_start3A_65 = arith.constant 0 : i32
      %dma_start3A_66 = tpu.memref_slice %arg3[%add3A, %dma_start3A_64, %dma_start3A_65] : memref<32x80x64xi32, #tpu.memory_space<hbm>> -> memref<1x80x64xi32, #tpu.memory_space<hbm>>
      %dma_start3A_67 = tpu.memref_squeeze %dma_start3A_66 : memref<1x80x64xi32, #tpu.memory_space<hbm>> -> memref<80x64xi32, #tpu.memory_space<hbm>>
      %dma_start3A_68 = arith.constant 0 : i32
      %dma_start3A_69 = arith.constant 0 : i32
      %dma_start3A_70 = tpu.memref_slice %arg3[%add3A, %dma_start3A_68, %dma_start3A_69] : memref<32x80x64xi32, #tpu.memory_space<hbm>> -> memref<1x80x64xi32, #tpu.memory_space<hbm>>
      %dma_start3A_71 = tpu.memref_squeeze %dma_start3A_70 : memref<1x80x64xi32, #tpu.memory_space<hbm>> -> memref<80x64xi32, #tpu.memory_space<hbm>>
      tpu.enqueue_dma source(%dma_start3A_71 : memref<80x64xi32, #tpu.memory_space<hbm>>) target(%arg8 : memref<80x64xi32, #tpu.memory_space<vmem>>) target_semaphore(%run_scoped3A : memref<!tpu.dma_semaphore, #tpu.memory_space<semaphore_mem>>)
      %dma_wait3A = arith.constant 0 : i32
      %dma_wait3A_72 = arith.constant 0 : i32
      %dma_wait3A_73 = tpu.memref_slice %arg3[%add3A, %dma_wait3A, %dma_wait3A_72] : memref<32x80x64xi32, #tpu.memory_space<hbm>> -> memref<1x80x64xi32, #tpu.memory_space<hbm>>
      %dma_wait3A_74 = tpu.memref_squeeze %dma_wait3A_73 : memref<1x80x64xi32, #tpu.memory_space<hbm>> -> memref<80x64xi32, #tpu.memory_space<hbm>>
      %dma_wait3A_75 = arith.constant 0 : i32
      %dma_wait3A_76 = arith.constant 0 : i32
      %dma_wait3A_77 = tpu.memref_slice %arg3[%add3A, %dma_wait3A_75, %dma_wait3A_76] : memref<32x80x64xi32, #tpu.memory_space<hbm>> -> memref<1x80x64xi32, #tpu.memory_space<hbm>>
      %dma_wait3A_78 = tpu.memref_squeeze %dma_wait3A_77 : memref<1x80x64xi32, #tpu.memory_space<hbm>> -> memref<80x64xi32, #tpu.memory_space<hbm>>
      tpu.wait_dma2 semaphore(%run_scoped3A : memref<!tpu.dma_semaphore, #tpu.memory_space<semaphore_mem>>) src(%dma_wait3A_78 : memref<80x64xi32, #tpu.memory_space<hbm>>) dst(%arg8 : memref<80x64xi32, #tpu.memory_space<vmem>>)
      tpu.yield
    }) : () -> ()
    "tpu.region"() ({
      %run_scoped3A = tpu.sem_alloc : memref<!tpu.dma_semaphore, #tpu.memory_space<semaphore_mem>>
      %dma_start3A_64 = arith.constant 0 : i32
      %dma_start3A_65 = arith.constant 0 : i32
      %dma_start3A_66 = tpu.memref_slice %arg4[%add3A, %dma_start3A_64, %dma_start3A_65] : memref<32x40x128xf32, #tpu.memory_space<hbm>> -> memref<1x40x128xf32, #tpu.memory_space<hbm>>
      %dma_start3A_67 = tpu.memref_squeeze %dma_start3A_66 : memref<1x40x128xf32, #tpu.memory_space<hbm>> -> memref<40x128xf32, #tpu.memory_space<hbm>>
      %dma_start3A_68 = arith.constant 0 : i32
      %dma_start3A_69 = arith.constant 0 : i32
      %dma_start3A_70 = tpu.memref_slice %arg4[%add3A, %dma_start3A_68, %dma_start3A_69] : memref<32x40x128xf32, #tpu.memory_space<hbm>> -> memref<1x40x128xf32, #tpu.memory_space<hbm>>
      %dma_start3A_71 = tpu.memref_squeeze %dma_start3A_70 : memref<1x40x128xf32, #tpu.memory_space<hbm>> -> memref<40x128xf32, #tpu.memory_space<hbm>>
      tpu.enqueue_dma source(%dma_start3A_71 : memref<40x128xf32, #tpu.memory_space<hbm>>) target(%arg9 : memref<40x128xf32, #tpu.memory_space<vmem>>) target_semaphore(%run_scoped3A : memref<!tpu.dma_semaphore, #tpu.memory_space<semaphore_mem>>)
      %dma_wait3A = arith.constant 0 : i32
      %dma_wait3A_72 = arith.constant 0 : i32
      %dma_wait3A_73 = tpu.memref_slice %arg4[%add3A, %dma_wait3A, %dma_wait3A_72] : memref<32x40x128xf32, #tpu.memory_space<hbm>> -> memref<1x40x128xf32, #tpu.memory_space<hbm>>
      %dma_wait3A_74 = tpu.memref_squeeze %dma_wait3A_73 : memref<1x40x128xf32, #tpu.memory_space<hbm>> -> memref<40x128xf32, #tpu.memory_space<hbm>>
      %dma_wait3A_75 = arith.constant 0 : i32
      %dma_wait3A_76 = arith.constant 0 : i32
      %dma_wait3A_77 = tpu.memref_slice %arg4[%add3A, %dma_wait3A_75, %dma_wait3A_76] : memref<32x40x128xf32, #tpu.memory_space<hbm>> -> memref<1x40x128xf32, #tpu.memory_space<hbm>>
      %dma_wait3A_78 = tpu.memref_squeeze %dma_wait3A_77 : memref<1x40x128xf32, #tpu.memory_space<hbm>> -> memref<40x128xf32, #tpu.memory_space<hbm>>
      tpu.wait_dma2 semaphore(%run_scoped3A : memref<!tpu.dma_semaphore, #tpu.memory_space<semaphore_mem>>) src(%dma_wait3A_78 : memref<40x128xf32, #tpu.memory_space<hbm>>) dst(%arg9 : memref<40x128xf32, #tpu.memory_space<vmem>>)
      tpu.yield
    }) : () -> ()
    %broadcast_in_dim3A = arith.constant 0.000000e+00 : f32
    %broadcast_in_dim3A_1 = vector.broadcast %broadcast_in_dim3A : f32 to vector<16xf32>
    %scan3A = arith.constant 0 : i32
    %scan3A_2 = arith.constant 0 : i32
    %scan3A_3 = arith.constant 64 : i32
    %scan3A_4 = arith.addi %scan3A_2, %scan3A_3 : i32
    %scan3A_5 = arith.constant 1 : i32
    scf.for %scan3A_64 = %scan3A_2 to %scan3A_4 step %scan3A_5  : i32 {
      %swap3A = arith.index_cast %scan3A_64 : i32 to index
      %swap3A_65 = arith.constant 0 : index
      %swap3A_66 = tpu.vector_load %arg10[%swap3A, %swap3A_65] {strides = array<i32>} : memref<64x144xf32, #tpu.memory_space<vmem>>, vector<16xf32>,
      tpu.vector_store %arg10[%swap3A, %swap3A_65], %broadcast_in_dim3A_1 {strides = array<i32>} : memref<64x144xf32, #tpu.memory_space<vmem>>, vector<16xf32>,
      %swap3A_67 = arith.index_cast %scan3A_64 : i32 to index
      %swap3A_68 = arith.constant 16 : index
      %swap3A_69 = tpu.vector_load %arg10[%swap3A_67, %swap3A_68] {strides = array<i32>} : memref<64x144xf32, #tpu.memory_space<vmem>>, vector<16xf32>,
      tpu.vector_store %arg10[%swap3A_67, %swap3A_68], %broadcast_in_dim3A_1 {strides = array<i32>} : memref<64x144xf32, #tpu.memory_space<vmem>>, vector<16xf32>,
      %swap3A_70 = arith.index_cast %scan3A_64 : i32 to index
      %swap3A_71 = arith.constant 32 : index
      %swap3A_72 = tpu.vector_load %arg10[%swap3A_70, %swap3A_71] {strides = array<i32>} : memref<64x144xf32, #tpu.memory_space<vmem>>, vector<16xf32>,
      tpu.vector_store %arg10[%swap3A_70, %swap3A_71], %broadcast_in_dim3A_1 {strides = array<i32>} : memref<64x144xf32, #tpu.memory_space<vmem>>, vector<16xf32>,
      %swap3A_73 = arith.index_cast %scan3A_64 : i32 to index
      %swap3A_74 = arith.constant 48 : index
      %swap3A_75 = tpu.vector_load %arg10[%swap3A_73, %swap3A_74] {strides = array<i32>} : memref<64x144xf32, #tpu.memory_space<vmem>>, vector<16xf32>,
      tpu.vector_store %arg10[%swap3A_73, %swap3A_74], %broadcast_in_dim3A_1 {strides = array<i32>} : memref<64x144xf32, #tpu.memory_space<vmem>>, vector<16xf32>,
      %swap3A_76 = arith.index_cast %scan3A_64 : i32 to index
      %swap3A_77 = arith.constant 64 : index
      %swap3A_78 = tpu.vector_load %arg10[%swap3A_76, %swap3A_77] {strides = array<i32>} : memref<64x144xf32, #tpu.memory_space<vmem>>, vector<16xf32>,
      tpu.vector_store %arg10[%swap3A_76, %swap3A_77], %broadcast_in_dim3A_1 {strides = array<i32>} : memref<64x144xf32, #tpu.memory_space<vmem>>, vector<16xf32>,
      %swap3A_79 = arith.index_cast %scan3A_64 : i32 to index
      %swap3A_80 = arith.constant 80 : index
      %swap3A_81 = tpu.vector_load %arg10[%swap3A_79, %swap3A_80] {strides = array<i32>} : memref<64x144xf32, #tpu.memory_space<vmem>>, vector<16xf32>,
      tpu.vector_store %arg10[%swap3A_79, %swap3A_80], %broadcast_in_dim3A_1 {strides = array<i32>} : memref<64x144xf32, #tpu.memory_space<vmem>>, vector<16xf32>,
      %swap3A_82 = arith.index_cast %scan3A_64 : i32 to index
      %swap3A_83 = arith.constant 96 : index
      %swap3A_84 = tpu.vector_load %arg10[%swap3A_82, %swap3A_83] {strides = array<i32>} : memref<64x144xf32, #tpu.memory_space<vmem>>, vector<16xf32>,
      tpu.vector_store %arg10[%swap3A_82, %swap3A_83], %broadcast_in_dim3A_1 {strides = array<i32>} : memref<64x144xf32, #tpu.memory_space<vmem>>, vector<16xf32>,
      %swap3A_85 = arith.index_cast %scan3A_64 : i32 to index
      %swap3A_86 = arith.constant 112 : index
      %swap3A_87 = tpu.vector_load %arg10[%swap3A_85, %swap3A_86] {strides = array<i32>} : memref<64x144xf32, #tpu.memory_space<vmem>>, vector<16xf32>,
      tpu.vector_store %arg10[%swap3A_85, %swap3A_86], %broadcast_in_dim3A_1 {strides = array<i32>} : memref<64x144xf32, #tpu.memory_space<vmem>>, vector<16xf32>,
      %swap3A_88 = arith.index_cast %scan3A_64 : i32 to index
      %swap3A_89 = arith.constant 128 : index
      %swap3A_90 = tpu.vector_load %arg10[%swap3A_88, %swap3A_89] {strides = array<i32>} : memref<64x144xf32, #tpu.memory_space<vmem>>, vector<16xf32>,
      tpu.vector_store %arg10[%swap3A_88, %swap3A_89], %broadcast_in_dim3A_1 {strides = array<i32>} : memref<64x144xf32, #tpu.memory_space<vmem>>, vector<16xf32>,
    }
    %scan3A_6 = arith.constant 64 : i32
    %mul3A_7 = arith.constant 625 : i32
    %mul3A_8 = arith.muli %arg1, %mul3A_7 : i32
    %add3A_9 = arith.constant 0 : i32
    %add3A_10 = arith.addi %mul3A_8, %add3A_9 : i32
    "tpu.region"() ({
      %run_scoped3A = tpu.sem_alloc : memref<!tpu.dma_semaphore, #tpu.memory_space<semaphore_mem>>
      %dma_start3A_64 = arith.constant 0 : i32
      %dma_start3A_65 = arith.constant 0 : i32
      %dma_start3A_66 = tpu.memref_slice %arg10[%dma_start3A_64, %dma_start3A_65] : memref<64x144xf32, #tpu.memory_space<vmem>> -> memref<64x144xf32, #tpu.memory_space<vmem>>
      %dma_start3A_67 = arith.constant 0 : i32
      %dma_start3A_68 = tpu.memref_slice %arg12[%add3A_10, %dma_start3A_67] : memref<10000x144xf32, #tpu.memory_space<vmem_shared>> -> memref<64x144xf32, #tpu.memory_space<vmem_shared>>
      %dma_start3A_69 = arith.constant 0 : i32
      %dma_start3A_70 = tpu.memref_slice %arg12[%add3A_10, %dma_start3A_69] : memref<10000x144xf32, #tpu.memory_space<vmem_shared>> -> memref<64x144xf32, #tpu.memory_space<vmem_shared>>
      %dma_start3A_71 = arith.constant 0 : i32
      %dma_start3A_72 = arith.constant 0 : i32
      %dma_start3A_73 = tpu.memref_slice %arg10[%dma_start3A_71, %dma_start3A_72] : memref<64x144xf32, #tpu.memory_space<vmem>> -> memref<64x144xf32, #tpu.memory_space<vmem>>
      tpu.enqueue_dma source(%dma_start3A_73 : memref<64x144xf32, #tpu.memory_space<vmem>>) target(%dma_start3A_70 : memref<64x144xf32, #tpu.memory_space<vmem_shared>>) target_semaphore(%run_scoped3A : memref<!tpu.dma_semaphore, #tpu.memory_space<semaphore_mem>>)
      %dma_wait3A = arith.constant 0 : i32
      %dma_wait3A_74 = arith.constant 0 : i32
      %dma_wait3A_75 = tpu.memref_slice %arg10[%dma_wait3A, %dma_wait3A_74] : memref<64x144xf32, #tpu.memory_space<vmem>> -> memref<64x144xf32, #tpu.memory_space<vmem>>
      %dma_wait3A_76 = arith.constant 0 : i32
      %dma_wait3A_77 = tpu.memref_slice %arg12[%add3A_10, %dma_wait3A_76] : memref<10000x144xf32, #tpu.memory_space<vmem_shared>> -> memref<64x144xf32, #tpu.memory_space<vmem_shared>>
      %dma_wait3A_78 = arith.constant 0 : i32
      %dma_wait3A_79 = tpu.memref_slice %arg12[%add3A_10, %dma_wait3A_78] : memref<10000x144xf32, #tpu.memory_space<vmem_shared>> -> memref<64x144xf32, #tpu.memory_space<vmem_shared>>
      %dma_wait3A_80 = arith.constant 0 : i32
      %dma_wait3A_81 = arith.constant 0 : i32
      %dma_wait3A_82 = tpu.memref_slice %arg10[%dma_wait3A_80, %dma_wait3A_81] : memref<64x144xf32, #tpu.memory_space<vmem>> -> memref<64x144xf32, #tpu.memory_space<vmem>>
      tpu.wait_dma2 semaphore(%run_scoped3A : memref<!tpu.dma_semaphore, #tpu.memory_space<semaphore_mem>>) src(%dma_wait3A_82 : memref<64x144xf32, #tpu.memory_space<vmem>>) dst(%dma_wait3A_79 : memref<64x144xf32, #tpu.memory_space<vmem_shared>>)
      tpu.yield
    }) : () -> ()
    %mul3A_11 = arith.constant 625 : i32
    %mul3A_12 = arith.muli %arg1, %mul3A_11 : i32
    %add3A_13 = arith.constant 64 : i32
    %add3A_14 = arith.addi %mul3A_12, %add3A_13 : i32
    "tpu.region"() ({
      %run_scoped3A = tpu.sem_alloc : memref<!tpu.dma_semaphore, #tpu.memory_space<semaphore_mem>>
      %dma_start3A_64 = arith.constant 0 : i32
      %dma_start3A_65 = arith.constant 0 : i32
      %dma_start3A_66 = tpu.memref_slice %arg10[%dma_start3A_64, %dma_start3A_65] : memref<64x144xf32, #tpu.memory_space<vmem>> -> memref<64x144xf32, #tpu.memory_space<vmem>>
      %dma_start3A_67 = arith.constant 0 : i32
      %dma_start3A_68 = tpu.memref_slice %arg12[%add3A_14, %dma_start3A_67] : memref<10000x144xf32, #tpu.memory_space<vmem_shared>> -> memref<64x144xf32, #tpu.memory_space<vmem_shared>>
      %dma_start3A_69 = arith.constant 0 : i32
      %dma_start3A_70 = tpu.memref_slice %arg12[%add3A_14, %dma_start3A_69] : memref<10000x144xf32, #tpu.memory_space<vmem_shared>> -> memref<64x144xf32, #tpu.memory_space<vmem_shared>>
      %dma_start3A_71 = arith.constant 0 : i32
      %dma_start3A_72 = arith.constant 0 : i32
      %dma_start3A_73 = tpu.memref_slice %arg10[%dma_start3A_71, %dma_start3A_72] : memref<64x144xf32, #tpu.memory_space<vmem>> -> memref<64x144xf32, #tpu.memory_space<vmem>>
      tpu.enqueue_dma source(%dma_start3A_73 : memref<64x144xf32, #tpu.memory_space<vmem>>) target(%dma_start3A_70 : memref<64x144xf32, #tpu.memory_space<vmem_shared>>) target_semaphore(%run_scoped3A : memref<!tpu.dma_semaphore, #tpu.memory_space<semaphore_mem>>)
      %dma_wait3A = arith.constant 0 : i32
      %dma_wait3A_74 = arith.constant 0 : i32
      %dma_wait3A_75 = tpu.memref_slice %arg10[%dma_wait3A, %dma_wait3A_74] : memref<64x144xf32, #tpu.memory_space<vmem>> -> memref<64x144xf32, #tpu.memory_space<vmem>>
      %dma_wait3A_76 = arith.constant 0 : i32
      %dma_wait3A_77 = tpu.memref_slice %arg12[%add3A_14, %dma_wait3A_76] : memref<10000x144xf32, #tpu.memory_space<vmem_shared>> -> memref<64x144xf32, #tpu.memory_space<vmem_shared>>
      %dma_wait3A_78 = arith.constant 0 : i32
      %dma_wait3A_79 = tpu.memref_slice %arg12[%add3A_14, %dma_wait3A_78] : memref<10000x144xf32, #tpu.memory_space<vmem_shared>> -> memref<64x144xf32, #tpu.memory_space<vmem_shared>>
      %dma_wait3A_80 = arith.constant 0 : i32
      %dma_wait3A_81 = arith.constant 0 : i32
      %dma_wait3A_82 = tpu.memref_slice %arg10[%dma_wait3A_80, %dma_wait3A_81] : memref<64x144xf32, #tpu.memory_space<vmem>> -> memref<64x144xf32, #tpu.memory_space<vmem>>
      tpu.wait_dma2 semaphore(%run_scoped3A : memref<!tpu.dma_semaphore, #tpu.memory_space<semaphore_mem>>) src(%dma_wait3A_82 : memref<64x144xf32, #tpu.memory_space<vmem>>) dst(%dma_wait3A_79 : memref<64x144xf32, #tpu.memory_space<vmem_shared>>)
      tpu.yield
    }) : () -> ()
    %mul3A_15 = arith.constant 625 : i32
    %mul3A_16 = arith.muli %arg1, %mul3A_15 : i32
    %add3A_17 = arith.constant 128 : i32
    %add3A_18 = arith.addi %mul3A_16, %add3A_17 : i32
    "tpu.region"() ({
      %run_scoped3A = tpu.sem_alloc : memref<!tpu.dma_semaphore, #tpu.memory_space<semaphore_mem>>
      %dma_start3A_64 = arith.constant 0 : i32
      %dma_start3A_65 = arith.constant 0 : i32
      %dma_start3A_66 = tpu.memref_slice %arg10[%dma_start3A_64, %dma_start3A_65] : memref<64x144xf32, #tpu.memory_space<vmem>> -> memref<64x144xf32, #tpu.memory_space<vmem>>
      %dma_start3A_67 = arith.constant 0 : i32
      %dma_start3A_68 = tpu.memref_slice %arg12[%add3A_18, %dma_start3A_67] : memref<10000x144xf32, #tpu.memory_space<vmem_shared>> -> memref<64x144xf32, #tpu.memory_space<vmem_shared>>
      %dma_start3A_69 = arith.constant 0 : i32
      %dma_start3A_70 = tpu.memref_slice %arg12[%add3A_18, %dma_start3A_69] : memref<10000x144xf32, #tpu.memory_space<vmem_shared>> -> memref<64x144xf32, #tpu.memory_space<vmem_shared>>
      %dma_start3A_71 = arith.constant 0 : i32
      %dma_start3A_72 = arith.constant 0 : i32
      %dma_start3A_73 = tpu.memref_slice %arg10[%dma_start3A_71, %dma_start3A_72] : memref<64x144xf32, #tpu.memory_space<vmem>> -> memref<64x144xf32, #tpu.memory_space<vmem>>
      tpu.enqueue_dma source(%dma_start3A_73 : memref<64x144xf32, #tpu.memory_space<vmem>>) target(%dma_start3A_70 : memref<64x144xf32, #tpu.memory_space<vmem_shared>>) target_semaphore(%run_scoped3A : memref<!tpu.dma_semaphore, #tpu.memory_space<semaphore_mem>>)
      %dma_wait3A = arith.constant 0 : i32
      %dma_wait3A_74 = arith.constant 0 : i32
      %dma_wait3A_75 = tpu.memref_slice %arg10[%dma_wait3A, %dma_wait3A_74] : memref<64x144xf32, #tpu.memory_space<vmem>> -> memref<64x144xf32, #tpu.memory_space<vmem>>
      %dma_wait3A_76 = arith.constant 0 : i32
      %dma_wait3A_77 = tpu.memref_slice %arg12[%add3A_18, %dma_wait3A_76] : memref<10000x144xf32, #tpu.memory_space<vmem_shared>> -> memref<64x144xf32, #tpu.memory_space<vmem_shared>>
      %dma_wait3A_78 = arith.constant 0 : i32
      %dma_wait3A_79 = tpu.memref_slice %arg12[%add3A_18, %dma_wait3A_78] : memref<10000x144xf32, #tpu.memory_space<vmem_shared>> -> memref<64x144xf32, #tpu.memory_space<vmem_shared>>
      %dma_wait3A_80 = arith.constant 0 : i32
      %dma_wait3A_81 = arith.constant 0 : i32
      %dma_wait3A_82 = tpu.memref_slice %arg10[%dma_wait3A_80, %dma_wait3A_81] : memref<64x144xf32, #tpu.memory_space<vmem>> -> memref<64x144xf32, #tpu.memory_space<vmem>>
      tpu.wait_dma2 semaphore(%run_scoped3A : memref<!tpu.dma_semaphore, #tpu.memory_space<semaphore_mem>>) src(%dma_wait3A_82 : memref<64x144xf32, #tpu.memory_space<vmem>>) dst(%dma_wait3A_79 : memref<64x144xf32, #tpu.memory_space<vmem_shared>>)
      tpu.yield
    }) : () -> ()
    %mul3A_19 = arith.constant 625 : i32
    %mul3A_20 = arith.muli %arg1, %mul3A_19 : i32
    %add3A_21 = arith.constant 192 : i32
    %add3A_22 = arith.addi %mul3A_20, %add3A_21 : i32
    "tpu.region"() ({
      %run_scoped3A = tpu.sem_alloc : memref<!tpu.dma_semaphore, #tpu.memory_space<semaphore_mem>>
      %dma_start3A_64 = arith.constant 0 : i32
      %dma_start3A_65 = arith.constant 0 : i32
      %dma_start3A_66 = tpu.memref_slice %arg10[%dma_start3A_64, %dma_start3A_65] : memref<64x144xf32, #tpu.memory_space<vmem>> -> memref<64x144xf32, #tpu.memory_space<vmem>>
      %dma_start3A_67 = arith.constant 0 : i32
      %dma_start3A_68 = tpu.memref_slice %arg12[%add3A_22, %dma_start3A_67] : memref<10000x144xf32, #tpu.memory_space<vmem_shared>> -> memref<64x144xf32, #tpu.memory_space<vmem_shared>>
      %dma_start3A_69 = arith.constant 0 : i32
      %dma_start3A_70 = tpu.memref_slice %arg12[%add3A_22, %dma_start3A_69] : memref<10000x144xf32, #tpu.memory_space<vmem_shared>> -> memref<64x144xf32, #tpu.memory_space<vmem_shared>>
      %dma_start3A_71 = arith.constant 0 : i32
      %dma_start3A_72 = arith.constant 0 : i32
      %dma_start3A_73 = tpu.memref_slice %arg10[%dma_start3A_71, %dma_start3A_72] : memref<64x144xf32, #tpu.memory_space<vmem>> -> memref<64x144xf32, #tpu.memory_space<vmem>>
      tpu.enqueue_dma source(%dma_start3A_73 : memref<64x144xf32, #tpu.memory_space<vmem>>) target(%dma_start3A_70 : memref<64x144xf32, #tpu.memory_space<vmem_shared>>) target_semaphore(%run_scoped3A : memref<!tpu.dma_semaphore, #tpu.memory_space<semaphore_mem>>)
      %dma_wait3A = arith.constant 0 : i32
      %dma_wait3A_74 = arith.constant 0 : i32
      %dma_wait3A_75 = tpu.memref_slice %arg10[%dma_wait3A, %dma_wait3A_74] : memref<64x144xf32, #tpu.memory_space<vmem>> -> memref<64x144xf32, #tpu.memory_space<vmem>>
      %dma_wait3A_76 = arith.constant 0 : i32
      %dma_wait3A_77 = tpu.memref_slice %arg12[%add3A_22, %dma_wait3A_76] : memref<10000x144xf32, #tpu.memory_space<vmem_shared>> -> memref<64x144xf32, #tpu.memory_space<vmem_shared>>
      %dma_wait3A_78 = arith.constant 0 : i32
      %dma_wait3A_79 = tpu.memref_slice %arg12[%add3A_22, %dma_wait3A_78] : memref<10000x144xf32, #tpu.memory_space<vmem_shared>> -> memref<64x144xf32, #tpu.memory_space<vmem_shared>>
      %dma_wait3A_80 = arith.constant 0 : i32
      %dma_wait3A_81 = arith.constant 0 : i32
      %dma_wait3A_82 = tpu.memref_slice %arg10[%dma_wait3A_80, %dma_wait3A_81] : memref<64x144xf32, #tpu.memory_space<vmem>> -> memref<64x144xf32, #tpu.memory_space<vmem>>
      tpu.wait_dma2 semaphore(%run_scoped3A : memref<!tpu.dma_semaphore, #tpu.memory_space<semaphore_mem>>) src(%dma_wait3A_82 : memref<64x144xf32, #tpu.memory_space<vmem>>) dst(%dma_wait3A_79 : memref<64x144xf32, #tpu.memory_space<vmem_shared>>)
      tpu.yield
    }) : () -> ()
    %mul3A_23 = arith.constant 625 : i32
    %mul3A_24 = arith.muli %arg1, %mul3A_23 : i32
    %add3A_25 = arith.constant 256 : i32
    %add3A_26 = arith.addi %mul3A_24, %add3A_25 : i32
    "tpu.region"() ({
      %run_scoped3A = tpu.sem_alloc : memref<!tpu.dma_semaphore, #tpu.memory_space<semaphore_mem>>
      %dma_start3A_64 = arith.constant 0 : i32
      %dma_start3A_65 = arith.constant 0 : i32
      %dma_start3A_66 = tpu.memref_slice %arg10[%dma_start3A_64, %dma_start3A_65] : memref<64x144xf32, #tpu.memory_space<vmem>> -> memref<64x144xf32, #tpu.memory_space<vmem>>
      %dma_start3A_67 = arith.constant 0 : i32
      %dma_start3A_68 = tpu.memref_slice %arg12[%add3A_26, %dma_start3A_67] : memref<10000x144xf32, #tpu.memory_space<vmem_shared>> -> memref<64x144xf32, #tpu.memory_space<vmem_shared>>
      %dma_start3A_69 = arith.constant 0 : i32
      %dma_start3A_70 = tpu.memref_slice %arg12[%add3A_26, %dma_start3A_69] : memref<10000x144xf32, #tpu.memory_space<vmem_shared>> -> memref<64x144xf32, #tpu.memory_space<vmem_shared>>
      %dma_start3A_71 = arith.constant 0 : i32
      %dma_start3A_72 = arith.constant 0 : i32
      %dma_start3A_73 = tpu.memref_slice %arg10[%dma_start3A_71, %dma_start3A_72] : memref<64x144xf32, #tpu.memory_space<vmem>> -> memref<64x144xf32, #tpu.memory_space<vmem>>
      tpu.enqueue_dma source(%dma_start3A_73 : memref<64x144xf32, #tpu.memory_space<vmem>>) target(%dma_start3A_70 : memref<64x144xf32, #tpu.memory_space<vmem_shared>>) target_semaphore(%run_scoped3A : memref<!tpu.dma_semaphore, #tpu.memory_space<semaphore_mem>>)
      %dma_wait3A = arith.constant 0 : i32
      %dma_wait3A_74 = arith.constant 0 : i32
      %dma_wait3A_75 = tpu.memref_slice %arg10[%dma_wait3A, %dma_wait3A_74] : memref<64x144xf32, #tpu.memory_space<vmem>> -> memref<64x144xf32, #tpu.memory_space<vmem>>
      %dma_wait3A_76 = arith.constant 0 : i32
      %dma_wait3A_77 = tpu.memref_slice %arg12[%add3A_26, %dma_wait3A_76] : memref<10000x144xf32, #tpu.memory_space<vmem_shared>> -> memref<64x144xf32, #tpu.memory_space<vmem_shared>>
      %dma_wait3A_78 = arith.constant 0 : i32
      %dma_wait3A_79 = tpu.memref_slice %arg12[%add3A_26, %dma_wait3A_78] : memref<10000x144xf32, #tpu.memory_space<vmem_shared>> -> memref<64x144xf32, #tpu.memory_space<vmem_shared>>
      %dma_wait3A_80 = arith.constant 0 : i32
      %dma_wait3A_81 = arith.constant 0 : i32
      %dma_wait3A_82 = tpu.memref_slice %arg10[%dma_wait3A_80, %dma_wait3A_81] : memref<64x144xf32, #tpu.memory_space<vmem>> -> memref<64x144xf32, #tpu.memory_space<vmem>>
      tpu.wait_dma2 semaphore(%run_scoped3A : memref<!tpu.dma_semaphore, #tpu.memory_space<semaphore_mem>>) src(%dma_wait3A_82 : memref<64x144xf32, #tpu.memory_space<vmem>>) dst(%dma_wait3A_79 : memref<64x144xf32, #tpu.memory_space<vmem_shared>>)
      tpu.yield
    }) : () -> ()
    %mul3A_27 = arith.constant 625 : i32
    %mul3A_28 = arith.muli %arg1, %mul3A_27 : i32
    %add3A_29 = arith.constant 320 : i32
    %add3A_30 = arith.addi %mul3A_28, %add3A_29 : i32
    "tpu.region"() ({
      %run_scoped3A = tpu.sem_alloc : memref<!tpu.dma_semaphore, #tpu.memory_space<semaphore_mem>>
      %dma_start3A_64 = arith.constant 0 : i32
      %dma_start3A_65 = arith.constant 0 : i32
      %dma_start3A_66 = tpu.memref_slice %arg10[%dma_start3A_64, %dma_start3A_65] : memref<64x144xf32, #tpu.memory_space<vmem>> -> memref<64x144xf32, #tpu.memory_space<vmem>>
      %dma_start3A_67 = arith.constant 0 : i32
      %dma_start3A_68 = tpu.memref_slice %arg12[%add3A_30, %dma_start3A_67] : memref<10000x144xf32, #tpu.memory_space<vmem_shared>> -> memref<64x144xf32, #tpu.memory_space<vmem_shared>>
      %dma_start3A_69 = arith.constant 0 : i32
      %dma_start3A_70 = tpu.memref_slice %arg12[%add3A_30, %dma_start3A_69] : memref<10000x144xf32, #tpu.memory_space<vmem_shared>> -> memref<64x144xf32, #tpu.memory_space<vmem_shared>>
      %dma_start3A_71 = arith.constant 0 : i32
      %dma_start3A_72 = arith.constant 0 : i32
      %dma_start3A_73 = tpu.memref_slice %arg10[%dma_start3A_71, %dma_start3A_72] : memref<64x144xf32, #tpu.memory_space<vmem>> -> memref<64x144xf32, #tpu.memory_space<vmem>>
      tpu.enqueue_dma source(%dma_start3A_73 : memref<64x144xf32, #tpu.memory_space<vmem>>) target(%dma_start3A_70 : memref<64x144xf32, #tpu.memory_space<vmem_shared>>) target_semaphore(%run_scoped3A : memref<!tpu.dma_semaphore, #tpu.memory_space<semaphore_mem>>)
      %dma_wait3A = arith.constant 0 : i32
      %dma_wait3A_74 = arith.constant 0 : i32
      %dma_wait3A_75 = tpu.memref_slice %arg10[%dma_wait3A, %dma_wait3A_74] : memref<64x144xf32, #tpu.memory_space<vmem>> -> memref<64x144xf32, #tpu.memory_space<vmem>>
      %dma_wait3A_76 = arith.constant 0 : i32
      %dma_wait3A_77 = tpu.memref_slice %arg12[%add3A_30, %dma_wait3A_76] : memref<10000x144xf32, #tpu.memory_space<vmem_shared>> -> memref<64x144xf32, #tpu.memory_space<vmem_shared>>
      %dma_wait3A_78 = arith.constant 0 : i32
      %dma_wait3A_79 = tpu.memref_slice %arg12[%add3A_30, %dma_wait3A_78] : memref<10000x144xf32, #tpu.memory_space<vmem_shared>> -> memref<64x144xf32, #tpu.memory_space<vmem_shared>>
      %dma_wait3A_80 = arith.constant 0 : i32
      %dma_wait3A_81 = arith.constant 0 : i32
      %dma_wait3A_82 = tpu.memref_slice %arg10[%dma_wait3A_80, %dma_wait3A_81] : memref<64x144xf32, #tpu.memory_space<vmem>> -> memref<64x144xf32, #tpu.memory_space<vmem>>
      tpu.wait_dma2 semaphore(%run_scoped3A : memref<!tpu.dma_semaphore, #tpu.memory_space<semaphore_mem>>) src(%dma_wait3A_82 : memref<64x144xf32, #tpu.memory_space<vmem>>) dst(%dma_wait3A_79 : memref<64x144xf32, #tpu.memory_space<vmem_shared>>)
      tpu.yield
    }) : () -> ()
    %mul3A_31 = arith.constant 625 : i32
    %mul3A_32 = arith.muli %arg1, %mul3A_31 : i32
    %add3A_33 = arith.constant 384 : i32
    %add3A_34 = arith.addi %mul3A_32, %add3A_33 : i32
    "tpu.region"() ({
      %run_scoped3A = tpu.sem_alloc : memref<!tpu.dma_semaphore, #tpu.memory_space<semaphore_mem>>
      %dma_start3A_64 = arith.constant 0 : i32
      %dma_start3A_65 = arith.constant 0 : i32
      %dma_start3A_66 = tpu.memref_slice %arg10[%dma_start3A_64, %dma_start3A_65] : memref<64x144xf32, #tpu.memory_space<vmem>> -> memref<64x144xf32, #tpu.memory_space<vmem>>
      %dma_start3A_67 = arith.constant 0 : i32
      %dma_start3A_68 = tpu.memref_slice %arg12[%add3A_34, %dma_start3A_67] : memref<10000x144xf32, #tpu.memory_space<vmem_shared>> -> memref<64x144xf32, #tpu.memory_space<vmem_shared>>
      %dma_start3A_69 = arith.constant 0 : i32
      %dma_start3A_70 = tpu.memref_slice %arg12[%add3A_34, %dma_start3A_69] : memref<10000x144xf32, #tpu.memory_space<vmem_shared>> -> memref<64x144xf32, #tpu.memory_space<vmem_shared>>
      %dma_start3A_71 = arith.constant 0 : i32
      %dma_start3A_72 = arith.constant 0 : i32
      %dma_start3A_73 = tpu.memref_slice %arg10[%dma_start3A_71, %dma_start3A_72] : memref<64x144xf32, #tpu.memory_space<vmem>> -> memref<64x144xf32, #tpu.memory_space<vmem>>
      tpu.enqueue_dma source(%dma_start3A_73 : memref<64x144xf32, #tpu.memory_space<vmem>>) target(%dma_start3A_70 : memref<64x144xf32, #tpu.memory_space<vmem_shared>>) target_semaphore(%run_scoped3A : memref<!tpu.dma_semaphore, #tpu.memory_space<semaphore_mem>>)
      %dma_wait3A = arith.constant 0 : i32
      %dma_wait3A_74 = arith.constant 0 : i32
      %dma_wait3A_75 = tpu.memref_slice %arg10[%dma_wait3A, %dma_wait3A_74] : memref<64x144xf32, #tpu.memory_space<vmem>> -> memref<64x144xf32, #tpu.memory_space<vmem>>
      %dma_wait3A_76 = arith.constant 0 : i32
      %dma_wait3A_77 = tpu.memref_slice %arg12[%add3A_34, %dma_wait3A_76] : memref<10000x144xf32, #tpu.memory_space<vmem_shared>> -> memref<64x144xf32, #tpu.memory_space<vmem_shared>>
      %dma_wait3A_78 = arith.constant 0 : i32
      %dma_wait3A_79 = tpu.memref_slice %arg12[%add3A_34, %dma_wait3A_78] : memref<10000x144xf32, #tpu.memory_space<vmem_shared>> -> memref<64x144xf32, #tpu.memory_space<vmem_shared>>
      %dma_wait3A_80 = arith.constant 0 : i32
      %dma_wait3A_81 = arith.constant 0 : i32
      %dma_wait3A_82 = tpu.memref_slice %arg10[%dma_wait3A_80, %dma_wait3A_81] : memref<64x144xf32, #tpu.memory_space<vmem>> -> memref<64x144xf32, #tpu.memory_space<vmem>>
      tpu.wait_dma2 semaphore(%run_scoped3A : memref<!tpu.dma_semaphore, #tpu.memory_space<semaphore_mem>>) src(%dma_wait3A_82 : memref<64x144xf32, #tpu.memory_space<vmem>>) dst(%dma_wait3A_79 : memref<64x144xf32, #tpu.memory_space<vmem_shared>>)
      tpu.yield
    }) : () -> ()
    %mul3A_35 = arith.constant 625 : i32
    %mul3A_36 = arith.muli %arg1, %mul3A_35 : i32
    %add3A_37 = arith.constant 448 : i32
    %add3A_38 = arith.addi %mul3A_36, %add3A_37 : i32
    "tpu.region"() ({
      %run_scoped3A = tpu.sem_alloc : memref<!tpu.dma_semaphore, #tpu.memory_space<semaphore_mem>>
      %dma_start3A_64 = arith.constant 0 : i32
      %dma_start3A_65 = arith.constant 0 : i32
      %dma_start3A_66 = tpu.memref_slice %arg10[%dma_start3A_64, %dma_start3A_65] : memref<64x144xf32, #tpu.memory_space<vmem>> -> memref<64x144xf32, #tpu.memory_space<vmem>>
      %dma_start3A_67 = arith.constant 0 : i32
      %dma_start3A_68 = tpu.memref_slice %arg12[%add3A_38, %dma_start3A_67] : memref<10000x144xf32, #tpu.memory_space<vmem_shared>> -> memref<64x144xf32, #tpu.memory_space<vmem_shared>>
      %dma_start3A_69 = arith.constant 0 : i32
      %dma_start3A_70 = tpu.memref_slice %arg12[%add3A_38, %dma_start3A_69] : memref<10000x144xf32, #tpu.memory_space<vmem_shared>> -> memref<64x144xf32, #tpu.memory_space<vmem_shared>>
      %dma_start3A_71 = arith.constant 0 : i32
      %dma_start3A_72 = arith.constant 0 : i32
      %dma_start3A_73 = tpu.memref_slice %arg10[%dma_start3A_71, %dma_start3A_72] : memref<64x144xf32, #tpu.memory_space<vmem>> -> memref<64x144xf32, #tpu.memory_space<vmem>>
      tpu.enqueue_dma source(%dma_start3A_73 : memref<64x144xf32, #tpu.memory_space<vmem>>) target(%dma_start3A_70 : memref<64x144xf32, #tpu.memory_space<vmem_shared>>) target_semaphore(%run_scoped3A : memref<!tpu.dma_semaphore, #tpu.memory_space<semaphore_mem>>)
      %dma_wait3A = arith.constant 0 : i32
      %dma_wait3A_74 = arith.constant 0 : i32
      %dma_wait3A_75 = tpu.memref_slice %arg10[%dma_wait3A, %dma_wait3A_74] : memref<64x144xf32, #tpu.memory_space<vmem>> -> memref<64x144xf32, #tpu.memory_space<vmem>>
      %dma_wait3A_76 = arith.constant 0 : i32
      %dma_wait3A_77 = tpu.memref_slice %arg12[%add3A_38, %dma_wait3A_76] : memref<10000x144xf32, #tpu.memory_space<vmem_shared>> -> memref<64x144xf32, #tpu.memory_space<vmem_shared>>
      %dma_wait3A_78 = arith.constant 0 : i32
      %dma_wait3A_79 = tpu.memref_slice %arg12[%add3A_38, %dma_wait3A_78] : memref<10000x144xf32, #tpu.memory_space<vmem_shared>> -> memref<64x144xf32, #tpu.memory_space<vmem_shared>>
      %dma_wait3A_80 = arith.constant 0 : i32
      %dma_wait3A_81 = arith.constant 0 : i32
      %dma_wait3A_82 = tpu.memref_slice %arg10[%dma_wait3A_80, %dma_wait3A_81] : memref<64x144xf32, #tpu.memory_space<vmem>> -> memref<64x144xf32, #tpu.memory_space<vmem>>
      tpu.wait_dma2 semaphore(%run_scoped3A : memref<!tpu.dma_semaphore, #tpu.memory_space<semaphore_mem>>) src(%dma_wait3A_82 : memref<64x144xf32, #tpu.memory_space<vmem>>) dst(%dma_wait3A_79 : memref<64x144xf32, #tpu.memory_space<vmem_shared>>)
      tpu.yield
    }) : () -> ()
    %mul3A_39 = arith.constant 625 : i32
    %mul3A_40 = arith.muli %arg1, %mul3A_39 : i32
    %add3A_41 = arith.constant 512 : i32
    %add3A_42 = arith.addi %mul3A_40, %add3A_41 : i32
    "tpu.region"() ({
      %run_scoped3A = tpu.sem_alloc : memref<!tpu.dma_semaphore, #tpu.memory_space<semaphore_mem>>
      %dma_start3A_64 = arith.constant 0 : i32
      %dma_start3A_65 = arith.constant 0 : i32
      %dma_start3A_66 = tpu.memref_slice %arg10[%dma_start3A_64, %dma_start3A_65] : memref<64x144xf32, #tpu.memory_space<vmem>> -> memref<64x144xf32, #tpu.memory_space<vmem>>
      %dma_start3A_67 = arith.constant 0 : i32
      %dma_start3A_68 = tpu.memref_slice %arg12[%add3A_42, %dma_start3A_67] : memref<10000x144xf32, #tpu.memory_space<vmem_shared>> -> memref<64x144xf32, #tpu.memory_space<vmem_shared>>
      %dma_start3A_69 = arith.constant 0 : i32
      %dma_start3A_70 = tpu.memref_slice %arg12[%add3A_42, %dma_start3A_69] : memref<10000x144xf32, #tpu.memory_space<vmem_shared>> -> memref<64x144xf32, #tpu.memory_space<vmem_shared>>
      %dma_start3A_71 = arith.constant 0 : i32
      %dma_start3A_72 = arith.constant 0 : i32
      %dma_start3A_73 = tpu.memref_slice %arg10[%dma_start3A_71, %dma_start3A_72] : memref<64x144xf32, #tpu.memory_space<vmem>> -> memref<64x144xf32, #tpu.memory_space<vmem>>
      tpu.enqueue_dma source(%dma_start3A_73 : memref<64x144xf32, #tpu.memory_space<vmem>>) target(%dma_start3A_70 : memref<64x144xf32, #tpu.memory_space<vmem_shared>>) target_semaphore(%run_scoped3A : memref<!tpu.dma_semaphore, #tpu.memory_space<semaphore_mem>>)
      %dma_wait3A = arith.constant 0 : i32
      %dma_wait3A_74 = arith.constant 0 : i32
      %dma_wait3A_75 = tpu.memref_slice %arg10[%dma_wait3A, %dma_wait3A_74] : memref<64x144xf32, #tpu.memory_space<vmem>> -> memref<64x144xf32, #tpu.memory_space<vmem>>
      %dma_wait3A_76 = arith.constant 0 : i32
      %dma_wait3A_77 = tpu.memref_slice %arg12[%add3A_42, %dma_wait3A_76] : memref<10000x144xf32, #tpu.memory_space<vmem_shared>> -> memref<64x144xf32, #tpu.memory_space<vmem_shared>>
      %dma_wait3A_78 = arith.constant 0 : i32
      %dma_wait3A_79 = tpu.memref_slice %arg12[%add3A_42, %dma_wait3A_78] : memref<10000x144xf32, #tpu.memory_space<vmem_shared>> -> memref<64x144xf32, #tpu.memory_space<vmem_shared>>
      %dma_wait3A_80 = arith.constant 0 : i32
      %dma_wait3A_81 = arith.constant 0 : i32
      %dma_wait3A_82 = tpu.memref_slice %arg10[%dma_wait3A_80, %dma_wait3A_81] : memref<64x144xf32, #tpu.memory_space<vmem>> -> memref<64x144xf32, #tpu.memory_space<vmem>>
      tpu.wait_dma2 semaphore(%run_scoped3A : memref<!tpu.dma_semaphore, #tpu.memory_space<semaphore_mem>>) src(%dma_wait3A_82 : memref<64x144xf32, #tpu.memory_space<vmem>>) dst(%dma_wait3A_79 : memref<64x144xf32, #tpu.memory_space<vmem_shared>>)
      tpu.yield
    }) : () -> ()
    %mul3A_43 = arith.constant 625 : i32
    %mul3A_44 = arith.muli %arg1, %mul3A_43 : i32
    %add3A_45 = arith.constant 576 : i32
    %add3A_46 = arith.addi %mul3A_44, %add3A_45 : i32
    "tpu.region"() ({
      %run_scoped3A = tpu.sem_alloc : memref<!tpu.dma_semaphore, #tpu.memory_space<semaphore_mem>>
      %dma_start3A_64 = arith.constant 0 : i32
      %dma_start3A_65 = arith.constant 0 : i32
      %dma_start3A_66 = tpu.memref_slice %arg10[%dma_start3A_64, %dma_start3A_65] : memref<64x144xf32, #tpu.memory_space<vmem>> -> memref<49x144xf32, #tpu.memory_space<vmem>>
      %dma_start3A_67 = arith.constant 0 : i32
      %dma_start3A_68 = tpu.memref_slice %arg12[%add3A_46, %dma_start3A_67] : memref<10000x144xf32, #tpu.memory_space<vmem_shared>> -> memref<49x144xf32, #tpu.memory_space<vmem_shared>>
      %dma_start3A_69 = arith.constant 0 : i32
      %dma_start3A_70 = tpu.memref_slice %arg12[%add3A_46, %dma_start3A_69] : memref<10000x144xf32, #tpu.memory_space<vmem_shared>> -> memref<49x144xf32, #tpu.memory_space<vmem_shared>>
      %dma_start3A_71 = arith.constant 0 : i32
      %dma_start3A_72 = arith.constant 0 : i32
      %dma_start3A_73 = tpu.memref_slice %arg10[%dma_start3A_71, %dma_start3A_72] : memref<64x144xf32, #tpu.memory_space<vmem>> -> memref<49x144xf32, #tpu.memory_space<vmem>>
      tpu.enqueue_dma source(%dma_start3A_73 : memref<49x144xf32, #tpu.memory_space<vmem>>) target(%dma_start3A_70 : memref<49x144xf32, #tpu.memory_space<vmem_shared>>) target_semaphore(%run_scoped3A : memref<!tpu.dma_semaphore, #tpu.memory_space<semaphore_mem>>)
      %dma_wait3A = arith.constant 0 : i32
      %dma_wait3A_74 = arith.constant 0 : i32
      %dma_wait3A_75 = tpu.memref_slice %arg10[%dma_wait3A, %dma_wait3A_74] : memref<64x144xf32, #tpu.memory_space<vmem>> -> memref<49x144xf32, #tpu.memory_space<vmem>>
      %dma_wait3A_76 = arith.constant 0 : i32
      %dma_wait3A_77 = tpu.memref_slice %arg12[%add3A_46, %dma_wait3A_76] : memref<10000x144xf32, #tpu.memory_space<vmem_shared>> -> memref<49x144xf32, #tpu.memory_space<vmem_shared>>
      %dma_wait3A_78 = arith.constant 0 : i32
      %dma_wait3A_79 = tpu.memref_slice %arg12[%add3A_46, %dma_wait3A_78] : memref<10000x144xf32, #tpu.memory_space<vmem_shared>> -> memref<49x144xf32, #tpu.memory_space<vmem_shared>>
      %dma_wait3A_80 = arith.constant 0 : i32
      %dma_wait3A_81 = arith.constant 0 : i32
      %dma_wait3A_82 = tpu.memref_slice %arg10[%dma_wait3A_80, %dma_wait3A_81] : memref<64x144xf32, #tpu.memory_space<vmem>> -> memref<49x144xf32, #tpu.memory_space<vmem>>
      tpu.wait_dma2 semaphore(%run_scoped3A : memref<!tpu.dma_semaphore, #tpu.memory_space<semaphore_mem>>) src(%dma_wait3A_82 : memref<49x144xf32, #tpu.memory_space<vmem>>) dst(%dma_wait3A_79 : memref<49x144xf32, #tpu.memory_space<vmem_shared>>)
      tpu.yield
    }) : () -> ()
    %dma_start3A = arith.constant 0 : i32
    %dma_start3A_47 = arith.constant 0 : i32
    %dma_start3A_48 = tpu.memref_slice %arg7[%dma_start3A, %dma_start3A_47] : memref<80x64xi32, #tpu.memory_space<vmem>> -> memref<1x64xi32, #tpu.memory_space<vmem>>
    %dma_start3A_49 = tpu.memref_squeeze %dma_start3A_48 : memref<1x64xi32, #tpu.memory_space<vmem>> -> memref<64xi32, #tpu.memory_space<vmem>>
    %dma_start3A_50 = arith.constant 0 : i32
    %dma_start3A_51 = arith.constant 0 : i32
    %dma_start3A_52 = tpu.memref_slice %arg5[%dma_start3A_50, %dma_start3A_51] : memref<10000x144xf32, #tpu.memory_space<hbm>> -> memref<10000x144xf32, #tpu.memory_space<hbm>>
    tpu.enqueue_indirect_dma source(%dma_start3A_52 : memref<10000x144xf32, #tpu.memory_space<hbm>>) target(%arg10 : memref<64x144xf32, #tpu.memory_space<vmem>>) offsets(%dma_start3A_49 : memref<64xi32, #tpu.memory_space<vmem>>) semaphore(%arg13 : memref<!tpu.dma_semaphore, #tpu.memory_space<semaphore_mem>>)
    %barrier3A = arith.constant 0 : index
    tpu.barrier barrier_id(%barrier3A)
    %scan3A_53 = arith.constant 0 : i32
    %scan3A_54 = arith.constant 0 : i32
    %scan3A_55 = arith.constant 40 : i32
    %scan3A_56 = arith.addi %scan3A_54, %scan3A_55 : i32
    %scan3A_57 = arith.constant 1 : i32
    scf.for %scan3A_64 = %scan3A_54 to %scan3A_56 step %scan3A_57  : i32 {
      %mul3A_65 = arith.constant 2 : i32
      %mul3A_66 = arith.muli %scan3A_64, %mul3A_65 : i32
      %add3A_67 = arith.constant 0 : i32
      %add3A_68 = arith.addi %mul3A_66, %add3A_67 : i32
      %dma_wait3A = arith.constant 0 : i32
      %dma_wait3A_69 = tpu.memref_slice %arg7[%add3A_68, %dma_wait3A] : memref<80x64xi32, #tpu.memory_space<vmem>> -> memref<1x64xi32, #tpu.memory_space<vmem>>
      %dma_wait3A_70 = tpu.memref_squeeze %dma_wait3A_69 : memref<1x64xi32, #tpu.memory_space<vmem>> -> memref<64xi32, #tpu.memory_space<vmem>>
      %dma_wait3A_71 = arith.constant 0 : i32
      %dma_wait3A_72 = arith.constant 0 : i32
      %dma_wait3A_73 = tpu.memref_slice %arg5[%dma_wait3A_71, %dma_wait3A_72] : memref<10000x144xf32, #tpu.memory_space<hbm>> -> memref<10000x144xf32, #tpu.memory_space<hbm>>
      tpu.wait_indirect_dma semaphore(%arg13 : memref<!tpu.dma_semaphore, #tpu.memory_space<semaphore_mem>>) src(%dma_wait3A_73 : memref<10000x144xf32, #tpu.memory_space<hbm>>) dst(%arg10 : memref<64x144xf32, #tpu.memory_space<vmem>>)
      %add3A_74 = arith.constant 1 : i32
      %add3A_75 = arith.addi %add3A_68, %add3A_74 : i32
      %lt3A = arith.constant 80 : i32
      %lt3A_76 = arith.cmpi slt, %add3A_75, %lt3A : i32
      %convert_element_type3A = arith.extui %lt3A_76 : i1 to i32
      %cond3A = arith.constant 0 : i32
      %cond3A_77 = arith.cmpi ne, %convert_element_type3A, %cond3A : i32
      scf.if %cond3A_77 {
        %add3A_100 = arith.constant 1 : i32
        %add3A_101 = arith.addi %add3A_68, %add3A_100 : i32
        %dma_start3A_102 = arith.constant 0 : i32
        %dma_start3A_103 = tpu.memref_slice %arg7[%add3A_101, %dma_start3A_102] : memref<80x64xi32, #tpu.memory_space<vmem>> -> memref<1x64xi32, #tpu.memory_space<vmem>>
        %dma_start3A_104 = tpu.memref_squeeze %dma_start3A_103 : memref<1x64xi32, #tpu.memory_space<vmem>> -> memref<64xi32, #tpu.memory_space<vmem>>
        %dma_start3A_105 = arith.constant 0 : i32
        %dma_start3A_106 = arith.constant 0 : i32
        %dma_start3A_107 = tpu.memref_slice %arg5[%dma_start3A_105, %dma_start3A_106] : memref<10000x144xf32, #tpu.memory_space<hbm>> -> memref<10000x144xf32, #tpu.memory_space<hbm>>
        tpu.enqueue_indirect_dma source(%dma_start3A_107 : memref<10000x144xf32, #tpu.memory_space<hbm>>) target(%arg11 : memref<64x144xf32, #tpu.memory_space<vmem>>) offsets(%dma_start3A_104 : memref<64xi32, #tpu.memory_space<vmem>>) semaphore(%arg14 : memref<!tpu.dma_semaphore, #tpu.memory_space<semaphore_mem>>)
      } else {
      }
      %parallel_loop3A = arith.constant 0 : i32
      %parallel_loop3A_78 = arith.constant 0 : i32
      %parallel_loop3A_79 = arith.constant 1 : i32
      scf.for %parallel_loop3A_100 = %parallel_loop3A to %parallel_loop3A_78 step %parallel_loop3A_79  : i32 {
        %parallel_loop3A_101 = arith.constant 1 : i32
        %parallel_loop3A_102 = arith.shrui %add3A_68, %parallel_loop3A_101 : i32
        %parallel_loop3A_103 = arith.constant 1 : i32
        %parallel_loop3A_104 = arith.andi %add3A_68, %parallel_loop3A_103 : i32
        %parallel_loop3A_105 = arith.constant 64 : i32
        %parallel_loop3A_106 = arith.muli %parallel_loop3A_104, %parallel_loop3A_105 : i32
        %parallel_loop3A_107 = arith.addi %parallel_loop3A_106, %parallel_loop3A_100 : i32
        %parallel_loop3A_108 = arith.constant 0 : i32
        %parallel_loop3A_109 = vector.broadcast %parallel_loop3A_108 : i32 to vector<16xi32>
        %parallel_loop3A_110 = vector.broadcast %parallel_loop3A_102 : i32 to vector<16xi32>
        %parallel_loop3A_111 = arith.addi %parallel_loop3A_109, %parallel_loop3A_110 : vector<16xi32>
        %parallel_loop3A_112 = arith.constant 0 : i32
        %parallel_loop3A_113 = vector.broadcast %parallel_loop3A_112 : i32 to vector<16xi32>
        %parallel_loop3A_114 = vector.broadcast %parallel_loop3A_107 : i32 to vector<16xi32>
        %parallel_loop3A_115 = arith.addi %parallel_loop3A_113, %parallel_loop3A_114 : vector<16xi32>
        %parallel_loop3A_116 = tpu.vector_load_idx %arg9[%parallel_loop3A_111, %parallel_loop3A_115] : memref<40x128xf32, #tpu.memory_space<vmem>>[vector<16xi32>, vector<16xi32>], vector<16xf32>,
        %parallel_loop3A_117 = arith.index_cast %parallel_loop3A_100 : i32 to index
        %parallel_loop3A_118 = arith.constant 0 : index
        %parallel_loop3A_119 = tpu.vector_load %arg10[%parallel_loop3A_117, %parallel_loop3A_118] {strides = array<i32>} : memref<64x144xf32, #tpu.memory_space<vmem>>, vector<16xf32>,
        %parallel_loop3A_120 = arith.mulf %parallel_loop3A_119, %parallel_loop3A_116 : vector<16xf32>
        %parallel_loop3A_121 = arith.index_cast %parallel_loop3A_100 : i32 to index
        %parallel_loop3A_122 = arith.constant 0 : index
        %parallel_loop3A_123 = tpu.vector_load %arg10[%parallel_loop3A_121, %parallel_loop3A_122] {strides = array<i32>} : memref<64x144xf32, #tpu.memory_space<vmem>>, vector<16xf32>,
        tpu.vector_store %arg10[%parallel_loop3A_121, %parallel_loop3A_122], %parallel_loop3A_120 {strides = array<i32>} : memref<64x144xf32, #tpu.memory_space<vmem>>, vector<16xf32>,
        %parallel_loop3A_124 = arith.index_cast %parallel_loop3A_100 : i32 to index
        %parallel_loop3A_125 = arith.constant 16 : index
        %parallel_loop3A_126 = tpu.vector_load %arg10[%parallel_loop3A_124, %parallel_loop3A_125] {strides = array<i32>} : memref<64x144xf32, #tpu.memory_space<vmem>>, vector<16xf32>,
        %parallel_loop3A_127 = arith.mulf %parallel_loop3A_126, %parallel_loop3A_116 : vector<16xf32>
        %parallel_loop3A_128 = arith.index_cast %parallel_loop3A_100 : i32 to index
        %parallel_loop3A_129 = arith.constant 16 : index
        %parallel_loop3A_130 = tpu.vector_load %arg10[%parallel_loop3A_128, %parallel_loop3A_129] {strides = array<i32>} : memref<64x144xf32, #tpu.memory_space<vmem>>, vector<16xf32>,
        tpu.vector_store %arg10[%parallel_loop3A_128, %parallel_loop3A_129], %parallel_loop3A_127 {strides = array<i32>} : memref<64x144xf32, #tpu.memory_space<vmem>>, vector<16xf32>,
        %parallel_loop3A_131 = arith.index_cast %parallel_loop3A_100 : i32 to index
        %parallel_loop3A_132 = arith.constant 32 : index
        %parallel_loop3A_133 = tpu.vector_load %arg10[%parallel_loop3A_131, %parallel_loop3A_132] {strides = array<i32>} : memref<64x144xf32, #tpu.memory_space<vmem>>, vector<16xf32>,
        %parallel_loop3A_134 = arith.mulf %parallel_loop3A_133, %parallel_loop3A_116 : vector<16xf32>
        %parallel_loop3A_135 = arith.index_cast %parallel_loop3A_100 : i32 to index
        %parallel_loop3A_136 = arith.constant 32 : index
        %parallel_loop3A_137 = tpu.vector_load %arg10[%parallel_loop3A_135, %parallel_loop3A_136] {strides = array<i32>} : memref<64x144xf32, #tpu.memory_space<vmem>>, vector<16xf32>,
        tpu.vector_store %arg10[%parallel_loop3A_135, %parallel_loop3A_136], %parallel_loop3A_134 {strides = array<i32>} : memref<64x144xf32, #tpu.memory_space<vmem>>, vector<16xf32>,
        %parallel_loop3A_138 = arith.index_cast %parallel_loop3A_100 : i32 to index
        %parallel_loop3A_139 = arith.constant 48 : index
        %parallel_loop3A_140 = tpu.vector_load %arg10[%parallel_loop3A_138, %parallel_loop3A_139] {strides = array<i32>} : memref<64x144xf32, #tpu.memory_space<vmem>>, vector<16xf32>,
        %parallel_loop3A_141 = arith.mulf %parallel_loop3A_140, %parallel_loop3A_116 : vector<16xf32>
        %parallel_loop3A_142 = arith.index_cast %parallel_loop3A_100 : i32 to index
        %parallel_loop3A_143 = arith.constant 48 : index
        %parallel_loop3A_144 = tpu.vector_load %arg10[%parallel_loop3A_142, %parallel_loop3A_143] {strides = array<i32>} : memref<64x144xf32, #tpu.memory_space<vmem>>, vector<16xf32>,
        tpu.vector_store %arg10[%parallel_loop3A_142, %parallel_loop3A_143], %parallel_loop3A_141 {strides = array<i32>} : memref<64x144xf32, #tpu.memory_space<vmem>>, vector<16xf32>,
        %parallel_loop3A_145 = arith.index_cast %parallel_loop3A_100 : i32 to index
        %parallel_loop3A_146 = arith.constant 64 : index
        %parallel_loop3A_147 = tpu.vector_load %arg10[%parallel_loop3A_145, %parallel_loop3A_146] {strides = array<i32>} : memref<64x144xf32, #tpu.memory_space<vmem>>, vector<16xf32>,
        %parallel_loop3A_148 = arith.mulf %parallel_loop3A_147, %parallel_loop3A_116 : vector<16xf32>
        %parallel_loop3A_149 = arith.index_cast %parallel_loop3A_100 : i32 to index
        %parallel_loop3A_150 = arith.constant 64 : index
        %parallel_loop3A_151 = tpu.vector_load %arg10[%parallel_loop3A_149, %parallel_loop3A_150] {strides = array<i32>} : memref<64x144xf32, #tpu.memory_space<vmem>>, vector<16xf32>,
        tpu.vector_store %arg10[%parallel_loop3A_149, %parallel_loop3A_150], %parallel_loop3A_148 {strides = array<i32>} : memref<64x144xf32, #tpu.memory_space<vmem>>, vector<16xf32>,
        %parallel_loop3A_152 = arith.index_cast %parallel_loop3A_100 : i32 to index
        %parallel_loop3A_153 = arith.constant 80 : index
        %parallel_loop3A_154 = tpu.vector_load %arg10[%parallel_loop3A_152, %parallel_loop3A_153] {strides = array<i32>} : memref<64x144xf32, #tpu.memory_space<vmem>>, vector<16xf32>,
        %parallel_loop3A_155 = arith.mulf %parallel_loop3A_154, %parallel_loop3A_116 : vector<16xf32>
        %parallel_loop3A_156 = arith.index_cast %parallel_loop3A_100 : i32 to index
        %parallel_loop3A_157 = arith.constant 80 : index
        %parallel_loop3A_158 = tpu.vector_load %arg10[%parallel_loop3A_156, %parallel_loop3A_157] {strides = array<i32>} : memref<64x144xf32, #tpu.memory_space<vmem>>, vector<16xf32>,
        tpu.vector_store %arg10[%parallel_loop3A_156, %parallel_loop3A_157], %parallel_loop3A_155 {strides = array<i32>} : memref<64x144xf32, #tpu.memory_space<vmem>>, vector<16xf32>,
        %parallel_loop3A_159 = arith.index_cast %parallel_loop3A_100 : i32 to index
        %parallel_loop3A_160 = arith.constant 96 : index
        %parallel_loop3A_161 = tpu.vector_load %arg10[%parallel_loop3A_159, %parallel_loop3A_160] {strides = array<i32>} : memref<64x144xf32, #tpu.memory_space<vmem>>, vector<16xf32>,
        %parallel_loop3A_162 = arith.mulf %parallel_loop3A_161, %parallel_loop3A_116 : vector<16xf32>
        %parallel_loop3A_163 = arith.index_cast %parallel_loop3A_100 : i32 to index
        %parallel_loop3A_164 = arith.constant 96 : index
        %parallel_loop3A_165 = tpu.vector_load %arg10[%parallel_loop3A_163, %parallel_loop3A_164] {strides = array<i32>} : memref<64x144xf32, #tpu.memory_space<vmem>>, vector<16xf32>,
        tpu.vector_store %arg10[%parallel_loop3A_163, %parallel_loop3A_164], %parallel_loop3A_162 {strides = array<i32>} : memref<64x144xf32, #tpu.memory_space<vmem>>, vector<16xf32>,
        %parallel_loop3A_166 = arith.index_cast %parallel_loop3A_100 : i32 to index
        %parallel_loop3A_167 = arith.constant 112 : index
        %parallel_loop3A_168 = tpu.vector_load %arg10[%parallel_loop3A_166, %parallel_loop3A_167] {strides = array<i32>} : memref<64x144xf32, #tpu.memory_space<vmem>>, vector<16xf32>,
        %parallel_loop3A_169 = arith.mulf %parallel_loop3A_168, %parallel_loop3A_116 : vector<16xf32>
        %parallel_loop3A_170 = arith.index_cast %parallel_loop3A_100 : i32 to index
        %parallel_loop3A_171 = arith.constant 112 : index
        %parallel_loop3A_172 = tpu.vector_load %arg10[%parallel_loop3A_170, %parallel_loop3A_171] {strides = array<i32>} : memref<64x144xf32, #tpu.memory_space<vmem>>, vector<16xf32>,
        tpu.vector_store %arg10[%parallel_loop3A_170, %parallel_loop3A_171], %parallel_loop3A_169 {strides = array<i32>} : memref<64x144xf32, #tpu.memory_space<vmem>>, vector<16xf32>,
        %parallel_loop3A_173 = arith.index_cast %parallel_loop3A_100 : i32 to index
        %parallel_loop3A_174 = arith.constant 128 : index
        %parallel_loop3A_175 = tpu.vector_load %arg10[%parallel_loop3A_173, %parallel_loop3A_174] {strides = array<i32>} : memref<64x144xf32, #tpu.memory_space<vmem>>, vector<16xf32>,
        %parallel_loop3A_176 = arith.mulf %parallel_loop3A_175, %parallel_loop3A_116 : vector<16xf32>
        %parallel_loop3A_177 = arith.index_cast %parallel_loop3A_100 : i32 to index
        %parallel_loop3A_178 = arith.constant 128 : index
        %parallel_loop3A_179 = tpu.vector_load %arg10[%parallel_loop3A_177, %parallel_loop3A_178] {strides = array<i32>} : memref<64x144xf32, #tpu.memory_space<vmem>>, vector<16xf32>,
        tpu.vector_store %arg10[%parallel_loop3A_177, %parallel_loop3A_178], %parallel_loop3A_176 {strides = array<i32>} : memref<64x144xf32, #tpu.memory_space<vmem>>, vector<16xf32>,
      } {sc.loop_unroll_factor = 4 : i64, sc.parallel_access}
      "tpu.region"() ({
        %run_scoped3A = tpu.sem_alloc : memref<!tpu.dma_semaphore, #tpu.memory_space<semaphore_mem>>
        %dma_start3A_100 = arith.constant 0 : i32
        %dma_start3A_101 = tpu.memref_slice %arg8[%add3A_68, %dma_start3A_100] : memref<80x64xi32, #tpu.memory_space<vmem>> -> memref<1x64xi32, #tpu.memory_space<vmem>>
        %dma_start3A_102 = tpu.memref_squeeze %dma_start3A_101 : memref<1x64xi32, #tpu.memory_space<vmem>> -> memref<64xi32, #tpu.memory_space<vmem>>
        %dma_start3A_103 = arith.constant 0 : i32
        %dma_start3A_104 = arith.constant 0 : i32
        %dma_start3A_105 = tpu.memref_slice %arg12[%dma_start3A_103, %dma_start3A_104] : memref<10000x144xf32, #tpu.memory_space<vmem_shared>> -> memref<10000x144xf32, #tpu.memory_space<vmem_shared>>
        tpu.enqueue_indirect_dma source(%arg10 : memref<64x144xf32, #tpu.memory_space<vmem>>) target(%dma_start3A_105 : memref<10000x144xf32, #tpu.memory_space<vmem_shared>>) offsets(%dma_start3A_102 : memref<64xi32, #tpu.memory_space<vmem>>) semaphore(%run_scoped3A : memref<!tpu.dma_semaphore, #tpu.memory_space<semaphore_mem>>) {add = true}
        %dma_wait3A_106 = arith.constant 0 : i32
        %dma_wait3A_107 = tpu.memref_slice %arg8[%add3A_68, %dma_wait3A_106] : memref<80x64xi32, #tpu.memory_space<vmem>> -> memref<1x64xi32, #tpu.memory_space<vmem>>
        %dma_wait3A_108 = tpu.memref_squeeze %dma_wait3A_107 : memref<1x64xi32, #tpu.memory_space<vmem>> -> memref<64xi32, #tpu.memory_space<vmem>>
        %dma_wait3A_109 = arith.constant 0 : i32
        %dma_wait3A_110 = arith.constant 0 : i32
        %dma_wait3A_111 = tpu.memref_slice %arg12[%dma_wait3A_109, %dma_wait3A_110] : memref<10000x144xf32, #tpu.memory_space<vmem_shared>> -> memref<10000x144xf32, #tpu.memory_space<vmem_shared>>
        tpu.wait_indirect_dma semaphore(%run_scoped3A : memref<!tpu.dma_semaphore, #tpu.memory_space<semaphore_mem>>) src(%arg10 : memref<64x144xf32, #tpu.memory_space<vmem>>) dst(%dma_wait3A_111 : memref<10000x144xf32, #tpu.memory_space<vmem_shared>>)
        tpu.yield
      }) : () -> ()
      %mul3A_80 = arith.constant 2 : i32
      %mul3A_81 = arith.muli %scan3A_64, %mul3A_80 : i32
      %add3A_82 = arith.constant 1 : i32
      %add3A_83 = arith.addi %mul3A_81, %add3A_82 : i32
      %dma_wait3A_84 = arith.constant 0 : i32
      %dma_wait3A_85 = tpu.memref_slice %arg7[%add3A_83, %dma_wait3A_84] : memref<80x64xi32, #tpu.memory_space<vmem>> -> memref<1x64xi32, #tpu.memory_space<vmem>>
      %dma_wait3A_86 = tpu.memref_squeeze %dma_wait3A_85 : memref<1x64xi32, #tpu.memory_space<vmem>> -> memref<64xi32, #tpu.memory_space<vmem>>
      %dma_wait3A_87 = arith.constant 0 : i32
      %dma_wait3A_88 = arith.constant 0 : i32
      %dma_wait3A_89 = tpu.memref_slice %arg5[%dma_wait3A_87, %dma_wait3A_88] : memref<10000x144xf32, #tpu.memory_space<hbm>> -> memref<10000x144xf32, #tpu.memory_space<hbm>>
      tpu.wait_indirect_dma semaphore(%arg14 : memref<!tpu.dma_semaphore, #tpu.memory_space<semaphore_mem>>) src(%dma_wait3A_89 : memref<10000x144xf32, #tpu.memory_space<hbm>>) dst(%arg11 : memref<64x144xf32, #tpu.memory_space<vmem>>)
      %add3A_90 = arith.constant 1 : i32
      %add3A_91 = arith.addi %add3A_83, %add3A_90 : i32
      %lt3A_92 = arith.constant 80 : i32
      %lt3A_93 = arith.cmpi slt, %add3A_91, %lt3A_92 : i32
      %convert_element_type3A_94 = arith.extui %lt3A_93 : i1 to i32
      %cond3A_95 = arith.constant 0 : i32
      %cond3A_96 = arith.cmpi ne, %convert_element_type3A_94, %cond3A_95 : i32
      scf.if %cond3A_96 {
        %add3A_100 = arith.constant 1 : i32
        %add3A_101 = arith.addi %add3A_83, %add3A_100 : i32
        %dma_start3A_102 = arith.constant 0 : i32
        %dma_start3A_103 = tpu.memref_slice %arg7[%add3A_101, %dma_start3A_102] : memref<80x64xi32, #tpu.memory_space<vmem>> -> memref<1x64xi32, #tpu.memory_space<vmem>>
        %dma_start3A_104 = tpu.memref_squeeze %dma_start3A_103 : memref<1x64xi32, #tpu.memory_space<vmem>> -> memref<64xi32, #tpu.memory_space<vmem>>
        %dma_start3A_105 = arith.constant 0 : i32
        %dma_start3A_106 = arith.constant 0 : i32
        %dma_start3A_107 = tpu.memref_slice %arg5[%dma_start3A_105, %dma_start3A_106] : memref<10000x144xf32, #tpu.memory_space<hbm>> -> memref<10000x144xf32, #tpu.memory_space<hbm>>
        tpu.enqueue_indirect_dma source(%dma_start3A_107 : memref<10000x144xf32, #tpu.memory_space<hbm>>) target(%arg10 : memref<64x144xf32, #tpu.memory_space<vmem>>) offsets(%dma_start3A_104 : memref<64xi32, #tpu.memory_space<vmem>>) semaphore(%arg13 : memref<!tpu.dma_semaphore, #tpu.memory_space<semaphore_mem>>)
      } else {
      }
      %parallel_loop3A_97 = arith.constant 0 : i32
      %parallel_loop3A_98 = arith.constant 0 : i32
      %parallel_loop3A_99 = arith.constant 1 : i32
      scf.for %parallel_loop3A_100 = %parallel_loop3A_97 to %parallel_loop3A_98 step %parallel_loop3A_99  : i32 {
        %parallel_loop3A_101 = arith.constant 1 : i32
        %parallel_loop3A_102 = arith.shrui %add3A_83, %parallel_loop3A_101 : i32
        %parallel_loop3A_103 = arith.constant 1 : i32
        %parallel_loop3A_104 = arith.andi %add3A_83, %parallel_loop3A_103 : i32
        %parallel_loop3A_105 = arith.constant 64 : i32
        %parallel_loop3A_106 = arith.muli %parallel_loop3A_104, %parallel_loop3A_105 : i32
        %parallel_loop3A_107 = arith.addi %parallel_loop3A_106, %parallel_loop3A_100 : i32
        %parallel_loop3A_108 = arith.constant 0 : i32
        %parallel_loop3A_109 = vector.broadcast %parallel_loop3A_108 : i32 to vector<16xi32>
        %parallel_loop3A_110 = vector.broadcast %parallel_loop3A_102 : i32 to vector<16xi32>
        %parallel_loop3A_111 = arith.addi %parallel_loop3A_109, %parallel_loop3A_110 : vector<16xi32>
        %parallel_loop3A_112 = arith.constant 0 : i32
        %parallel_loop3A_113 = vector.broadcast %parallel_loop3A_112 : i32 to vector<16xi32>
        %parallel_loop3A_114 = vector.broadcast %parallel_loop3A_107 : i32 to vector<16xi32>
        %parallel_loop3A_115 = arith.addi %parallel_loop3A_113, %parallel_loop3A_114 : vector<16xi32>
        %parallel_loop3A_116 = tpu.vector_load_idx %arg9[%parallel_loop3A_111, %parallel_loop3A_115] : memref<40x128xf32, #tpu.memory_space<vmem>>[vector<16xi32>, vector<16xi32>], vector<16xf32>,
        %parallel_loop3A_117 = arith.index_cast %parallel_loop3A_100 : i32 to index
        %parallel_loop3A_118 = arith.constant 0 : index
        %parallel_loop3A_119 = tpu.vector_load %arg11[%parallel_loop3A_117, %parallel_loop3A_118] {strides = array<i32>} : memref<64x144xf32, #tpu.memory_space<vmem>>, vector<16xf32>,
        %parallel_loop3A_120 = arith.mulf %parallel_loop3A_119, %parallel_loop3A_116 : vector<16xf32>
        %parallel_loop3A_121 = arith.index_cast %parallel_loop3A_100 : i32 to index
        %parallel_loop3A_122 = arith.constant 0 : index
        %parallel_loop3A_123 = tpu.vector_load %arg11[%parallel_loop3A_121, %parallel_loop3A_122] {strides = array<i32>} : memref<64x144xf32, #tpu.memory_space<vmem>>, vector<16xf32>,
        tpu.vector_store %arg11[%parallel_loop3A_121, %parallel_loop3A_122], %parallel_loop3A_120 {strides = array<i32>} : memref<64x144xf32, #tpu.memory_space<vmem>>, vector<16xf32>,
        %parallel_loop3A_124 = arith.index_cast %parallel_loop3A_100 : i32 to index
        %parallel_loop3A_125 = arith.constant 16 : index
        %parallel_loop3A_126 = tpu.vector_load %arg11[%parallel_loop3A_124, %parallel_loop3A_125] {strides = array<i32>} : memref<64x144xf32, #tpu.memory_space<vmem>>, vector<16xf32>,
        %parallel_loop3A_127 = arith.mulf %parallel_loop3A_126, %parallel_loop3A_116 : vector<16xf32>
        %parallel_loop3A_128 = arith.index_cast %parallel_loop3A_100 : i32 to index
        %parallel_loop3A_129 = arith.constant 16 : index
        %parallel_loop3A_130 = tpu.vector_load %arg11[%parallel_loop3A_128, %parallel_loop3A_129] {strides = array<i32>} : memref<64x144xf32, #tpu.memory_space<vmem>>, vector<16xf32>,
        tpu.vector_store %arg11[%parallel_loop3A_128, %parallel_loop3A_129], %parallel_loop3A_127 {strides = array<i32>} : memref<64x144xf32, #tpu.memory_space<vmem>>, vector<16xf32>,
        %parallel_loop3A_131 = arith.index_cast %parallel_loop3A_100 : i32 to index
        %parallel_loop3A_132 = arith.constant 32 : index
        %parallel_loop3A_133 = tpu.vector_load %arg11[%parallel_loop3A_131, %parallel_loop3A_132] {strides = array<i32>} : memref<64x144xf32, #tpu.memory_space<vmem>>, vector<16xf32>,
        %parallel_loop3A_134 = arith.mulf %parallel_loop3A_133, %parallel_loop3A_116 : vector<16xf32>
        %parallel_loop3A_135 = arith.index_cast %parallel_loop3A_100 : i32 to index
        %parallel_loop3A_136 = arith.constant 32 : index
        %parallel_loop3A_137 = tpu.vector_load %arg11[%parallel_loop3A_135, %parallel_loop3A_136] {strides = array<i32>} : memref<64x144xf32, #tpu.memory_space<vmem>>, vector<16xf32>,
        tpu.vector_store %arg11[%parallel_loop3A_135, %parallel_loop3A_136], %parallel_loop3A_134 {strides = array<i32>} : memref<64x144xf32, #tpu.memory_space<vmem>>, vector<16xf32>,
        %parallel_loop3A_138 = arith.index_cast %parallel_loop3A_100 : i32 to index
        %parallel_loop3A_139 = arith.constant 48 : index
        %parallel_loop3A_140 = tpu.vector_load %arg11[%parallel_loop3A_138, %parallel_loop3A_139] {strides = array<i32>} : memref<64x144xf32, #tpu.memory_space<vmem>>, vector<16xf32>,
        %parallel_loop3A_141 = arith.mulf %parallel_loop3A_140, %parallel_loop3A_116 : vector<16xf32>
        %parallel_loop3A_142 = arith.index_cast %parallel_loop3A_100 : i32 to index
        %parallel_loop3A_143 = arith.constant 48 : index
        %parallel_loop3A_144 = tpu.vector_load %arg11[%parallel_loop3A_142, %parallel_loop3A_143] {strides = array<i32>} : memref<64x144xf32, #tpu.memory_space<vmem>>, vector<16xf32>,
        tpu.vector_store %arg11[%parallel_loop3A_142, %parallel_loop3A_143], %parallel_loop3A_141 {strides = array<i32>} : memref<64x144xf32, #tpu.memory_space<vmem>>, vector<16xf32>,
        %parallel_loop3A_145 = arith.index_cast %parallel_loop3A_100 : i32 to index
        %parallel_loop3A_146 = arith.constant 64 : index
        %parallel_loop3A_147 = tpu.vector_load %arg11[%parallel_loop3A_145, %parallel_loop3A_146] {strides = array<i32>} : memref<64x144xf32, #tpu.memory_space<vmem>>, vector<16xf32>,
        %parallel_loop3A_148 = arith.mulf %parallel_loop3A_147, %parallel_loop3A_116 : vector<16xf32>
        %parallel_loop3A_149 = arith.index_cast %parallel_loop3A_100 : i32 to index
        %parallel_loop3A_150 = arith.constant 64 : index
        %parallel_loop3A_151 = tpu.vector_load %arg11[%parallel_loop3A_149, %parallel_loop3A_150] {strides = array<i32>} : memref<64x144xf32, #tpu.memory_space<vmem>>, vector<16xf32>,
        tpu.vector_store %arg11[%parallel_loop3A_149, %parallel_loop3A_150], %parallel_loop3A_148 {strides = array<i32>} : memref<64x144xf32, #tpu.memory_space<vmem>>, vector<16xf32>,
        %parallel_loop3A_152 = arith.index_cast %parallel_loop3A_100 : i32 to index
        %parallel_loop3A_153 = arith.constant 80 : index
        %parallel_loop3A_154 = tpu.vector_load %arg11[%parallel_loop3A_152, %parallel_loop3A_153] {strides = array<i32>} : memref<64x144xf32, #tpu.memory_space<vmem>>, vector<16xf32>,
        %parallel_loop3A_155 = arith.mulf %parallel_loop3A_154, %parallel_loop3A_116 : vector<16xf32>
        %parallel_loop3A_156 = arith.index_cast %parallel_loop3A_100 : i32 to index
        %parallel_loop3A_157 = arith.constant 80 : index
        %parallel_loop3A_158 = tpu.vector_load %arg11[%parallel_loop3A_156, %parallel_loop3A_157] {strides = array<i32>} : memref<64x144xf32, #tpu.memory_space<vmem>>, vector<16xf32>,
        tpu.vector_store %arg11[%parallel_loop3A_156, %parallel_loop3A_157], %parallel_loop3A_155 {strides = array<i32>} : memref<64x144xf32, #tpu.memory_space<vmem>>, vector<16xf32>,
        %parallel_loop3A_159 = arith.index_cast %parallel_loop3A_100 : i32 to index
        %parallel_loop3A_160 = arith.constant 96 : index
        %parallel_loop3A_161 = tpu.vector_load %arg11[%parallel_loop3A_159, %parallel_loop3A_160] {strides = array<i32>} : memref<64x144xf32, #tpu.memory_space<vmem>>, vector<16xf32>,
        %parallel_loop3A_162 = arith.mulf %parallel_loop3A_161, %parallel_loop3A_116 : vector<16xf32>
        %parallel_loop3A_163 = arith.index_cast %parallel_loop3A_100 : i32 to index
        %parallel_loop3A_164 = arith.constant 96 : index
        %parallel_loop3A_165 = tpu.vector_load %arg11[%parallel_loop3A_163, %parallel_loop3A_164] {strides = array<i32>} : memref<64x144xf32, #tpu.memory_space<vmem>>, vector<16xf32>,
        tpu.vector_store %arg11[%parallel_loop3A_163, %parallel_loop3A_164], %parallel_loop3A_162 {strides = array<i32>} : memref<64x144xf32, #tpu.memory_space<vmem>>, vector<16xf32>,
        %parallel_loop3A_166 = arith.index_cast %parallel_loop3A_100 : i32 to index
        %parallel_loop3A_167 = arith.constant 112 : index
        %parallel_loop3A_168 = tpu.vector_load %arg11[%parallel_loop3A_166, %parallel_loop3A_167] {strides = array<i32>} : memref<64x144xf32, #tpu.memory_space<vmem>>, vector<16xf32>,
        %parallel_loop3A_169 = arith.mulf %parallel_loop3A_168, %parallel_loop3A_116 : vector<16xf32>
        %parallel_loop3A_170 = arith.index_cast %parallel_loop3A_100 : i32 to index
        %parallel_loop3A_171 = arith.constant 112 : index
        %parallel_loop3A_172 = tpu.vector_load %arg11[%parallel_loop3A_170, %parallel_loop3A_171] {strides = array<i32>} : memref<64x144xf32, #tpu.memory_space<vmem>>, vector<16xf32>,
        tpu.vector_store %arg11[%parallel_loop3A_170, %parallel_loop3A_171], %parallel_loop3A_169 {strides = array<i32>} : memref<64x144xf32, #tpu.memory_space<vmem>>, vector<16xf32>,
        %parallel_loop3A_173 = arith.index_cast %parallel_loop3A_100 : i32 to index
        %parallel_loop3A_174 = arith.constant 128 : index
        %parallel_loop3A_175 = tpu.vector_load %arg11[%parallel_loop3A_173, %parallel_loop3A_174] {strides = array<i32>} : memref<64x144xf32, #tpu.memory_space<vmem>>, vector<16xf32>,
        %parallel_loop3A_176 = arith.mulf %parallel_loop3A_175, %parallel_loop3A_116 : vector<16xf32>
        %parallel_loop3A_177 = arith.index_cast %parallel_loop3A_100 : i32 to index
        %parallel_loop3A_178 = arith.constant 128 : index
        %parallel_loop3A_179 = tpu.vector_load %arg11[%parallel_loop3A_177, %parallel_loop3A_178] {strides = array<i32>} : memref<64x144xf32, #tpu.memory_space<vmem>>, vector<16xf32>,
        tpu.vector_store %arg11[%parallel_loop3A_177, %parallel_loop3A_178], %parallel_loop3A_176 {strides = array<i32>} : memref<64x144xf32, #tpu.memory_space<vmem>>, vector<16xf32>,
      } {sc.loop_unroll_factor = 4 : i64, sc.parallel_access}
      "tpu.region"() ({
        %run_scoped3A = tpu.sem_alloc : memref<!tpu.dma_semaphore, #tpu.memory_space<semaphore_mem>>
        %dma_start3A_100 = arith.constant 0 : i32
        %dma_start3A_101 = tpu.memref_slice %arg8[%add3A_83, %dma_start3A_100] : memref<80x64xi32, #tpu.memory_space<vmem>> -> memref<1x64xi32, #tpu.memory_space<vmem>>
        %dma_start3A_102 = tpu.memref_squeeze %dma_start3A_101 : memref<1x64xi32, #tpu.memory_space<vmem>> -> memref<64xi32, #tpu.memory_space<vmem>>
        %dma_start3A_103 = arith.constant 0 : i32
        %dma_start3A_104 = arith.constant 0 : i32
        %dma_start3A_105 = tpu.memref_slice %arg12[%dma_start3A_103, %dma_start3A_104] : memref<10000x144xf32, #tpu.memory_space<vmem_shared>> -> memref<10000x144xf32, #tpu.memory_space<vmem_shared>>
        tpu.enqueue_indirect_dma source(%arg11 : memref<64x144xf32, #tpu.memory_space<vmem>>) target(%dma_start3A_105 : memref<10000x144xf32, #tpu.memory_space<vmem_shared>>) offsets(%dma_start3A_102 : memref<64xi32, #tpu.memory_space<vmem>>) semaphore(%run_scoped3A : memref<!tpu.dma_semaphore, #tpu.memory_space<semaphore_mem>>) {add = true}
        %dma_wait3A_106 = arith.constant 0 : i32
        %dma_wait3A_107 = tpu.memref_slice %arg8[%add3A_83, %dma_wait3A_106] : memref<80x64xi32, #tpu.memory_space<vmem>> -> memref<1x64xi32, #tpu.memory_space<vmem>>
        %dma_wait3A_108 = tpu.memref_squeeze %dma_wait3A_107 : memref<1x64xi32, #tpu.memory_space<vmem>> -> memref<64xi32, #tpu.memory_space<vmem>>
        %dma_wait3A_109 = arith.constant 0 : i32
        %dma_wait3A_110 = arith.constant 0 : i32
        %dma_wait3A_111 = tpu.memref_slice %arg12[%dma_wait3A_109, %dma_wait3A_110] : memref<10000x144xf32, #tpu.memory_space<vmem_shared>> -> memref<10000x144xf32, #tpu.memory_space<vmem_shared>>
        tpu.wait_indirect_dma semaphore(%run_scoped3A : memref<!tpu.dma_semaphore, #tpu.memory_space<semaphore_mem>>) src(%arg11 : memref<64x144xf32, #tpu.memory_space<vmem>>) dst(%dma_wait3A_111 : memref<10000x144xf32, #tpu.memory_space<vmem_shared>>)
        tpu.yield
      }) : () -> ()
    }
    %scan3A_58 = arith.constant 40 : i32
    %barrier3A_59 = arith.constant 0 : index
    tpu.barrier barrier_id(%barrier3A_59)
    %mul3A_60 = arith.constant 625 : i32
    %mul3A_61 = arith.muli %arg1, %mul3A_60 : i32
    %mul3A_62 = arith.constant 625 : i32
    %mul3A_63 = arith.muli %arg1, %mul3A_62 : i32
    "tpu.region"() ({
      %run_scoped3A = tpu.sem_alloc : memref<!tpu.dma_semaphore, #tpu.memory_space<semaphore_mem>>
      %dma_start3A_64 = arith.constant 0 : i32
      %dma_start3A_65 = tpu.memref_slice %arg6[%arg0, %mul3A_63, %dma_start3A_64] : memref<2x10000x144xf32, #tpu.memory_space<hbm>> -> memref<1x625x144xf32, #tpu.memory_space<hbm>>
      %dma_start3A_66 = tpu.memref_squeeze %dma_start3A_65 : memref<1x625x144xf32, #tpu.memory_space<hbm>> -> memref<625x144xf32, #tpu.memory_space<hbm>>
      %dma_start3A_67 = arith.constant 0 : i32
      %dma_start3A_68 = tpu.memref_slice %arg12[%mul3A_61, %dma_start3A_67] : memref<10000x144xf32, #tpu.memory_space<vmem_shared>> -> memref<625x144xf32, #tpu.memory_space<vmem_shared>>
      tpu.enqueue_dma source(%dma_start3A_68 : memref<625x144xf32, #tpu.memory_space<vmem_shared>>) target(%dma_start3A_66 : memref<625x144xf32, #tpu.memory_space<hbm>>) target_semaphore(%run_scoped3A : memref<!tpu.dma_semaphore, #tpu.memory_space<semaphore_mem>>)
      %dma_wait3A = arith.constant 0 : i32
      %dma_wait3A_69 = tpu.memref_slice %arg6[%arg0, %mul3A_63, %dma_wait3A] : memref<2x10000x144xf32, #tpu.memory_space<hbm>> -> memref<1x625x144xf32, #tpu.memory_space<hbm>>
      %dma_wait3A_70 = tpu.memref_squeeze %dma_wait3A_69 : memref<1x625x144xf32, #tpu.memory_space<hbm>> -> memref<625x144xf32, #tpu.memory_space<hbm>>
      %dma_wait3A_71 = arith.constant 0 : i32
      %dma_wait3A_72 = tpu.memref_slice %arg12[%mul3A_61, %dma_wait3A_71] : memref<10000x144xf32, #tpu.memory_space<vmem_shared>> -> memref<625x144xf32, #tpu.memory_space<vmem_shared>>
      tpu.wait_dma2 semaphore(%run_scoped3A : memref<!tpu.dma_semaphore, #tpu.memory_space<semaphore_mem>>) src(%dma_wait3A_72 : memref<625x144xf32, #tpu.memory_space<vmem_shared>>) dst(%dma_wait3A_70 : memref<625x144xf32, #tpu.memory_space<hbm>>)
      tpu.yield
    }) : () -> ()
    return
  }
}

#map = affine_map<(d0, d1) -> (0, 0, 0)>
#map1 = affine_map<(d0, d1) -> (0, 0)>
module attributes {stable_mosaic.version = 14 : i64} {
  func.func @_sc_aggregate(%arg0: i32, %arg1: i32, %arg2: memref<32x80x64xi32, #tpu.memory_space<hbm>>, %arg3: memref<32x80x64xi32, #tpu.memory_space<hbm>>, %arg4: memref<32x40x128xf32, #tpu.memory_space<hbm>>, %arg5: memref<10000x144xf32, #tpu.memory_space<hbm>>, %arg6: memref<2x10000x144xf32, #tpu.memory_space<hbm>>, %arg7: memref<80x64xi32, #tpu.memory_space<vmem>>, %arg8: memref<80x64xi32, #tpu.memory_space<vmem>>, %arg9: memref<40x128xf32, #tpu.memory_space<vmem>>, %arg10: memref<64x144xf32, #tpu.memory_space<vmem>>, %arg11: memref<64x144xf32, #tpu.memory_space<vmem>>, %arg12: memref<10000x144xf32, #tpu.memory_space<vmem_shared>>, %arg13: memref<!tpu.dma_semaphore, #tpu.memory_space<semaphore_mem>>, %arg14: memref<!tpu.dma_semaphore, #tpu.memory_space<semaphore_mem>>) attributes {dimension_semantics = [#tpu.dimension_semantics<core_parallel>, #tpu.dimension_semantics<subcore_parallel>], iteration_bounds = array<i64: 2, 16>, scalar_prefetch = 0 : i64, scratch_operands = 8 : i64, tpu.core_type = #tpu.core_type<sc_vector_subcore>, window_params = [{transform_indices = #map}, {transform_indices = #map}, {transform_indices = #map}, {transform_indices = #map1}, {transform_indices = #map}]} {
    %mul3A = arith.constant 16 : i32
    %mul3A_0 = arith.muli %arg0, %mul3A : i32
    %add3A = arith.addi %mul3A_0, %arg1 : i32
    "tpu.region"() ({
      %run_scoped3A = tpu.sem_alloc : memref<!tpu.dma_semaphore, #tpu.memory_space<semaphore_mem>>
      %dma_start3A_64 = arith.constant 0 : i32
      %dma_start3A_65 = arith.constant 0 : i32
      %dma_start3A_66 = tpu.memref_slice %arg2[%add3A, %dma_start3A_64, %dma_start3A_65] : memref<32x80x64xi32, #tpu.memory_space<hbm>> -> memref<1x80x64xi32, #tpu.memory_space<hbm>>
      %dma_start3A_67 = tpu.memref_squeeze %dma_start3A_66 : memref<1x80x64xi32, #tpu.memory_space<hbm>> -> memref<80x64xi32, #tpu.memory_space<hbm>>
      %dma_start3A_68 = arith.constant 0 : i32
      %dma_start3A_69 = arith.constant 0 : i32
      %dma_start3A_70 = tpu.memref_slice %arg2[%add3A, %dma_start3A_68, %dma_start3A_69] : memref<32x80x64xi32, #tpu.memory_space<hbm>> -> memref<1x80x64xi32, #tpu.memory_space<hbm>>
      %dma_start3A_71 = tpu.memref_squeeze %dma_start3A_70 : memref<1x80x64xi32, #tpu.memory_space<hbm>> -> memref<80x64xi32, #tpu.memory_space<hbm>>
      tpu.enqueue_dma source(%dma_start3A_71 : memref<80x64xi32, #tpu.memory_space<hbm>>) target(%arg7 : memref<80x64xi32, #tpu.memory_space<vmem>>) target_semaphore(%run_scoped3A : memref<!tpu.dma_semaphore, #tpu.memory_space<semaphore_mem>>)
      %dma_wait3A = arith.constant 0 : i32
      %dma_wait3A_72 = arith.constant 0 : i32
      %dma_wait3A_73 = tpu.memref_slice %arg2[%add3A, %dma_wait3A, %dma_wait3A_72] : memref<32x80x64xi32, #tpu.memory_space<hbm>> -> memref<1x80x64xi32, #tpu.memory_space<hbm>>
      %dma_wait3A_74 = tpu.memref_squeeze %dma_wait3A_73 : memref<1x80x64xi32, #tpu.memory_space<hbm>> -> memref<80x64xi32, #tpu.memory_space<hbm>>
      %dma_wait3A_75 = arith.constant 0 : i32
      %dma_wait3A_76 = arith.constant 0 : i32
      %dma_wait3A_77 = tpu.memref_slice %arg2[%add3A, %dma_wait3A_75, %dma_wait3A_76] : memref<32x80x64xi32, #tpu.memory_space<hbm>> -> memref<1x80x64xi32, #tpu.memory_space<hbm>>
      %dma_wait3A_78 = tpu.memref_squeeze %dma_wait3A_77 : memref<1x80x64xi32, #tpu.memory_space<hbm>> -> memref<80x64xi32, #tpu.memory_space<hbm>>
      tpu.wait_dma2 semaphore(%run_scoped3A : memref<!tpu.dma_semaphore, #tpu.memory_space<semaphore_mem>>) src(%dma_wait3A_78 : memref<80x64xi32, #tpu.memory_space<hbm>>) dst(%arg7 : memref<80x64xi32, #tpu.memory_space<vmem>>)
      tpu.yield
    }) : () -> ()
    "tpu.region"() ({
      %run_scoped3A = tpu.sem_alloc : memref<!tpu.dma_semaphore, #tpu.memory_space<semaphore_mem>>
      %dma_start3A_64 = arith.constant 0 : i32
      %dma_start3A_65 = arith.constant 0 : i32
      %dma_start3A_66 = tpu.memref_slice %arg3[%add3A, %dma_start3A_64, %dma_start3A_65] : memref<32x80x64xi32, #tpu.memory_space<hbm>> -> memref<1x80x64xi32, #tpu.memory_space<hbm>>
      %dma_start3A_67 = tpu.memref_squeeze %dma_start3A_66 : memref<1x80x64xi32, #tpu.memory_space<hbm>> -> memref<80x64xi32, #tpu.memory_space<hbm>>
      %dma_start3A_68 = arith.constant 0 : i32
      %dma_start3A_69 = arith.constant 0 : i32
      %dma_start3A_70 = tpu.memref_slice %arg3[%add3A, %dma_start3A_68, %dma_start3A_69] : memref<32x80x64xi32, #tpu.memory_space<hbm>> -> memref<1x80x64xi32, #tpu.memory_space<hbm>>
      %dma_start3A_71 = tpu.memref_squeeze %dma_start3A_70 : memref<1x80x64xi32, #tpu.memory_space<hbm>> -> memref<80x64xi32, #tpu.memory_space<hbm>>
      tpu.enqueue_dma source(%dma_start3A_71 : memref<80x64xi32, #tpu.memory_space<hbm>>) target(%arg8 : memref<80x64xi32, #tpu.memory_space<vmem>>) target_semaphore(%run_scoped3A : memref<!tpu.dma_semaphore, #tpu.memory_space<semaphore_mem>>)
      %dma_wait3A = arith.constant 0 : i32
      %dma_wait3A_72 = arith.constant 0 : i32
      %dma_wait3A_73 = tpu.memref_slice %arg3[%add3A, %dma_wait3A, %dma_wait3A_72] : memref<32x80x64xi32, #tpu.memory_space<hbm>> -> memref<1x80x64xi32, #tpu.memory_space<hbm>>
      %dma_wait3A_74 = tpu.memref_squeeze %dma_wait3A_73 : memref<1x80x64xi32, #tpu.memory_space<hbm>> -> memref<80x64xi32, #tpu.memory_space<hbm>>
      %dma_wait3A_75 = arith.constant 0 : i32
      %dma_wait3A_76 = arith.constant 0 : i32
      %dma_wait3A_77 = tpu.memref_slice %arg3[%add3A, %dma_wait3A_75, %dma_wait3A_76] : memref<32x80x64xi32, #tpu.memory_space<hbm>> -> memref<1x80x64xi32, #tpu.memory_space<hbm>>
      %dma_wait3A_78 = tpu.memref_squeeze %dma_wait3A_77 : memref<1x80x64xi32, #tpu.memory_space<hbm>> -> memref<80x64xi32, #tpu.memory_space<hbm>>
      tpu.wait_dma2 semaphore(%run_scoped3A : memref<!tpu.dma_semaphore, #tpu.memory_space<semaphore_mem>>) src(%dma_wait3A_78 : memref<80x64xi32, #tpu.memory_space<hbm>>) dst(%arg8 : memref<80x64xi32, #tpu.memory_space<vmem>>)
      tpu.yield
    }) : () -> ()
    "tpu.region"() ({
      %run_scoped3A = tpu.sem_alloc : memref<!tpu.dma_semaphore, #tpu.memory_space<semaphore_mem>>
      %dma_start3A_64 = arith.constant 0 : i32
      %dma_start3A_65 = arith.constant 0 : i32
      %dma_start3A_66 = tpu.memref_slice %arg4[%add3A, %dma_start3A_64, %dma_start3A_65] : memref<32x40x128xf32, #tpu.memory_space<hbm>> -> memref<1x40x128xf32, #tpu.memory_space<hbm>>
      %dma_start3A_67 = tpu.memref_squeeze %dma_start3A_66 : memref<1x40x128xf32, #tpu.memory_space<hbm>> -> memref<40x128xf32, #tpu.memory_space<hbm>>
      %dma_start3A_68 = arith.constant 0 : i32
      %dma_start3A_69 = arith.constant 0 : i32
      %dma_start3A_70 = tpu.memref_slice %arg4[%add3A, %dma_start3A_68, %dma_start3A_69] : memref<32x40x128xf32, #tpu.memory_space<hbm>> -> memref<1x40x128xf32, #tpu.memory_space<hbm>>
      %dma_start3A_71 = tpu.memref_squeeze %dma_start3A_70 : memref<1x40x128xf32, #tpu.memory_space<hbm>> -> memref<40x128xf32, #tpu.memory_space<hbm>>
      tpu.enqueue_dma source(%dma_start3A_71 : memref<40x128xf32, #tpu.memory_space<hbm>>) target(%arg9 : memref<40x128xf32, #tpu.memory_space<vmem>>) target_semaphore(%run_scoped3A : memref<!tpu.dma_semaphore, #tpu.memory_space<semaphore_mem>>)
      %dma_wait3A = arith.constant 0 : i32
      %dma_wait3A_72 = arith.constant 0 : i32
      %dma_wait3A_73 = tpu.memref_slice %arg4[%add3A, %dma_wait3A, %dma_wait3A_72] : memref<32x40x128xf32, #tpu.memory_space<hbm>> -> memref<1x40x128xf32, #tpu.memory_space<hbm>>
      %dma_wait3A_74 = tpu.memref_squeeze %dma_wait3A_73 : memref<1x40x128xf32, #tpu.memory_space<hbm>> -> memref<40x128xf32, #tpu.memory_space<hbm>>
      %dma_wait3A_75 = arith.constant 0 : i32
      %dma_wait3A_76 = arith.constant 0 : i32
      %dma_wait3A_77 = tpu.memref_slice %arg4[%add3A, %dma_wait3A_75, %dma_wait3A_76] : memref<32x40x128xf32, #tpu.memory_space<hbm>> -> memref<1x40x128xf32, #tpu.memory_space<hbm>>
      %dma_wait3A_78 = tpu.memref_squeeze %dma_wait3A_77 : memref<1x40x128xf32, #tpu.memory_space<hbm>> -> memref<40x128xf32, #tpu.memory_space<hbm>>
      tpu.wait_dma2 semaphore(%run_scoped3A : memref<!tpu.dma_semaphore, #tpu.memory_space<semaphore_mem>>) src(%dma_wait3A_78 : memref<40x128xf32, #tpu.memory_space<hbm>>) dst(%arg9 : memref<40x128xf32, #tpu.memory_space<vmem>>)
      tpu.yield
    }) : () -> ()
    %broadcast_in_dim3A = arith.constant 0.000000e+00 : f32
    %broadcast_in_dim3A_1 = vector.broadcast %broadcast_in_dim3A : f32 to vector<16xf32>
    %scan3A = arith.constant 0 : i32
    %scan3A_2 = arith.constant 0 : i32
    %scan3A_3 = arith.constant 64 : i32
    %scan3A_4 = arith.addi %scan3A_2, %scan3A_3 : i32
    %scan3A_5 = arith.constant 1 : i32
    scf.for %scan3A_64 = %scan3A_2 to %scan3A_4 step %scan3A_5  : i32 {
      %swap3A = arith.index_cast %scan3A_64 : i32 to index
      %swap3A_65 = arith.constant 0 : index
      %swap3A_66 = tpu.vector_load %arg10[%swap3A, %swap3A_65] {strides = array<i32>} : memref<64x144xf32, #tpu.memory_space<vmem>>, vector<16xf32>,
      tpu.vector_store %arg10[%swap3A, %swap3A_65], %broadcast_in_dim3A_1 {strides = array<i32>} : memref<64x144xf32, #tpu.memory_space<vmem>>, vector<16xf32>,
      %swap3A_67 = arith.index_cast %scan3A_64 : i32 to index
      %swap3A_68 = arith.constant 16 : index
      %swap3A_69 = tpu.vector_load %arg10[%swap3A_67, %swap3A_68] {strides = array<i32>} : memref<64x144xf32, #tpu.memory_space<vmem>>, vector<16xf32>,
      tpu.vector_store %arg10[%swap3A_67, %swap3A_68], %broadcast_in_dim3A_1 {strides = array<i32>} : memref<64x144xf32, #tpu.memory_space<vmem>>, vector<16xf32>,
      %swap3A_70 = arith.index_cast %scan3A_64 : i32 to index
      %swap3A_71 = arith.constant 32 : index
      %swap3A_72 = tpu.vector_load %arg10[%swap3A_70, %swap3A_71] {strides = array<i32>} : memref<64x144xf32, #tpu.memory_space<vmem>>, vector<16xf32>,
      tpu.vector_store %arg10[%swap3A_70, %swap3A_71], %broadcast_in_dim3A_1 {strides = array<i32>} : memref<64x144xf32, #tpu.memory_space<vmem>>, vector<16xf32>,
      %swap3A_73 = arith.index_cast %scan3A_64 : i32 to index
      %swap3A_74 = arith.constant 48 : index
      %swap3A_75 = tpu.vector_load %arg10[%swap3A_73, %swap3A_74] {strides = array<i32>} : memref<64x144xf32, #tpu.memory_space<vmem>>, vector<16xf32>,
      tpu.vector_store %arg10[%swap3A_73, %swap3A_74], %broadcast_in_dim3A_1 {strides = array<i32>} : memref<64x144xf32, #tpu.memory_space<vmem>>, vector<16xf32>,
      %swap3A_76 = arith.index_cast %scan3A_64 : i32 to index
      %swap3A_77 = arith.constant 64 : index
      %swap3A_78 = tpu.vector_load %arg10[%swap3A_76, %swap3A_77] {strides = array<i32>} : memref<64x144xf32, #tpu.memory_space<vmem>>, vector<16xf32>,
      tpu.vector_store %arg10[%swap3A_76, %swap3A_77], %broadcast_in_dim3A_1 {strides = array<i32>} : memref<64x144xf32, #tpu.memory_space<vmem>>, vector<16xf32>,
      %swap3A_79 = arith.index_cast %scan3A_64 : i32 to index
      %swap3A_80 = arith.constant 80 : index
      %swap3A_81 = tpu.vector_load %arg10[%swap3A_79, %swap3A_80] {strides = array<i32>} : memref<64x144xf32, #tpu.memory_space<vmem>>, vector<16xf32>,
      tpu.vector_store %arg10[%swap3A_79, %swap3A_80], %broadcast_in_dim3A_1 {strides = array<i32>} : memref<64x144xf32, #tpu.memory_space<vmem>>, vector<16xf32>,
      %swap3A_82 = arith.index_cast %scan3A_64 : i32 to index
      %swap3A_83 = arith.constant 96 : index
      %swap3A_84 = tpu.vector_load %arg10[%swap3A_82, %swap3A_83] {strides = array<i32>} : memref<64x144xf32, #tpu.memory_space<vmem>>, vector<16xf32>,
      tpu.vector_store %arg10[%swap3A_82, %swap3A_83], %broadcast_in_dim3A_1 {strides = array<i32>} : memref<64x144xf32, #tpu.memory_space<vmem>>, vector<16xf32>,
      %swap3A_85 = arith.index_cast %scan3A_64 : i32 to index
      %swap3A_86 = arith.constant 112 : index
      %swap3A_87 = tpu.vector_load %arg10[%swap3A_85, %swap3A_86] {strides = array<i32>} : memref<64x144xf32, #tpu.memory_space<vmem>>, vector<16xf32>,
      tpu.vector_store %arg10[%swap3A_85, %swap3A_86], %broadcast_in_dim3A_1 {strides = array<i32>} : memref<64x144xf32, #tpu.memory_space<vmem>>, vector<16xf32>,
      %swap3A_88 = arith.index_cast %scan3A_64 : i32 to index
      %swap3A_89 = arith.constant 128 : index
      %swap3A_90 = tpu.vector_load %arg10[%swap3A_88, %swap3A_89] {strides = array<i32>} : memref<64x144xf32, #tpu.memory_space<vmem>>, vector<16xf32>,
      tpu.vector_store %arg10[%swap3A_88, %swap3A_89], %broadcast_in_dim3A_1 {strides = array<i32>} : memref<64x144xf32, #tpu.memory_space<vmem>>, vector<16xf32>,
    }
    %scan3A_6 = arith.constant 64 : i32
    %mul3A_7 = arith.constant 625 : i32
    %mul3A_8 = arith.muli %arg1, %mul3A_7 : i32
    %add3A_9 = arith.constant 0 : i32
    %add3A_10 = arith.addi %mul3A_8, %add3A_9 : i32
    "tpu.region"() ({
      %run_scoped3A = tpu.sem_alloc : memref<!tpu.dma_semaphore, #tpu.memory_space<semaphore_mem>>
      %dma_start3A_64 = arith.constant 0 : i32
      %dma_start3A_65 = arith.constant 0 : i32
      %dma_start3A_66 = tpu.memref_slice %arg10[%dma_start3A_64, %dma_start3A_65] : memref<64x144xf32, #tpu.memory_space<vmem>> -> memref<64x144xf32, #tpu.memory_space<vmem>>
      %dma_start3A_67 = arith.constant 0 : i32
      %dma_start3A_68 = tpu.memref_slice %arg12[%add3A_10, %dma_start3A_67] : memref<10000x144xf32, #tpu.memory_space<vmem_shared>> -> memref<64x144xf32, #tpu.memory_space<vmem_shared>>
      %dma_start3A_69 = arith.constant 0 : i32
      %dma_start3A_70 = tpu.memref_slice %arg12[%add3A_10, %dma_start3A_69] : memref<10000x144xf32, #tpu.memory_space<vmem_shared>> -> memref<64x144xf32, #tpu.memory_space<vmem_shared>>
      %dma_start3A_71 = arith.constant 0 : i32
      %dma_start3A_72 = arith.constant 0 : i32
      %dma_start3A_73 = tpu.memref_slice %arg10[%dma_start3A_71, %dma_start3A_72] : memref<64x144xf32, #tpu.memory_space<vmem>> -> memref<64x144xf32, #tpu.memory_space<vmem>>
      tpu.enqueue_dma source(%dma_start3A_73 : memref<64x144xf32, #tpu.memory_space<vmem>>) target(%dma_start3A_70 : memref<64x144xf32, #tpu.memory_space<vmem_shared>>) target_semaphore(%run_scoped3A : memref<!tpu.dma_semaphore, #tpu.memory_space<semaphore_mem>>)
      %dma_wait3A = arith.constant 0 : i32
      %dma_wait3A_74 = arith.constant 0 : i32
      %dma_wait3A_75 = tpu.memref_slice %arg10[%dma_wait3A, %dma_wait3A_74] : memref<64x144xf32, #tpu.memory_space<vmem>> -> memref<64x144xf32, #tpu.memory_space<vmem>>
      %dma_wait3A_76 = arith.constant 0 : i32
      %dma_wait3A_77 = tpu.memref_slice %arg12[%add3A_10, %dma_wait3A_76] : memref<10000x144xf32, #tpu.memory_space<vmem_shared>> -> memref<64x144xf32, #tpu.memory_space<vmem_shared>>
      %dma_wait3A_78 = arith.constant 0 : i32
      %dma_wait3A_79 = tpu.memref_slice %arg12[%add3A_10, %dma_wait3A_78] : memref<10000x144xf32, #tpu.memory_space<vmem_shared>> -> memref<64x144xf32, #tpu.memory_space<vmem_shared>>
      %dma_wait3A_80 = arith.constant 0 : i32
      %dma_wait3A_81 = arith.constant 0 : i32
      %dma_wait3A_82 = tpu.memref_slice %arg10[%dma_wait3A_80, %dma_wait3A_81] : memref<64x144xf32, #tpu.memory_space<vmem>> -> memref<64x144xf32, #tpu.memory_space<vmem>>
      tpu.wait_dma2 semaphore(%run_scoped3A : memref<!tpu.dma_semaphore, #tpu.memory_space<semaphore_mem>>) src(%dma_wait3A_82 : memref<64x144xf32, #tpu.memory_space<vmem>>) dst(%dma_wait3A_79 : memref<64x144xf32, #tpu.memory_space<vmem_shared>>)
      tpu.yield
    }) : () -> ()
    %mul3A_11 = arith.constant 625 : i32
    %mul3A_12 = arith.muli %arg1, %mul3A_11 : i32
    %add3A_13 = arith.constant 64 : i32
    %add3A_14 = arith.addi %mul3A_12, %add3A_13 : i32
    "tpu.region"() ({
      %run_scoped3A = tpu.sem_alloc : memref<!tpu.dma_semaphore, #tpu.memory_space<semaphore_mem>>
      %dma_start3A_64 = arith.constant 0 : i32
      %dma_start3A_65 = arith.constant 0 : i32
      %dma_start3A_66 = tpu.memref_slice %arg10[%dma_start3A_64, %dma_start3A_65] : memref<64x144xf32, #tpu.memory_space<vmem>> -> memref<64x144xf32, #tpu.memory_space<vmem>>
      %dma_start3A_67 = arith.constant 0 : i32
      %dma_start3A_68 = tpu.memref_slice %arg12[%add3A_14, %dma_start3A_67] : memref<10000x144xf32, #tpu.memory_space<vmem_shared>> -> memref<64x144xf32, #tpu.memory_space<vmem_shared>>
      %dma_start3A_69 = arith.constant 0 : i32
      %dma_start3A_70 = tpu.memref_slice %arg12[%add3A_14, %dma_start3A_69] : memref<10000x144xf32, #tpu.memory_space<vmem_shared>> -> memref<64x144xf32, #tpu.memory_space<vmem_shared>>
      %dma_start3A_71 = arith.constant 0 : i32
      %dma_start3A_72 = arith.constant 0 : i32
      %dma_start3A_73 = tpu.memref_slice %arg10[%dma_start3A_71, %dma_start3A_72] : memref<64x144xf32, #tpu.memory_space<vmem>> -> memref<64x144xf32, #tpu.memory_space<vmem>>
      tpu.enqueue_dma source(%dma_start3A_73 : memref<64x144xf32, #tpu.memory_space<vmem>>) target(%dma_start3A_70 : memref<64x144xf32, #tpu.memory_space<vmem_shared>>) target_semaphore(%run_scoped3A : memref<!tpu.dma_semaphore, #tpu.memory_space<semaphore_mem>>)
      %dma_wait3A = arith.constant 0 : i32
      %dma_wait3A_74 = arith.constant 0 : i32
      %dma_wait3A_75 = tpu.memref_slice %arg10[%dma_wait3A, %dma_wait3A_74] : memref<64x144xf32, #tpu.memory_space<vmem>> -> memref<64x144xf32, #tpu.memory_space<vmem>>
      %dma_wait3A_76 = arith.constant 0 : i32
      %dma_wait3A_77 = tpu.memref_slice %arg12[%add3A_14, %dma_wait3A_76] : memref<10000x144xf32, #tpu.memory_space<vmem_shared>> -> memref<64x144xf32, #tpu.memory_space<vmem_shared>>
      %dma_wait3A_78 = arith.constant 0 : i32
      %dma_wait3A_79 = tpu.memref_slice %arg12[%add3A_14, %dma_wait3A_78] : memref<10000x144xf32, #tpu.memory_space<vmem_shared>> -> memref<64x144xf32, #tpu.memory_space<vmem_shared>>
      %dma_wait3A_80 = arith.constant 0 : i32
      %dma_wait3A_81 = arith.constant 0 : i32
      %dma_wait3A_82 = tpu.memref_slice %arg10[%dma_wait3A_80, %dma_wait3A_81] : memref<64x144xf32, #tpu.memory_space<vmem>> -> memref<64x144xf32, #tpu.memory_space<vmem>>
      tpu.wait_dma2 semaphore(%run_scoped3A : memref<!tpu.dma_semaphore, #tpu.memory_space<semaphore_mem>>) src(%dma_wait3A_82 : memref<64x144xf32, #tpu.memory_space<vmem>>) dst(%dma_wait3A_79 : memref<64x144xf32, #tpu.memory_space<vmem_shared>>)
      tpu.yield
    }) : () -> ()
    %mul3A_15 = arith.constant 625 : i32
    %mul3A_16 = arith.muli %arg1, %mul3A_15 : i32
    %add3A_17 = arith.constant 128 : i32
    %add3A_18 = arith.addi %mul3A_16, %add3A_17 : i32
    "tpu.region"() ({
      %run_scoped3A = tpu.sem_alloc : memref<!tpu.dma_semaphore, #tpu.memory_space<semaphore_mem>>
      %dma_start3A_64 = arith.constant 0 : i32
      %dma_start3A_65 = arith.constant 0 : i32
      %dma_start3A_66 = tpu.memref_slice %arg10[%dma_start3A_64, %dma_start3A_65] : memref<64x144xf32, #tpu.memory_space<vmem>> -> memref<64x144xf32, #tpu.memory_space<vmem>>
      %dma_start3A_67 = arith.constant 0 : i32
      %dma_start3A_68 = tpu.memref_slice %arg12[%add3A_18, %dma_start3A_67] : memref<10000x144xf32, #tpu.memory_space<vmem_shared>> -> memref<64x144xf32, #tpu.memory_space<vmem_shared>>
      %dma_start3A_69 = arith.constant 0 : i32
      %dma_start3A_70 = tpu.memref_slice %arg12[%add3A_18, %dma_start3A_69] : memref<10000x144xf32, #tpu.memory_space<vmem_shared>> -> memref<64x144xf32, #tpu.memory_space<vmem_shared>>
      %dma_start3A_71 = arith.constant 0 : i32
      %dma_start3A_72 = arith.constant 0 : i32
      %dma_start3A_73 = tpu.memref_slice %arg10[%dma_start3A_71, %dma_start3A_72] : memref<64x144xf32, #tpu.memory_space<vmem>> -> memref<64x144xf32, #tpu.memory_space<vmem>>
      tpu.enqueue_dma source(%dma_start3A_73 : memref<64x144xf32, #tpu.memory_space<vmem>>) target(%dma_start3A_70 : memref<64x144xf32, #tpu.memory_space<vmem_shared>>) target_semaphore(%run_scoped3A : memref<!tpu.dma_semaphore, #tpu.memory_space<semaphore_mem>>)
      %dma_wait3A = arith.constant 0 : i32
      %dma_wait3A_74 = arith.constant 0 : i32
      %dma_wait3A_75 = tpu.memref_slice %arg10[%dma_wait3A, %dma_wait3A_74] : memref<64x144xf32, #tpu.memory_space<vmem>> -> memref<64x144xf32, #tpu.memory_space<vmem>>
      %dma_wait3A_76 = arith.constant 0 : i32
      %dma_wait3A_77 = tpu.memref_slice %arg12[%add3A_18, %dma_wait3A_76] : memref<10000x144xf32, #tpu.memory_space<vmem_shared>> -> memref<64x144xf32, #tpu.memory_space<vmem_shared>>
      %dma_wait3A_78 = arith.constant 0 : i32
      %dma_wait3A_79 = tpu.memref_slice %arg12[%add3A_18, %dma_wait3A_78] : memref<10000x144xf32, #tpu.memory_space<vmem_shared>> -> memref<64x144xf32, #tpu.memory_space<vmem_shared>>
      %dma_wait3A_80 = arith.constant 0 : i32
      %dma_wait3A_81 = arith.constant 0 : i32
      %dma_wait3A_82 = tpu.memref_slice %arg10[%dma_wait3A_80, %dma_wait3A_81] : memref<64x144xf32, #tpu.memory_space<vmem>> -> memref<64x144xf32, #tpu.memory_space<vmem>>
      tpu.wait_dma2 semaphore(%run_scoped3A : memref<!tpu.dma_semaphore, #tpu.memory_space<semaphore_mem>>) src(%dma_wait3A_82 : memref<64x144xf32, #tpu.memory_space<vmem>>) dst(%dma_wait3A_79 : memref<64x144xf32, #tpu.memory_space<vmem_shared>>)
      tpu.yield
    }) : () -> ()
    %mul3A_19 = arith.constant 625 : i32
    %mul3A_20 = arith.muli %arg1, %mul3A_19 : i32
    %add3A_21 = arith.constant 192 : i32
    %add3A_22 = arith.addi %mul3A_20, %add3A_21 : i32
    "tpu.region"() ({
      %run_scoped3A = tpu.sem_alloc : memref<!tpu.dma_semaphore, #tpu.memory_space<semaphore_mem>>
      %dma_start3A_64 = arith.constant 0 : i32
      %dma_start3A_65 = arith.constant 0 : i32
      %dma_start3A_66 = tpu.memref_slice %arg10[%dma_start3A_64, %dma_start3A_65] : memref<64x144xf32, #tpu.memory_space<vmem>> -> memref<64x144xf32, #tpu.memory_space<vmem>>
      %dma_start3A_67 = arith.constant 0 : i32
      %dma_start3A_68 = tpu.memref_slice %arg12[%add3A_22, %dma_start3A_67] : memref<10000x144xf32, #tpu.memory_space<vmem_shared>> -> memref<64x144xf32, #tpu.memory_space<vmem_shared>>
      %dma_start3A_69 = arith.constant 0 : i32
      %dma_start3A_70 = tpu.memref_slice %arg12[%add3A_22, %dma_start3A_69] : memref<10000x144xf32, #tpu.memory_space<vmem_shared>> -> memref<64x144xf32, #tpu.memory_space<vmem_shared>>
      %dma_start3A_71 = arith.constant 0 : i32
      %dma_start3A_72 = arith.constant 0 : i32
      %dma_start3A_73 = tpu.memref_slice %arg10[%dma_start3A_71, %dma_start3A_72] : memref<64x144xf32, #tpu.memory_space<vmem>> -> memref<64x144xf32, #tpu.memory_space<vmem>>
      tpu.enqueue_dma source(%dma_start3A_73 : memref<64x144xf32, #tpu.memory_space<vmem>>) target(%dma_start3A_70 : memref<64x144xf32, #tpu.memory_space<vmem_shared>>) target_semaphore(%run_scoped3A : memref<!tpu.dma_semaphore, #tpu.memory_space<semaphore_mem>>)
      %dma_wait3A = arith.constant 0 : i32
      %dma_wait3A_74 = arith.constant 0 : i32
      %dma_wait3A_75 = tpu.memref_slice %arg10[%dma_wait3A, %dma_wait3A_74] : memref<64x144xf32, #tpu.memory_space<vmem>> -> memref<64x144xf32, #tpu.memory_space<vmem>>
      %dma_wait3A_76 = arith.constant 0 : i32
      %dma_wait3A_77 = tpu.memref_slice %arg12[%add3A_22, %dma_wait3A_76] : memref<10000x144xf32, #tpu.memory_space<vmem_shared>> -> memref<64x144xf32, #tpu.memory_space<vmem_shared>>
      %dma_wait3A_78 = arith.constant 0 : i32
      %dma_wait3A_79 = tpu.memref_slice %arg12[%add3A_22, %dma_wait3A_78] : memref<10000x144xf32, #tpu.memory_space<vmem_shared>> -> memref<64x144xf32, #tpu.memory_space<vmem_shared>>
      %dma_wait3A_80 = arith.constant 0 : i32
      %dma_wait3A_81 = arith.constant 0 : i32
      %dma_wait3A_82 = tpu.memref_slice %arg10[%dma_wait3A_80, %dma_wait3A_81] : memref<64x144xf32, #tpu.memory_space<vmem>> -> memref<64x144xf32, #tpu.memory_space<vmem>>
      tpu.wait_dma2 semaphore(%run_scoped3A : memref<!tpu.dma_semaphore, #tpu.memory_space<semaphore_mem>>) src(%dma_wait3A_82 : memref<64x144xf32, #tpu.memory_space<vmem>>) dst(%dma_wait3A_79 : memref<64x144xf32, #tpu.memory_space<vmem_shared>>)
      tpu.yield
    }) : () -> ()
    %mul3A_23 = arith.constant 625 : i32
    %mul3A_24 = arith.muli %arg1, %mul3A_23 : i32
    %add3A_25 = arith.constant 256 : i32
    %add3A_26 = arith.addi %mul3A_24, %add3A_25 : i32
    "tpu.region"() ({
      %run_scoped3A = tpu.sem_alloc : memref<!tpu.dma_semaphore, #tpu.memory_space<semaphore_mem>>
      %dma_start3A_64 = arith.constant 0 : i32
      %dma_start3A_65 = arith.constant 0 : i32
      %dma_start3A_66 = tpu.memref_slice %arg10[%dma_start3A_64, %dma_start3A_65] : memref<64x144xf32, #tpu.memory_space<vmem>> -> memref<64x144xf32, #tpu.memory_space<vmem>>
      %dma_start3A_67 = arith.constant 0 : i32
      %dma_start3A_68 = tpu.memref_slice %arg12[%add3A_26, %dma_start3A_67] : memref<10000x144xf32, #tpu.memory_space<vmem_shared>> -> memref<64x144xf32, #tpu.memory_space<vmem_shared>>
      %dma_start3A_69 = arith.constant 0 : i32
      %dma_start3A_70 = tpu.memref_slice %arg12[%add3A_26, %dma_start3A_69] : memref<10000x144xf32, #tpu.memory_space<vmem_shared>> -> memref<64x144xf32, #tpu.memory_space<vmem_shared>>
      %dma_start3A_71 = arith.constant 0 : i32
      %dma_start3A_72 = arith.constant 0 : i32
      %dma_start3A_73 = tpu.memref_slice %arg10[%dma_start3A_71, %dma_start3A_72] : memref<64x144xf32, #tpu.memory_space<vmem>> -> memref<64x144xf32, #tpu.memory_space<vmem>>
      tpu.enqueue_dma source(%dma_start3A_73 : memref<64x144xf32, #tpu.memory_space<vmem>>) target(%dma_start3A_70 : memref<64x144xf32, #tpu.memory_space<vmem_shared>>) target_semaphore(%run_scoped3A : memref<!tpu.dma_semaphore, #tpu.memory_space<semaphore_mem>>)
      %dma_wait3A = arith.constant 0 : i32
      %dma_wait3A_74 = arith.constant 0 : i32
      %dma_wait3A_75 = tpu.memref_slice %arg10[%dma_wait3A, %dma_wait3A_74] : memref<64x144xf32, #tpu.memory_space<vmem>> -> memref<64x144xf32, #tpu.memory_space<vmem>>
      %dma_wait3A_76 = arith.constant 0 : i32
      %dma_wait3A_77 = tpu.memref_slice %arg12[%add3A_26, %dma_wait3A_76] : memref<10000x144xf32, #tpu.memory_space<vmem_shared>> -> memref<64x144xf32, #tpu.memory_space<vmem_shared>>
      %dma_wait3A_78 = arith.constant 0 : i32
      %dma_wait3A_79 = tpu.memref_slice %arg12[%add3A_26, %dma_wait3A_78] : memref<10000x144xf32, #tpu.memory_space<vmem_shared>> -> memref<64x144xf32, #tpu.memory_space<vmem_shared>>
      %dma_wait3A_80 = arith.constant 0 : i32
      %dma_wait3A_81 = arith.constant 0 : i32
      %dma_wait3A_82 = tpu.memref_slice %arg10[%dma_wait3A_80, %dma_wait3A_81] : memref<64x144xf32, #tpu.memory_space<vmem>> -> memref<64x144xf32, #tpu.memory_space<vmem>>
      tpu.wait_dma2 semaphore(%run_scoped3A : memref<!tpu.dma_semaphore, #tpu.memory_space<semaphore_mem>>) src(%dma_wait3A_82 : memref<64x144xf32, #tpu.memory_space<vmem>>) dst(%dma_wait3A_79 : memref<64x144xf32, #tpu.memory_space<vmem_shared>>)
      tpu.yield
    }) : () -> ()
    %mul3A_27 = arith.constant 625 : i32
    %mul3A_28 = arith.muli %arg1, %mul3A_27 : i32
    %add3A_29 = arith.constant 320 : i32
    %add3A_30 = arith.addi %mul3A_28, %add3A_29 : i32
    "tpu.region"() ({
      %run_scoped3A = tpu.sem_alloc : memref<!tpu.dma_semaphore, #tpu.memory_space<semaphore_mem>>
      %dma_start3A_64 = arith.constant 0 : i32
      %dma_start3A_65 = arith.constant 0 : i32
      %dma_start3A_66 = tpu.memref_slice %arg10[%dma_start3A_64, %dma_start3A_65] : memref<64x144xf32, #tpu.memory_space<vmem>> -> memref<64x144xf32, #tpu.memory_space<vmem>>
      %dma_start3A_67 = arith.constant 0 : i32
      %dma_start3A_68 = tpu.memref_slice %arg12[%add3A_30, %dma_start3A_67] : memref<10000x144xf32, #tpu.memory_space<vmem_shared>> -> memref<64x144xf32, #tpu.memory_space<vmem_shared>>
      %dma_start3A_69 = arith.constant 0 : i32
      %dma_start3A_70 = tpu.memref_slice %arg12[%add3A_30, %dma_start3A_69] : memref<10000x144xf32, #tpu.memory_space<vmem_shared>> -> memref<64x144xf32, #tpu.memory_space<vmem_shared>>
      %dma_start3A_71 = arith.constant 0 : i32
      %dma_start3A_72 = arith.constant 0 : i32
      %dma_start3A_73 = tpu.memref_slice %arg10[%dma_start3A_71, %dma_start3A_72] : memref<64x144xf32, #tpu.memory_space<vmem>> -> memref<64x144xf32, #tpu.memory_space<vmem>>
      tpu.enqueue_dma source(%dma_start3A_73 : memref<64x144xf32, #tpu.memory_space<vmem>>) target(%dma_start3A_70 : memref<64x144xf32, #tpu.memory_space<vmem_shared>>) target_semaphore(%run_scoped3A : memref<!tpu.dma_semaphore, #tpu.memory_space<semaphore_mem>>)
      %dma_wait3A = arith.constant 0 : i32
      %dma_wait3A_74 = arith.constant 0 : i32
      %dma_wait3A_75 = tpu.memref_slice %arg10[%dma_wait3A, %dma_wait3A_74] : memref<64x144xf32, #tpu.memory_space<vmem>> -> memref<64x144xf32, #tpu.memory_space<vmem>>
      %dma_wait3A_76 = arith.constant 0 : i32
      %dma_wait3A_77 = tpu.memref_slice %arg12[%add3A_30, %dma_wait3A_76] : memref<10000x144xf32, #tpu.memory_space<vmem_shared>> -> memref<64x144xf32, #tpu.memory_space<vmem_shared>>
      %dma_wait3A_78 = arith.constant 0 : i32
      %dma_wait3A_79 = tpu.memref_slice %arg12[%add3A_30, %dma_wait3A_78] : memref<10000x144xf32, #tpu.memory_space<vmem_shared>> -> memref<64x144xf32, #tpu.memory_space<vmem_shared>>
      %dma_wait3A_80 = arith.constant 0 : i32
      %dma_wait3A_81 = arith.constant 0 : i32
      %dma_wait3A_82 = tpu.memref_slice %arg10[%dma_wait3A_80, %dma_wait3A_81] : memref<64x144xf32, #tpu.memory_space<vmem>> -> memref<64x144xf32, #tpu.memory_space<vmem>>
      tpu.wait_dma2 semaphore(%run_scoped3A : memref<!tpu.dma_semaphore, #tpu.memory_space<semaphore_mem>>) src(%dma_wait3A_82 : memref<64x144xf32, #tpu.memory_space<vmem>>) dst(%dma_wait3A_79 : memref<64x144xf32, #tpu.memory_space<vmem_shared>>)
      tpu.yield
    }) : () -> ()
    %mul3A_31 = arith.constant 625 : i32
    %mul3A_32 = arith.muli %arg1, %mul3A_31 : i32
    %add3A_33 = arith.constant 384 : i32
    %add3A_34 = arith.addi %mul3A_32, %add3A_33 : i32
    "tpu.region"() ({
      %run_scoped3A = tpu.sem_alloc : memref<!tpu.dma_semaphore, #tpu.memory_space<semaphore_mem>>
      %dma_start3A_64 = arith.constant 0 : i32
      %dma_start3A_65 = arith.constant 0 : i32
      %dma_start3A_66 = tpu.memref_slice %arg10[%dma_start3A_64, %dma_start3A_65] : memref<64x144xf32, #tpu.memory_space<vmem>> -> memref<64x144xf32, #tpu.memory_space<vmem>>
      %dma_start3A_67 = arith.constant 0 : i32
      %dma_start3A_68 = tpu.memref_slice %arg12[%add3A_34, %dma_start3A_67] : memref<10000x144xf32, #tpu.memory_space<vmem_shared>> -> memref<64x144xf32, #tpu.memory_space<vmem_shared>>
      %dma_start3A_69 = arith.constant 0 : i32
      %dma_start3A_70 = tpu.memref_slice %arg12[%add3A_34, %dma_start3A_69] : memref<10000x144xf32, #tpu.memory_space<vmem_shared>> -> memref<64x144xf32, #tpu.memory_space<vmem_shared>>
      %dma_start3A_71 = arith.constant 0 : i32
      %dma_start3A_72 = arith.constant 0 : i32
      %dma_start3A_73 = tpu.memref_slice %arg10[%dma_start3A_71, %dma_start3A_72] : memref<64x144xf32, #tpu.memory_space<vmem>> -> memref<64x144xf32, #tpu.memory_space<vmem>>
      tpu.enqueue_dma source(%dma_start3A_73 : memref<64x144xf32, #tpu.memory_space<vmem>>) target(%dma_start3A_70 : memref<64x144xf32, #tpu.memory_space<vmem_shared>>) target_semaphore(%run_scoped3A : memref<!tpu.dma_semaphore, #tpu.memory_space<semaphore_mem>>)
      %dma_wait3A = arith.constant 0 : i32
      %dma_wait3A_74 = arith.constant 0 : i32
      %dma_wait3A_75 = tpu.memref_slice %arg10[%dma_wait3A, %dma_wait3A_74] : memref<64x144xf32, #tpu.memory_space<vmem>> -> memref<64x144xf32, #tpu.memory_space<vmem>>
      %dma_wait3A_76 = arith.constant 0 : i32
      %dma_wait3A_77 = tpu.memref_slice %arg12[%add3A_34, %dma_wait3A_76] : memref<10000x144xf32, #tpu.memory_space<vmem_shared>> -> memref<64x144xf32, #tpu.memory_space<vmem_shared>>
      %dma_wait3A_78 = arith.constant 0 : i32
      %dma_wait3A_79 = tpu.memref_slice %arg12[%add3A_34, %dma_wait3A_78] : memref<10000x144xf32, #tpu.memory_space<vmem_shared>> -> memref<64x144xf32, #tpu.memory_space<vmem_shared>>
      %dma_wait3A_80 = arith.constant 0 : i32
      %dma_wait3A_81 = arith.constant 0 : i32
      %dma_wait3A_82 = tpu.memref_slice %arg10[%dma_wait3A_80, %dma_wait3A_81] : memref<64x144xf32, #tpu.memory_space<vmem>> -> memref<64x144xf32, #tpu.memory_space<vmem>>
      tpu.wait_dma2 semaphore(%run_scoped3A : memref<!tpu.dma_semaphore, #tpu.memory_space<semaphore_mem>>) src(%dma_wait3A_82 : memref<64x144xf32, #tpu.memory_space<vmem>>) dst(%dma_wait3A_79 : memref<64x144xf32, #tpu.memory_space<vmem_shared>>)
      tpu.yield
    }) : () -> ()
    %mul3A_35 = arith.constant 625 : i32
    %mul3A_36 = arith.muli %arg1, %mul3A_35 : i32
    %add3A_37 = arith.constant 448 : i32
    %add3A_38 = arith.addi %mul3A_36, %add3A_37 : i32
    "tpu.region"() ({
      %run_scoped3A = tpu.sem_alloc : memref<!tpu.dma_semaphore, #tpu.memory_space<semaphore_mem>>
      %dma_start3A_64 = arith.constant 0 : i32
      %dma_start3A_65 = arith.constant 0 : i32
      %dma_start3A_66 = tpu.memref_slice %arg10[%dma_start3A_64, %dma_start3A_65] : memref<64x144xf32, #tpu.memory_space<vmem>> -> memref<64x144xf32, #tpu.memory_space<vmem>>
      %dma_start3A_67 = arith.constant 0 : i32
      %dma_start3A_68 = tpu.memref_slice %arg12[%add3A_38, %dma_start3A_67] : memref<10000x144xf32, #tpu.memory_space<vmem_shared>> -> memref<64x144xf32, #tpu.memory_space<vmem_shared>>
      %dma_start3A_69 = arith.constant 0 : i32
      %dma_start3A_70 = tpu.memref_slice %arg12[%add3A_38, %dma_start3A_69] : memref<10000x144xf32, #tpu.memory_space<vmem_shared>> -> memref<64x144xf32, #tpu.memory_space<vmem_shared>>
      %dma_start3A_71 = arith.constant 0 : i32
      %dma_start3A_72 = arith.constant 0 : i32
      %dma_start3A_73 = tpu.memref_slice %arg10[%dma_start3A_71, %dma_start3A_72] : memref<64x144xf32, #tpu.memory_space<vmem>> -> memref<64x144xf32, #tpu.memory_space<vmem>>
      tpu.enqueue_dma source(%dma_start3A_73 : memref<64x144xf32, #tpu.memory_space<vmem>>) target(%dma_start3A_70 : memref<64x144xf32, #tpu.memory_space<vmem_shared>>) target_semaphore(%run_scoped3A : memref<!tpu.dma_semaphore, #tpu.memory_space<semaphore_mem>>)
      %dma_wait3A = arith.constant 0 : i32
      %dma_wait3A_74 = arith.constant 0 : i32
      %dma_wait3A_75 = tpu.memref_slice %arg10[%dma_wait3A, %dma_wait3A_74] : memref<64x144xf32, #tpu.memory_space<vmem>> -> memref<64x144xf32, #tpu.memory_space<vmem>>
      %dma_wait3A_76 = arith.constant 0 : i32
      %dma_wait3A_77 = tpu.memref_slice %arg12[%add3A_38, %dma_wait3A_76] : memref<10000x144xf32, #tpu.memory_space<vmem_shared>> -> memref<64x144xf32, #tpu.memory_space<vmem_shared>>
      %dma_wait3A_78 = arith.constant 0 : i32
      %dma_wait3A_79 = tpu.memref_slice %arg12[%add3A_38, %dma_wait3A_78] : memref<10000x144xf32, #tpu.memory_space<vmem_shared>> -> memref<64x144xf32, #tpu.memory_space<vmem_shared>>
      %dma_wait3A_80 = arith.constant 0 : i32
      %dma_wait3A_81 = arith.constant 0 : i32
      %dma_wait3A_82 = tpu.memref_slice %arg10[%dma_wait3A_80, %dma_wait3A_81] : memref<64x144xf32, #tpu.memory_space<vmem>> -> memref<64x144xf32, #tpu.memory_space<vmem>>
      tpu.wait_dma2 semaphore(%run_scoped3A : memref<!tpu.dma_semaphore, #tpu.memory_space<semaphore_mem>>) src(%dma_wait3A_82 : memref<64x144xf32, #tpu.memory_space<vmem>>) dst(%dma_wait3A_79 : memref<64x144xf32, #tpu.memory_space<vmem_shared>>)
      tpu.yield
    }) : () -> ()
    %mul3A_39 = arith.constant 625 : i32
    %mul3A_40 = arith.muli %arg1, %mul3A_39 : i32
    %add3A_41 = arith.constant 512 : i32
    %add3A_42 = arith.addi %mul3A_40, %add3A_41 : i32
    "tpu.region"() ({
      %run_scoped3A = tpu.sem_alloc : memref<!tpu.dma_semaphore, #tpu.memory_space<semaphore_mem>>
      %dma_start3A_64 = arith.constant 0 : i32
      %dma_start3A_65 = arith.constant 0 : i32
      %dma_start3A_66 = tpu.memref_slice %arg10[%dma_start3A_64, %dma_start3A_65] : memref<64x144xf32, #tpu.memory_space<vmem>> -> memref<64x144xf32, #tpu.memory_space<vmem>>
      %dma_start3A_67 = arith.constant 0 : i32
      %dma_start3A_68 = tpu.memref_slice %arg12[%add3A_42, %dma_start3A_67] : memref<10000x144xf32, #tpu.memory_space<vmem_shared>> -> memref<64x144xf32, #tpu.memory_space<vmem_shared>>
      %dma_start3A_69 = arith.constant 0 : i32
      %dma_start3A_70 = tpu.memref_slice %arg12[%add3A_42, %dma_start3A_69] : memref<10000x144xf32, #tpu.memory_space<vmem_shared>> -> memref<64x144xf32, #tpu.memory_space<vmem_shared>>
      %dma_start3A_71 = arith.constant 0 : i32
      %dma_start3A_72 = arith.constant 0 : i32
      %dma_start3A_73 = tpu.memref_slice %arg10[%dma_start3A_71, %dma_start3A_72] : memref<64x144xf32, #tpu.memory_space<vmem>> -> memref<64x144xf32, #tpu.memory_space<vmem>>
      tpu.enqueue_dma source(%dma_start3A_73 : memref<64x144xf32, #tpu.memory_space<vmem>>) target(%dma_start3A_70 : memref<64x144xf32, #tpu.memory_space<vmem_shared>>) target_semaphore(%run_scoped3A : memref<!tpu.dma_semaphore, #tpu.memory_space<semaphore_mem>>)
      %dma_wait3A = arith.constant 0 : i32
      %dma_wait3A_74 = arith.constant 0 : i32
      %dma_wait3A_75 = tpu.memref_slice %arg10[%dma_wait3A, %dma_wait3A_74] : memref<64x144xf32, #tpu.memory_space<vmem>> -> memref<64x144xf32, #tpu.memory_space<vmem>>
      %dma_wait3A_76 = arith.constant 0 : i32
      %dma_wait3A_77 = tpu.memref_slice %arg12[%add3A_42, %dma_wait3A_76] : memref<10000x144xf32, #tpu.memory_space<vmem_shared>> -> memref<64x144xf32, #tpu.memory_space<vmem_shared>>
      %dma_wait3A_78 = arith.constant 0 : i32
      %dma_wait3A_79 = tpu.memref_slice %arg12[%add3A_42, %dma_wait3A_78] : memref<10000x144xf32, #tpu.memory_space<vmem_shared>> -> memref<64x144xf32, #tpu.memory_space<vmem_shared>>
      %dma_wait3A_80 = arith.constant 0 : i32
      %dma_wait3A_81 = arith.constant 0 : i32
      %dma_wait3A_82 = tpu.memref_slice %arg10[%dma_wait3A_80, %dma_wait3A_81] : memref<64x144xf32, #tpu.memory_space<vmem>> -> memref<64x144xf32, #tpu.memory_space<vmem>>
      tpu.wait_dma2 semaphore(%run_scoped3A : memref<!tpu.dma_semaphore, #tpu.memory_space<semaphore_mem>>) src(%dma_wait3A_82 : memref<64x144xf32, #tpu.memory_space<vmem>>) dst(%dma_wait3A_79 : memref<64x144xf32, #tpu.memory_space<vmem_shared>>)
      tpu.yield
    }) : () -> ()
    %mul3A_43 = arith.constant 625 : i32
    %mul3A_44 = arith.muli %arg1, %mul3A_43 : i32
    %add3A_45 = arith.constant 576 : i32
    %add3A_46 = arith.addi %mul3A_44, %add3A_45 : i32
    "tpu.region"() ({
      %run_scoped3A = tpu.sem_alloc : memref<!tpu.dma_semaphore, #tpu.memory_space<semaphore_mem>>
      %dma_start3A_64 = arith.constant 0 : i32
      %dma_start3A_65 = arith.constant 0 : i32
      %dma_start3A_66 = tpu.memref_slice %arg10[%dma_start3A_64, %dma_start3A_65] : memref<64x144xf32, #tpu.memory_space<vmem>> -> memref<49x144xf32, #tpu.memory_space<vmem>>
      %dma_start3A_67 = arith.constant 0 : i32
      %dma_start3A_68 = tpu.memref_slice %arg12[%add3A_46, %dma_start3A_67] : memref<10000x144xf32, #tpu.memory_space<vmem_shared>> -> memref<49x144xf32, #tpu.memory_space<vmem_shared>>
      %dma_start3A_69 = arith.constant 0 : i32
      %dma_start3A_70 = tpu.memref_slice %arg12[%add3A_46, %dma_start3A_69] : memref<10000x144xf32, #tpu.memory_space<vmem_shared>> -> memref<49x144xf32, #tpu.memory_space<vmem_shared>>
      %dma_start3A_71 = arith.constant 0 : i32
      %dma_start3A_72 = arith.constant 0 : i32
      %dma_start3A_73 = tpu.memref_slice %arg10[%dma_start3A_71, %dma_start3A_72] : memref<64x144xf32, #tpu.memory_space<vmem>> -> memref<49x144xf32, #tpu.memory_space<vmem>>
      tpu.enqueue_dma source(%dma_start3A_73 : memref<49x144xf32, #tpu.memory_space<vmem>>) target(%dma_start3A_70 : memref<49x144xf32, #tpu.memory_space<vmem_shared>>) target_semaphore(%run_scoped3A : memref<!tpu.dma_semaphore, #tpu.memory_space<semaphore_mem>>)
      %dma_wait3A = arith.constant 0 : i32
      %dma_wait3A_74 = arith.constant 0 : i32
      %dma_wait3A_75 = tpu.memref_slice %arg10[%dma_wait3A, %dma_wait3A_74] : memref<64x144xf32, #tpu.memory_space<vmem>> -> memref<49x144xf32, #tpu.memory_space<vmem>>
      %dma_wait3A_76 = arith.constant 0 : i32
      %dma_wait3A_77 = tpu.memref_slice %arg12[%add3A_46, %dma_wait3A_76] : memref<10000x144xf32, #tpu.memory_space<vmem_shared>> -> memref<49x144xf32, #tpu.memory_space<vmem_shared>>
      %dma_wait3A_78 = arith.constant 0 : i32
      %dma_wait3A_79 = tpu.memref_slice %arg12[%add3A_46, %dma_wait3A_78] : memref<10000x144xf32, #tpu.memory_space<vmem_shared>> -> memref<49x144xf32, #tpu.memory_space<vmem_shared>>
      %dma_wait3A_80 = arith.constant 0 : i32
      %dma_wait3A_81 = arith.constant 0 : i32
      %dma_wait3A_82 = tpu.memref_slice %arg10[%dma_wait3A_80, %dma_wait3A_81] : memref<64x144xf32, #tpu.memory_space<vmem>> -> memref<49x144xf32, #tpu.memory_space<vmem>>
      tpu.wait_dma2 semaphore(%run_scoped3A : memref<!tpu.dma_semaphore, #tpu.memory_space<semaphore_mem>>) src(%dma_wait3A_82 : memref<49x144xf32, #tpu.memory_space<vmem>>) dst(%dma_wait3A_79 : memref<49x144xf32, #tpu.memory_space<vmem_shared>>)
      tpu.yield
    }) : () -> ()
    %dma_start3A = arith.constant 0 : i32
    %dma_start3A_47 = arith.constant 0 : i32
    %dma_start3A_48 = tpu.memref_slice %arg7[%dma_start3A, %dma_start3A_47] : memref<80x64xi32, #tpu.memory_space<vmem>> -> memref<1x64xi32, #tpu.memory_space<vmem>>
    %dma_start3A_49 = tpu.memref_squeeze %dma_start3A_48 : memref<1x64xi32, #tpu.memory_space<vmem>> -> memref<64xi32, #tpu.memory_space<vmem>>
    %dma_start3A_50 = arith.constant 0 : i32
    %dma_start3A_51 = arith.constant 0 : i32
    %dma_start3A_52 = tpu.memref_slice %arg5[%dma_start3A_50, %dma_start3A_51] : memref<10000x144xf32, #tpu.memory_space<hbm>> -> memref<10000x144xf32, #tpu.memory_space<hbm>>
    tpu.enqueue_indirect_dma source(%dma_start3A_52 : memref<10000x144xf32, #tpu.memory_space<hbm>>) target(%arg10 : memref<64x144xf32, #tpu.memory_space<vmem>>) offsets(%dma_start3A_49 : memref<64xi32, #tpu.memory_space<vmem>>) semaphore(%arg13 : memref<!tpu.dma_semaphore, #tpu.memory_space<semaphore_mem>>)
    %barrier3A = arith.constant 0 : index
    tpu.barrier barrier_id(%barrier3A)
    %scan3A_53 = arith.constant 0 : i32
    %scan3A_54 = arith.constant 0 : i32
    %scan3A_55 = arith.constant 40 : i32
    %scan3A_56 = arith.addi %scan3A_54, %scan3A_55 : i32
    %scan3A_57 = arith.constant 1 : i32
    scf.for %scan3A_64 = %scan3A_54 to %scan3A_56 step %scan3A_57  : i32 {
      %mul3A_65 = arith.constant 2 : i32
      %mul3A_66 = arith.muli %scan3A_64, %mul3A_65 : i32
      %add3A_67 = arith.constant 0 : i32
      %add3A_68 = arith.addi %mul3A_66, %add3A_67 : i32
      %dma_wait3A = arith.constant 0 : i32
      %dma_wait3A_69 = tpu.memref_slice %arg7[%add3A_68, %dma_wait3A] : memref<80x64xi32, #tpu.memory_space<vmem>> -> memref<1x64xi32, #tpu.memory_space<vmem>>
      %dma_wait3A_70 = tpu.memref_squeeze %dma_wait3A_69 : memref<1x64xi32, #tpu.memory_space<vmem>> -> memref<64xi32, #tpu.memory_space<vmem>>
      %dma_wait3A_71 = arith.constant 0 : i32
      %dma_wait3A_72 = arith.constant 0 : i32
      %dma_wait3A_73 = tpu.memref_slice %arg5[%dma_wait3A_71, %dma_wait3A_72] : memref<10000x144xf32, #tpu.memory_space<hbm>> -> memref<10000x144xf32, #tpu.memory_space<hbm>>
      tpu.wait_indirect_dma semaphore(%arg13 : memref<!tpu.dma_semaphore, #tpu.memory_space<semaphore_mem>>) src(%dma_wait3A_73 : memref<10000x144xf32, #tpu.memory_space<hbm>>) dst(%arg10 : memref<64x144xf32, #tpu.memory_space<vmem>>)
      %add3A_74 = arith.constant 1 : i32
      %add3A_75 = arith.addi %add3A_68, %add3A_74 : i32
      %lt3A = arith.constant 80 : i32
      %lt3A_76 = arith.cmpi slt, %add3A_75, %lt3A : i32
      %convert_element_type3A = arith.extui %lt3A_76 : i1 to i32
      %cond3A = arith.constant 0 : i32
      %cond3A_77 = arith.cmpi ne, %convert_element_type3A, %cond3A : i32
      scf.if %cond3A_77 {
        %add3A_100 = arith.constant 1 : i32
        %add3A_101 = arith.addi %add3A_68, %add3A_100 : i32
        %dma_start3A_102 = arith.constant 0 : i32
        %dma_start3A_103 = tpu.memref_slice %arg7[%add3A_101, %dma_start3A_102] : memref<80x64xi32, #tpu.memory_space<vmem>> -> memref<1x64xi32, #tpu.memory_space<vmem>>
        %dma_start3A_104 = tpu.memref_squeeze %dma_start3A_103 : memref<1x64xi32, #tpu.memory_space<vmem>> -> memref<64xi32, #tpu.memory_space<vmem>>
        %dma_start3A_105 = arith.constant 0 : i32
        %dma_start3A_106 = arith.constant 0 : i32
        %dma_start3A_107 = tpu.memref_slice %arg5[%dma_start3A_105, %dma_start3A_106] : memref<10000x144xf32, #tpu.memory_space<hbm>> -> memref<10000x144xf32, #tpu.memory_space<hbm>>
        tpu.enqueue_indirect_dma source(%dma_start3A_107 : memref<10000x144xf32, #tpu.memory_space<hbm>>) target(%arg11 : memref<64x144xf32, #tpu.memory_space<vmem>>) offsets(%dma_start3A_104 : memref<64xi32, #tpu.memory_space<vmem>>) semaphore(%arg14 : memref<!tpu.dma_semaphore, #tpu.memory_space<semaphore_mem>>)
      } else {
      }
      %parallel_loop3A = arith.constant 0 : i32
      %parallel_loop3A_78 = arith.constant 0 : i32
      %parallel_loop3A_79 = arith.constant 1 : i32
      scf.for %parallel_loop3A_100 = %parallel_loop3A to %parallel_loop3A_78 step %parallel_loop3A_79  : i32 {
        %parallel_loop3A_101 = arith.constant 1 : i32
        %parallel_loop3A_102 = arith.shrui %add3A_68, %parallel_loop3A_101 : i32
        %parallel_loop3A_103 = arith.constant 1 : i32
        %parallel_loop3A_104 = arith.andi %add3A_68, %parallel_loop3A_103 : i32
        %parallel_loop3A_105 = arith.constant 64 : i32
        %parallel_loop3A_106 = arith.muli %parallel_loop3A_104, %parallel_loop3A_105 : i32
        %parallel_loop3A_107 = arith.addi %parallel_loop3A_106, %parallel_loop3A_100 : i32
        %parallel_loop3A_108 = arith.constant 0 : i32
        %parallel_loop3A_109 = vector.broadcast %parallel_loop3A_108 : i32 to vector<16xi32>
        %parallel_loop3A_110 = vector.broadcast %parallel_loop3A_102 : i32 to vector<16xi32>
        %parallel_loop3A_111 = arith.addi %parallel_loop3A_109, %parallel_loop3A_110 : vector<16xi32>
        %parallel_loop3A_112 = arith.constant 0 : i32
        %parallel_loop3A_113 = vector.broadcast %parallel_loop3A_112 : i32 to vector<16xi32>
        %parallel_loop3A_114 = vector.broadcast %parallel_loop3A_107 : i32 to vector<16xi32>
        %parallel_loop3A_115 = arith.addi %parallel_loop3A_113, %parallel_loop3A_114 : vector<16xi32>
        %parallel_loop3A_116 = tpu.vector_load_idx %arg9[%parallel_loop3A_111, %parallel_loop3A_115] : memref<40x128xf32, #tpu.memory_space<vmem>>[vector<16xi32>, vector<16xi32>], vector<16xf32>,
        %parallel_loop3A_117 = arith.index_cast %parallel_loop3A_100 : i32 to index
        %parallel_loop3A_118 = arith.constant 0 : index
        %parallel_loop3A_119 = tpu.vector_load %arg10[%parallel_loop3A_117, %parallel_loop3A_118] {strides = array<i32>} : memref<64x144xf32, #tpu.memory_space<vmem>>, vector<16xf32>,
        %parallel_loop3A_120 = arith.mulf %parallel_loop3A_119, %parallel_loop3A_116 : vector<16xf32>
        %parallel_loop3A_121 = arith.index_cast %parallel_loop3A_100 : i32 to index
        %parallel_loop3A_122 = arith.constant 0 : index
        %parallel_loop3A_123 = tpu.vector_load %arg10[%parallel_loop3A_121, %parallel_loop3A_122] {strides = array<i32>} : memref<64x144xf32, #tpu.memory_space<vmem>>, vector<16xf32>,
        tpu.vector_store %arg10[%parallel_loop3A_121, %parallel_loop3A_122], %parallel_loop3A_120 {strides = array<i32>} : memref<64x144xf32, #tpu.memory_space<vmem>>, vector<16xf32>,
        %parallel_loop3A_124 = arith.index_cast %parallel_loop3A_100 : i32 to index
        %parallel_loop3A_125 = arith.constant 16 : index
        %parallel_loop3A_126 = tpu.vector_load %arg10[%parallel_loop3A_124, %parallel_loop3A_125] {strides = array<i32>} : memref<64x144xf32, #tpu.memory_space<vmem>>, vector<16xf32>,
        %parallel_loop3A_127 = arith.mulf %parallel_loop3A_126, %parallel_loop3A_116 : vector<16xf32>
        %parallel_loop3A_128 = arith.index_cast %parallel_loop3A_100 : i32 to index
        %parallel_loop3A_129 = arith.constant 16 : index
        %parallel_loop3A_130 = tpu.vector_load %arg10[%parallel_loop3A_128, %parallel_loop3A_129] {strides = array<i32>} : memref<64x144xf32, #tpu.memory_space<vmem>>, vector<16xf32>,
        tpu.vector_store %arg10[%parallel_loop3A_128, %parallel_loop3A_129], %parallel_loop3A_127 {strides = array<i32>} : memref<64x144xf32, #tpu.memory_space<vmem>>, vector<16xf32>,
        %parallel_loop3A_131 = arith.index_cast %parallel_loop3A_100 : i32 to index
        %parallel_loop3A_132 = arith.constant 32 : index
        %parallel_loop3A_133 = tpu.vector_load %arg10[%parallel_loop3A_131, %parallel_loop3A_132] {strides = array<i32>} : memref<64x144xf32, #tpu.memory_space<vmem>>, vector<16xf32>,
        %parallel_loop3A_134 = arith.mulf %parallel_loop3A_133, %parallel_loop3A_116 : vector<16xf32>
        %parallel_loop3A_135 = arith.index_cast %parallel_loop3A_100 : i32 to index
        %parallel_loop3A_136 = arith.constant 32 : index
        %parallel_loop3A_137 = tpu.vector_load %arg10[%parallel_loop3A_135, %parallel_loop3A_136] {strides = array<i32>} : memref<64x144xf32, #tpu.memory_space<vmem>>, vector<16xf32>,
        tpu.vector_store %arg10[%parallel_loop3A_135, %parallel_loop3A_136], %parallel_loop3A_134 {strides = array<i32>} : memref<64x144xf32, #tpu.memory_space<vmem>>, vector<16xf32>,
        %parallel_loop3A_138 = arith.index_cast %parallel_loop3A_100 : i32 to index
        %parallel_loop3A_139 = arith.constant 48 : index
        %parallel_loop3A_140 = tpu.vector_load %arg10[%parallel_loop3A_138, %parallel_loop3A_139] {strides = array<i32>} : memref<64x144xf32, #tpu.memory_space<vmem>>, vector<16xf32>,
        %parallel_loop3A_141 = arith.mulf %parallel_loop3A_140, %parallel_loop3A_116 : vector<16xf32>
        %parallel_loop3A_142 = arith.index_cast %parallel_loop3A_100 : i32 to index
        %parallel_loop3A_143 = arith.constant 48 : index
        %parallel_loop3A_144 = tpu.vector_load %arg10[%parallel_loop3A_142, %parallel_loop3A_143] {strides = array<i32>} : memref<64x144xf32, #tpu.memory_space<vmem>>, vector<16xf32>,
        tpu.vector_store %arg10[%parallel_loop3A_142, %parallel_loop3A_143], %parallel_loop3A_141 {strides = array<i32>} : memref<64x144xf32, #tpu.memory_space<vmem>>, vector<16xf32>,
        %parallel_loop3A_145 = arith.index_cast %parallel_loop3A_100 : i32 to index
        %parallel_loop3A_146 = arith.constant 64 : index
        %parallel_loop3A_147 = tpu.vector_load %arg10[%parallel_loop3A_145, %parallel_loop3A_146] {strides = array<i32>} : memref<64x144xf32, #tpu.memory_space<vmem>>, vector<16xf32>,
        %parallel_loop3A_148 = arith.mulf %parallel_loop3A_147, %parallel_loop3A_116 : vector<16xf32>
        %parallel_loop3A_149 = arith.index_cast %parallel_loop3A_100 : i32 to index
        %parallel_loop3A_150 = arith.constant 64 : index
        %parallel_loop3A_151 = tpu.vector_load %arg10[%parallel_loop3A_149, %parallel_loop3A_150] {strides = array<i32>} : memref<64x144xf32, #tpu.memory_space<vmem>>, vector<16xf32>,
        tpu.vector_store %arg10[%parallel_loop3A_149, %parallel_loop3A_150], %parallel_loop3A_148 {strides = array<i32>} : memref<64x144xf32, #tpu.memory_space<vmem>>, vector<16xf32>,
        %parallel_loop3A_152 = arith.index_cast %parallel_loop3A_100 : i32 to index
        %parallel_loop3A_153 = arith.constant 80 : index
        %parallel_loop3A_154 = tpu.vector_load %arg10[%parallel_loop3A_152, %parallel_loop3A_153] {strides = array<i32>} : memref<64x144xf32, #tpu.memory_space<vmem>>, vector<16xf32>,
        %parallel_loop3A_155 = arith.mulf %parallel_loop3A_154, %parallel_loop3A_116 : vector<16xf32>
        %parallel_loop3A_156 = arith.index_cast %parallel_loop3A_100 : i32 to index
        %parallel_loop3A_157 = arith.constant 80 : index
        %parallel_loop3A_158 = tpu.vector_load %arg10[%parallel_loop3A_156, %parallel_loop3A_157] {strides = array<i32>} : memref<64x144xf32, #tpu.memory_space<vmem>>, vector<16xf32>,
        tpu.vector_store %arg10[%parallel_loop3A_156, %parallel_loop3A_157], %parallel_loop3A_155 {strides = array<i32>} : memref<64x144xf32, #tpu.memory_space<vmem>>, vector<16xf32>,
        %parallel_loop3A_159 = arith.index_cast %parallel_loop3A_100 : i32 to index
        %parallel_loop3A_160 = arith.constant 96 : index
        %parallel_loop3A_161 = tpu.vector_load %arg10[%parallel_loop3A_159, %parallel_loop3A_160] {strides = array<i32>} : memref<64x144xf32, #tpu.memory_space<vmem>>, vector<16xf32>,
        %parallel_loop3A_162 = arith.mulf %parallel_loop3A_161, %parallel_loop3A_116 : vector<16xf32>
        %parallel_loop3A_163 = arith.index_cast %parallel_loop3A_100 : i32 to index
        %parallel_loop3A_164 = arith.constant 96 : index
        %parallel_loop3A_165 = tpu.vector_load %arg10[%parallel_loop3A_163, %parallel_loop3A_164] {strides = array<i32>} : memref<64x144xf32, #tpu.memory_space<vmem>>, vector<16xf32>,
        tpu.vector_store %arg10[%parallel_loop3A_163, %parallel_loop3A_164], %parallel_loop3A_162 {strides = array<i32>} : memref<64x144xf32, #tpu.memory_space<vmem>>, vector<16xf32>,
        %parallel_loop3A_166 = arith.index_cast %parallel_loop3A_100 : i32 to index
        %parallel_loop3A_167 = arith.constant 112 : index
        %parallel_loop3A_168 = tpu.vector_load %arg10[%parallel_loop3A_166, %parallel_loop3A_167] {strides = array<i32>} : memref<64x144xf32, #tpu.memory_space<vmem>>, vector<16xf32>,
        %parallel_loop3A_169 = arith.mulf %parallel_loop3A_168, %parallel_loop3A_116 : vector<16xf32>
        %parallel_loop3A_170 = arith.index_cast %parallel_loop3A_100 : i32 to index
        %parallel_loop3A_171 = arith.constant 112 : index
        %parallel_loop3A_172 = tpu.vector_load %arg10[%parallel_loop3A_170, %parallel_loop3A_171] {strides = array<i32>} : memref<64x144xf32, #tpu.memory_space<vmem>>, vector<16xf32>,
        tpu.vector_store %arg10[%parallel_loop3A_170, %parallel_loop3A_171], %parallel_loop3A_169 {strides = array<i32>} : memref<64x144xf32, #tpu.memory_space<vmem>>, vector<16xf32>,
        %parallel_loop3A_173 = arith.index_cast %parallel_loop3A_100 : i32 to index
        %parallel_loop3A_174 = arith.constant 128 : index
        %parallel_loop3A_175 = tpu.vector_load %arg10[%parallel_loop3A_173, %parallel_loop3A_174] {strides = array<i32>} : memref<64x144xf32, #tpu.memory_space<vmem>>, vector<16xf32>,
        %parallel_loop3A_176 = arith.mulf %parallel_loop3A_175, %parallel_loop3A_116 : vector<16xf32>
        %parallel_loop3A_177 = arith.index_cast %parallel_loop3A_100 : i32 to index
        %parallel_loop3A_178 = arith.constant 128 : index
        %parallel_loop3A_179 = tpu.vector_load %arg10[%parallel_loop3A_177, %parallel_loop3A_178] {strides = array<i32>} : memref<64x144xf32, #tpu.memory_space<vmem>>, vector<16xf32>,
        tpu.vector_store %arg10[%parallel_loop3A_177, %parallel_loop3A_178], %parallel_loop3A_176 {strides = array<i32>} : memref<64x144xf32, #tpu.memory_space<vmem>>, vector<16xf32>,
      } {sc.loop_unroll_factor = 4 : i64, sc.parallel_access}
      "tpu.region"() ({
        %run_scoped3A = tpu.sem_alloc : memref<!tpu.dma_semaphore, #tpu.memory_space<semaphore_mem>>
        %dma_start3A_100 = arith.constant 0 : i32
        %dma_start3A_101 = tpu.memref_slice %arg8[%add3A_68, %dma_start3A_100] : memref<80x64xi32, #tpu.memory_space<vmem>> -> memref<1x64xi32, #tpu.memory_space<vmem>>
        %dma_start3A_102 = tpu.memref_squeeze %dma_start3A_101 : memref<1x64xi32, #tpu.memory_space<vmem>> -> memref<64xi32, #tpu.memory_space<vmem>>
        %dma_start3A_103 = arith.constant 0 : i32
        %dma_start3A_104 = arith.constant 0 : i32
        %dma_start3A_105 = tpu.memref_slice %arg12[%dma_start3A_103, %dma_start3A_104] : memref<10000x144xf32, #tpu.memory_space<vmem_shared>> -> memref<10000x144xf32, #tpu.memory_space<vmem_shared>>
        tpu.enqueue_indirect_dma source(%arg10 : memref<64x144xf32, #tpu.memory_space<vmem>>) target(%dma_start3A_105 : memref<10000x144xf32, #tpu.memory_space<vmem_shared>>) offsets(%dma_start3A_102 : memref<64xi32, #tpu.memory_space<vmem>>) semaphore(%run_scoped3A : memref<!tpu.dma_semaphore, #tpu.memory_space<semaphore_mem>>) {add = true}
        %dma_wait3A_106 = arith.constant 0 : i32
        %dma_wait3A_107 = tpu.memref_slice %arg8[%add3A_68, %dma_wait3A_106] : memref<80x64xi32, #tpu.memory_space<vmem>> -> memref<1x64xi32, #tpu.memory_space<vmem>>
        %dma_wait3A_108 = tpu.memref_squeeze %dma_wait3A_107 : memref<1x64xi32, #tpu.memory_space<vmem>> -> memref<64xi32, #tpu.memory_space<vmem>>
        %dma_wait3A_109 = arith.constant 0 : i32
        %dma_wait3A_110 = arith.constant 0 : i32
        %dma_wait3A_111 = tpu.memref_slice %arg12[%dma_wait3A_109, %dma_wait3A_110] : memref<10000x144xf32, #tpu.memory_space<vmem_shared>> -> memref<10000x144xf32, #tpu.memory_space<vmem_shared>>
        tpu.wait_indirect_dma semaphore(%run_scoped3A : memref<!tpu.dma_semaphore, #tpu.memory_space<semaphore_mem>>) src(%arg10 : memref<64x144xf32, #tpu.memory_space<vmem>>) dst(%dma_wait3A_111 : memref<10000x144xf32, #tpu.memory_space<vmem_shared>>)
        tpu.yield
      }) : () -> ()
      %mul3A_80 = arith.constant 2 : i32
      %mul3A_81 = arith.muli %scan3A_64, %mul3A_80 : i32
      %add3A_82 = arith.constant 1 : i32
      %add3A_83 = arith.addi %mul3A_81, %add3A_82 : i32
      %dma_wait3A_84 = arith.constant 0 : i32
      %dma_wait3A_85 = tpu.memref_slice %arg7[%add3A_83, %dma_wait3A_84] : memref<80x64xi32, #tpu.memory_space<vmem>> -> memref<1x64xi32, #tpu.memory_space<vmem>>
      %dma_wait3A_86 = tpu.memref_squeeze %dma_wait3A_85 : memref<1x64xi32, #tpu.memory_space<vmem>> -> memref<64xi32, #tpu.memory_space<vmem>>
      %dma_wait3A_87 = arith.constant 0 : i32
      %dma_wait3A_88 = arith.constant 0 : i32
      %dma_wait3A_89 = tpu.memref_slice %arg5[%dma_wait3A_87, %dma_wait3A_88] : memref<10000x144xf32, #tpu.memory_space<hbm>> -> memref<10000x144xf32, #tpu.memory_space<hbm>>
      tpu.wait_indirect_dma semaphore(%arg14 : memref<!tpu.dma_semaphore, #tpu.memory_space<semaphore_mem>>) src(%dma_wait3A_89 : memref<10000x144xf32, #tpu.memory_space<hbm>>) dst(%arg11 : memref<64x144xf32, #tpu.memory_space<vmem>>)
      %add3A_90 = arith.constant 1 : i32
      %add3A_91 = arith.addi %add3A_83, %add3A_90 : i32
      %lt3A_92 = arith.constant 80 : i32
      %lt3A_93 = arith.cmpi slt, %add3A_91, %lt3A_92 : i32
      %convert_element_type3A_94 = arith.extui %lt3A_93 : i1 to i32
      %cond3A_95 = arith.constant 0 : i32
      %cond3A_96 = arith.cmpi ne, %convert_element_type3A_94, %cond3A_95 : i32
      scf.if %cond3A_96 {
        %add3A_100 = arith.constant 1 : i32
        %add3A_101 = arith.addi %add3A_83, %add3A_100 : i32
        %dma_start3A_102 = arith.constant 0 : i32
        %dma_start3A_103 = tpu.memref_slice %arg7[%add3A_101, %dma_start3A_102] : memref<80x64xi32, #tpu.memory_space<vmem>> -> memref<1x64xi32, #tpu.memory_space<vmem>>
        %dma_start3A_104 = tpu.memref_squeeze %dma_start3A_103 : memref<1x64xi32, #tpu.memory_space<vmem>> -> memref<64xi32, #tpu.memory_space<vmem>>
        %dma_start3A_105 = arith.constant 0 : i32
        %dma_start3A_106 = arith.constant 0 : i32
        %dma_start3A_107 = tpu.memref_slice %arg5[%dma_start3A_105, %dma_start3A_106] : memref<10000x144xf32, #tpu.memory_space<hbm>> -> memref<10000x144xf32, #tpu.memory_space<hbm>>
        tpu.enqueue_indirect_dma source(%dma_start3A_107 : memref<10000x144xf32, #tpu.memory_space<hbm>>) target(%arg10 : memref<64x144xf32, #tpu.memory_space<vmem>>) offsets(%dma_start3A_104 : memref<64xi32, #tpu.memory_space<vmem>>) semaphore(%arg13 : memref<!tpu.dma_semaphore, #tpu.memory_space<semaphore_mem>>)
      } else {
      }
      %parallel_loop3A_97 = arith.constant 0 : i32
      %parallel_loop3A_98 = arith.constant 0 : i32
      %parallel_loop3A_99 = arith.constant 1 : i32
      scf.for %parallel_loop3A_100 = %parallel_loop3A_97 to %parallel_loop3A_98 step %parallel_loop3A_99  : i32 {
        %parallel_loop3A_101 = arith.constant 1 : i32
        %parallel_loop3A_102 = arith.shrui %add3A_83, %parallel_loop3A_101 : i32
        %parallel_loop3A_103 = arith.constant 1 : i32
        %parallel_loop3A_104 = arith.andi %add3A_83, %parallel_loop3A_103 : i32
        %parallel_loop3A_105 = arith.constant 64 : i32
        %parallel_loop3A_106 = arith.muli %parallel_loop3A_104, %parallel_loop3A_105 : i32
        %parallel_loop3A_107 = arith.addi %parallel_loop3A_106, %parallel_loop3A_100 : i32
        %parallel_loop3A_108 = arith.constant 0 : i32
        %parallel_loop3A_109 = vector.broadcast %parallel_loop3A_108 : i32 to vector<16xi32>
        %parallel_loop3A_110 = vector.broadcast %parallel_loop3A_102 : i32 to vector<16xi32>
        %parallel_loop3A_111 = arith.addi %parallel_loop3A_109, %parallel_loop3A_110 : vector<16xi32>
        %parallel_loop3A_112 = arith.constant 0 : i32
        %parallel_loop3A_113 = vector.broadcast %parallel_loop3A_112 : i32 to vector<16xi32>
        %parallel_loop3A_114 = vector.broadcast %parallel_loop3A_107 : i32 to vector<16xi32>
        %parallel_loop3A_115 = arith.addi %parallel_loop3A_113, %parallel_loop3A_114 : vector<16xi32>
        %parallel_loop3A_116 = tpu.vector_load_idx %arg9[%parallel_loop3A_111, %parallel_loop3A_115] : memref<40x128xf32, #tpu.memory_space<vmem>>[vector<16xi32>, vector<16xi32>], vector<16xf32>,
        %parallel_loop3A_117 = arith.index_cast %parallel_loop3A_100 : i32 to index
        %parallel_loop3A_118 = arith.constant 0 : index
        %parallel_loop3A_119 = tpu.vector_load %arg11[%parallel_loop3A_117, %parallel_loop3A_118] {strides = array<i32>} : memref<64x144xf32, #tpu.memory_space<vmem>>, vector<16xf32>,
        %parallel_loop3A_120 = arith.mulf %parallel_loop3A_119, %parallel_loop3A_116 : vector<16xf32>
        %parallel_loop3A_121 = arith.index_cast %parallel_loop3A_100 : i32 to index
        %parallel_loop3A_122 = arith.constant 0 : index
        %parallel_loop3A_123 = tpu.vector_load %arg11[%parallel_loop3A_121, %parallel_loop3A_122] {strides = array<i32>} : memref<64x144xf32, #tpu.memory_space<vmem>>, vector<16xf32>,
        tpu.vector_store %arg11[%parallel_loop3A_121, %parallel_loop3A_122], %parallel_loop3A_120 {strides = array<i32>} : memref<64x144xf32, #tpu.memory_space<vmem>>, vector<16xf32>,
        %parallel_loop3A_124 = arith.index_cast %parallel_loop3A_100 : i32 to index
        %parallel_loop3A_125 = arith.constant 16 : index
        %parallel_loop3A_126 = tpu.vector_load %arg11[%parallel_loop3A_124, %parallel_loop3A_125] {strides = array<i32>} : memref<64x144xf32, #tpu.memory_space<vmem>>, vector<16xf32>,
        %parallel_loop3A_127 = arith.mulf %parallel_loop3A_126, %parallel_loop3A_116 : vector<16xf32>
        %parallel_loop3A_128 = arith.index_cast %parallel_loop3A_100 : i32 to index
        %parallel_loop3A_129 = arith.constant 16 : index
        %parallel_loop3A_130 = tpu.vector_load %arg11[%parallel_loop3A_128, %parallel_loop3A_129] {strides = array<i32>} : memref<64x144xf32, #tpu.memory_space<vmem>>, vector<16xf32>,
        tpu.vector_store %arg11[%parallel_loop3A_128, %parallel_loop3A_129], %parallel_loop3A_127 {strides = array<i32>} : memref<64x144xf32, #tpu.memory_space<vmem>>, vector<16xf32>,
        %parallel_loop3A_131 = arith.index_cast %parallel_loop3A_100 : i32 to index
        %parallel_loop3A_132 = arith.constant 32 : index
        %parallel_loop3A_133 = tpu.vector_load %arg11[%parallel_loop3A_131, %parallel_loop3A_132] {strides = array<i32>} : memref<64x144xf32, #tpu.memory_space<vmem>>, vector<16xf32>,
        %parallel_loop3A_134 = arith.mulf %parallel_loop3A_133, %parallel_loop3A_116 : vector<16xf32>
        %parallel_loop3A_135 = arith.index_cast %parallel_loop3A_100 : i32 to index
        %parallel_loop3A_136 = arith.constant 32 : index
        %parallel_loop3A_137 = tpu.vector_load %arg11[%parallel_loop3A_135, %parallel_loop3A_136] {strides = array<i32>} : memref<64x144xf32, #tpu.memory_space<vmem>>, vector<16xf32>,
        tpu.vector_store %arg11[%parallel_loop3A_135, %parallel_loop3A_136], %parallel_loop3A_134 {strides = array<i32>} : memref<64x144xf32, #tpu.memory_space<vmem>>, vector<16xf32>,
        %parallel_loop3A_138 = arith.index_cast %parallel_loop3A_100 : i32 to index
        %parallel_loop3A_139 = arith.constant 48 : index
        %parallel_loop3A_140 = tpu.vector_load %arg11[%parallel_loop3A_138, %parallel_loop3A_139] {strides = array<i32>} : memref<64x144xf32, #tpu.memory_space<vmem>>, vector<16xf32>,
        %parallel_loop3A_141 = arith.mulf %parallel_loop3A_140, %parallel_loop3A_116 : vector<16xf32>
        %parallel_loop3A_142 = arith.index_cast %parallel_loop3A_100 : i32 to index
        %parallel_loop3A_143 = arith.constant 48 : index
        %parallel_loop3A_144 = tpu.vector_load %arg11[%parallel_loop3A_142, %parallel_loop3A_143] {strides = array<i32>} : memref<64x144xf32, #tpu.memory_space<vmem>>, vector<16xf32>,
        tpu.vector_store %arg11[%parallel_loop3A_142, %parallel_loop3A_143], %parallel_loop3A_141 {strides = array<i32>} : memref<64x144xf32, #tpu.memory_space<vmem>>, vector<16xf32>,
        %parallel_loop3A_145 = arith.index_cast %parallel_loop3A_100 : i32 to index
        %parallel_loop3A_146 = arith.constant 64 : index
        %parallel_loop3A_147 = tpu.vector_load %arg11[%parallel_loop3A_145, %parallel_loop3A_146] {strides = array<i32>} : memref<64x144xf32, #tpu.memory_space<vmem>>, vector<16xf32>,
        %parallel_loop3A_148 = arith.mulf %parallel_loop3A_147, %parallel_loop3A_116 : vector<16xf32>
        %parallel_loop3A_149 = arith.index_cast %parallel_loop3A_100 : i32 to index
        %parallel_loop3A_150 = arith.constant 64 : index
        %parallel_loop3A_151 = tpu.vector_load %arg11[%parallel_loop3A_149, %parallel_loop3A_150] {strides = array<i32>} : memref<64x144xf32, #tpu.memory_space<vmem>>, vector<16xf32>,
        tpu.vector_store %arg11[%parallel_loop3A_149, %parallel_loop3A_150], %parallel_loop3A_148 {strides = array<i32>} : memref<64x144xf32, #tpu.memory_space<vmem>>, vector<16xf32>,
        %parallel_loop3A_152 = arith.index_cast %parallel_loop3A_100 : i32 to index
        %parallel_loop3A_153 = arith.constant 80 : index
        %parallel_loop3A_154 = tpu.vector_load %arg11[%parallel_loop3A_152, %parallel_loop3A_153] {strides = array<i32>} : memref<64x144xf32, #tpu.memory_space<vmem>>, vector<16xf32>,
        %parallel_loop3A_155 = arith.mulf %parallel_loop3A_154, %parallel_loop3A_116 : vector<16xf32>
        %parallel_loop3A_156 = arith.index_cast %parallel_loop3A_100 : i32 to index
        %parallel_loop3A_157 = arith.constant 80 : index
        %parallel_loop3A_158 = tpu.vector_load %arg11[%parallel_loop3A_156, %parallel_loop3A_157] {strides = array<i32>} : memref<64x144xf32, #tpu.memory_space<vmem>>, vector<16xf32>,
        tpu.vector_store %arg11[%parallel_loop3A_156, %parallel_loop3A_157], %parallel_loop3A_155 {strides = array<i32>} : memref<64x144xf32, #tpu.memory_space<vmem>>, vector<16xf32>,
        %parallel_loop3A_159 = arith.index_cast %parallel_loop3A_100 : i32 to index
        %parallel_loop3A_160 = arith.constant 96 : index
        %parallel_loop3A_161 = tpu.vector_load %arg11[%parallel_loop3A_159, %parallel_loop3A_160] {strides = array<i32>} : memref<64x144xf32, #tpu.memory_space<vmem>>, vector<16xf32>,
        %parallel_loop3A_162 = arith.mulf %parallel_loop3A_161, %parallel_loop3A_116 : vector<16xf32>
        %parallel_loop3A_163 = arith.index_cast %parallel_loop3A_100 : i32 to index
        %parallel_loop3A_164 = arith.constant 96 : index
        %parallel_loop3A_165 = tpu.vector_load %arg11[%parallel_loop3A_163, %parallel_loop3A_164] {strides = array<i32>} : memref<64x144xf32, #tpu.memory_space<vmem>>, vector<16xf32>,
        tpu.vector_store %arg11[%parallel_loop3A_163, %parallel_loop3A_164], %parallel_loop3A_162 {strides = array<i32>} : memref<64x144xf32, #tpu.memory_space<vmem>>, vector<16xf32>,
        %parallel_loop3A_166 = arith.index_cast %parallel_loop3A_100 : i32 to index
        %parallel_loop3A_167 = arith.constant 112 : index
        %parallel_loop3A_168 = tpu.vector_load %arg11[%parallel_loop3A_166, %parallel_loop3A_167] {strides = array<i32>} : memref<64x144xf32, #tpu.memory_space<vmem>>, vector<16xf32>,
        %parallel_loop3A_169 = arith.mulf %parallel_loop3A_168, %parallel_loop3A_116 : vector<16xf32>
        %parallel_loop3A_170 = arith.index_cast %parallel_loop3A_100 : i32 to index
        %parallel_loop3A_171 = arith.constant 112 : index
        %parallel_loop3A_172 = tpu.vector_load %arg11[%parallel_loop3A_170, %parallel_loop3A_171] {strides = array<i32>} : memref<64x144xf32, #tpu.memory_space<vmem>>, vector<16xf32>,
        tpu.vector_store %arg11[%parallel_loop3A_170, %parallel_loop3A_171], %parallel_loop3A_169 {strides = array<i32>} : memref<64x144xf32, #tpu.memory_space<vmem>>, vector<16xf32>,
        %parallel_loop3A_173 = arith.index_cast %parallel_loop3A_100 : i32 to index
        %parallel_loop3A_174 = arith.constant 128 : index
        %parallel_loop3A_175 = tpu.vector_load %arg11[%parallel_loop3A_173, %parallel_loop3A_174] {strides = array<i32>} : memref<64x144xf32, #tpu.memory_space<vmem>>, vector<16xf32>,
        %parallel_loop3A_176 = arith.mulf %parallel_loop3A_175, %parallel_loop3A_116 : vector<16xf32>
        %parallel_loop3A_177 = arith.index_cast %parallel_loop3A_100 : i32 to index
        %parallel_loop3A_178 = arith.constant 128 : index
        %parallel_loop3A_179 = tpu.vector_load %arg11[%parallel_loop3A_177, %parallel_loop3A_178] {strides = array<i32>} : memref<64x144xf32, #tpu.memory_space<vmem>>, vector<16xf32>,
        tpu.vector_store %arg11[%parallel_loop3A_177, %parallel_loop3A_178], %parallel_loop3A_176 {strides = array<i32>} : memref<64x144xf32, #tpu.memory_space<vmem>>, vector<16xf32>,
      } {sc.loop_unroll_factor = 4 : i64, sc.parallel_access}
      "tpu.region"() ({
        %run_scoped3A = tpu.sem_alloc : memref<!tpu.dma_semaphore, #tpu.memory_space<semaphore_mem>>
        %dma_start3A_100 = arith.constant 0 : i32
        %dma_start3A_101 = tpu.memref_slice %arg8[%add3A_83, %dma_start3A_100] : memref<80x64xi32, #tpu.memory_space<vmem>> -> memref<1x64xi32, #tpu.memory_space<vmem>>
        %dma_start3A_102 = tpu.memref_squeeze %dma_start3A_101 : memref<1x64xi32, #tpu.memory_space<vmem>> -> memref<64xi32, #tpu.memory_space<vmem>>
        %dma_start3A_103 = arith.constant 0 : i32
        %dma_start3A_104 = arith.constant 0 : i32
        %dma_start3A_105 = tpu.memref_slice %arg12[%dma_start3A_103, %dma_start3A_104] : memref<10000x144xf32, #tpu.memory_space<vmem_shared>> -> memref<10000x144xf32, #tpu.memory_space<vmem_shared>>
        tpu.enqueue_indirect_dma source(%arg11 : memref<64x144xf32, #tpu.memory_space<vmem>>) target(%dma_start3A_105 : memref<10000x144xf32, #tpu.memory_space<vmem_shared>>) offsets(%dma_start3A_102 : memref<64xi32, #tpu.memory_space<vmem>>) semaphore(%run_scoped3A : memref<!tpu.dma_semaphore, #tpu.memory_space<semaphore_mem>>) {add = true}
        %dma_wait3A_106 = arith.constant 0 : i32
        %dma_wait3A_107 = tpu.memref_slice %arg8[%add3A_83, %dma_wait3A_106] : memref<80x64xi32, #tpu.memory_space<vmem>> -> memref<1x64xi32, #tpu.memory_space<vmem>>
        %dma_wait3A_108 = tpu.memref_squeeze %dma_wait3A_107 : memref<1x64xi32, #tpu.memory_space<vmem>> -> memref<64xi32, #tpu.memory_space<vmem>>
        %dma_wait3A_109 = arith.constant 0 : i32
        %dma_wait3A_110 = arith.constant 0 : i32
        %dma_wait3A_111 = tpu.memref_slice %arg12[%dma_wait3A_109, %dma_wait3A_110] : memref<10000x144xf32, #tpu.memory_space<vmem_shared>> -> memref<10000x144xf32, #tpu.memory_space<vmem_shared>>
        tpu.wait_indirect_dma semaphore(%run_scoped3A : memref<!tpu.dma_semaphore, #tpu.memory_space<semaphore_mem>>) src(%arg11 : memref<64x144xf32, #tpu.memory_space<vmem>>) dst(%dma_wait3A_111 : memref<10000x144xf32, #tpu.memory_space<vmem_shared>>)
        tpu.yield
      }) : () -> ()
    }
    %scan3A_58 = arith.constant 40 : i32
    %barrier3A_59 = arith.constant 0 : index
    tpu.barrier barrier_id(%barrier3A_59)
    %mul3A_60 = arith.constant 625 : i32
    %mul3A_61 = arith.muli %arg1, %mul3A_60 : i32
    %mul3A_62 = arith.constant 625 : i32
    %mul3A_63 = arith.muli %arg1, %mul3A_62 : i32
    "tpu.region"() ({
      %run_scoped3A = tpu.sem_alloc : memref<!tpu.dma_semaphore, #tpu.memory_space<semaphore_mem>>
      %dma_start3A_64 = arith.constant 0 : i32
      %dma_start3A_65 = tpu.memref_slice %arg6[%arg0, %mul3A_63, %dma_start3A_64] : memref<2x10000x144xf32, #tpu.memory_space<hbm>> -> memref<1x625x144xf32, #tpu.memory_space<hbm>>
      %dma_start3A_66 = tpu.memref_squeeze %dma_start3A_65 : memref<1x625x144xf32, #tpu.memory_space<hbm>> -> memref<625x144xf32, #tpu.memory_space<hbm>>
      %dma_start3A_67 = arith.constant 0 : i32
      %dma_start3A_68 = tpu.memref_slice %arg12[%mul3A_61, %dma_start3A_67] : memref<10000x144xf32, #tpu.memory_space<vmem_shared>> -> memref<625x144xf32, #tpu.memory_space<vmem_shared>>
      tpu.enqueue_dma source(%dma_start3A_68 : memref<625x144xf32, #tpu.memory_space<vmem_shared>>) target(%dma_start3A_66 : memref<625x144xf32, #tpu.memory_space<hbm>>) target_semaphore(%run_scoped3A : memref<!tpu.dma_semaphore, #tpu.memory_space<semaphore_mem>>)
      %dma_wait3A = arith.constant 0 : i32
      %dma_wait3A_69 = tpu.memref_slice %arg6[%arg0, %mul3A_63, %dma_wait3A] : memref<2x10000x144xf32, #tpu.memory_space<hbm>> -> memref<1x625x144xf32, #tpu.memory_space<hbm>>
      %dma_wait3A_70 = tpu.memref_squeeze %dma_wait3A_69 : memref<1x625x144xf32, #tpu.memory_space<hbm>> -> memref<625x144xf32, #tpu.memory_space<hbm>>
      %dma_wait3A_71 = arith.constant 0 : i32
      %dma_wait3A_72 = tpu.memref_slice %arg12[%mul3A_61, %dma_wait3A_71] : memref<10000x144xf32, #tpu.memory_space<vmem_shared>> -> memref<625x144xf32, #tpu.memory_space<vmem_shared>>
      tpu.wait_dma2 semaphore(%run_scoped3A : memref<!tpu.dma_semaphore, #tpu.memory_space<semaphore_mem>>) src(%dma_wait3A_72 : memref<625x144xf32, #tpu.memory_space<vmem_shared>>) dst(%dma_wait3A_70 : memref<625x144xf32, #tpu.memory_space<hbm>>)
      tpu.yield
    }) : () -> ()
    return
  }
}

module attributes {stable_mosaic.version = 14 : i64} {
  func.func @_edge_body(%arg0: i32, %arg1: memref<2000x128xf32, #tpu.memory_space<vmem>>, %arg2: memref<128x128xf32, #tpu.memory_space<vmem>>, %arg3: memref<128x1xf32, #tpu.memory_space<vmem>>, %arg4: memref<128x128xf32, #tpu.memory_space<vmem>>, %arg5: memref<128x1xf32, #tpu.memory_space<vmem>>, %arg6: memref<2000x2xf32, #tpu.memory_space<vmem>>) attributes {dimension_semantics = [#tpu.dimension_semantics<arbitrary>], iteration_bounds = array<i64: 80>, scalar_prefetch = 0 : i64, scratch_operands = 0 : i64, tpu.core_type = #tpu.core_type<tc>, window_params = [{transform_indices = @transform_0, window_bounds = array<i64: 2000, 128>}, {pipeline_mode = #tpu.pipeline_mode<synchronous>, transform_indices = @transform_1, window_bounds = array<i64: 128, 128>}, {pipeline_mode = #tpu.pipeline_mode<synchronous>, transform_indices = @transform_2, window_bounds = array<i64: 128, 1>}, {pipeline_mode = #tpu.pipeline_mode<synchronous>, transform_indices = @transform_3, window_bounds = array<i64: 128, 128>}, {pipeline_mode = #tpu.pipeline_mode<synchronous>, transform_indices = @transform_4, window_bounds = array<i64: 128, 1>}, {transform_indices = @transform_5, window_bounds = array<i64: 2000, 2>}]} {
    %get3A = arith.constant 0 : index
    %get3A_0 = arith.constant 0 : index
    %get3A_1 = vector.load %arg2[%get3A, %get3A_0] : memref<128x128xf32, #tpu.memory_space<vmem>>, vector<128x128xf32>
    %get3A_2 = arith.constant 0 : index
    %get3A_3 = arith.constant 0 : index
    %get3A_4 = vector.load %arg3[%get3A_2, %get3A_3] : memref<128x1xf32, #tpu.memory_space<vmem>>, vector<128x1xf32>
    %dot_general3A = arith.constant dense<0.000000e+00> : vector<128x1xf32>
    %dot_general3A_5 = tpu.matmul %get3A_1, %get3A_4, %dot_general3A {dimension_numbers = #tpu.dot_dimension_numbers<[1], [0], [0], [1], [0, 0, 1, 1], [], []>, transpose_lhs_hint = false} : vector<128x128xf32>, vector<128x1xf32>, vector<128x1xf32> -> vector<128x1xf32>
    %get3A_6 = arith.constant 0 : index
    %get3A_7 = arith.constant 0 : index
    %get3A_8 = vector.load %arg4[%get3A_6, %get3A_7] : memref<128x128xf32, #tpu.memory_space<vmem>>, vector<128x128xf32>
    %get3A_9 = arith.constant 0 : index
    %get3A_10 = arith.constant 0 : index
    %get3A_11 = vector.load %arg5[%get3A_9, %get3A_10] : memref<128x1xf32, #tpu.memory_space<vmem>>, vector<128x1xf32>
    %dot_general3A_12 = arith.constant dense<0.000000e+00> : vector<128x1xf32>
    %dot_general3A_13 = tpu.matmul %get3A_8, %get3A_11, %dot_general3A_12 {dimension_numbers = #tpu.dot_dimension_numbers<[1], [0], [0], [1], [0, 0, 1, 1], [], []>, transpose_lhs_hint = false} : vector<128x128xf32>, vector<128x1xf32>, vector<128x1xf32> -> vector<128x1xf32>
    %get3A_14 = arith.constant 0 : index
    %get3A_15 = arith.constant 0 : index
    %get3A_16 = vector.load %arg1[%get3A_14, %get3A_15] : memref<2000x128xf32, #tpu.memory_space<vmem>>, vector<2000x128xf32>
    %dot_general3A_17 = arith.constant dense<0.000000e+00> : vector<2000x1xf32>
    %dot_general3A_18 = tpu.matmul %get3A_16, %dot_general3A_5, %dot_general3A_17 {dimension_numbers = #tpu.dot_dimension_numbers<[1], [0], [0], [1], [0, 0, 1, 1], [], []>, transpose_lhs_hint = false} : vector<2000x128xf32>, vector<128x1xf32>, vector<2000x1xf32> -> vector<2000x1xf32>
    %dot_general3A_19 = arith.constant dense<0.000000e+00> : vector<2000x1xf32>
    %dot_general3A_20 = tpu.matmul %get3A_16, %dot_general3A_13, %dot_general3A_19 {dimension_numbers = #tpu.dot_dimension_numbers<[1], [0], [0], [1], [0, 0, 1, 1], [], []>, transpose_lhs_hint = false} : vector<2000x128xf32>, vector<128x1xf32>, vector<2000x1xf32> -> vector<2000x1xf32>
    %concatenate3A = tpu.concatenate %dot_general3A_18, %dot_general3A_20 in 1 : vector<2000x1xf32>, vector<2000x1xf32> -> vector<2000x2xf32>
    %swap3A = arith.constant 0 : index
    %swap3A_21 = arith.constant 0 : index
    %swap3A_22 = vector.load %arg6[%swap3A, %swap3A_21] : memref<2000x2xf32, #tpu.memory_space<vmem>>, vector<2000x2xf32>
    tpu.vector_store %arg6[%swap3A, %swap3A_21], %concatenate3A {strides = array<i32>} : memref<2000x2xf32, #tpu.memory_space<vmem>>, vector<2000x2xf32>,
    return
  }
  func.func @transform_0(%arg0: i32) -> (i32, i32) {
    %c0_i32 = arith.constant 0 : i32
    %c0_i32_0 = arith.constant 0 : i32
    return %arg0, %c0_i32 : i32, i32
  }
  func.func @transform_1(%arg0: i32) -> (i32, i32) {
    %c0_i32 = arith.constant 0 : i32
    %c0_i32_0 = arith.constant 0 : i32
    %c0_i32_1 = arith.constant 0 : i32
    return %c0_i32, %c0_i32_0 : i32, i32
  }
  func.func @transform_2(%arg0: i32) -> (i32, i32) {
    %c0_i32 = arith.constant 0 : i32
    %c0_i32_0 = arith.constant 0 : i32
    %c0_i32_1 = arith.constant 0 : i32
    return %c0_i32, %c0_i32_0 : i32, i32
  }
  func.func @transform_3(%arg0: i32) -> (i32, i32) {
    %c0_i32 = arith.constant 0 : i32
    %c0_i32_0 = arith.constant 0 : i32
    %c0_i32_1 = arith.constant 0 : i32
    return %c0_i32, %c0_i32_0 : i32, i32
  }
  func.func @transform_4(%arg0: i32) -> (i32, i32) {
    %c0_i32 = arith.constant 0 : i32
    %c0_i32_0 = arith.constant 0 : i32
    %c0_i32_1 = arith.constant 0 : i32
    return %c0_i32, %c0_i32_0 : i32, i32
  }
  func.func @transform_5(%arg0: i32) -> (i32, i32) {
    %c0_i32 = arith.constant 0 : i32
    %c0_i32_0 = arith.constant 0 : i32
    return %arg0, %c0_i32 : i32, i32
  }
}

module attributes {stable_mosaic.version = 14 : i64} {
  func.func @_node_body(%arg0: i32, %arg1: memref<400x128xf32, #tpu.memory_space<vmem>>, %arg2: memref<128x128xf32, #tpu.memory_space<vmem>>, %arg3: memref<128x128xf32, #tpu.memory_space<vmem>>, %arg4: memref<128x1xf32, #tpu.memory_space<vmem>>, %arg5: memref<128x1xf32, #tpu.memory_space<vmem>>, %arg6: memref<400x144xf32, #tpu.memory_space<vmem>>, %arg7: memref<400x128xf32, #tpu.memory_space<vmem>>, %arg8: memref<400x1xf32, #tpu.memory_space<vmem>>, %arg9: memref<400x1xf32, #tpu.memory_space<vmem>>) attributes {dimension_semantics = [#tpu.dimension_semantics<arbitrary>], iteration_bounds = array<i64: 25>, scalar_prefetch = 0 : i64, scratch_operands = 0 : i64, tpu.core_type = #tpu.core_type<tc>, window_params = [{transform_indices = @transform_0, window_bounds = array<i64: 400, 128>}, {pipeline_mode = #tpu.pipeline_mode<synchronous>, transform_indices = @transform_1, window_bounds = array<i64: 128, 128>}, {pipeline_mode = #tpu.pipeline_mode<synchronous>, transform_indices = @transform_2, window_bounds = array<i64: 128, 128>}, {pipeline_mode = #tpu.pipeline_mode<synchronous>, transform_indices = @transform_3, window_bounds = array<i64: 128, 1>}, {pipeline_mode = #tpu.pipeline_mode<synchronous>, transform_indices = @transform_4, window_bounds = array<i64: 128, 1>}, {transform_indices = @transform_5, window_bounds = array<i64: 400, 144>}, {transform_indices = @transform_6, window_bounds = array<i64: 400, 128>}, {transform_indices = @transform_7, window_bounds = array<i64: 400, 1>}, {transform_indices = @transform_8, window_bounds = array<i64: 400, 1>}]} {
    %get3A = arith.constant 0 : index
    %get3A_0 = arith.constant 0 : index
    %get3A_1 = vector.load %arg1[%get3A, %get3A_0] : memref<400x128xf32, #tpu.memory_space<vmem>>, vector<400x128xf32>
    %get3A_2 = arith.constant 0 : index
    %get3A_3 = arith.constant 0 : index
    %get3A_4 = vector.load %arg2[%get3A_2, %get3A_3] : memref<128x128xf32, #tpu.memory_space<vmem>>, vector<128x128xf32>
    %dot_general3A = arith.constant dense<0.000000e+00> : vector<400x128xf32>
    %dot_general3A_5 = tpu.matmul %get3A_1, %get3A_4, %dot_general3A {dimension_numbers = #tpu.dot_dimension_numbers<[1], [0], [0], [1], [0, 0, 1, 1], [], []>, transpose_lhs_hint = false} : vector<400x128xf32>, vector<128x128xf32>, vector<400x128xf32> -> vector<400x128xf32>
    %get3A_6 = arith.constant 0 : index
    %get3A_7 = arith.constant 0 : index
    %get3A_8 = vector.load %arg3[%get3A_6, %get3A_7] : memref<128x128xf32, #tpu.memory_space<vmem>>, vector<128x128xf32>
    %dot_general3A_9 = arith.constant dense<0.000000e+00> : vector<400x128xf32>
    %dot_general3A_10 = tpu.matmul %get3A_1, %get3A_8, %dot_general3A_9 {dimension_numbers = #tpu.dot_dimension_numbers<[1], [0], [0], [1], [0, 0, 1, 1], [], []>, transpose_lhs_hint = false} : vector<400x128xf32>, vector<128x128xf32>, vector<400x128xf32> -> vector<400x128xf32>
    %swap3A = arith.constant 0 : index
    %swap3A_11 = arith.constant 0 : index
    %swap3A_12 = vector.load %arg6[%swap3A, %swap3A_11] : memref<400x144xf32, #tpu.memory_space<vmem>>, vector<400x128xf32>
    tpu.vector_store %arg6[%swap3A, %swap3A_11], %dot_general3A_5 {strides = array<i32>} : memref<400x144xf32, #tpu.memory_space<vmem>>, vector<400x128xf32>,
    %broadcast_in_dim3A = arith.constant 1.000000e+00 : f32
    %broadcast_in_dim3A_13 = vector.broadcast %broadcast_in_dim3A : f32 to vector<400x16xf32>
    %swap3A_14 = arith.constant 0 : index
    %swap3A_15 = arith.constant 128 : index
    %swap3A_16 = vector.load %arg6[%swap3A_14, %swap3A_15] : memref<400x144xf32, #tpu.memory_space<vmem>>, vector<400x16xf32>
    tpu.vector_store %arg6[%swap3A_14, %swap3A_15], %broadcast_in_dim3A_13 {strides = array<i32>} : memref<400x144xf32, #tpu.memory_space<vmem>>, vector<400x16xf32>,
    %swap3A_17 = arith.constant 0 : index
    %swap3A_18 = arith.constant 0 : index
    %swap3A_19 = vector.load %arg7[%swap3A_17, %swap3A_18] : memref<400x128xf32, #tpu.memory_space<vmem>>, vector<400x128xf32>
    tpu.vector_store %arg7[%swap3A_17, %swap3A_18], %dot_general3A_10 {strides = array<i32>} : memref<400x128xf32, #tpu.memory_space<vmem>>, vector<400x128xf32>,
    %get3A_20 = arith.constant 0 : index
    %get3A_21 = arith.constant 0 : index
    %get3A_22 = vector.load %arg4[%get3A_20, %get3A_21] : memref<128x1xf32, #tpu.memory_space<vmem>>, vector<128x1xf32>
    %dot_general3A_23 = arith.constant dense<0.000000e+00> : vector<400x1xf32>
    %dot_general3A_24 = tpu.matmul %dot_general3A_5, %get3A_22, %dot_general3A_23 {dimension_numbers = #tpu.dot_dimension_numbers<[1], [0], [0], [1], [0, 0, 1, 1], [], []>, transpose_lhs_hint = false} : vector<400x128xf32>, vector<128x1xf32>, vector<400x1xf32> -> vector<400x1xf32>
    %swap3A_25 = arith.constant 0 : index
    %swap3A_26 = arith.constant 0 : index
    %swap3A_27 = vector.load %arg8[%swap3A_25, %swap3A_26] : memref<400x1xf32, #tpu.memory_space<vmem>>, vector<400x1xf32>
    tpu.vector_store %arg8[%swap3A_25, %swap3A_26], %dot_general3A_24 {strides = array<i32>} : memref<400x1xf32, #tpu.memory_space<vmem>>, vector<400x1xf32>,
    %get3A_28 = arith.constant 0 : index
    %get3A_29 = arith.constant 0 : index
    %get3A_30 = vector.load %arg5[%get3A_28, %get3A_29] : memref<128x1xf32, #tpu.memory_space<vmem>>, vector<128x1xf32>
    %dot_general3A_31 = arith.constant dense<0.000000e+00> : vector<400x1xf32>
    %dot_general3A_32 = tpu.matmul %dot_general3A_10, %get3A_30, %dot_general3A_31 {dimension_numbers = #tpu.dot_dimension_numbers<[1], [0], [0], [1], [0, 0, 1, 1], [], []>, transpose_lhs_hint = false} : vector<400x128xf32>, vector<128x1xf32>, vector<400x1xf32> -> vector<400x1xf32>
    %swap3A_33 = arith.constant 0 : index
    %swap3A_34 = arith.constant 0 : index
    %swap3A_35 = vector.load %arg9[%swap3A_33, %swap3A_34] : memref<400x1xf32, #tpu.memory_space<vmem>>, vector<400x1xf32>
    tpu.vector_store %arg9[%swap3A_33, %swap3A_34], %dot_general3A_32 {strides = array<i32>} : memref<400x1xf32, #tpu.memory_space<vmem>>, vector<400x1xf32>,
    return
  }
  func.func @transform_0(%arg0: i32) -> (i32, i32) {
    %c0_i32 = arith.constant 0 : i32
    %c0_i32_0 = arith.constant 0 : i32
    return %arg0, %c0_i32 : i32, i32
  }
  func.func @transform_1(%arg0: i32) -> (i32, i32) {
    %c0_i32 = arith.constant 0 : i32
    %c0_i32_0 = arith.constant 0 : i32
    %c0_i32_1 = arith.constant 0 : i32
    return %c0_i32, %c0_i32_0 : i32, i32
  }
  func.func @transform_2(%arg0: i32) -> (i32, i32) {
    %c0_i32 = arith.constant 0 : i32
    %c0_i32_0 = arith.constant 0 : i32
    %c0_i32_1 = arith.constant 0 : i32
    return %c0_i32, %c0_i32_0 : i32, i32
  }
  func.func @transform_3(%arg0: i32) -> (i32, i32) {
    %c0_i32 = arith.constant 0 : i32
    %c0_i32_0 = arith.constant 0 : i32
    %c0_i32_1 = arith.constant 0 : i32
    return %c0_i32, %c0_i32_0 : i32, i32
  }
  func.func @transform_4(%arg0: i32) -> (i32, i32) {
    %c0_i32 = arith.constant 0 : i32
    %c0_i32_0 = arith.constant 0 : i32
    %c0_i32_1 = arith.constant 0 : i32
    return %c0_i32, %c0_i32_0 : i32, i32
  }
  func.func @transform_5(%arg0: i32) -> (i32, i32) {
    %c0_i32 = arith.constant 0 : i32
    %c0_i32_0 = arith.constant 0 : i32
    return %arg0, %c0_i32 : i32, i32
  }
  func.func @transform_6(%arg0: i32) -> (i32, i32) {
    %c0_i32 = arith.constant 0 : i32
    %c0_i32_0 = arith.constant 0 : i32
    return %arg0, %c0_i32 : i32, i32
  }
  func.func @transform_7(%arg0: i32) -> (i32, i32) {
    %c0_i32 = arith.constant 0 : i32
    %c0_i32_0 = arith.constant 0 : i32
    return %arg0, %c0_i32 : i32, i32
  }
  func.func @transform_8(%arg0: i32) -> (i32, i32) {
    %c0_i32 = arith.constant 0 : i32
    %c0_i32_0 = arith.constant 0 : i32
    return %arg0, %c0_i32 : i32, i32
  }
}

module attributes {stable_mosaic.version = 14 : i64} {
  func.func @_comb_body(%arg0: i32, %arg1: memref<400x144xf32, #tpu.memory_space<vmem>>, %arg2: memref<400x144xf32, #tpu.memory_space<vmem>>, %arg3: memref<400x128xf32, #tpu.memory_space<vmem>>, %arg4: memref<1x128xf32, #tpu.memory_space<vmem>>, %arg5: memref<400x128xf32, #tpu.memory_space<vmem>>) attributes {dimension_semantics = [#tpu.dimension_semantics<arbitrary>], iteration_bounds = array<i64: 25>, scalar_prefetch = 0 : i64, scratch_operands = 0 : i64, tpu.core_type = #tpu.core_type<tc>, window_params = [{transform_indices = @transform_0, window_bounds = array<i64: 400, 144>}, {transform_indices = @transform_1, window_bounds = array<i64: 400, 144>}, {transform_indices = @transform_2, window_bounds = array<i64: 400, 128>}, {pipeline_mode = #tpu.pipeline_mode<synchronous>, transform_indices = @transform_3, window_bounds = array<i64: 1, 128>}, {transform_indices = @transform_4, window_bounds = array<i64: 400, 128>}]} {
    %get3A = arith.constant 0 : index
    %get3A_0 = arith.constant 0 : index
    %get3A_1 = vector.load %arg1[%get3A, %get3A_0] : memref<400x144xf32, #tpu.memory_space<vmem>>, vector<400x144xf32>
    %get3A_2 = arith.constant 0 : index
    %get3A_3 = arith.constant 0 : index
    %get3A_4 = vector.load %arg2[%get3A_2, %get3A_3] : memref<400x144xf32, #tpu.memory_space<vmem>>, vector<400x144xf32>
    %slice3A = vector.extract_strided_slice %get3A_1 {offsets = [0, 128], sizes = [400, 1], strides = [1, 1]} : vector<400x144xf32> to vector<400x1xf32>
    %slice3A_5 = vector.extract_strided_slice %get3A_4 {offsets = [0, 128], sizes = [400, 1], strides = [1, 1]} : vector<400x144xf32> to vector<400x1xf32>
    %add3A = arith.addf %slice3A, %slice3A_5 : vector<400x1xf32>
    %add3A_6 = arith.constant 1.000000e-16 : f32
    %add3A_7 = vector.broadcast %add3A_6 : f32 to vector<400x1xf32>
    %add3A_8 = arith.addf %add3A, %add3A_7 : vector<400x1xf32>
    %slice3A_9 = vector.extract_strided_slice %get3A_1 {offsets = [0, 0], sizes = [400, 128], strides = [1, 1]} : vector<400x144xf32> to vector<400x128xf32>
    %slice3A_10 = vector.extract_strided_slice %get3A_4 {offsets = [0, 0], sizes = [400, 128], strides = [1, 1]} : vector<400x144xf32> to vector<400x128xf32>
    %add3A_11 = arith.addf %slice3A_9, %slice3A_10 : vector<400x128xf32>
    %div3A = vector.broadcast %add3A_8 : vector<400x1xf32> to vector<400x128xf32>
    %div3A_12 = arith.divf %add3A_11, %div3A : vector<400x128xf32>
    %get3A_13 = arith.constant 0 : index
    %get3A_14 = arith.constant 0 : index
    %get3A_15 = vector.load %arg3[%get3A_13, %get3A_14] : memref<400x128xf32, #tpu.memory_space<vmem>>, vector<400x128xf32>
    %add3A_16 = arith.addf %div3A_12, %get3A_15 : vector<400x128xf32>
    %get3A_17 = arith.constant 0 : index
    %get3A_18 = arith.constant 0 : index
    %get3A_19 = vector.load %arg4[%get3A_17, %get3A_18] : memref<1x128xf32, #tpu.memory_space<vmem>>, vector<1x128xf32>
    %add3A_20 = vector.broadcast %get3A_19 : vector<1x128xf32> to vector<400x128xf32>
    %add3A_21 = arith.addf %add3A_16, %add3A_20 : vector<400x128xf32>
    %max3A = arith.constant 0.000000e+00 : f32
    %max3A_22 = vector.broadcast %max3A : f32 to vector<400x128xf32>
    %max3A_23 = arith.maximumf %add3A_21, %max3A_22 : vector<400x128xf32>
    %swap3A = arith.constant 0 : index
    %swap3A_24 = arith.constant 0 : index
    %swap3A_25 = vector.load %arg5[%swap3A, %swap3A_24] : memref<400x128xf32, #tpu.memory_space<vmem>>, vector<400x128xf32>
    tpu.vector_store %arg5[%swap3A, %swap3A_24], %max3A_23 {strides = array<i32>} : memref<400x128xf32, #tpu.memory_space<vmem>>, vector<400x128xf32>,
    return
  }
  func.func @transform_0(%arg0: i32) -> (i32, i32) {
    %c0_i32 = arith.constant 0 : i32
    %c0_i32_0 = arith.constant 0 : i32
    return %arg0, %c0_i32 : i32, i32
  }
  func.func @transform_1(%arg0: i32) -> (i32, i32) {
    %c0_i32 = arith.constant 0 : i32
    %c0_i32_0 = arith.constant 0 : i32
    return %arg0, %c0_i32 : i32, i32
  }
  func.func @transform_2(%arg0: i32) -> (i32, i32) {
    %c0_i32 = arith.constant 0 : i32
    %c0_i32_0 = arith.constant 0 : i32
    return %arg0, %c0_i32 : i32, i32
  }
  func.func @transform_3(%arg0: i32) -> (i32, i32) {
    %c0_i32 = arith.constant 0 : i32
    %c0_i32_0 = arith.constant 0 : i32
    %c0_i32_1 = arith.constant 0 : i32
    return %c0_i32, %c0_i32_0 : i32, i32
  }
  func.func @transform_4(%arg0: i32) -> (i32, i32) {
    %c0_i32 = arith.constant 0 : i32
    %c0_i32_0 = arith.constant 0 : i32
    return %arg0, %c0_i32 : i32, i32
  }
}

module attributes {stable_mosaic.version = 14 : i64} {
  func.func @_comb_body(%arg0: i32, %arg1: memref<400x144xf32, #tpu.memory_space<vmem>>, %arg2: memref<400x144xf32, #tpu.memory_space<vmem>>, %arg3: memref<400x128xf32, #tpu.memory_space<vmem>>, %arg4: memref<1x128xf32, #tpu.memory_space<vmem>>, %arg5: memref<400x128xf32, #tpu.memory_space<vmem>>) attributes {dimension_semantics = [#tpu.dimension_semantics<arbitrary>], iteration_bounds = array<i64: 25>, scalar_prefetch = 0 : i64, scratch_operands = 0 : i64, tpu.core_type = #tpu.core_type<tc>, window_params = [{transform_indices = @transform_0, window_bounds = array<i64: 400, 144>}, {transform_indices = @transform_1, window_bounds = array<i64: 400, 144>}, {transform_indices = @transform_2, window_bounds = array<i64: 400, 128>}, {pipeline_mode = #tpu.pipeline_mode<synchronous>, transform_indices = @transform_3, window_bounds = array<i64: 1, 128>}, {transform_indices = @transform_4, window_bounds = array<i64: 400, 128>}]} {
    %get3A = arith.constant 0 : index
    %get3A_0 = arith.constant 0 : index
    %get3A_1 = vector.load %arg1[%get3A, %get3A_0] : memref<400x144xf32, #tpu.memory_space<vmem>>, vector<400x144xf32>
    %get3A_2 = arith.constant 0 : index
    %get3A_3 = arith.constant 0 : index
    %get3A_4 = vector.load %arg2[%get3A_2, %get3A_3] : memref<400x144xf32, #tpu.memory_space<vmem>>, vector<400x144xf32>
    %slice3A = vector.extract_strided_slice %get3A_1 {offsets = [0, 128], sizes = [400, 1], strides = [1, 1]} : vector<400x144xf32> to vector<400x1xf32>
    %slice3A_5 = vector.extract_strided_slice %get3A_4 {offsets = [0, 128], sizes = [400, 1], strides = [1, 1]} : vector<400x144xf32> to vector<400x1xf32>
    %add3A = arith.addf %slice3A, %slice3A_5 : vector<400x1xf32>
    %add3A_6 = arith.constant 1.000000e-16 : f32
    %add3A_7 = vector.broadcast %add3A_6 : f32 to vector<400x1xf32>
    %add3A_8 = arith.addf %add3A, %add3A_7 : vector<400x1xf32>
    %slice3A_9 = vector.extract_strided_slice %get3A_1 {offsets = [0, 0], sizes = [400, 128], strides = [1, 1]} : vector<400x144xf32> to vector<400x128xf32>
    %slice3A_10 = vector.extract_strided_slice %get3A_4 {offsets = [0, 0], sizes = [400, 128], strides = [1, 1]} : vector<400x144xf32> to vector<400x128xf32>
    %add3A_11 = arith.addf %slice3A_9, %slice3A_10 : vector<400x128xf32>
    %div3A = vector.broadcast %add3A_8 : vector<400x1xf32> to vector<400x128xf32>
    %div3A_12 = arith.divf %add3A_11, %div3A : vector<400x128xf32>
    %get3A_13 = arith.constant 0 : index
    %get3A_14 = arith.constant 0 : index
    %get3A_15 = vector.load %arg3[%get3A_13, %get3A_14] : memref<400x128xf32, #tpu.memory_space<vmem>>, vector<400x128xf32>
    %add3A_16 = arith.addf %div3A_12, %get3A_15 : vector<400x128xf32>
    %get3A_17 = arith.constant 0 : index
    %get3A_18 = arith.constant 0 : index
    %get3A_19 = vector.load %arg4[%get3A_17, %get3A_18] : memref<1x128xf32, #tpu.memory_space<vmem>>, vector<1x128xf32>
    %add3A_20 = vector.broadcast %get3A_19 : vector<1x128xf32> to vector<400x128xf32>
    %add3A_21 = arith.addf %add3A_16, %add3A_20 : vector<400x128xf32>
    %max3A = arith.constant 0.000000e+00 : f32
    %max3A_22 = vector.broadcast %max3A : f32 to vector<400x128xf32>
    %max3A_23 = arith.maximumf %add3A_21, %max3A_22 : vector<400x128xf32>
    %swap3A = arith.constant 0 : index
    %swap3A_24 = arith.constant 0 : index
    %swap3A_25 = vector.load %arg5[%swap3A, %swap3A_24] : memref<400x128xf32, #tpu.memory_space<vmem>>, vector<400x128xf32>
    tpu.vector_store %arg5[%swap3A, %swap3A_24], %max3A_23 {strides = array<i32>} : memref<400x128xf32, #tpu.memory_space<vmem>>, vector<400x128xf32>,
    return
  }
  func.func @transform_0(%arg0: i32) -> (i32, i32) {
    %c0_i32 = arith.constant 0 : i32
    %c0_i32_0 = arith.constant 0 : i32
    return %arg0, %c0_i32 : i32, i32
  }
  func.func @transform_1(%arg0: i32) -> (i32, i32) {
    %c0_i32 = arith.constant 0 : i32
    %c0_i32_0 = arith.constant 0 : i32
    return %arg0, %c0_i32 : i32, i32
  }
  func.func @transform_2(%arg0: i32) -> (i32, i32) {
    %c0_i32 = arith.constant 0 : i32
    %c0_i32_0 = arith.constant 0 : i32
    return %arg0, %c0_i32 : i32, i32
  }
  func.func @transform_3(%arg0: i32) -> (i32, i32) {
    %c0_i32 = arith.constant 0 : i32
    %c0_i32_0 = arith.constant 0 : i32
    %c0_i32_1 = arith.constant 0 : i32
    return %c0_i32, %c0_i32_0 : i32, i32
  }
  func.func @transform_4(%arg0: i32) -> (i32, i32) {
    %c0_i32 = arith.constant 0 : i32
    %c0_i32_0 = arith.constant 0 : i32
    return %arg0, %c0_i32 : i32, i32
  }
}

</mosaic_0001>

<sc_bundles>
// kernel: kernel.20.cloned.1.call-start
scs
__scs_entry_jumppad:
0x0: {  	(pc) =	sbr.rel $0x88, $3  }
0x1: {  	(tag) =	ssettag $0x0;
	lr =	simm.s32 $0x1  }
0x2: {  	[smem:$0x3F83] =	sst lr;
	_ =	strace $0xD0000000  }
0x3: {  	_ = 	snop  }
0x4: {  	_ = 	snop  }
0x5: {  	_ = 	snop  }
0x6: {  	_ = 	snop  }
0x7: {  	_ = 	snop  }
__scs_overlays_trampoline_lowered:
0x8: {  	[smem:$0x3F92] =	sst s0  }
0x9: {  	[smem:$0x3F93] =	sst s1  }
0xa: {  	[smem:$0x3F94] =	sst s2  }
0xb: {  	[smem:$0x3F95] =	sst s3  }
0xc: {  	[smem:$0x3F96] =	sst s4  }
0xd: {  	[smem:$0x3F97] =	sst s5  }
0xe: {  	[smem:$0x3F98] =	sst s6  }
0xf: {  	[smem:$0x3F99] =	sst s7  }
0x10: {  	[smem:$0x3F9A] =	sst s8  }
0x11: {  	[smem:$0x3F9B] =	sst s9;
	s0 =	simm.s32 @!p0 $0x0  }
0x12: {  	s1 =	sld [smem:$0x3F81];
	s0 =	simm.s32 @p0 $0x1  }
0x13: {  	[smem:$0x3F9C] =	sst s0;
	s0 =	simm.s32 @!p1 $0x0  }
0x14: {  	s2 =	sld [smem:$0x3F80];
	s0 =	simm.s32 @p1 $0x1  }
0x15: {  	[smem:$0x3F9D] =	sst s0;
	s0 =	simm.s32 @!p2 $0x0  }
0x16: {  	s3 =	sld [smem:$0x3FDB];
	s0 =	simm.s32 @p2 $0x1  }
0x17: {  	s4 =	simm.s32 $0x1BF5;
	[smem:$0x3F9F] =	sst s0  }
0x18: {  	s0 =	sld [smem:$0x3F82];
	_ =	swait.ge [sflag:s4], $0x0  }
0x19: {  	s7 =	sld [smem:$0x3F83]  }
0x1a: {  	s8 =	sadd.s32 $0xFFFFE003, lr  }
0x1b: {  	s9 =	sadd.s32 $0xFFFFFEF7, lr;
	s5 =	simm.s32 $0xFFFFFFFF;
	p2 =	slt.u32 s8, $0xFFFFF086  }
0x1c: {  	p1 =	slt.u32 s9, $0xF7A;
	s5 =	simm.s32 @!p2 $0x0  }
0x1d: {  	s5 =	simm.s32 @p1 $0x1;
	p0 =	seq.s32 s7, s2  }
0x1e: {  	s7 =	smul.u32 @!p0 $0xF7A, s2;
	p2 =	seq.s32 @!p0 s5, $0x0  }
0x1f: {  	s9 =	smul.u32 $0xF7A, s1;
	s8 =	simm.s32 @!p0 $0x1BF5;
	p2 =	por !p2, p0  }
0x20: {  	[sflag:s8] =	ssyncset.s32 @!p0 $0xFFFFF086;
	s6 =	sadd.s32 @!p0 s3, s7;
	s7 =	simm.s32 @!p0 $0x108  }
0x21: {  	s3 =	sadd.s32 s3, s9;
	s6 =	sadd.s32 @!p0 $0x88, s6;
	s7 =	simm.s32 @p2 $0x1082  }
0x22: {  	[simem:s7], [sflag:s8] =	dma.local @!p0 [hbm:s6], $0xF7A  }
0x23: {  	s9 =	sor.u32 $0xD0000000, s2;
	s6 =	simm.s32 $0x108;
	_ =	swait.ge @!p0 [sflag:s8], $0x0  }
0x24: {  	s3 =	sadd.s32 $0x88, s3;
	s6 =	simm.s32 @!p1 $0x1082;
	[sflag:s4] =	ssyncset.s32 $0xFFFFF086  }
0x25: {  	[simem:s6], [sflag:s4] =	dma.local [hbm:s3], $0xF7A  }
0x26: {  	[smem:$0x3F83] =	sst s1;
	(tag) =	ssettag s2;
	_ =	strace s9  }
0x27: {  	s1 =	sld [smem:$0x3F93]  }
0x28: {  	s2 =	sld [smem:$0x3F94]  }
0x29: {  	s4 =	sld [smem:$0x3F96]  }
0x2a: {  	p0 =	seq.s32 s5, $0x0;
	s5 =	sld [smem:$0x3F97]  }
0x2b: {  	s6 =	sld [smem:$0x3F98]  }
0x2c: {  	s7 =	sld [smem:$0x3F99]  }
0x2d: {  	s3 =	simm.s32 $0x108;
	s8 =	sld [smem:$0x3F9A]  }
0x2e: {  	s3 =	simm.s32 @!p0 $0x1082;
	s9 =	sld [smem:$0x3F9B]  }
0x2f: {  	lr =	sadd.s32 s0, s3;
	s0 =	sld [smem:$0x3F92]  }
0x30: {  	s3 =	sld [smem:$0x3F95]  }
0x31: {  	[smem:$0x3F9E] =	sst s10  }
0x32: {  	s10 =	sld [smem:$0x3F9C];
	_ =	sdelay $0x3  }
0x33: {  	p0 =	seq.s32 s10, $0x1;
	s10 =	sld [smem:$0x3F9E];
	_ =	sdelay $0x3  }
0x34: {  	[smem:$0x3F9E] =	sst s10  }
0x35: {  	s10 =	sld [smem:$0x3F9D];
	_ =	sdelay $0x3  }
0x36: {  	p1 =	seq.s32 s10, $0x1;
	s10 =	sld [smem:$0x3F9E];
	_ =	sdelay $0x3  }
0x37: {  	[smem:$0x3F9E] =	sst s10  }
0x38: {  	s10 =	sld [smem:$0x3F9F]  }
0x39: {  	_ = 	snop;
	(pc) =	sbr.ind lr, $3  }
0x3a: {  	_ = 	snop  }
0x3b: {  	_ = 	snop  }
0x3c: {  	p2 =	seq.s32 s10, $0x1;
	s10 =	sld [smem:$0x3F9E]  }
0x3d: {  	_ =	shalt  }
0x3e: {  	_ =	shalt  }
0x3f: {  	_ =	shalt  }
0x40: {  	_ =	shalt  }
0x41: {  	_ =	shalt  }
0x42: {  	_ =	shalt  }
0x43: {  	_ =	shalt  }
0x44: {  	_ =	shalt  }
0x45: {  	_ =	shalt  }
0x46: {  	_ =	shalt  }
0x47: {  	_ =	shalt  }
0x48: {  	_ =	shalt  }
0x49: {  	_ =	shalt  }
0x4a: {  	_ =	shalt  }
0x4b: {  	_ =	shalt  }
0x4c: {  	_ =	shalt  }
0x4d: {  	_ =	shalt  }
0x4e: {  	_ =	shalt  }
0x4f: {  	_ =	shalt  }
0x50: {  	_ =	shalt  }
0x51: {  	_ =	shalt  }
0x52: {  	_ =	shalt  }
0x53: {  	_ =	shalt  }
0x54: {  	_ =	shalt  }
0x55: {  	_ =	shalt  }
0x56: {  	_ =	shalt  }
0x57: {  	_ =	shalt  }
0x58: {  	_ =	shalt  }
0x59: {  	_ =	shalt  }
0x5a: {  	_ =	shalt  }
0x5b: {  	_ =	shalt  }
0x5c: {  	_ =	shalt  }
0x5d: {  	_ =	shalt  }
0x5e: {  	_ =	shalt  }
0x5f: {  	_ =	shalt  }
0x60: {  	_ =	shalt  }
0x61: {  	_ =	shalt  }
0x62: {  	_ =	shalt  }
0x63: {  	_ =	shalt  }
0x64: {  	_ =	shalt  }
0x65: {  	_ =	shalt  }
0x66: {  	_ =	shalt  }
0x67: {  	_ =	shalt  }
0x68: {  	_ =	shalt  }
0x69: {  	_ =	shalt  }
0x6a: {  	_ =	shalt  }
0x6b: {  	_ =	shalt  }
0x6c: {  	_ =	shalt  }
0x6d: {  	_ =	shalt  }
0x6e: {  	_ =	shalt  }
0x6f: {  	_ =	shalt  }
0x70: {  	_ =	shalt  }
0x71: {  	_ =	shalt  }
0x72: {  	_ =	shalt  }
0x73: {  	_ =	shalt  }
0x74: {  	_ =	shalt  }
0x75: {  	_ =	shalt  }
0x76: {  	_ =	shalt  }
0x77: {  	_ =	shalt  }
0x78: {  	_ =	shalt  }
0x79: {  	_ =	shalt  }
0x7a: {  	_ =	shalt  }
0x7b: {  	_ =	shalt  }
0x7c: {  	_ =	shalt  }
0x7d: {  	_ =	shalt  }
0x7e: {  	_ =	shalt  }
0x7f: {  	_ =	shalt  }
0x80: {  	_ =	shalt  }
0x81: {  	_ =	shalt  }
0x82: {  	_ =	shalt  }
0x83: {  	_ =	shalt  }
0x84: {  	_ =	shalt  }
0x85: {  	_ =	shalt  }
0x86: {  	_ =	shalt  }
0x87: {  	_ =	shalt  }
.Lfunc_end0:
.L_simem_size_0:
called_computation_lowered:
.L_overlay_start_0:
0x88: {  	s2 =	sld [smem:$0x3FD9]  }
0x89: {  	s3 =	sld [smem:$0x3FFE];
	_ =	sdelay $0x1  }
0x8a: {  	s1 =	srdreg.scid  }
0x8b: {  	s0 =	sand.u32 $0x1, s1  }
0x8c: {  	s16 =	sshll.u32 s0, $0xA;
	s2 =	sadd.s32 s3, s2  }
0x8d: {  	s2 =	sadd.s32 s2, s16  }
0x8e: {  	[smem:$0x3FAA] =	sst s2  }
0x8f: {  	_ = 	snop  }
0x90: {  	(tm) =	ssettm $0x1  }
0x91: {  	s17 =	sld [smem:$0x3FFB];
	_ =	sdelay $0x3  }
0x92: {  	_ =	strace s17  }
0x93: {  	s2 =	sld [smem:$0x3FFC];
	_ =	sdelay $0x3  }
0x94: {  	_ =	strace s2  }
0x95: {  	s2 =	sld [smem:$0x3FFD];
	_ =	sdelay $0x3  }
0x96: {  	_ =	strace s2  }
0x97: {  	_ =	strace $0x8FFFFFFF  }
0x98: {  	s18 =	sld [smem:$0x3FDB];
	_ =	sdelay $0x1  }
0x99: {  	s19 =	simm.s32 $_scs_section_size  }
0x9a: {  	s4 =	simm.s32 $_size__tile_overlayer_lowered;
	s5 =	simm.s32 $_tile_overlayer_lowered  }
0x9b: {  	s22 =	simm.s32 $0x1BFF;
	s21 =	sshll.u32 s5, $0x1;
	s2 =	sadd.s32 s19, s18  }
0x9c: {  	s6 =	simm.s32 $0x0;
	s20 =	sshll.u32 s4, $0x1;
	s4 =	sadd.s32 s21, s2  }
0x9d: {  	[timem:s6], [sflag:s22] =	dma.local [hbm:s4], s20  }
0x9e: {  	_ =	swait.ge [sflag:s22], s20  }
0x9f: {  	s3 =	ssub.s32 $0x0, s20;
	[sflag:s22] =	ssyncset.done $0x0  }
0xa0: {  	[sflag:s22] =	ssyncadd.s32 s3;
	_ =	sdelay $0x1  }
0xa1: {  	s23 =	simm.s32 $0x1B8B  }
0xa2: {  	_ =	swait.ge [sflag:s23], $0x1  }
0xa3: {  	[sflag:s23] =	ssyncset.done $0x0  }
0xa4: {  	s25 =	simm.s32 $0x1B8E;
	s24 =	sld [smem:$0x3FFE];
	[sflag:s23] =	ssyncadd.s32 $0xFFFFFFFF  }
0xa5: {  	s26 =	simm.s32 $execute0_lowered;
	[smem:$0x3FD2] =	sst s25  }
0xa6: {  	s4 =	sshll.u32 s26, $0x1;
	_ =	strace $0x80000046;
	[dreg:$0x1] =	wrdreg $0xFFFFFFFF  }
0xa7: {  	s28 =	simm.s32 $_size_execute0_lowered;
	s2 =	sadd.s32 s2, s4;
	[dreg:$0x0] =	wrdreg $0x0  }
0xa8: {  	s4 =	sshll.u32 s28, $0x1;
	[dreg:$0x2] =	wrdreg s2  }
0xa9: {  	[dreg:$0x3] =	wrdreg s4  }
0xaa: {  	[dreg:$0x4] =	wrdreg $0xC0  }
0xab: {  	_ =	task [dreg:s6], $0x5FFFF  }
0xac: {  	[dreg:$0x1] =	wrdreg $0xFFFFFFFF  }
0xad: {  	[dreg:$0x0] =	wrdreg $0x60  }
0xae: {  	[dreg:$0x2] =	wrdreg s24  }
0xaf: {  	[dreg:$0x3] =	wrdreg $0xA  }
0xb0: {  	_ =	task.clear_ibuf [dreg:s6], $0x4FFFF;
	_ =	strace $0x90000046  }
0xb1: {  	s29 =	simm.s32 $0xA;
	_ =	strace $0x80000048  }
0xb2: {  	_ =	swait.ge [sflag:s29], $0x1  }
0xb3: {  	[sflag:s29] =	ssyncadd.s32 $0xFFFFFFFF  }
0xb4: {  	_ =	strace $0x90000048  }
0xb5: {  	_ =	sfence  }
0xb6: {  	s30 =	sld [smem:$0x0];
	_ =	sdelay $0x2  }
0xb7: {  	s31 =	sshll.u32 s1, $0xD;
	s1 =	sshrl.u32 s1, $0x2  }
0xb8: {  	s3 =	sand.u32 $0x4000, s31;
	s1 =	sadd.s32 s1, s30  }
0xb9: {  	s0 =	sor.u32 s3, s0;
	s1 =	sshll.u32 s1, $0x11  }
0xba: {  	s0 =	sor.u32 s1, s0  }
0xbb: {  	s0 =	sadd.s32 $0x8F2B, s0  }
0xbc: {  	[sflag:s0] =	ssyncadd.remote.s32 $0x1  }
0xbd: {  	_ =	sfence.sel $0xFFFF  }
0xbe: {  	[dreg:$0x0] =	wrdreg $0xFFFFFFFF;
	(pc) =	sbr.abs _section_cstart, $3  }
0xbf: {  	[dreg:$0x1] =	wrdreg $0xFFFFFFFF  }
0xc0: {  	_ =	task.clear_ibuf [dreg:s6], $0x2FFFF;
	_ =	strace $0x9FFFFFFF  }
0xc1: {  	(tm) =	ssettm $0x7FFFFFFF  }
tec
execute0_lowered:
.L_overlay_start_1:
0x0: {  	(tag) =	ssettag $0x1  }
0x1: {  	s0 =	srdreg.scid  }
0x2: {  	s12 =	sand.u32 $0x1, s0  }
0x3: {  	s0 =	stileid.u32;
	s1 =	sshll.u32 s12, $0x4  }
0x4: {  	s1 =	sor.u32 s0, s1  }
0x5: {  	s11 =	rddreg [dreg:$0x0];
	s2 =	simm.s32 $0x0;
	s3 =	smul.u32 $0x280, s1  }
0x6: {  	[smem:$0x7FF] =	sst s2  }
0x7: {  	s1 =	rddreg [dreg:$0x1];
	s13 =	sadd.s32 s3, s11  }
0x8: {  	_ =	strace $0x80000047;
	s3 =	simm.s32 $0x1;
	s4 =	sadd.s32 $0x7200, s13  }
0x9: {  	[tilespmem:s2], [sflag:$0x1] =	stream.linear.gather [hbm4b:s4+s2], $0x1400, $0x38;
	[tilespmem:$0x9E20] =	vst v63  }
0xa: {  	_ =	swait.ge [sflag:s3], $0x1400  }
0xb: {  	[sflag:s3] =	ssyncset.done $0x0  }
0xc: {  	s6 =	simm.s32 $0x1400;
	s5 =	sadd.s32 $0xC200, s13;
	[sflag:s3] =	ssyncadd.s32 $0xFFFFEC00  }
0xd: {  	[tilespmem:s6], [sflag:$0x1] =	stream.linear.gather [hbm4b:s5+s2], $0x1400, $0x38;
	[tilespmem:$0x9E20] =	vst v63  }
0xe: {  	_ =	swait.ge [sflag:s3], $0x1400  }
0xf: {  	[sflag:s3] =	ssyncset.done $0x0  }
0x10: {  	s8 =	simm.s32 $0x2800;
	s7 =	sadd.s32 $0xAE200, s13;
	[sflag:s3] =	ssyncadd.s32 $0xFFFFEC00  }
0x11: {  	[tilespmem:s8], [sflag:$0x1] =	stream.linear.gather [hbm4b:s7+s2], $0x1400, $0x38;
	[tilespmem:$0x9E20] =	vst v63  }
0x12: {  	_ =	swait.ge [sflag:s3], $0x1400  }
0x13: {  	s10 =	simm.s32 $0x5000;
	[sflag:s3] =	ssyncset.done $0x0  }
0x14: {  	s9 =	sadd.s32 $0x5F400, s11;
	s14 =	ssub.s32 $0x2, s12;
	[sflag:s3] =	ssyncadd.s32 $0xFFFFEC00  }
0x15: {  	[tilespmem:s10], [sflag:$0x1] =	stream.linear.gather [hbm4b:s9+s2], $0x2710, $0x38;
	[tilespmem:$0x9E20] =	vst v63  }
0x16: {  	s15 =	sshrl.u32 s14, $0x1;
	_ =	swait.ge [sflag:s3], $0x2710  }
0x17: {  	s12 =	simm.s32 $0x7710;
	s14 =	ssub.s32 s14, s15;
	[sflag:s3] =	ssyncset.done $0x0  }
0x18: {  	s15 =	smax.u32 s14, $0x1;
	s11 =	sadd.s32 $0xADC00, s11;
	[sflag:s3] =	ssyncadd.s32 $0xFFFFD8F0  }
0x19: {  	[tilespmem:s12], [sflag:$0x1] =	stream.linear.gather [hbm4b:s11+s2], $0x2710, $0x38;
	[tilespmem:$0x9E20] =	vst v63  }
0x1a: {  	p0 =	sne.s32 s15, $0x1;
	_ =	swait.ge [sflag:s3], $0x2710  }
.Ltmp0:
0x1b: {  	[sflag:s3] =	ssyncset.done $0x0;
	(pc) =	sbr.rel @!p0 .LBB2_2-.Ltmp0, $4  }
0x1c: {  	s14 =	simm.s32 $0x3C00;
	s13 =	sadd.s32 $0xB3200, s13;
	[sflag:s3] =	ssyncadd.s32 $0xFFFFD8F0  }
0x1d: {  	[hbm4b:s13+s2] =	stream.linear.scatter [tilespmem:s14], [sflag:$0x1], $0x1400, $0x38;
	[tilespmem:$0x9E20] =	vst v63  }
0x1e: {  	_ =	swait.ge [sflag:s3], $0x1400  }
0x1f: {  	s15 =	sadd.s32 $0xFFFFFFFF, s15;
	[sflag:s3] =	ssyncset.done $0x0  }
.LBB2_1:
0x20: {  	p0 =	sne.s32 s15, $0x1;
	s15 =	sadd.s32 $0xFFFFFFFF, s15;
	[sflag:s3] =	ssyncadd.s32 $0xFFFFEC00  }
0x21: {  	[tilespmem:s2], [sflag:$0x1] =	stream.linear.gather [hbm4b:s4+s2], $0x1400, $0x38;
	[tilespmem:$0x9E20] =	vst v63  }
0x22: {  	_ =	swait.ge [sflag:s3], $0x1400  }
0x23: {  	[sflag:s3] =	ssyncset.done $0x0  }
0x24: {  	[sflag:s3] =	ssyncadd.s32 $0xFFFFEC00  }
0x25: {  	[tilespmem:s6], [sflag:$0x1] =	stream.linear.gather [hbm4b:s5+s2], $0x1400, $0x38;
	[tilespmem:$0x9E20] =	vst v63  }
0x26: {  	_ =	swait.ge [sflag:s3], $0x1400  }
0x27: {  	[sflag:s3] =	ssyncset.done $0x0  }
0x28: {  	[sflag:s3] =	ssyncadd.s32 $0xFFFFEC00  }
0x29: {  	[tilespmem:s8], [sflag:$0x1] =	stream.linear.gather [hbm4b:s7+s2], $0x1400, $0x38;
	[tilespmem:$0x9E20] =	vst v63  }
0x2a: {  	_ =	swait.ge [sflag:s3], $0x1400  }
0x2b: {  	[sflag:s3] =	ssyncset.done $0x0  }
0x2c: {  	[sflag:s3] =	ssyncadd.s32 $0xFFFFEC00  }
0x2d: {  	[tilespmem:s10], [sflag:$0x1] =	stream.linear.gather [hbm4b:s9+s2], $0x2710, $0x38;
	[tilespmem:$0x9E20] =	vst v63  }
0x2e: {  	_ =	swait.ge [sflag:s3], $0x2710  }
0x2f: {  	[sflag:s3] =	ssyncset.done $0x0  }
0x30: {  	[sflag:s3] =	ssyncadd.s32 $0xFFFFD8F0  }
0x31: {  	[tilespmem:s12], [sflag:$0x1] =	stream.linear.gather [hbm4b:s11+s2], $0x2710, $0x38;
	[tilespmem:$0x9E20] =	vst v63  }
0x32: {  	_ =	swait.ge [sflag:s3], $0x2710  }
.Ltmp1:
0x33: {  	[sflag:s3] =	ssyncset.done $0x0;
	(pc) =	sbr.rel @p0 .LBB2_1-.Ltmp1, $4  }
0x34: {  	[sflag:s3] =	ssyncadd.s32 $0xFFFFD8F0  }
0x35: {  	[hbm4b:s13+s2] =	stream.linear.scatter [tilespmem:s14], [sflag:$0x1], $0x1400, $0x38;
	[tilespmem:$0x9E20] =	vst v63  }
0x36: {  	_ =	swait.ge [sflag:s3], $0x1400  }
0x37: {  	[sflag:s3] =	ssyncset.done $0x0  }
.LBB2_2:
0x38: {  	[sflag:s3] =	ssyncadd.s32 $0xFFFFEC00  }
0x39: {  	_ =	sfence.sel $0x180000  }
0x3a: {  	[bflag:$0x0] =	sbarrier.arrive $0xFFFF  }
0x3b: {  	p0 =	sne.s32 s0, $0x0;
	_ =	strace $0x90000047  }
0x3c: {  	s0 =	sadd.s32 @!p0 $0x100000, s1;
	[bflag:$0x2] =	sbarrier.arrive $0xFFFF  }
0x3d: {  	[sflag:s0] =	ssyncadd.tile.s32 @!p0 $0x1;
	_ =	shalt  }
.Lfunc_end2:
_tile_overlayer_lowered:
.L_overlay_start_2:
0x3e: {  	(tag) =	ssettag $0x2  }
0x3f: {  	s0 =	rddreg [dreg:$0x0];
	s2 =	stileid.u32  }
0x40: {  	s1 =	rddreg [dreg:$0x1];
	p0 =	sne.s32 s2, $0x0  }
0x41: {  	s3 =	rddreg [dreg:$0x2];
	[bflag:$0x3] =	sbarrier.arrive $0xFFFF;
	s2 =	simm.s32 @!p0 $0x1C01  }
0x42: {  	[timem:s3], [sflag:s2] =	dma.local @!p0 [hbm:s0], s1  }
0x43: {  	s0 =	simm.s32 @!p0 $0x1  }
0x44: {  	_ =	swait.ge @!p0 [sflag:s0], s1  }
0x45: {  	s1 =	ssub.s32 @!p0 $0x0, s1;
	[sflag:s0] =	ssyncset.done @!p0 $0x0  }
0x46: {  	[sflag:s0] =	ssyncadd.s32 @!p0 s1  }
0x47: {  	[bflag:$0x3] =	sbarrier.arrive $0xFFFF  }
0x48: {  	_ =	shalt  }

// kernel: kernel.23.cloned.1.call-start
scs
__scs_entry_jumppad:
0x0: {  	(pc) =	sbr.rel $0x88, $3  }
0x1: {  	(tag) =	ssettag $0x0;
	lr =	simm.s32 $0x1  }
0x2: {  	[smem:$0x3F83] =	sst lr;
	_ =	strace $0xD0000000  }
0x3: {  	_ = 	snop  }
0x4: {  	_ = 	snop  }
0x5: {  	_ = 	snop  }
0x6: {  	_ = 	snop  }
0x7: {  	_ = 	snop  }
__scs_overlays_trampoline_lowered:
0x8: {  	[smem:$0x3F92] =	sst s0  }
0x9: {  	[smem:$0x3F93] =	sst s1  }
0xa: {  	[smem:$0x3F94] =	sst s2  }
0xb: {  	[smem:$0x3F95] =	sst s3  }
0xc: {  	[smem:$0x3F96] =	sst s4  }
0xd: {  	[smem:$0x3F97] =	sst s5  }
0xe: {  	[smem:$0x3F98] =	sst s6  }
0xf: {  	[smem:$0x3F99] =	sst s7  }
0x10: {  	[smem:$0x3F9A] =	sst s8  }
0x11: {  	[smem:$0x3F9B] =	sst s9;
	s0 =	simm.s32 @!p0 $0x0  }
0x12: {  	s1 =	sld [smem:$0x3F81];
	s0 =	simm.s32 @p0 $0x1  }
0x13: {  	[smem:$0x3F9C] =	sst s0;
	s0 =	simm.s32 @!p1 $0x0  }
0x14: {  	s2 =	sld [smem:$0x3F80];
	s0 =	simm.s32 @p1 $0x1  }
0x15: {  	[smem:$0x3F9D] =	sst s0;
	s0 =	simm.s32 @!p2 $0x0  }
0x16: {  	s3 =	sld [smem:$0x3FDB];
	s0 =	simm.s32 @p2 $0x1  }
0x17: {  	s4 =	simm.s32 $0x1BF5;
	[smem:$0x3F9F] =	sst s0  }
0x18: {  	s0 =	sld [smem:$0x3F82];
	_ =	swait.ge [sflag:s4], $0x0  }
0x19: {  	s7 =	sld [smem:$0x3F83]  }
0x1a: {  	s8 =	sadd.s32 $0xFFFFE003, lr  }
0x1b: {  	s9 =	sadd.s32 $0xFFFFFEF7, lr;
	s5 =	simm.s32 $0xFFFFFFFF;
	p2 =	slt.u32 s8, $0xFFFFF086  }
0x1c: {  	p1 =	slt.u32 s9, $0xF7A;
	s5 =	simm.s32 @!p2 $0x0  }
0x1d: {  	s5 =	simm.s32 @p1 $0x1;
	p0 =	seq.s32 s7, s2  }
0x1e: {  	s7 =	smul.u32 @!p0 $0xF7A, s2;
	p2 =	seq.s32 @!p0 s5, $0x0  }
0x1f: {  	s9 =	smul.u32 $0xF7A, s1;
	s8 =	simm.s32 @!p0 $0x1BF5;
	p2 =	por !p2, p0  }
0x20: {  	[sflag:s8] =	ssyncset.s32 @!p0 $0xFFFFF086;
	s6 =	sadd.s32 @!p0 s3, s7;
	s7 =	simm.s32 @!p0 $0x108  }
0x21: {  	s3 =	sadd.s32 s3, s9;
	s6 =	sadd.s32 @!p0 $0x88, s6;
	s7 =	simm.s32 @p2 $0x1082  }
0x22: {  	[simem:s7], [sflag:s8] =	dma.local @!p0 [hbm:s6], $0xF7A  }
0x23: {  	s9 =	sor.u32 $0xD0000000, s2;
	s6 =	simm.s32 $0x108;
	_ =	swait.ge @!p0 [sflag:s8], $0x0  }
0x24: {  	s3 =	sadd.s32 $0x88, s3;
	s6 =	simm.s32 @!p1 $0x1082;
	[sflag:s4] =	ssyncset.s32 $0xFFFFF086  }
0x25: {  	[simem:s6], [sflag:s4] =	dma.local [hbm:s3], $0xF7A  }
0x26: {  	[smem:$0x3F83] =	sst s1;
	(tag) =	ssettag s2;
	_ =	strace s9  }
0x27: {  	s1 =	sld [smem:$0x3F93]  }
0x28: {  	s2 =	sld [smem:$0x3F94]  }
0x29: {  	s4 =	sld [smem:$0x3F96]  }
0x2a: {  	p0 =	seq.s32 s5, $0x0;
	s5 =	sld [smem:$0x3F97]  }
0x2b: {  	s6 =	sld [smem:$0x3F98]  }
0x2c: {  	s7 =	sld [smem:$0x3F99]  }
0x2d: {  	s3 =	simm.s32 $0x108;
	s8 =	sld [smem:$0x3F9A]  }
0x2e: {  	s3 =	simm.s32 @!p0 $0x1082;
	s9 =	sld [smem:$0x3F9B]  }
0x2f: {  	lr =	sadd.s32 s0, s3;
	s0 =	sld [smem:$0x3F92]  }
0x30: {  	s3 =	sld [smem:$0x3F95]  }
0x31: {  	[smem:$0x3F9E] =	sst s10  }
0x32: {  	s10 =	sld [smem:$0x3F9C];
	_ =	sdelay $0x3  }
0x33: {  	p0 =	seq.s32 s10, $0x1;
	s10 =	sld [smem:$0x3F9E];
	_ =	sdelay $0x3  }
0x34: {  	[smem:$0x3F9E] =	sst s10  }
0x35: {  	s10 =	sld [smem:$0x3F9D];
	_ =	sdelay $0x3  }
0x36: {  	p1 =	seq.s32 s10, $0x1;
	s10 =	sld [smem:$0x3F9E];
	_ =	sdelay $0x3  }
0x37: {  	[smem:$0x3F9E] =	sst s10  }
0x38: {  	s10 =	sld [smem:$0x3F9F]  }
0x39: {  	_ = 	snop;
	(pc) =	sbr.ind lr, $3  }
0x3a: {  	_ = 	snop  }
0x3b: {  	_ = 	snop  }
0x3c: {  	p2 =	seq.s32 s10, $0x1;
	s10 =	sld [smem:$0x3F9E]  }
0x3d: {  	_ =	shalt  }
0x3e: {  	_ =	shalt  }
0x3f: {  	_ =	shalt  }
0x40: {  	_ =	shalt  }
0x41: {  	_ =	shalt  }
0x42: {  	_ =	shalt  }
0x43: {  	_ =	shalt  }
0x44: {  	_ =	shalt  }
0x45: {  	_ =	shalt  }
0x46: {  	_ =	shalt  }
0x47: {  	_ =	shalt  }
0x48: {  	_ =	shalt  }
0x49: {  	_ =	shalt  }
0x4a: {  	_ =	shalt  }
0x4b: {  	_ =	shalt  }
0x4c: {  	_ =	shalt  }
0x4d: {  	_ =	shalt  }
0x4e: {  	_ =	shalt  }
0x4f: {  	_ =	shalt  }
0x50: {  	_ =	shalt  }
0x51: {  	_ =	shalt  }
0x52: {  	_ =	shalt  }
0x53: {  	_ =	shalt  }
0x54: {  	_ =	shalt  }
0x55: {  	_ =	shalt  }
0x56: {  	_ =	shalt  }
0x57: {  	_ =	shalt  }
0x58: {  	_ =	shalt  }
0x59: {  	_ =	shalt  }
0x5a: {  	_ =	shalt  }
0x5b: {  	_ =	shalt  }
0x5c: {  	_ =	shalt  }
0x5d: {  	_ =	shalt  }
0x5e: {  	_ =	shalt  }
0x5f: {  	_ =	shalt  }
0x60: {  	_ =	shalt  }
0x61: {  	_ =	shalt  }
0x62: {  	_ =	shalt  }
0x63: {  	_ =	shalt  }
0x64: {  	_ =	shalt  }
0x65: {  	_ =	shalt  }
0x66: {  	_ =	shalt  }
0x67: {  	_ =	shalt  }
0x68: {  	_ =	shalt  }
0x69: {  	_ =	shalt  }
0x6a: {  	_ =	shalt  }
0x6b: {  	_ =	shalt  }
0x6c: {  	_ =	shalt  }
0x6d: {  	_ =	shalt  }
0x6e: {  	_ =	shalt  }
0x6f: {  	_ =	shalt  }
0x70: {  	_ =	shalt  }
0x71: {  	_ =	shalt  }
0x72: {  	_ =	shalt  }
0x73: {  	_ =	shalt  }
0x74: {  	_ =	shalt  }
0x75: {  	_ =	shalt  }
0x76: {  	_ =	shalt  }
0x77: {  	_ =	shalt  }
0x78: {  	_ =	shalt  }
0x79: {  	_ =	shalt  }
0x7a: {  	_ =	shalt  }
0x7b: {  	_ =	shalt  }
0x7c: {  	_ =	shalt  }
0x7d: {  	_ =	shalt  }
0x7e: {  	_ =	shalt  }
0x7f: {  	_ =	shalt  }
0x80: {  	_ =	shalt  }
0x81: {  	_ =	shalt  }
0x82: {  	_ =	shalt  }
0x83: {  	_ =	shalt  }
0x84: {  	_ =	shalt  }
0x85: {  	_ =	shalt  }
0x86: {  	_ =	shalt  }
0x87: {  	_ =	shalt  }
.Lfunc_end0:
.L_simem_size_0:
called_computation.1_lowered:
.L_overlay_start_0:
0x88: {  	s2 =	sld [smem:$0x3FD9]  }
0x89: {  	s3 =	sld [smem:$0x3FFE];
	_ =	sdelay $0x1  }
0x8a: {  	s1 =	srdreg.scid  }
0x8b: {  	s0 =	sand.u32 $0x1, s1  }
0x8c: {  	s17 =	sshll.u32 s0, $0xA;
	s2 =	sadd.s32 s3, s2  }
0x8d: {  	s2 =	sadd.s32 s2, s17  }
0x8e: {  	[smem:$0x3FAA] =	sst s2  }
0x8f: {  	_ = 	snop  }
0x90: {  	(tm) =	ssettm $0x1  }
0x91: {  	s18 =	sld [smem:$0x3FFB];
	_ =	sdelay $0x3  }
0x92: {  	_ =	strace s18  }
0x93: {  	s2 =	sld [smem:$0x3FFC];
	_ =	sdelay $0x3  }
0x94: {  	_ =	strace s2  }
0x95: {  	s2 =	sld [smem:$0x3FFD];
	_ =	sdelay $0x3  }
0x96: {  	_ =	strace s2  }
0x97: {  	_ =	strace $0x8FFFFFFF  }
0x98: {  	s19 =	sld [smem:$0x3FDB];
	_ =	sdelay $0x1  }
0x99: {  	s20 =	simm.s32 $_scs_section_size  }
0x9a: {  	s4 =	simm.s32 $_size__tile_overlayer_lowered;
	s5 =	simm.s32 $_tile_overlayer_lowered  }
0x9b: {  	s6 =	simm.s32 $0x1BFF;
	s21 =	sshll.u32 s5, $0x1;
	s3 =	sadd.s32 s20, s19  }
0x9c: {  	s22 =	simm.s32 $0x0;
	s4 =	sshll.u32 s4, $0x1;
	s5 =	sadd.s32 s21, s3  }
0x9d: {  	[timem:s22], [sflag:s6] =	dma.local [hbm:s5], s4  }
0x9e: {  	_ =	swait.ge [sflag:s6], s4  }
0x9f: {  	s4 =	ssub.s32 $0x0, s4;
	[sflag:s6] =	ssyncset.done $0x0  }
0xa0: {  	[sflag:s6] =	ssyncadd.s32 s4;
	_ =	sdelay $0x1  }
0xa1: {  	s23 =	simm.s32 $0x1B8B  }
0xa2: {  	_ =	swait.ge [sflag:s23], $0x1  }
0xa3: {  	[sflag:s23] =	ssyncset.done $0x0  }
0xa4: {  	[sflag:s23] =	ssyncadd.s32 $0xFFFFFFFF  }
0xa5: {  	s4 =	sld [smem:$0x0]  }
0xa6: {  	s5 =	sand.u32 $0xFFFFFFFE, s1  }
0xa7: {  	p0 =	sne.s32 s1, s5  }
0xa8: {  	s5 =	sshll.u32 @p0 s5, $0xE  }
0xa9: {  	s5 =	sadd.s32 @p0 $0x11B8D, s5;
	s6 =	sshll.u32 @p0 s4, $0x11  }
0xaa: {  	s5 =	sor.u32 @p0 s6, s5  }
0xab: {  	[sflag:s5] =	ssyncadd.remote.s32 @p0 $0x1;
	_ =	sdelay $0x1  }
0xac: {  	s5 =	simm.s32 @p0 $0x1B8D  }
0xad: {  	_ =	swait.eq @p0 [sflag:s5], $0x1  }
0xae: {  	[sflag:s5] =	ssyncadd.s32 @p0 $0xFFFFFFFF  }
0xaf: {  	s6 =	sshll.u32 @!p0 s1, $0xE  }
0xb0: {  	s6 =	sor.u32 @!p0 $0x4000, s6;
	s5 =	simm.s32 @!p0 $0x1B8D  }
0xb1: {  	s4 =	sshll.u32 @!p0 s4, $0x11;
	s6 =	sadd.s32 @!p0 $0x11B8D, s6;
	_ =	swait.eq @!p0 [sflag:s5], $0x1  }
0xb2: {  	s4 =	sor.u32 @!p0 s4, s6;
	[sflag:s5] =	ssyncadd.s32 @!p0 $0xFFFFFFFF  }
0xb3: {  	s25 =	simm.s32 $0x1B8E;
	s24 =	sld [smem:$0x3FFE];
	[sflag:s4] =	ssyncadd.remote.s32 @!p0 $0x1  }
0xb4: {  	s26 =	simm.s32 $execute0_lowered;
	[smem:$0x3FD2] =	sst s25  }
0xb5: {  	s5 =	sshll.u32 s26, $0x1;
	_ =	strace $0x80000049;
	[dreg:$0x1] =	wrdreg $0xFFFFFFFF  }
0xb6: {  	s28 =	simm.s32 $_size_execute0_lowered;
	s3 =	sadd.s32 s3, s5;
	[dreg:$0x0] =	wrdreg $0x0  }
0xb7: {  	s5 =	sshll.u32 s28, $0x1;
	[dreg:$0x2] =	wrdreg s3  }
0xb8: {  	[dreg:$0x3] =	wrdreg s5  }
0xb9: {  	[dreg:$0x4] =	wrdreg $0xC0  }
0xba: {  	_ =	task [dreg:s22], $0x5FFFF  }
0xbb: {  	[dreg:$0x1] =	wrdreg $0xFFFFFFFF  }
0xbc: {  	[dreg:$0x0] =	wrdreg $0x60  }
0xbd: {  	[dreg:$0x2] =	wrdreg s24  }
0xbe: {  	[dreg:$0x3] =	wrdreg $0x9  }
0xbf: {  	_ =	task.clear_ibuf [dreg:s22], $0x4FFFF;
	_ =	strace $0x90000049  }
0xc0: {  	s29 =	simm.s32 $0x9;
	_ =	strace $0x8000004B  }
0xc1: {  	_ =	swait.ge [sflag:s29], $0x1  }
0xc2: {  	[sflag:s29] =	ssyncadd.s32 $0xFFFFFFFF  }
0xc3: {  	_ =	strace $0x9000004B  }
0xc4: {  	_ =	sfence  }
0xc5: {  	s30 =	sld [smem:$0x0];
	_ =	sdelay $0x2  }
0xc6: {  	s31 =	sshll.u32 s1, $0xD;
	s1 =	sshrl.u32 s1, $0x2  }
0xc7: {  	s4 =	sand.u32 $0x4000, s31;
	s1 =	sadd.s32 s1, s30  }
0xc8: {  	s0 =	sor.u32 s4, s0;
	s1 =	sshll.u32 s1, $0x11  }
0xc9: {  	s0 =	sor.u32 s1, s0  }
0xca: {  	s0 =	sadd.s32 $0x8F2B, s0  }
0xcb: {  	[sflag:s0] =	ssyncadd.remote.s32 $0x1  }
0xcc: {  	_ =	sfence.sel $0xFFFF  }
0xcd: {  	[dreg:$0x0] =	wrdreg $0xFFFFFFFF;
	(pc) =	sbr.abs _section_cstart, $3  }
0xce: {  	[dreg:$0x1] =	wrdreg $0xFFFFFFFF  }
0xcf: {  	_ =	task.clear_ibuf [dreg:s22], $0x2FFFF;
	_ =	strace $0x9FFFFFFF  }
0xd0: {  	(tm) =	ssettm $0x7FFFFFFF  }
0xd1: {  	_ =	shalt  }
tec
execute0_lowered:
.L_overlay_start_1:
0x0: {  	(tag) =	ssettag $0x1  }
0x1: {  	s0 =	srdreg.scid  }
0x2: {  	s12 =	sand.u32 $0x1, s0  }
0x3: {  	s0 =	stileid.u32;
	s1 =	sshll.u32 s12, $0x4  }
0x4: {  	s1 =	sor.u32 s0, s1  }
0x5: {  	s11 =	rddreg [dreg:$0x0];
	s2 =	simm.s32 $0x0;
	s3 =	smul.u32 $0x280, s1  }
0x6: {  	[smem:$0x7FF] =	sst s2  }
0x7: {  	s1 =	rddreg [dreg:$0x1];
	s13 =	sadd.s32 s3, s11  }
0x8: {  	_ =	strace $0x8000004A;
	s3 =	simm.s32 $0x1;
	s4 =	sadd.s32 $0xB8200, s13  }
0x9: {  	[tilespmem:s2], [sflag:$0x1] =	stream.linear.gather [hbm4b:s4+s2], $0x1400, $0x38;
	[tilespmem:$0x9E20] =	vst v63  }
0xa: {  	_ =	swait.ge [sflag:s3], $0x1400  }
0xb: {  	[sflag:s3] =	ssyncset.done $0x0  }
0xc: {  	s6 =	simm.s32 $0x1400;
	s5 =	sadd.s32 $0xBD200, s13;
	[sflag:s3] =	ssyncadd.s32 $0xFFFFEC00  }
0xd: {  	[tilespmem:s6], [sflag:$0x1] =	stream.linear.gather [hbm4b:s5+s2], $0x1400, $0x38;
	[tilespmem:$0x9E20] =	vst v63  }
0xe: {  	_ =	swait.ge [sflag:s3], $0x1400  }
0xf: {  	[sflag:s3] =	ssyncset.done $0x0  }
0x10: {  	s8 =	simm.s32 $0x2800;
	s7 =	sadd.s32 $0xC2200, s13;
	[sflag:s3] =	ssyncadd.s32 $0xFFFFEC00  }
0x11: {  	[tilespmem:s8], [sflag:$0x1] =	stream.linear.gather [hbm4b:s7+s2], $0x1400, $0x38;
	[tilespmem:$0x9E20] =	vst v63  }
0x12: {  	_ =	swait.ge [sflag:s3], $0x1400  }
0x13: {  	s10 =	simm.s32 $0x5000;
	[sflag:s3] =	ssyncset.done $0x0  }
0x14: {  	s9 =	sadd.s32 $0xC7200, s11;
	s14 =	ssub.s32 $0x2, s12;
	[sflag:s3] =	ssyncadd.s32 $0xFFFFEC00  }
0x15: {  	[tilespmem:s10], [sflag:$0x1] =	stream.linear.gather [hbm4b:s9+s2], $0x2710, $0x38;
	[tilespmem:$0x9E20] =	vst v63  }
0x16: {  	s15 =	sshrl.u32 s14, $0x1;
	_ =	swait.ge [sflag:s3], $0x2710  }
0x17: {  	s12 =	simm.s32 $0x7710;
	s14 =	ssub.s32 s14, s15;
	[sflag:s3] =	ssyncset.done $0x0  }
0x18: {  	s15 =	smax.u32 s14, $0x1;
	s11 =	sadd.s32 $0xC7800, s11;
	[sflag:s3] =	ssyncadd.s32 $0xFFFFD8F0  }
0x19: {  	[tilespmem:s12], [sflag:$0x1] =	stream.linear.gather [hbm4b:s11+s2], $0x2710, $0x38;
	[tilespmem:$0x9E20] =	vst v63  }
0x1a: {  	p0 =	sne.s32 s15, $0x1;
	_ =	swait.ge [sflag:s3], $0x2710  }
.Ltmp0:
0x1b: {  	[sflag:s3] =	ssyncset.done $0x0;
	(pc) =	sbr.rel @!p0 .LBB2_2-.Ltmp0, $4  }
0x1c: {  	s14 =	simm.s32 $0x3C00;
	s13 =	sadd.s32 $0xC7E00, s13;
	[sflag:s3] =	ssyncadd.s32 $0xFFFFD8F0  }
0x1d: {  	[hbm4b:s13+s2] =	stream.linear.scatter [tilespmem:s14], [sflag:$0x1], $0x1400, $0x38;
	[tilespmem:$0x9E20] =	vst v63  }
0x1e: {  	_ =	swait.ge [sflag:s3], $0x1400  }
0x1f: {  	s15 =	sadd.s32 $0xFFFFFFFF, s15;
	[sflag:s3] =	ssyncset.done $0x0  }
.LBB2_1:
0x20: {  	p0 =	sne.s32 s15, $0x1;
	s15 =	sadd.s32 $0xFFFFFFFF, s15;
	[sflag:s3] =	ssyncadd.s32 $0xFFFFEC00  }
0x21: {  	[tilespmem:s2], [sflag:$0x1] =	stream.linear.gather [hbm4b:s4+s2], $0x1400, $0x38;
	[tilespmem:$0x9E20] =	vst v63  }
0x22: {  	_ =	swait.ge [sflag:s3], $0x1400  }
0x23: {  	[sflag:s3] =	ssyncset.done $0x0  }
0x24: {  	[sflag:s3] =	ssyncadd.s32 $0xFFFFEC00  }
0x25: {  	[tilespmem:s6], [sflag:$0x1] =	stream.linear.gather [hbm4b:s5+s2], $0x1400, $0x38;
	[tilespmem:$0x9E20] =	vst v63  }
0x26: {  	_ =	swait.ge [sflag:s3], $0x1400  }
0x27: {  	[sflag:s3] =	ssyncset.done $0x0  }
0x28: {  	[sflag:s3] =	ssyncadd.s32 $0xFFFFEC00  }
0x29: {  	[tilespmem:s8], [sflag:$0x1] =	stream.linear.gather [hbm4b:s7+s2], $0x1400, $0x38;
	[tilespmem:$0x9E20] =	vst v63  }
0x2a: {  	_ =	swait.ge [sflag:s3], $0x1400  }
0x2b: {  	[sflag:s3] =	ssyncset.done $0x0  }
0x2c: {  	[sflag:s3] =	ssyncadd.s32 $0xFFFFEC00  }
0x2d: {  	[tilespmem:s10], [sflag:$0x1] =	stream.linear.gather [hbm4b:s9+s2], $0x2710, $0x38;
	[tilespmem:$0x9E20] =	vst v63  }
0x2e: {  	_ =	swait.ge [sflag:s3], $0x2710  }
0x2f: {  	[sflag:s3] =	ssyncset.done $0x0  }
0x30: {  	[sflag:s3] =	ssyncadd.s32 $0xFFFFD8F0  }
0x31: {  	[tilespmem:s12], [sflag:$0x1] =	stream.linear.gather [hbm4b:s11+s2], $0x2710, $0x38;
	[tilespmem:$0x9E20] =	vst v63  }
0x32: {  	_ =	swait.ge [sflag:s3], $0x2710  }
.Ltmp1:
0x33: {  	[sflag:s3] =	ssyncset.done $0x0;
	(pc) =	sbr.rel @p0 .LBB2_1-.Ltmp1, $4  }
0x34: {  	[sflag:s3] =	ssyncadd.s32 $0xFFFFD8F0  }
0x35: {  	[hbm4b:s13+s2] =	stream.linear.scatter [tilespmem:s14], [sflag:$0x1], $0x1400, $0x38;
	[tilespmem:$0x9E20] =	vst v63  }
0x36: {  	_ =	swait.ge [sflag:s3], $0x1400  }
0x37: {  	[sflag:s3] =	ssyncset.done $0x0  }
.LBB2_2:
0x38: {  	[sflag:s3] =	ssyncadd.s32 $0xFFFFEC00  }
0x39: {  	_ =	sfence.sel $0x180000  }
0x3a: {  	[bflag:$0x0] =	sbarrier.arrive $0xFFFF  }
0x3b: {  	p0 =	sne.s32 s0, $0x0;
	_ =	strace $0x9000004A  }
0x3c: {  	s0 =	sadd.s32 @!p0 $0x100000, s1;
	[bflag:$0x2] =	sbarrier.arrive $0xFFFF  }
0x3d: {  	[sflag:s0] =	ssyncadd.tile.s32 @!p0 $0x1;
	_ =	shalt  }
.Lfunc_end2:
_tile_overlayer_lowered:
.L_overlay_start_2:
0x3e: {  	(tag) =	ssettag $0x2  }
0x3f: {  	s0 =	rddreg [dreg:$0x0];
	s2 =	stileid.u32  }
0x40: {  	s1 =	rddreg [dreg:$0x1];
	p0 =	sne.s32 s2, $0x0  }
0x41: {  	s3 =	rddreg [dreg:$0x2];
	[bflag:$0x3] =	sbarrier.arrive $0xFFFF;
	s2 =	simm.s32 @!p0 $0x1C01  }
0x42: {  	[timem:s3], [sflag:s2] =	dma.local @!p0 [hbm:s0], s1  }
0x43: {  	s0 =	simm.s32 @!p0 $0x1  }
0x44: {  	_ =	swait.ge @!p0 [sflag:s0], s1  }
0x45: {  	s1 =	ssub.s32 @!p0 $0x0, s1;
	[sflag:s0] =	ssyncset.done @!p0 $0x0  }
0x46: {  	[sflag:s0] =	ssyncadd.s32 @!p0 s1  }
0x47: {  	[bflag:$0x3] =	sbarrier.arrive $0xFFFF  }
0x48: {  	_ =	shalt  }

// kernel: kernel.26.cloned.1.call-start
scs
__scs_entry_jumppad:
0x0: {  	(pc) =	sbr.rel $0x88, $3  }
0x1: {  	(tag) =	ssettag $0x0;
	lr =	simm.s32 $0x1  }
0x2: {  	[smem:$0x3F83] =	sst lr;
	_ =	strace $0xD0000000  }
0x3: {  	_ = 	snop  }
0x4: {  	_ = 	snop  }
0x5: {  	_ = 	snop  }
0x6: {  	_ = 	snop  }
0x7: {  	_ = 	snop  }
__scs_overlays_trampoline_lowered:
0x8: {  	[smem:$0x3F92] =	sst s0  }
0x9: {  	[smem:$0x3F93] =	sst s1  }
0xa: {  	[smem:$0x3F94] =	sst s2  }
0xb: {  	[smem:$0x3F95] =	sst s3  }
0xc: {  	[smem:$0x3F96] =	sst s4  }
0xd: {  	[smem:$0x3F97] =	sst s5  }
0xe: {  	[smem:$0x3F98] =	sst s6  }
0xf: {  	[smem:$0x3F99] =	sst s7  }
0x10: {  	[smem:$0x3F9A] =	sst s8  }
0x11: {  	[smem:$0x3F9B] =	sst s9;
	s0 =	simm.s32 @!p0 $0x0  }
0x12: {  	s1 =	sld [smem:$0x3F81];
	s0 =	simm.s32 @p0 $0x1  }
0x13: {  	[smem:$0x3F9C] =	sst s0;
	s0 =	simm.s32 @!p1 $0x0  }
0x14: {  	s2 =	sld [smem:$0x3F80];
	s0 =	simm.s32 @p1 $0x1  }
0x15: {  	[smem:$0x3F9D] =	sst s0;
	s0 =	simm.s32 @!p2 $0x0  }
0x16: {  	s3 =	sld [smem:$0x3FDB];
	s0 =	simm.s32 @p2 $0x1  }
0x17: {  	s4 =	simm.s32 $0x1BF5;
	[smem:$0x3F9F] =	sst s0  }
0x18: {  	s0 =	sld [smem:$0x3F82];
	_ =	swait.ge [sflag:s4], $0x0  }
0x19: {  	s7 =	sld [smem:$0x3F83]  }
0x1a: {  	s8 =	sadd.s32 $0xFFFFE003, lr  }
0x1b: {  	s9 =	sadd.s32 $0xFFFFFEF7, lr;
	s5 =	simm.s32 $0xFFFFFFFF;
	p2 =	slt.u32 s8, $0xFFFFF086  }
0x1c: {  	p1 =	slt.u32 s9, $0xF7A;
	s5 =	simm.s32 @!p2 $0x0  }
0x1d: {  	s5 =	simm.s32 @p1 $0x1;
	p0 =	seq.s32 s7, s2  }
0x1e: {  	s7 =	smul.u32 @!p0 $0xF7A, s2;
	p2 =	seq.s32 @!p0 s5, $0x0  }
0x1f: {  	s9 =	smul.u32 $0xF7A, s1;
	s8 =	simm.s32 @!p0 $0x1BF5;
	p2 =	por !p2, p0  }
0x20: {  	[sflag:s8] =	ssyncset.s32 @!p0 $0xFFFFF086;
	s6 =	sadd.s32 @!p0 s3, s7;
	s7 =	simm.s32 @!p0 $0x108  }
0x21: {  	s3 =	sadd.s32 s3, s9;
	s6 =	sadd.s32 @!p0 $0x88, s6;
	s7 =	simm.s32 @p2 $0x1082  }
0x22: {  	[simem:s7], [sflag:s8] =	dma.local @!p0 [hbm:s6], $0xF7A  }
0x23: {  	s9 =	sor.u32 $0xD0000000, s2;
	s6 =	simm.s32 $0x108;
	_ =	swait.ge @!p0 [sflag:s8], $0x0  }
0x24: {  	s3 =	sadd.s32 $0x88, s3;
	s6 =	simm.s32 @!p1 $0x1082;
	[sflag:s4] =	ssyncset.s32 $0xFFFFF086  }
0x25: {  	[simem:s6], [sflag:s4] =	dma.local [hbm:s3], $0xF7A  }
0x26: {  	[smem:$0x3F83] =	sst s1;
	(tag) =	ssettag s2;
	_ =	strace s9  }
0x27: {  	s1 =	sld [smem:$0x3F93]  }
0x28: {  	s2 =	sld [smem:$0x3F94]  }
0x29: {  	s4 =	sld [smem:$0x3F96]  }
0x2a: {  	p0 =	seq.s32 s5, $0x0;
	s5 =	sld [smem:$0x3F97]  }
0x2b: {  	s6 =	sld [smem:$0x3F98]  }
0x2c: {  	s7 =	sld [smem:$0x3F99]  }
0x2d: {  	s3 =	simm.s32 $0x108;
	s8 =	sld [smem:$0x3F9A]  }
0x2e: {  	s3 =	simm.s32 @!p0 $0x1082;
	s9 =	sld [smem:$0x3F9B]  }
0x2f: {  	lr =	sadd.s32 s0, s3;
	s0 =	sld [smem:$0x3F92]  }
0x30: {  	s3 =	sld [smem:$0x3F95]  }
0x31: {  	[smem:$0x3F9E] =	sst s10  }
0x32: {  	s10 =	sld [smem:$0x3F9C];
	_ =	sdelay $0x3  }
0x33: {  	p0 =	seq.s32 s10, $0x1;
	s10 =	sld [smem:$0x3F9E];
	_ =	sdelay $0x3  }
0x34: {  	[smem:$0x3F9E] =	sst s10  }
0x35: {  	s10 =	sld [smem:$0x3F9D];
	_ =	sdelay $0x3  }
0x36: {  	p1 =	seq.s32 s10, $0x1;
	s10 =	sld [smem:$0x3F9E];
	_ =	sdelay $0x3  }
0x37: {  	[smem:$0x3F9E] =	sst s10  }
0x38: {  	s10 =	sld [smem:$0x3F9F]  }
0x39: {  	_ = 	snop;
	(pc) =	sbr.ind lr, $3  }
0x3a: {  	_ = 	snop  }
0x3b: {  	_ = 	snop  }
0x3c: {  	p2 =	seq.s32 s10, $0x1;
	s10 =	sld [smem:$0x3F9E]  }
0x3d: {  	_ =	shalt  }
0x3e: {  	_ =	shalt  }
0x3f: {  	_ =	shalt  }
0x40: {  	_ =	shalt  }
0x41: {  	_ =	shalt  }
0x42: {  	_ =	shalt  }
0x43: {  	_ =	shalt  }
0x44: {  	_ =	shalt  }
0x45: {  	_ =	shalt  }
0x46: {  	_ =	shalt  }
0x47: {  	_ =	shalt  }
0x48: {  	_ =	shalt  }
0x49: {  	_ =	shalt  }
0x4a: {  	_ =	shalt  }
0x4b: {  	_ =	shalt  }
0x4c: {  	_ =	shalt  }
0x4d: {  	_ =	shalt  }
0x4e: {  	_ =	shalt  }
0x4f: {  	_ =	shalt  }
0x50: {  	_ =	shalt  }
0x51: {  	_ =	shalt  }
0x52: {  	_ =	shalt  }
0x53: {  	_ =	shalt  }
0x54: {  	_ =	shalt  }
0x55: {  	_ =	shalt  }
0x56: {  	_ =	shalt  }
0x57: {  	_ =	shalt  }
0x58: {  	_ =	shalt  }
0x59: {  	_ =	shalt  }
0x5a: {  	_ =	shalt  }
0x5b: {  	_ =	shalt  }
0x5c: {  	_ =	shalt  }
0x5d: {  	_ =	shalt  }
0x5e: {  	_ =	shalt  }
0x5f: {  	_ =	shalt  }
0x60: {  	_ =	shalt  }
0x61: {  	_ =	shalt  }
0x62: {  	_ =	shalt  }
0x63: {  	_ =	shalt  }
0x64: {  	_ =	shalt  }
0x65: {  	_ =	shalt  }
0x66: {  	_ =	shalt  }
0x67: {  	_ =	shalt  }
0x68: {  	_ =	shalt  }
0x69: {  	_ =	shalt  }
0x6a: {  	_ =	shalt  }
0x6b: {  	_ =	shalt  }
0x6c: {  	_ =	shalt  }
0x6d: {  	_ =	shalt  }
0x6e: {  	_ =	shalt  }
0x6f: {  	_ =	shalt  }
0x70: {  	_ =	shalt  }
0x71: {  	_ =	shalt  }
0x72: {  	_ =	shalt  }
0x73: {  	_ =	shalt  }
0x74: {  	_ =	shalt  }
0x75: {  	_ =	shalt  }
0x76: {  	_ =	shalt  }
0x77: {  	_ =	shalt  }
0x78: {  	_ =	shalt  }
0x79: {  	_ =	shalt  }
0x7a: {  	_ =	shalt  }
0x7b: {  	_ =	shalt  }
0x7c: {  	_ =	shalt  }
0x7d: {  	_ =	shalt  }
0x7e: {  	_ =	shalt  }
0x7f: {  	_ =	shalt  }
0x80: {  	_ =	shalt  }
0x81: {  	_ =	shalt  }
0x82: {  	_ =	shalt  }
0x83: {  	_ =	shalt  }
0x84: {  	_ =	shalt  }
0x85: {  	_ =	shalt  }
0x86: {  	_ =	shalt  }
0x87: {  	_ =	shalt  }
.Lfunc_end0:
.L_simem_size_0:
called_computation.2_lowered:
.L_overlay_start_0:
0x88: {  	s2 =	sld [smem:$0x3FD9]  }
0x89: {  	s3 =	sld [smem:$0x3FFE];
	_ =	sdelay $0x1  }
0x8a: {  	s1 =	srdreg.scid  }
0x8b: {  	s0 =	sand.u32 $0x1, s1  }
0x8c: {  	s17 =	sshll.u32 s0, $0xA;
	s2 =	sadd.s32 s3, s2  }
0x8d: {  	s2 =	sadd.s32 s2, s17  }
0x8e: {  	[smem:$0x3FAA] =	sst s2  }
0x8f: {  	_ = 	snop  }
0x90: {  	(tm) =	ssettm $0x1  }
0x91: {  	s18 =	sld [smem:$0x3FFB];
	_ =	sdelay $0x3  }
0x92: {  	_ =	strace s18  }
0x93: {  	s2 =	sld [smem:$0x3FFC];
	_ =	sdelay $0x3  }
0x94: {  	_ =	strace s2  }
0x95: {  	s2 =	sld [smem:$0x3FFD];
	_ =	sdelay $0x3  }
0x96: {  	_ =	strace s2  }
0x97: {  	_ =	strace $0x8FFFFFFF  }
0x98: {  	s19 =	sld [smem:$0x3FDB];
	_ =	sdelay $0x1  }
0x99: {  	s20 =	simm.s32 $_scs_section_size  }
0x9a: {  	s4 =	simm.s32 $_size__tile_overlayer_lowered;
	s5 =	simm.s32 $_tile_overlayer_lowered  }
0x9b: {  	s6 =	simm.s32 $0x1BFF;
	s21 =	sshll.u32 s5, $0x1;
	s3 =	sadd.s32 s20, s19  }
0x9c: {  	s22 =	simm.s32 $0x0;
	s4 =	sshll.u32 s4, $0x1;
	s5 =	sadd.s32 s21, s3  }
0x9d: {  	[timem:s22], [sflag:s6] =	dma.local [hbm:s5], s4  }
0x9e: {  	_ =	swait.ge [sflag:s6], s4  }
0x9f: {  	s4 =	ssub.s32 $0x0, s4;
	[sflag:s6] =	ssyncset.done $0x0  }
0xa0: {  	[sflag:s6] =	ssyncadd.s32 s4;
	_ =	sdelay $0x1  }
0xa1: {  	s23 =	simm.s32 $0x1B8B  }
0xa2: {  	_ =	swait.ge [sflag:s23], $0x1  }
0xa3: {  	[sflag:s23] =	ssyncset.done $0x0  }
0xa4: {  	[sflag:s23] =	ssyncadd.s32 $0xFFFFFFFF  }
0xa5: {  	s4 =	sld [smem:$0x0]  }
0xa6: {  	s5 =	sand.u32 $0xFFFFFFFE, s1  }
0xa7: {  	p0 =	sne.s32 s1, s5  }
0xa8: {  	s5 =	sshll.u32 @p0 s5, $0xE  }
0xa9: {  	s5 =	sadd.s32 @p0 $0x11B8D, s5;
	s6 =	sshll.u32 @p0 s4, $0x11  }
0xaa: {  	s5 =	sor.u32 @p0 s6, s5  }
0xab: {  	[sflag:s5] =	ssyncadd.remote.s32 @p0 $0x1;
	_ =	sdelay $0x1  }
0xac: {  	s5 =	simm.s32 @p0 $0x1B8D  }
0xad: {  	_ =	swait.eq @p0 [sflag:s5], $0x1  }
0xae: {  	[sflag:s5] =	ssyncadd.s32 @p0 $0xFFFFFFFF  }
0xaf: {  	s6 =	sshll.u32 @!p0 s1, $0xE  }
0xb0: {  	s6 =	sor.u32 @!p0 $0x4000, s6;
	s5 =	simm.s32 @!p0 $0x1B8D  }
0xb1: {  	s4 =	sshll.u32 @!p0 s4, $0x11;
	s6 =	sadd.s32 @!p0 $0x11B8D, s6;
	_ =	swait.eq @!p0 [sflag:s5], $0x1  }
0xb2: {  	s4 =	sor.u32 @!p0 s4, s6;
	[sflag:s5] =	ssyncadd.s32 @!p0 $0xFFFFFFFF  }
0xb3: {  	s25 =	simm.s32 $0x1B8E;
	s24 =	sld [smem:$0x3FFE];
	[sflag:s4] =	ssyncadd.remote.s32 @!p0 $0x1  }
0xb4: {  	s26 =	simm.s32 $execute0_lowered;
	[smem:$0x3FD2] =	sst s25  }
0xb5: {  	s5 =	sshll.u32 s26, $0x1;
	_ =	strace $0x8000004C;
	[dreg:$0x1] =	wrdreg $0xFFFFFFFF  }
0xb6: {  	s28 =	simm.s32 $_size_execute0_lowered;
	s3 =	sadd.s32 s3, s5;
	[dreg:$0x0] =	wrdreg $0x0  }
0xb7: {  	s5 =	sshll.u32 s28, $0x1;
	[dreg:$0x2] =	wrdreg s3  }
0xb8: {  	[dreg:$0x3] =	wrdreg s5  }
0xb9: {  	[dreg:$0x4] =	wrdreg $0xC0  }
0xba: {  	_ =	task [dreg:s22], $0x5FFFF  }
0xbb: {  	[dreg:$0x1] =	wrdreg $0xFFFFFFFF  }
0xbc: {  	[dreg:$0x0] =	wrdreg $0x60  }
0xbd: {  	[dreg:$0x2] =	wrdreg s24  }
0xbe: {  	[dreg:$0x3] =	wrdreg $0x84000  }
0xbf: {  	[dreg:$0x4] =	wrdreg $0xA  }
0xc0: {  	_ =	task.clear_ibuf [dreg:s22], $0x5FFFF;
	_ =	strace $0x9000004C  }
0xc1: {  	s29 =	simm.s32 $0xA;
	_ =	strace $0x8000004E  }
0xc2: {  	_ =	swait.ge [sflag:s29], $0x1  }
0xc3: {  	[sflag:s29] =	ssyncadd.s32 $0xFFFFFFFF  }
0xc4: {  	_ =	strace $0x9000004E  }
0xc5: {  	_ =	sfence  }
0xc6: {  	s30 =	sld [smem:$0x0];
	_ =	sdelay $0x2  }
0xc7: {  	s31 =	sshll.u32 s1, $0xD;
	s1 =	sshrl.u32 s1, $0x2  }
0xc8: {  	s4 =	sand.u32 $0x4000, s31;
	s1 =	sadd.s32 s1, s30  }
0xc9: {  	s0 =	sor.u32 s4, s0;
	s1 =	sshll.u32 s1, $0x11  }
0xca: {  	s0 =	sor.u32 s1, s0  }
0xcb: {  	s0 =	sadd.s32 $0x8F2B, s0  }
0xcc: {  	[sflag:s0] =	ssyncadd.remote.s32 $0x1  }
0xcd: {  	_ =	sfence.sel $0xFFFF  }
0xce: {  	[dreg:$0x0] =	wrdreg $0xFFFFFFFF;
	(pc) =	sbr.abs _section_cstart, $3  }
0xcf: {  	[dreg:$0x1] =	wrdreg $0xFFFFFFFF  }
0xd0: {  	_ =	task.clear_ibuf [dreg:s22], $0x2FFFF;
	_ =	strace $0x9FFFFFFF  }
0xd1: {  	(tm) =	ssettm $0x7FFFFFFF  }
tec
execute0_lowered:
.L_overlay_start_1:
0x0: {  	(tag) =	ssettag $0x1  }
0x1: {  	s0 =	srdreg.scid;
	s5 =	rddreg [dreg:$0x0]  }
0x2: {  	s7 =	stileid.u32;
	s2 =	rddreg [dreg:$0x1]  }
0x3: {  	s3 =	simm.s32 $0x0;
	s20 =	simm.s32 $0x3;
	s23 =	simm.s32 $0x3C00  }
0x4: {  	s24 =	simm.s32 $0x40;
	s28 =	simm.s32 $0x2;
	s29 =	simm.s32 $0x13C0  }
0x5: {  	s30 =	simm.s32 $0x2780;
	s31 =	simm.s32 $0x27C0;
	s0 =	sand.u32 $0x1, s0  }
0x6: {  	s8 =	smul.u32 $0x15F90, s7;
	[smem:$0x7FF] =	sst s3;
	s1 =	sshll.u32 s0, $0x4  }
0x7: {  	s4 =	smul.u32 $0x15F900, s0;
	_ =	strace $0x8000004D;
	s0 =	ssub.s32 $0x2, s0  }
0x8: {  	s1 =	sor.u32 s7, s1;
	s7 =	smul.u32 $0x57E40, s7;
	s25 =	sshrl.u32 s0, $0x1  }
0x9: {  	s1 =	smul.u32 $0x280, s1;
	s4 =	sadd.s32 s8, s4;
	s0 =	ssub.s32 s0, s25  }
0xa: {  	s8 =	sadd.s32 s8, s2;
	s25 =	simm.s32 $0x1;
	s6 =	sshrl.u32 s4, $0x3  }
0xb: {  	s4 =	sadd.s32 $0x11200, s5;
	s9 =	sshrl.u32 s7, $0x2;
	s19 =	smax.u32 s0, $0x1  }
0xc: {  	s1 =	sadd.s32 s1, s5;
	s18 =	sadd.s32 s6, s5;
	s26 =	sadd.s32 s9, s2  }
0xd: {  	s5 =	sadd.s32 $0x7200, s1;
	s6 =	sadd.s32 $0xC200, s1;
	s7 =	sadd.s32 $0xB3200, s1  }
0xe: {  	s9 =	sadd.s32 $0x2400, s26;
	s10 =	sadd.s32 $0x4800, s26;
	s11 =	sadd.s32 $0x6C00, s26  }
0xf: {  	s12 =	sadd.s32 $0x9000, s26;
	s13 =	sadd.s32 $0xB400, s26;
	s14 =	sadd.s32 $0xD800, s26  }
0x10: {  	s15 =	sadd.s32 $0xFC00, s26;
	s16 =	sadd.s32 $0x12000, s26;
	s17 =	sadd.s32 $0x14400, s26  }
0x11: {  	v0 =	vimm.f32 $0.0e+00;
	s18 =	sadd.s32 $0xCCE00, s18;
	s26 =	simm.s32 $0x6000;
	s1 =	simm.s32 $0x0  }
.LBB2_1:
0x12: {  	[tilespmem:s3], [sflag:$0x3] =	stream.linear.gather [hbm4b:s5+s3], $0x1400, $0x38;
	[tilespmem:$0x1E390] =	vst v63  }
0x13: {  	_ =	swait.ge [sflag:s20], $0x1400  }
0x14: {  	[sflag:s20] =	ssyncset.done $0x0  }
0x15: {  	s0 =	simm.s32 $0x1400;
	[sflag:s20] =	ssyncadd.s32 $0xFFFFEC00  }
0x16: {  	[tilespmem:s0], [sflag:$0x3] =	stream.linear.gather [hbm4b:s6+s3], $0x1400, $0x38;
	[tilespmem:$0x1E390] =	vst v63  }
0x17: {  	_ =	swait.ge [sflag:s20], $0x1400  }
0x18: {  	[sflag:s20] =	ssyncset.done $0x0  }
0x19: {  	s22 =	simm.s32 $0x2800;
	[sflag:s20] =	ssyncadd.s32 $0xFFFFEC00  }
0x1a: {  	[tilespmem:s22], [sflag:$0x3] =	stream.linear.gather [hbm4b:s7+s3], $0x1400, $0x38;
	[tilespmem:$0x1E390] =	vst v63  }
0x1b: {  	_ =	swait.ge [sflag:s20], $0x1400  }
0x1c: {  	[sflag:s20] =	ssyncset.done $0x0  }
0x1d: {  	s21 =	simm.s32 $0x240;
	s0 =	simm.s32 $0x0;
	[sflag:s20] =	ssyncadd.s32 $0xFFFFEC00  }
.LBB2_2:
0x1e: {  	p0 =	sne.s32 s21, $0x8DC0;
	[tilespmem:s0+$0x3C80] =	vst v0  }
0x1f: {  	[tilespmem:s0+$0x3C00] =	vst v0  }
0x20: {  	[tilespmem:s0+$0x3C10] =	vst v0  }
0x21: {  	[tilespmem:s0+$0x3C20] =	vst v0  }
.Ltmp0:
0x22: {  	[tilespmem:s0+$0x3C30] =	vst v0;
	(pc) =	sbr.rel @p0 .LBB2_2-.Ltmp0, $4  }
0x23: {  	[tilespmem:s0+$0x3C40] =	vst v0  }
0x24: {  	[tilespmem:s0+$0x3C50] =	vst v0  }
0x25: {  	[tilespmem:s0+$0x3C60] =	vst v0  }
0x26: {  	[tilespmem:s0+$0x3C70] =	vst v0;
	s0 =	sshra.s32 s21, $0x2;
	s21 =	sadd.s32 $0x240, s21  }
0x27: {  	[tilespmem:s0+$0x3C80] =	vst v0  }
0x28: {  	[tilespmem:s0+$0x3C00] =	vst v0  }
0x29: {  	[tilespmem:s0+$0x3C10] =	vst v0  }
0x2a: {  	[tilespmem:s0+$0x3C20] =	vst v0  }
0x2b: {  	[tilespmem:s0+$0x3C30] =	vst v0  }
0x2c: {  	[tilespmem:s0+$0x3C40] =	vst v0  }
0x2d: {  	[tilespmem:s0+$0x3C50] =	vst v0  }
0x2e: {  	[tilespmem:s0+$0x3C60] =	vst v0  }
0x2f: {  	[tilespmem:s0+$0x3C70] =	vst v0  }
0x30: {  	[spmem:s8] =	stream.linear.scatter [tilespmem:s23], [sflag:$0x3], $0x2400, $0x38;
	[tilespmem:$0x1E390] =	vst v63  }
0x31: {  	_ =	swait.ge [sflag:s20], $0x2400  }
0x32: {  	[sflag:s20] =	ssyncset.done $0x0  }
0x33: {  	[sflag:s20] =	ssyncadd.s32 $0xFFFFDC00  }
0x34: {  	[spmem:s9] =	stream.linear.scatter [tilespmem:s23], [sflag:$0x3], $0x2400, $0x38;
	[tilespmem:$0x1E390] =	vst v63  }
0x35: {  	_ =	swait.ge [sflag:s20], $0x2400  }
0x36: {  	[sflag:s20] =	ssyncset.done $0x0  }
0x37: {  	[sflag:s20] =	ssyncadd.s32 $0xFFFFDC00  }
0x38: {  	[spmem:s10] =	stream.linear.scatter [tilespmem:s23], [sflag:$0x3], $0x2400, $0x38;
	[tilespmem:$0x1E390] =	vst v63  }
0x39: {  	_ =	swait.ge [sflag:s20], $0x2400  }
0x3a: {  	[sflag:s20] =	ssyncset.done $0x0  }
0x3b: {  	[sflag:s20] =	ssyncadd.s32 $0xFFFFDC00  }
0x3c: {  	[spmem:s11] =	stream.linear.scatter [tilespmem:s23], [sflag:$0x3], $0x2400, $0x38;
	[tilespmem:$0x1E390] =	vst v63  }
0x3d: {  	_ =	swait.ge [sflag:s20], $0x2400  }
0x3e: {  	[sflag:s20] =	ssyncset.done $0x0  }
0x3f: {  	[sflag:s20] =	ssyncadd.s32 $0xFFFFDC00  }
0x40: {  	[spmem:s12] =	stream.linear.scatter [tilespmem:s23], [sflag:$0x3], $0x2400, $0x38;
	[tilespmem:$0x1E390] =	vst v63  }
0x41: {  	_ =	swait.ge [sflag:s20], $0x2400  }
0x42: {  	[sflag:s20] =	ssyncset.done $0x0  }
0x43: {  	[sflag:s20] =	ssyncadd.s32 $0xFFFFDC00  }
0x44: {  	[spmem:s13] =	stream.linear.scatter [tilespmem:s23], [sflag:$0x3], $0x2400, $0x38;
	[tilespmem:$0x1E390] =	vst v63  }
0x45: {  	_ =	swait.ge [sflag:s20], $0x2400  }
0x46: {  	[sflag:s20] =	ssyncset.done $0x0  }
0x47: {  	[sflag:s20] =	ssyncadd.s32 $0xFFFFDC00  }
0x48: {  	[spmem:s14] =	stream.linear.scatter [tilespmem:s23], [sflag:$0x3], $0x2400, $0x38;
	[tilespmem:$0x1E390] =	vst v63  }
0x49: {  	_ =	swait.ge [sflag:s20], $0x2400  }
0x4a: {  	[sflag:s20] =	ssyncset.done $0x0  }
0x4b: {  	[sflag:s20] =	ssyncadd.s32 $0xFFFFDC00  }
0x4c: {  	[spmem:s15] =	stream.linear.scatter [tilespmem:s23], [sflag:$0x3], $0x2400, $0x38;
	[tilespmem:$0x1E390] =	vst v63  }
0x4d: {  	_ =	swait.ge [sflag:s20], $0x2400  }
0x4e: {  	[sflag:s20] =	ssyncset.done $0x0  }
0x4f: {  	[sflag:s20] =	ssyncadd.s32 $0xFFFFDC00  }
0x50: {  	[spmem:s16] =	stream.linear.scatter [tilespmem:s23], [sflag:$0x3], $0x2400, $0x38;
	[tilespmem:$0x1E390] =	vst v63  }
0x51: {  	_ =	swait.ge [sflag:s20], $0x2400  }
0x52: {  	[sflag:s20] =	ssyncset.done $0x0  }
0x53: {  	[sflag:s20] =	ssyncadd.s32 $0xFFFFDC00  }
0x54: {  	[spmem:s17] =	stream.linear.scatter [tilespmem:s23], [sflag:$0x3], $0x1B90, $0x38;
	[tilespmem:$0x1E390] =	vst v63  }
0x55: {  	_ =	swait.ge [sflag:s20], $0x1B90  }
0x56: {  	[sflag:s20] =	ssyncset.done $0x0  }
0x57: {  	s22 =	simm.s32 $0x0;
	[sflag:s20] =	ssyncadd.s32 $0xFFFFE470  }
0x58: {  	[tilespmem:s23], [sflag:$0x1] =	stream.indirect.gather [hbm4b:s4+s24], $0x90, s22, s24, $0xb8;
	[tilespmem:$0x1E390] =	vst v63  }
0x59: {  	[bflag:$0x0] =	sbarrier.arrive $0xFFFF  }
0x5a: {  	_ =	swait.ge [sflag:s25], $0x2400  }
0x5b: {  	[sflag:s25] =	ssyncset.done $0x0  }
0x5c: {  	s21 =	simm.s32 $0x40;
	[sflag:s25] =	ssyncadd.s32 $0xFFFFDC00  }
0x5d: {  	[tilespmem:s26], [sflag:$0x2] =	stream.indirect.gather [hbm4b:s4+s24], $0x90, s21, s24, $0xb8;
	[tilespmem:$0x1E390] =	vst v63  }
0x5e: {  	s22 =	simm.s32 $0x1400  }
0x5f: {  	[spmem:s2] =	stream.indirect.scatter.add.f32 [tilespmem:s23], [sflag:$0x3], $0x90, s22, s24, $0xb8;
	[tilespmem:$0x1E390] =	vst v63  }
0x60: {  	_ =	swait.ge [sflag:s20], $0x2400  }
0x61: {  	[sflag:s20] =	ssyncset.done $0x0  }
0x62: {  	[sflag:s20] =	ssyncadd.s32 $0xFFFFDC00  }
0x63: {  	_ =	swait.ge [sflag:s28], $0x2400  }
0x64: {  	[sflag:s28] =	ssyncset.done $0x0  }
0x65: {  	s21 =	simm.s32 $0x80;
	[sflag:s28] =	ssyncadd.s32 $0xFFFFDC00  }
0x66: {  	[tilespmem:s23], [sflag:$0x1] =	stream.indirect.gather [hbm4b:s4+s24], $0x90, s21, s24, $0xb8;
	[tilespmem:$0x1E390] =	vst v63  }
0x67: {  	s22 =	simm.s32 $0x1440  }
0x68: {  	[spmem:s2] =	stream.indirect.scatter.add.f32 [tilespmem:s26], [sflag:$0x3], $0x90, s22, s24, $0xb8;
	[tilespmem:$0x1E390] =	vst v63  }
0x69: {  	_ =	swait.ge [sflag:s20], $0x2400  }
0x6a: {  	s0 =	simm.s32 $0x200;
	[sflag:s20] =	ssyncset.done $0x0  }
.LBB2_4:
0x6b: {  	p0 =	sne.s32 s0, $0x4C00  }
0x6c: {  	[sflag:s20] =	ssyncadd.s32 $0xFFFFDC00;
	s21 =	smov.u32 s0;
	s0 =	sadd.s32 $0x200, s0  }
0x6d: {  	_ = 	snop  }
0x6e: {  	_ =	swait.ge [sflag:s25], $0x2400  }
0x6f: {  	s21 =	sshra.s32 s21, $0x2;
	[sflag:s25] =	ssyncset.done $0x0  }
0x70: {  	s22 =	sadd.s32 $0x40, s21;
	[sflag:s25] =	ssyncadd.s32 $0xFFFFDC00  }
0x71: {  	[tilespmem:s26], [sflag:$0x2] =	stream.indirect.gather [hbm4b:s4+s24], $0x90, s22, s24, $0xb8;
	[tilespmem:$0x1E390] =	vst v63  }
0x72: {  	s22 =	sadd.s32 $0x1400, s21  }
0x73: {  	[spmem:s2] =	stream.indirect.scatter.add.f32 [tilespmem:s23], [sflag:$0x3], $0x90, s22, s24, $0xb8;
	[tilespmem:$0x1E390] =	vst v63  }
0x74: {  	_ =	swait.ge [sflag:s20], $0x2400  }
0x75: {  	[sflag:s20] =	ssyncset.done $0x0  }
0x76: {  	[sflag:s20] =	ssyncadd.s32 $0xFFFFDC00  }
0x77: {  	_ =	swait.ge [sflag:s28], $0x2400  }
0x78: {  	[sflag:s28] =	ssyncset.done $0x0  }
0x79: {  	s22 =	sadd.s32 $0x80, s21;
	[sflag:s28] =	ssyncadd.s32 $0xFFFFDC00  }
0x7a: {  	[tilespmem:s23], [sflag:$0x1] =	stream.indirect.gather [hbm4b:s4+s24], $0x90, s22, s24, $0xb8;
	[tilespmem:$0x1E390] =	vst v63  }
.Ltmp1:
0x7b: {  	_ = 	snop;
	(pc) =	sbr.rel @p0 .LBB2_4-.Ltmp1, $4  }
0x7c: {  	s21 =	sadd.s32 $0x1440, s21  }
0x7d: {  	[spmem:s2] =	stream.indirect.scatter.add.f32 [tilespmem:s26], [sflag:$0x3], $0x90, s21, s24, $0xb8;
	[tilespmem:$0x1E390] =	vst v63  }
0x7e: {  	_ =	swait.ge [sflag:s20], $0x2400  }
0x7f: {  	[sflag:s20] =	ssyncset.done $0x0  }
0x80: {  	[sflag:s20] =	ssyncadd.s32 $0xFFFFDC00  }
0x81: {  	_ =	swait.ge [sflag:s25], $0x2400  }
0x82: {  	[sflag:s25] =	ssyncset.done $0x0  }
0x83: {  	[sflag:s25] =	ssyncadd.s32 $0xFFFFDC00  }
0x84: {  	[tilespmem:s26], [sflag:$0x2] =	stream.indirect.gather [hbm4b:s4+s24], $0x90, s29, s24, $0xb8;
	[tilespmem:$0x1E390] =	vst v63  }
0x85: {  	_ = 	snop  }
0x86: {  	[spmem:s2] =	stream.indirect.scatter.add.f32 [tilespmem:s23], [sflag:$0x3], $0x90, s30, s24, $0xb8;
	[tilespmem:$0x1E390] =	vst v63  }
0x87: {  	_ =	swait.ge [sflag:s20], $0x2400  }
0x88: {  	[sflag:s20] =	ssyncset.done $0x0  }
0x89: {  	[sflag:s20] =	ssyncadd.s32 $0xFFFFDC00  }
0x8a: {  	_ =	swait.ge [sflag:s28], $0x2400  }
0x8b: {  	[sflag:s28] =	ssyncset.done $0x0  }
0x8c: {  	[sflag:s28] =	ssyncadd.s32 $0xFFFFDC00  }
0x8d: {  	[spmem:s2] =	stream.indirect.scatter.add.f32 [tilespmem:s26], [sflag:$0x3], $0x90, s31, s24, $0xb8;
	[tilespmem:$0x1E390] =	vst v63  }
0x8e: {  	s0 =	stileid.u32;
	_ =	swait.ge [sflag:s20], $0x2400  }
0x8f: {  	s21 =	sshrl.u32 s8, $0x3;
	s1 =	sadd.s32 $0x1, s1;
	[sflag:s20] =	ssyncset.done $0x0  }
0x90: {  	s0 =	sshll.u32 s0, $0x6;
	p0 =	sne.s32 s1, s19;
	[sflag:s20] =	ssyncadd.s32 $0xFFFFDC00  }
.Ltmp2:
0x91: {  	s0 =	sor.u32 $0x1C03, s0;
	[bflag:$0x0] =	sbarrier.arrive $0xFFFF;
	(pc) =	sbr.rel @p0 .LBB2_1-.Ltmp2, $4  }
0x92: {  	[hbm:s18], [sflag:s0] =	dma.local [spmem:s21], $0x2BF2  }
0x93: {  	_ =	swait.ge [sflag:s20], $0x2BF2  }
0x94: {  	[sflag:s20] =	ssyncset.done $0x0  }
0x95: {  	[sflag:s20] =	ssyncadd.s32 $0xFFFFD40E  }
0x96: {  	_ =	sfence.sel $0x180000  }
0x97: {  	[bflag:$0x0] =	sbarrier.arrive $0xFFFF  }
0x98: {  	_ =	strace $0x9000004D  }
0x99: {  	s0 =	stileid.u32;
	[bflag:$0x2] =	sbarrier.arrive $0xFFFF  }
0x9a: {  	p0 =	sne.s32 s0, $0x0;
	s0 =	rddreg [dreg:$0x2]  }
0x9b: {  	s0 =	sadd.s32 @!p0 $0x100000, s0  }
0x9c: {  	[sflag:s0] =	ssyncadd.tile.s32 @!p0 $0x1;
	_ =	shalt  }
.Lfunc_end2:
_tile_overlayer_lowered:
.L_overlay_start_2:
0x9d: {  	(tag) =	ssettag $0x2  }
0x9e: {  	s0 =	rddreg [dreg:$0x0];
	s2 =	stileid.u32  }
0x9f: {  	s1 =	rddreg [dreg:$0x1];
	p0 =	sne.s32 s2, $0x0  }
0xa0: {  	s3 =	rddreg [dreg:$0x2];
	[bflag:$0x3] =	sbarrier.arrive $0xFFFF;
	s2 =	simm.s32 @!p0 $0x1C03  }
0xa1: {  	[timem:s3], [sflag:s2] =	dma.local @!p0 [hbm:s0], s1  }
0xa2: {  	s0 =	simm.s32 @!p0 $0x3  }
0xa3: {  	_ =	swait.ge @!p0 [sflag:s0], s1  }
0xa4: {  	s1 =	ssub.s32 @!p0 $0x0, s1;
	[sflag:s0] =	ssyncset.done @!p0 $0x0  }
0xa5: {  	[sflag:s0] =	ssyncadd.s32 @!p0 s1  }
0xa6: {  	[bflag:$0x3] =	sbarrier.arrive $0xFFFF  }
0xa7: {  	_ =	shalt  }

// kernel: kernel.29.cloned.1.call-start
scs
__scs_entry_jumppad:
0x0: {  	(pc) =	sbr.rel $0x88, $3  }
0x1: {  	(tag) =	ssettag $0x0;
	lr =	simm.s32 $0x1  }
0x2: {  	[smem:$0x3F83] =	sst lr;
	_ =	strace $0xD0000000  }
0x3: {  	_ = 	snop  }
0x4: {  	_ = 	snop  }
0x5: {  	_ = 	snop  }
0x6: {  	_ = 	snop  }
0x7: {  	_ = 	snop  }
__scs_overlays_trampoline_lowered:
0x8: {  	[smem:$0x3F92] =	sst s0  }
0x9: {  	[smem:$0x3F93] =	sst s1  }
0xa: {  	[smem:$0x3F94] =	sst s2  }
0xb: {  	[smem:$0x3F95] =	sst s3  }
0xc: {  	[smem:$0x3F96] =	sst s4  }
0xd: {  	[smem:$0x3F97] =	sst s5  }
0xe: {  	[smem:$0x3F98] =	sst s6  }
0xf: {  	[smem:$0x3F99] =	sst s7  }
0x10: {  	[smem:$0x3F9A] =	sst s8  }
0x11: {  	[smem:$0x3F9B] =	sst s9;
	s0 =	simm.s32 @!p0 $0x0  }
0x12: {  	s1 =	sld [smem:$0x3F81];
	s0 =	simm.s32 @p0 $0x1  }
0x13: {  	[smem:$0x3F9C] =	sst s0;
	s0 =	simm.s32 @!p1 $0x0  }
0x14: {  	s2 =	sld [smem:$0x3F80];
	s0 =	simm.s32 @p1 $0x1  }
0x15: {  	[smem:$0x3F9D] =	sst s0;
	s0 =	simm.s32 @!p2 $0x0  }
0x16: {  	s3 =	sld [smem:$0x3FDB];
	s0 =	simm.s32 @p2 $0x1  }
0x17: {  	s4 =	simm.s32 $0x1BF5;
	[smem:$0x3F9F] =	sst s0  }
0x18: {  	s0 =	sld [smem:$0x3F82];
	_ =	swait.ge [sflag:s4], $0x0  }
0x19: {  	s7 =	sld [smem:$0x3F83]  }
0x1a: {  	s8 =	sadd.s32 $0xFFFFE003, lr  }
0x1b: {  	s9 =	sadd.s32 $0xFFFFFEF7, lr;
	s5 =	simm.s32 $0xFFFFFFFF;
	p2 =	slt.u32 s8, $0xFFFFF086  }
0x1c: {  	p1 =	slt.u32 s9, $0xF7A;
	s5 =	simm.s32 @!p2 $0x0  }
0x1d: {  	s5 =	simm.s32 @p1 $0x1;
	p0 =	seq.s32 s7, s2  }
0x1e: {  	s7 =	smul.u32 @!p0 $0xF7A, s2;
	p2 =	seq.s32 @!p0 s5, $0x0  }
0x1f: {  	s9 =	smul.u32 $0xF7A, s1;
	s8 =	simm.s32 @!p0 $0x1BF5;
	p2 =	por !p2, p0  }
0x20: {  	[sflag:s8] =	ssyncset.s32 @!p0 $0xFFFFF086;
	s6 =	sadd.s32 @!p0 s3, s7;
	s7 =	simm.s32 @!p0 $0x108  }
0x21: {  	s3 =	sadd.s32 s3, s9;
	s6 =	sadd.s32 @!p0 $0x88, s6;
	s7 =	simm.s32 @p2 $0x1082  }
0x22: {  	[simem:s7], [sflag:s8] =	dma.local @!p0 [hbm:s6], $0xF7A  }
0x23: {  	s9 =	sor.u32 $0xD0000000, s2;
	s6 =	simm.s32 $0x108;
	_ =	swait.ge @!p0 [sflag:s8], $0x0  }
0x24: {  	s3 =	sadd.s32 $0x88, s3;
	s6 =	simm.s32 @!p1 $0x1082;
	[sflag:s4] =	ssyncset.s32 $0xFFFFF086  }
0x25: {  	[simem:s6], [sflag:s4] =	dma.local [hbm:s3], $0xF7A  }
0x26: {  	[smem:$0x3F83] =	sst s1;
	(tag) =	ssettag s2;
	_ =	strace s9  }
0x27: {  	s1 =	sld [smem:$0x3F93]  }
0x28: {  	s2 =	sld [smem:$0x3F94]  }
0x29: {  	s4 =	sld [smem:$0x3F96]  }
0x2a: {  	p0 =	seq.s32 s5, $0x0;
	s5 =	sld [smem:$0x3F97]  }
0x2b: {  	s6 =	sld [smem:$0x3F98]  }
0x2c: {  	s7 =	sld [smem:$0x3F99]  }
0x2d: {  	s3 =	simm.s32 $0x108;
	s8 =	sld [smem:$0x3F9A]  }
0x2e: {  	s3 =	simm.s32 @!p0 $0x1082;
	s9 =	sld [smem:$0x3F9B]  }
0x2f: {  	lr =	sadd.s32 s0, s3;
	s0 =	sld [smem:$0x3F92]  }
0x30: {  	s3 =	sld [smem:$0x3F95]  }
0x31: {  	[smem:$0x3F9E] =	sst s10  }
0x32: {  	s10 =	sld [smem:$0x3F9C];
	_ =	sdelay $0x3  }
0x33: {  	p0 =	seq.s32 s10, $0x1;
	s10 =	sld [smem:$0x3F9E];
	_ =	sdelay $0x3  }
0x34: {  	[smem:$0x3F9E] =	sst s10  }
0x35: {  	s10 =	sld [smem:$0x3F9D];
	_ =	sdelay $0x3  }
0x36: {  	p1 =	seq.s32 s10, $0x1;
	s10 =	sld [smem:$0x3F9E];
	_ =	sdelay $0x3  }
0x37: {  	[smem:$0x3F9E] =	sst s10  }
0x38: {  	s10 =	sld [smem:$0x3F9F]  }
0x39: {  	_ = 	snop;
	(pc) =	sbr.ind lr, $3  }
0x3a: {  	_ = 	snop  }
0x3b: {  	_ = 	snop  }
0x3c: {  	p2 =	seq.s32 s10, $0x1;
	s10 =	sld [smem:$0x3F9E]  }
0x3d: {  	_ =	shalt  }
0x3e: {  	_ =	shalt  }
0x3f: {  	_ =	shalt  }
0x40: {  	_ =	shalt  }
0x41: {  	_ =	shalt  }
0x42: {  	_ =	shalt  }
0x43: {  	_ =	shalt  }
0x44: {  	_ =	shalt  }
0x45: {  	_ =	shalt  }
0x46: {  	_ =	shalt  }
0x47: {  	_ =	shalt  }
0x48: {  	_ =	shalt  }
0x49: {  	_ =	shalt  }
0x4a: {  	_ =	shalt  }
0x4b: {  	_ =	shalt  }
0x4c: {  	_ =	shalt  }
0x4d: {  	_ =	shalt  }
0x4e: {  	_ =	shalt  }
0x4f: {  	_ =	shalt  }
0x50: {  	_ =	shalt  }
0x51: {  	_ =	shalt  }
0x52: {  	_ =	shalt  }
0x53: {  	_ =	shalt  }
0x54: {  	_ =	shalt  }
0x55: {  	_ =	shalt  }
0x56: {  	_ =	shalt  }
0x57: {  	_ =	shalt  }
0x58: {  	_ =	shalt  }
0x59: {  	_ =	shalt  }
0x5a: {  	_ =	shalt  }
0x5b: {  	_ =	shalt  }
0x5c: {  	_ =	shalt  }
0x5d: {  	_ =	shalt  }
0x5e: {  	_ =	shalt  }
0x5f: {  	_ =	shalt  }
0x60: {  	_ =	shalt  }
0x61: {  	_ =	shalt  }
0x62: {  	_ =	shalt  }
0x63: {  	_ =	shalt  }
0x64: {  	_ =	shalt  }
0x65: {  	_ =	shalt  }
0x66: {  	_ =	shalt  }
0x67: {  	_ =	shalt  }
0x68: {  	_ =	shalt  }
0x69: {  	_ =	shalt  }
0x6a: {  	_ =	shalt  }
0x6b: {  	_ =	shalt  }
0x6c: {  	_ =	shalt  }
0x6d: {  	_ =	shalt  }
0x6e: {  	_ =	shalt  }
0x6f: {  	_ =	shalt  }
0x70: {  	_ =	shalt  }
0x71: {  	_ =	shalt  }
0x72: {  	_ =	shalt  }
0x73: {  	_ =	shalt  }
0x74: {  	_ =	shalt  }
0x75: {  	_ =	shalt  }
0x76: {  	_ =	shalt  }
0x77: {  	_ =	shalt  }
0x78: {  	_ =	shalt  }
0x79: {  	_ =	shalt  }
0x7a: {  	_ =	shalt  }
0x7b: {  	_ =	shalt  }
0x7c: {  	_ =	shalt  }
0x7d: {  	_ =	shalt  }
0x7e: {  	_ =	shalt  }
0x7f: {  	_ =	shalt  }
0x80: {  	_ =	shalt  }
0x81: {  	_ =	shalt  }
0x82: {  	_ =	shalt  }
0x83: {  	_ =	shalt  }
0x84: {  	_ =	shalt  }
0x85: {  	_ =	shalt  }
0x86: {  	_ =	shalt  }
0x87: {  	_ =	shalt  }
.Lfunc_end0:
.L_simem_size_0:
called_computation.3_lowered:
.L_overlay_start_0:
0x88: {  	s2 =	sld [smem:$0x3FD9]  }
0x89: {  	s3 =	sld [smem:$0x3FFE];
	_ =	sdelay $0x1  }
0x8a: {  	s1 =	srdreg.scid  }
0x8b: {  	s0 =	sand.u32 $0x1, s1  }
0x8c: {  	s17 =	sshll.u32 s0, $0xA;
	s2 =	sadd.s32 s3, s2  }
0x8d: {  	s2 =	sadd.s32 s2, s17  }
0x8e: {  	[smem:$0x3FAA] =	sst s2  }
0x8f: {  	_ = 	snop  }
0x90: {  	(tm) =	ssettm $0x1  }
0x91: {  	s18 =	sld [smem:$0x3FFB];
	_ =	sdelay $0x3  }
0x92: {  	_ =	strace s18  }
0x93: {  	s2 =	sld [smem:$0x3FFC];
	_ =	sdelay $0x3  }
0x94: {  	_ =	strace s2  }
0x95: {  	s2 =	sld [smem:$0x3FFD];
	_ =	sdelay $0x3  }
0x96: {  	_ =	strace s2  }
0x97: {  	_ =	strace $0x8FFFFFFF  }
0x98: {  	s19 =	sld [smem:$0x3FDB];
	_ =	sdelay $0x1  }
0x99: {  	s20 =	simm.s32 $_scs_section_size  }
0x9a: {  	s4 =	simm.s32 $_size__tile_overlayer_lowered;
	s5 =	simm.s32 $_tile_overlayer_lowered  }
0x9b: {  	s6 =	simm.s32 $0x1BFF;
	s21 =	sshll.u32 s5, $0x1;
	s3 =	sadd.s32 s20, s19  }
0x9c: {  	s22 =	simm.s32 $0x0;
	s4 =	sshll.u32 s4, $0x1;
	s5 =	sadd.s32 s21, s3  }
0x9d: {  	[timem:s22], [sflag:s6] =	dma.local [hbm:s5], s4  }
0x9e: {  	_ =	swait.ge [sflag:s6], s4  }
0x9f: {  	s4 =	ssub.s32 $0x0, s4;
	[sflag:s6] =	ssyncset.done $0x0  }
0xa0: {  	[sflag:s6] =	ssyncadd.s32 s4;
	_ =	sdelay $0x1  }
0xa1: {  	s23 =	simm.s32 $0x1B8B  }
0xa2: {  	_ =	swait.ge [sflag:s23], $0x1  }
0xa3: {  	[sflag:s23] =	ssyncset.done $0x0  }
0xa4: {  	[sflag:s23] =	ssyncadd.s32 $0xFFFFFFFF  }
0xa5: {  	s4 =	sld [smem:$0x0]  }
0xa6: {  	s5 =	sand.u32 $0xFFFFFFFE, s1  }
0xa7: {  	p0 =	sne.s32 s1, s5  }
0xa8: {  	s5 =	sshll.u32 @p0 s5, $0xE  }
0xa9: {  	s5 =	sadd.s32 @p0 $0x11B8D, s5;
	s6 =	sshll.u32 @p0 s4, $0x11  }
0xaa: {  	s5 =	sor.u32 @p0 s6, s5  }
0xab: {  	[sflag:s5] =	ssyncadd.remote.s32 @p0 $0x1;
	_ =	sdelay $0x1  }
0xac: {  	s5 =	simm.s32 @p0 $0x1B8D  }
0xad: {  	_ =	swait.eq @p0 [sflag:s5], $0x1  }
0xae: {  	[sflag:s5] =	ssyncadd.s32 @p0 $0xFFFFFFFF  }
0xaf: {  	s6 =	sshll.u32 @!p0 s1, $0xE  }
0xb0: {  	s6 =	sor.u32 @!p0 $0x4000, s6;
	s5 =	simm.s32 @!p0 $0x1B8D  }
0xb1: {  	s4 =	sshll.u32 @!p0 s4, $0x11;
	s6 =	sadd.s32 @!p0 $0x11B8D, s6;
	_ =	swait.eq @!p0 [sflag:s5], $0x1  }
0xb2: {  	s4 =	sor.u32 @!p0 s4, s6;
	[sflag:s5] =	ssyncadd.s32 @!p0 $0xFFFFFFFF  }
0xb3: {  	s25 =	simm.s32 $0x1B8E;
	s24 =	sld [smem:$0x3FFE];
	[sflag:s4] =	ssyncadd.remote.s32 @!p0 $0x1  }
0xb4: {  	s26 =	simm.s32 $execute0_lowered;
	[smem:$0x3FD2] =	sst s25  }
0xb5: {  	s5 =	sshll.u32 s26, $0x1;
	_ =	strace $0x8000004F;
	[dreg:$0x1] =	wrdreg $0xFFFFFFFF  }
0xb6: {  	s28 =	simm.s32 $_size_execute0_lowered;
	s3 =	sadd.s32 s3, s5;
	[dreg:$0x0] =	wrdreg $0x0  }
0xb7: {  	s5 =	sshll.u32 s28, $0x1;
	[dreg:$0x2] =	wrdreg s3  }
0xb8: {  	[dreg:$0x3] =	wrdreg s5  }
0xb9: {  	[dreg:$0x4] =	wrdreg $0xC0  }
0xba: {  	_ =	task [dreg:s22], $0x5FFFF  }
0xbb: {  	[dreg:$0x1] =	wrdreg $0xFFFFFFFF  }
0xbc: {  	[dreg:$0x0] =	wrdreg $0x60  }
0xbd: {  	[dreg:$0x2] =	wrdreg s24  }
0xbe: {  	[dreg:$0x3] =	wrdreg $0x84000  }
0xbf: {  	[dreg:$0x4] =	wrdreg $0x9  }
0xc0: {  	_ =	task.clear_ibuf [dreg:s22], $0x5FFFF;
	_ =	strace $0x9000004F  }
0xc1: {  	s29 =	simm.s32 $0x9;
	_ =	strace $0x80000051  }
0xc2: {  	_ =	swait.ge [sflag:s29], $0x1  }
0xc3: {  	[sflag:s29] =	ssyncadd.s32 $0xFFFFFFFF  }
0xc4: {  	_ =	strace $0x90000051  }
0xc5: {  	_ =	sfence  }
0xc6: {  	s30 =	sld [smem:$0x0];
	_ =	sdelay $0x2  }
0xc7: {  	s31 =	sshll.u32 s1, $0xD;
	s1 =	sshrl.u32 s1, $0x2  }
0xc8: {  	s4 =	sand.u32 $0x4000, s31;
	s1 =	sadd.s32 s1, s30  }
0xc9: {  	s0 =	sor.u32 s4, s0;
	s1 =	sshll.u32 s1, $0x11  }
0xca: {  	s0 =	sor.u32 s1, s0  }
0xcb: {  	s0 =	sadd.s32 $0x8F2B, s0  }
0xcc: {  	[sflag:s0] =	ssyncadd.remote.s32 $0x1  }
0xcd: {  	_ =	sfence.sel $0xFFFF  }
0xce: {  	[dreg:$0x0] =	wrdreg $0xFFFFFFFF;
	(pc) =	sbr.abs _section_cstart, $3  }
0xcf: {  	[dreg:$0x1] =	wrdreg $0xFFFFFFFF  }
0xd0: {  	_ =	task.clear_ibuf [dreg:s22], $0x2FFFF;
	_ =	strace $0x9FFFFFFF  }
0xd1: {  	(tm) =	ssettm $0x7FFFFFFF  }
tec
execute0_lowered:
.L_overlay_start_1:
0x0: {  	(tag) =	ssettag $0x1  }
0x1: {  	s0 =	srdreg.scid;
	s5 =	rddreg [dreg:$0x0]  }
0x2: {  	s7 =	stileid.u32;
	s2 =	rddreg [dreg:$0x1]  }
0x3: {  	s3 =	simm.s32 $0x0;
	s20 =	simm.s32 $0x3;
	s23 =	simm.s32 $0x3C00  }
0x4: {  	s24 =	simm.s32 $0x40;
	s28 =	simm.s32 $0x2;
	s29 =	simm.s32 $0x13C0  }
0x5: {  	s30 =	simm.s32 $0x2780;
	s31 =	simm.s32 $0x27C0;
	s0 =	sand.u32 $0x1, s0  }
0x6: {  	s8 =	smul.u32 $0x15F90, s7;
	[smem:$0x7FF] =	sst s3;
	s1 =	sshll.u32 s0, $0x4  }
0x7: {  	s4 =	smul.u32 $0x15F900, s0;
	_ =	strace $0x80000050;
	s0 =	ssub.s32 $0x2, s0  }
0x8: {  	s1 =	sor.u32 s7, s1;
	s7 =	smul.u32 $0x57E40, s7;
	s25 =	sshrl.u32 s0, $0x1  }
0x9: {  	s1 =	smul.u32 $0x280, s1;
	s4 =	sadd.s32 s8, s4;
	s0 =	ssub.s32 s0, s25  }
0xa: {  	s8 =	sadd.s32 s8, s2;
	s25 =	simm.s32 $0x1;
	s6 =	sshrl.u32 s4, $0x3  }
0xb: {  	s4 =	sadd.s32 $0x3D200, s5;
	s9 =	sshrl.u32 s7, $0x2;
	s19 =	smax.u32 s0, $0x1  }
0xc: {  	s1 =	sadd.s32 s1, s5;
	s18 =	sadd.s32 s6, s5;
	s26 =	sadd.s32 s9, s2  }
0xd: {  	s5 =	sadd.s32 $0xB8200, s1;
	s6 =	sadd.s32 $0xBD200, s1;
	s7 =	sadd.s32 $0xC7E00, s1  }
0xe: {  	s9 =	sadd.s32 $0x2400, s26;
	s10 =	sadd.s32 $0x4800, s26;
	s11 =	sadd.s32 $0x6C00, s26  }
0xf: {  	s12 =	sadd.s32 $0x9000, s26;
	s13 =	sadd.s32 $0xB400, s26;
	s14 =	sadd.s32 $0xD800, s26  }
0x10: {  	s15 =	sadd.s32 $0xFC00, s26;
	s16 =	sadd.s32 $0x12000, s26;
	s17 =	sadd.s32 $0x14400, s26  }
0x11: {  	v0 =	vimm.f32 $0.0e+00;
	s18 =	sadd.s32 $0x124E00, s18;
	s26 =	simm.s32 $0x6000;
	s1 =	simm.s32 $0x0  }
.LBB2_1:
0x12: {  	[tilespmem:s3], [sflag:$0x3] =	stream.linear.gather [hbm4b:s5+s3], $0x1400, $0x38;
	[tilespmem:$0x1E390] =	vst v63  }
0x13: {  	_ =	swait.ge [sflag:s20], $0x1400  }
0x14: {  	[sflag:s20] =	ssyncset.done $0x0  }
0x15: {  	s0 =	simm.s32 $0x1400;
	[sflag:s20] =	ssyncadd.s32 $0xFFFFEC00  }
0x16: {  	[tilespmem:s0], [sflag:$0x3] =	stream.linear.gather [hbm4b:s6+s3], $0x1400, $0x38;
	[tilespmem:$0x1E390] =	vst v63  }
0x17: {  	_ =	swait.ge [sflag:s20], $0x1400  }
0x18: {  	[sflag:s20] =	ssyncset.done $0x0  }
0x19: {  	s22 =	simm.s32 $0x2800;
	[sflag:s20] =	ssyncadd.s32 $0xFFFFEC00  }
0x1a: {  	[tilespmem:s22], [sflag:$0x3] =	stream.linear.gather [hbm4b:s7+s3], $0x1400, $0x38;
	[tilespmem:$0x1E390] =	vst v63  }
0x1b: {  	_ =	swait.ge [sflag:s20], $0x1400  }
0x1c: {  	[sflag:s20] =	ssyncset.done $0x0  }
0x1d: {  	s21 =	simm.s32 $0x240;
	s0 =	simm.s32 $0x0;
	[sflag:s20] =	ssyncadd.s32 $0xFFFFEC00  }
.LBB2_2:
0x1e: {  	p0 =	sne.s32 s21, $0x8DC0;
	[tilespmem:s0+$0x3C80] =	vst v0  }
0x1f: {  	[tilespmem:s0+$0x3C00] =	vst v0  }
0x20: {  	[tilespmem:s0+$0x3C10] =	vst v0  }
0x21: {  	[tilespmem:s0+$0x3C20] =	vst v0  }
.Ltmp0:
0x22: {  	[tilespmem:s0+$0x3C30] =	vst v0;
	(pc) =	sbr.rel @p0 .LBB2_2-.Ltmp0, $4  }
0x23: {  	[tilespmem:s0+$0x3C40] =	vst v0  }
0x24: {  	[tilespmem:s0+$0x3C50] =	vst v0  }
0x25: {  	[tilespmem:s0+$0x3C60] =	vst v0  }
0x26: {  	[tilespmem:s0+$0x3C70] =	vst v0;
	s0 =	sshra.s32 s21, $0x2;
	s21 =	sadd.s32 $0x240, s21  }
0x27: {  	[tilespmem:s0+$0x3C80] =	vst v0  }
0x28: {  	[tilespmem:s0+$0x3C00] =	vst v0  }
0x29: {  	[tilespmem:s0+$0x3C10] =	vst v0  }
0x2a: {  	[tilespmem:s0+$0x3C20] =	vst v0  }
0x2b: {  	[tilespmem:s0+$0x3C30] =	vst v0  }
0x2c: {  	[tilespmem:s0+$0x3C40] =	vst v0  }
0x2d: {  	[tilespmem:s0+$0x3C50] =	vst v0  }
0x2e: {  	[tilespmem:s0+$0x3C60] =	vst v0  }
0x2f: {  	[tilespmem:s0+$0x3C70] =	vst v0  }
0x30: {  	[spmem:s8] =	stream.linear.scatter [tilespmem:s23], [sflag:$0x3], $0x2400, $0x38;
	[tilespmem:$0x1E390] =	vst v63  }
0x31: {  	_ =	swait.ge [sflag:s20], $0x2400  }
0x32: {  	[sflag:s20] =	ssyncset.done $0x0  }
0x33: {  	[sflag:s20] =	ssyncadd.s32 $0xFFFFDC00  }
0x34: {  	[spmem:s9] =	stream.linear.scatter [tilespmem:s23], [sflag:$0x3], $0x2400, $0x38;
	[tilespmem:$0x1E390] =	vst v63  }
0x35: {  	_ =	swait.ge [sflag:s20], $0x2400  }
0x36: {  	[sflag:s20] =	ssyncset.done $0x0  }
0x37: {  	[sflag:s20] =	ssyncadd.s32 $0xFFFFDC00  }
0x38: {  	[spmem:s10] =	stream.linear.scatter [tilespmem:s23], [sflag:$0x3], $0x2400, $0x38;
	[tilespmem:$0x1E390] =	vst v63  }
0x39: {  	_ =	swait.ge [sflag:s20], $0x2400  }
0x3a: {  	[sflag:s20] =	ssyncset.done $0x0  }
0x3b: {  	[sflag:s20] =	ssyncadd.s32 $0xFFFFDC00  }
0x3c: {  	[spmem:s11] =	stream.linear.scatter [tilespmem:s23], [sflag:$0x3], $0x2400, $0x38;
	[tilespmem:$0x1E390] =	vst v63  }
0x3d: {  	_ =	swait.ge [sflag:s20], $0x2400  }
0x3e: {  	[sflag:s20] =	ssyncset.done $0x0  }
0x3f: {  	[sflag:s20] =	ssyncadd.s32 $0xFFFFDC00  }
0x40: {  	[spmem:s12] =	stream.linear.scatter [tilespmem:s23], [sflag:$0x3], $0x2400, $0x38;
	[tilespmem:$0x1E390] =	vst v63  }
0x41: {  	_ =	swait.ge [sflag:s20], $0x2400  }
0x42: {  	[sflag:s20] =	ssyncset.done $0x0  }
0x43: {  	[sflag:s20] =	ssyncadd.s32 $0xFFFFDC00  }
0x44: {  	[spmem:s13] =	stream.linear.scatter [tilespmem:s23], [sflag:$0x3], $0x2400, $0x38;
	[tilespmem:$0x1E390] =	vst v63  }
0x45: {  	_ =	swait.ge [sflag:s20], $0x2400  }
0x46: {  	[sflag:s20] =	ssyncset.done $0x0  }
0x47: {  	[sflag:s20] =	ssyncadd.s32 $0xFFFFDC00  }
0x48: {  	[spmem:s14] =	stream.linear.scatter [tilespmem:s23], [sflag:$0x3], $0x2400, $0x38;
	[tilespmem:$0x1E390] =	vst v63  }
0x49: {  	_ =	swait.ge [sflag:s20], $0x2400  }
0x4a: {  	[sflag:s20] =	ssyncset.done $0x0  }
0x4b: {  	[sflag:s20] =	ssyncadd.s32 $0xFFFFDC00  }
0x4c: {  	[spmem:s15] =	stream.linear.scatter [tilespmem:s23], [sflag:$0x3], $0x2400, $0x38;
	[tilespmem:$0x1E390] =	vst v63  }
0x4d: {  	_ =	swait.ge [sflag:s20], $0x2400  }
0x4e: {  	[sflag:s20] =	ssyncset.done $0x0  }
0x4f: {  	[sflag:s20] =	ssyncadd.s32 $0xFFFFDC00  }
0x50: {  	[spmem:s16] =	stream.linear.scatter [tilespmem:s23], [sflag:$0x3], $0x2400, $0x38;
	[tilespmem:$0x1E390] =	vst v63  }
0x51: {  	_ =	swait.ge [sflag:s20], $0x2400  }
0x52: {  	[sflag:s20] =	ssyncset.done $0x0  }
0x53: {  	[sflag:s20] =	ssyncadd.s32 $0xFFFFDC00  }
0x54: {  	[spmem:s17] =	stream.linear.scatter [tilespmem:s23], [sflag:$0x3], $0x1B90, $0x38;
	[tilespmem:$0x1E390] =	vst v63  }
0x55: {  	_ =	swait.ge [sflag:s20], $0x1B90  }
0x56: {  	[sflag:s20] =	ssyncset.done $0x0  }
0x57: {  	s22 =	simm.s32 $0x0;
	[sflag:s20] =	ssyncadd.s32 $0xFFFFE470  }
0x58: {  	[tilespmem:s23], [sflag:$0x1] =	stream.indirect.gather [hbm4b:s4+s24], $0x90, s22, s24, $0xb8;
	[tilespmem:$0x1E390] =	vst v63  }
0x59: {  	[bflag:$0x0] =	sbarrier.arrive $0xFFFF  }
0x5a: {  	_ =	swait.ge [sflag:s25], $0x2400  }
0x5b: {  	[sflag:s25] =	ssyncset.done $0x0  }
0x5c: {  	s21 =	simm.s32 $0x40;
	[sflag:s25] =	ssyncadd.s32 $0xFFFFDC00  }
0x5d: {  	[tilespmem:s26], [sflag:$0x2] =	stream.indirect.gather [hbm4b:s4+s24], $0x90, s21, s24, $0xb8;
	[tilespmem:$0x1E390] =	vst v63  }
0x5e: {  	s22 =	simm.s32 $0x1400  }
0x5f: {  	[spmem:s2] =	stream.indirect.scatter.add.f32 [tilespmem:s23], [sflag:$0x3], $0x90, s22, s24, $0xb8;
	[tilespmem:$0x1E390] =	vst v63  }
0x60: {  	_ =	swait.ge [sflag:s20], $0x2400  }
0x61: {  	[sflag:s20] =	ssyncset.done $0x0  }
0x62: {  	[sflag:s20] =	ssyncadd.s32 $0xFFFFDC00  }
0x63: {  	_ =	swait.ge [sflag:s28], $0x2400  }
0x64: {  	[sflag:s28] =	ssyncset.done $0x0  }
0x65: {  	s21 =	simm.s32 $0x80;
	[sflag:s28] =	ssyncadd.s32 $0xFFFFDC00  }
0x66: {  	[tilespmem:s23], [sflag:$0x1] =	stream.indirect.gather [hbm4b:s4+s24], $0x90, s21, s24, $0xb8;
	[tilespmem:$0x1E390] =	vst v63  }
0x67: {  	s22 =	simm.s32 $0x1440  }
0x68: {  	[spmem:s2] =	stream.indirect.scatter.add.f32 [tilespmem:s26], [sflag:$0x3], $0x90, s22, s24, $0xb8;
	[tilespmem:$0x1E390] =	vst v63  }
0x69: {  	_ =	swait.ge [sflag:s20], $0x2400  }
0x6a: {  	s0 =	simm.s32 $0x200;
	[sflag:s20] =	ssyncset.done $0x0  }
.LBB2_4:
0x6b: {  	p0 =	sne.s32 s0, $0x4C00  }
0x6c: {  	[sflag:s20] =	ssyncadd.s32 $0xFFFFDC00;
	s21 =	smov.u32 s0;
	s0 =	sadd.s32 $0x200, s0  }
0x6d: {  	_ = 	snop  }
0x6e: {  	_ =	swait.ge [sflag:s25], $0x2400  }
0x6f: {  	s21 =	sshra.s32 s21, $0x2;
	[sflag:s25] =	ssyncset.done $0x0  }
0x70: {  	s22 =	sadd.s32 $0x40, s21;
	[sflag:s25] =	ssyncadd.s32 $0xFFFFDC00  }
0x71: {  	[tilespmem:s26], [sflag:$0x2] =	stream.indirect.gather [hbm4b:s4+s24], $0x90, s22, s24, $0xb8;
	[tilespmem:$0x1E390] =	vst v63  }
0x72: {  	s22 =	sadd.s32 $0x1400, s21  }
0x73: {  	[spmem:s2] =	stream.indirect.scatter.add.f32 [tilespmem:s23], [sflag:$0x3], $0x90, s22, s24, $0xb8;
	[tilespmem:$0x1E390] =	vst v63  }
0x74: {  	_ =	swait.ge [sflag:s20], $0x2400  }
0x75: {  	[sflag:s20] =	ssyncset.done $0x0  }
0x76: {  	[sflag:s20] =	ssyncadd.s32 $0xFFFFDC00  }
0x77: {  	_ =	swait.ge [sflag:s28], $0x2400  }
0x78: {  	[sflag:s28] =	ssyncset.done $0x0  }
0x79: {  	s22 =	sadd.s32 $0x80, s21;
	[sflag:s28] =	ssyncadd.s32 $0xFFFFDC00  }
0x7a: {  	[tilespmem:s23], [sflag:$0x1] =	stream.indirect.gather [hbm4b:s4+s24], $0x90, s22, s24, $0xb8;
	[tilespmem:$0x1E390] =	vst v63  }
.Ltmp1:
0x7b: {  	_ = 	snop;
	(pc) =	sbr.rel @p0 .LBB2_4-.Ltmp1, $4  }
0x7c: {  	s21 =	sadd.s32 $0x1440, s21  }
0x7d: {  	[spmem:s2] =	stream.indirect.scatter.add.f32 [tilespmem:s26], [sflag:$0x3], $0x90, s21, s24, $0xb8;
	[tilespmem:$0x1E390] =	vst v63  }
0x7e: {  	_ =	swait.ge [sflag:s20], $0x2400  }
0x7f: {  	[sflag:s20] =	ssyncset.done $0x0  }
0x80: {  	[sflag:s20] =	ssyncadd.s32 $0xFFFFDC00  }
0x81: {  	_ =	swait.ge [sflag:s25], $0x2400  }
0x82: {  	[sflag:s25] =	ssyncset.done $0x0  }
0x83: {  	[sflag:s25] =	ssyncadd.s32 $0xFFFFDC00  }
0x84: {  	[tilespmem:s26], [sflag:$0x2] =	stream.indirect.gather [hbm4b:s4+s24], $0x90, s29, s24, $0xb8;
	[tilespmem:$0x1E390] =	vst v63  }
0x85: {  	_ = 	snop  }
0x86: {  	[spmem:s2] =	stream.indirect.scatter.add.f32 [tilespmem:s23], [sflag:$0x3], $0x90, s30, s24, $0xb8;
	[tilespmem:$0x1E390] =	vst v63  }
0x87: {  	_ =	swait.ge [sflag:s20], $0x2400  }
0x88: {  	[sflag:s20] =	ssyncset.done $0x0  }
0x89: {  	[sflag:s20] =	ssyncadd.s32 $0xFFFFDC00  }
0x8a: {  	_ =	swait.ge [sflag:s28], $0x2400  }
0x8b: {  	[sflag:s28] =	ssyncset.done $0x0  }
0x8c: {  	[sflag:s28] =	ssyncadd.s32 $0xFFFFDC00  }
0x8d: {  	[spmem:s2] =	stream.indirect.scatter.add.f32 [tilespmem:s26], [sflag:$0x3], $0x90, s31, s24, $0xb8;
	[tilespmem:$0x1E390] =	vst v63  }
0x8e: {  	s0 =	stileid.u32;
	_ =	swait.ge [sflag:s20], $0x2400  }
0x8f: {  	s21 =	sshrl.u32 s8, $0x3;
	s1 =	sadd.s32 $0x1, s1;
	[sflag:s20] =	ssyncset.done $0x0  }
0x90: {  	s0 =	sshll.u32 s0, $0x6;
	p0 =	sne.s32 s1, s19;
	[sflag:s20] =	ssyncadd.s32 $0xFFFFDC00  }
.Ltmp2:
0x91: {  	s0 =	sor.u32 $0x1C03, s0;
	[bflag:$0x0] =	sbarrier.arrive $0xFFFF;
	(pc) =	sbr.rel @p0 .LBB2_1-.Ltmp2, $4  }
0x92: {  	[hbm:s18], [sflag:s0] =	dma.local [spmem:s21], $0x2BF2  }
0x93: {  	_ =	swait.ge [sflag:s20], $0x2BF2  }
0x94: {  	[sflag:s20] =	ssyncset.done $0x0  }
0x95: {  	[sflag:s20] =	ssyncadd.s32 $0xFFFFD40E  }
0x96: {  	_ =	sfence.sel $0x180000  }
0x97: {  	[bflag:$0x0] =	sbarrier.arrive $0xFFFF  }
0x98: {  	_ =	strace $0x90000050  }
0x99: {  	s0 =	stileid.u32;
	[bflag:$0x2] =	sbarrier.arrive $0xFFFF  }
0x9a: {  	p0 =	sne.s32 s0, $0x0;
	s0 =	rddreg [dreg:$0x2]  }
0x9b: {  	s0 =	sadd.s32 @!p0 $0x100000, s0  }
0x9c: {  	[sflag:s0] =	ssyncadd.tile.s32 @!p0 $0x1;
	_ =	shalt  }
.Lfunc_end2:
_tile_overlayer_lowered:
.L_overlay_start_2:
0x9d: {  	(tag) =	ssettag $0x2  }
0x9e: {  	s0 =	rddreg [dreg:$0x0];
	s2 =	stileid.u32  }
0x9f: {  	s1 =	rddreg [dreg:$0x1];
	p0 =	sne.s32 s2, $0x0  }
0xa0: {  	s3 =	rddreg [dreg:$0x2];
	[bflag:$0x3] =	sbarrier.arrive $0xFFFF;
	s2 =	simm.s32 @!p0 $0x1C03  }
0xa1: {  	[timem:s3], [sflag:s2] =	dma.local @!p0 [hbm:s0], s1  }
0xa2: {  	s0 =	simm.s32 @!p0 $0x3  }
0xa3: {  	_ =	swait.ge @!p0 [sflag:s0], s1  }
0xa4: {  	s1 =	ssub.s32 @!p0 $0x0, s1;
	[sflag:s0] =	ssyncset.done @!p0 $0x0  }
0xa5: {  	[sflag:s0] =	ssyncadd.s32 @!p0 s1  }
0xa6: {  	[bflag:$0x3] =	sbarrier.arrive $0xFFFF  }
0xa7: {  	_ =	shalt  }

// kernel: kernel.32.cloned.1.call-start
scs
__scs_entry_jumppad:
0x0: {  	(pc) =	sbr.rel $0x88, $3  }
0x1: {  	(tag) =	ssettag $0x0;
	lr =	simm.s32 $0x1  }
0x2: {  	[smem:$0x3F83] =	sst lr;
	_ =	strace $0xD0000000  }
0x3: {  	_ = 	snop  }
0x4: {  	_ = 	snop  }
0x5: {  	_ = 	snop  }
0x6: {  	_ = 	snop  }
0x7: {  	_ = 	snop  }
__scs_overlays_trampoline_lowered:
0x8: {  	[smem:$0x3F92] =	sst s0  }
0x9: {  	[smem:$0x3F93] =	sst s1  }
0xa: {  	[smem:$0x3F94] =	sst s2  }
0xb: {  	[smem:$0x3F95] =	sst s3  }
0xc: {  	[smem:$0x3F96] =	sst s4  }
0xd: {  	[smem:$0x3F97] =	sst s5  }
0xe: {  	[smem:$0x3F98] =	sst s6  }
0xf: {  	[smem:$0x3F99] =	sst s7  }
0x10: {  	[smem:$0x3F9A] =	sst s8  }
0x11: {  	[smem:$0x3F9B] =	sst s9;
	s0 =	simm.s32 @!p0 $0x0  }
0x12: {  	s1 =	sld [smem:$0x3F81];
	s0 =	simm.s32 @p0 $0x1  }
0x13: {  	[smem:$0x3F9C] =	sst s0;
	s0 =	simm.s32 @!p1 $0x0  }
0x14: {  	s2 =	sld [smem:$0x3F80];
	s0 =	simm.s32 @p1 $0x1  }
0x15: {  	[smem:$0x3F9D] =	sst s0;
	s0 =	simm.s32 @!p2 $0x0  }
0x16: {  	s3 =	sld [smem:$0x3FDB];
	s0 =	simm.s32 @p2 $0x1  }
0x17: {  	s4 =	simm.s32 $0x1BF5;
	[smem:$0x3F9F] =	sst s0  }
0x18: {  	s0 =	sld [smem:$0x3F82];
	_ =	swait.ge [sflag:s4], $0x0  }
0x19: {  	s7 =	sld [smem:$0x3F83]  }
0x1a: {  	s8 =	sadd.s32 $0xFFFFE003, lr  }
0x1b: {  	s9 =	sadd.s32 $0xFFFFFEF7, lr;
	s5 =	simm.s32 $0xFFFFFFFF;
	p2 =	slt.u32 s8, $0xFFFFF086  }
0x1c: {  	p1 =	slt.u32 s9, $0xF7A;
	s5 =	simm.s32 @!p2 $0x0  }
0x1d: {  	s5 =	simm.s32 @p1 $0x1;
	p0 =	seq.s32 s7, s2  }
0x1e: {  	s7 =	smul.u32 @!p0 $0xF7A, s2;
	p2 =	seq.s32 @!p0 s5, $0x0  }
0x1f: {  	s9 =	smul.u32 $0xF7A, s1;
	s8 =	simm.s32 @!p0 $0x1BF5;
	p2 =	por !p2, p0  }
0x20: {  	[sflag:s8] =	ssyncset.s32 @!p0 $0xFFFFF086;
	s6 =	sadd.s32 @!p0 s3, s7;
	s7 =	simm.s32 @!p0 $0x108  }
0x21: {  	s3 =	sadd.s32 s3, s9;
	s6 =	sadd.s32 @!p0 $0x88, s6;
	s7 =	simm.s32 @p2 $0x1082  }
0x22: {  	[simem:s7], [sflag:s8] =	dma.local @!p0 [hbm:s6], $0xF7A  }
0x23: {  	s9 =	sor.u32 $0xD0000000, s2;
	s6 =	simm.s32 $0x108;
	_ =	swait.ge @!p0 [sflag:s8], $0x0  }
0x24: {  	s3 =	sadd.s32 $0x88, s3;
	s6 =	simm.s32 @!p1 $0x1082;
	[sflag:s4] =	ssyncset.s32 $0xFFFFF086  }
0x25: {  	[simem:s6], [sflag:s4] =	dma.local [hbm:s3], $0xF7A  }
0x26: {  	[smem:$0x3F83] =	sst s1;
	(tag) =	ssettag s2;
	_ =	strace s9  }
0x27: {  	s1 =	sld [smem:$0x3F93]  }
0x28: {  	s2 =	sld [smem:$0x3F94]  }
0x29: {  	s4 =	sld [smem:$0x3F96]  }
0x2a: {  	p0 =	seq.s32 s5, $0x0;
	s5 =	sld [smem:$0x3F97]  }
0x2b: {  	s6 =	sld [smem:$0x3F98]  }
0x2c: {  	s7 =	sld [smem:$0x3F99]  }
0x2d: {  	s3 =	simm.s32 $0x108;
	s8 =	sld [smem:$0x3F9A]  }
0x2e: {  	s3 =	simm.s32 @!p0 $0x1082;
	s9 =	sld [smem:$0x3F9B]  }
0x2f: {  	lr =	sadd.s32 s0, s3;
	s0 =	sld [smem:$0x3F92]  }
0x30: {  	s3 =	sld [smem:$0x3F95]  }
0x31: {  	[smem:$0x3F9E] =	sst s10  }
0x32: {  	s10 =	sld [smem:$0x3F9C];
	_ =	sdelay $0x3  }
0x33: {  	p0 =	seq.s32 s10, $0x1;
	s10 =	sld [smem:$0x3F9E];
	_ =	sdelay $0x3  }
0x34: {  	[smem:$0x3F9E] =	sst s10  }
0x35: {  	s10 =	sld [smem:$0x3F9D];
	_ =	sdelay $0x3  }
0x36: {  	p1 =	seq.s32 s10, $0x1;
	s10 =	sld [smem:$0x3F9E];
	_ =	sdelay $0x3  }
0x37: {  	[smem:$0x3F9E] =	sst s10  }
0x38: {  	s10 =	sld [smem:$0x3F9F]  }
0x39: {  	_ = 	snop;
	(pc) =	sbr.ind lr, $3  }
0x3a: {  	_ = 	snop  }
0x3b: {  	_ = 	snop  }
0x3c: {  	p2 =	seq.s32 s10, $0x1;
	s10 =	sld [smem:$0x3F9E]  }
0x3d: {  	_ =	shalt  }
0x3e: {  	_ =	shalt  }
0x3f: {  	_ =	shalt  }
0x40: {  	_ =	shalt  }
0x41: {  	_ =	shalt  }
0x42: {  	_ =	shalt  }
0x43: {  	_ =	shalt  }
0x44: {  	_ =	shalt  }
0x45: {  	_ =	shalt  }
0x46: {  	_ =	shalt  }
0x47: {  	_ =	shalt  }
0x48: {  	_ =	shalt  }
0x49: {  	_ =	shalt  }
0x4a: {  	_ =	shalt  }
0x4b: {  	_ =	shalt  }
0x4c: {  	_ =	shalt  }
0x4d: {  	_ =	shalt  }
0x4e: {  	_ =	shalt  }
0x4f: {  	_ =	shalt  }
0x50: {  	_ =	shalt  }
0x51: {  	_ =	shalt  }
0x52: {  	_ =	shalt  }
0x53: {  	_ =	shalt  }
0x54: {  	_ =	shalt  }
0x55: {  	_ =	shalt  }
0x56: {  	_ =	shalt  }
0x57: {  	_ =	shalt  }
0x58: {  	_ =	shalt  }
0x59: {  	_ =	shalt  }
0x5a: {  	_ =	shalt  }
0x5b: {  	_ =	shalt  }
0x5c: {  	_ =	shalt  }
0x5d: {  	_ =	shalt  }
0x5e: {  	_ =	shalt  }
0x5f: {  	_ =	shalt  }
0x60: {  	_ =	shalt  }
0x61: {  	_ =	shalt  }
0x62: {  	_ =	shalt  }
0x63: {  	_ =	shalt  }
0x64: {  	_ =	shalt  }
0x65: {  	_ =	shalt  }
0x66: {  	_ =	shalt  }
0x67: {  	_ =	shalt  }
0x68: {  	_ =	shalt  }
0x69: {  	_ =	shalt  }
0x6a: {  	_ =	shalt  }
0x6b: {  	_ =	shalt  }
0x6c: {  	_ =	shalt  }
0x6d: {  	_ =	shalt  }
0x6e: {  	_ =	shalt  }
0x6f: {  	_ =	shalt  }
0x70: {  	_ =	shalt  }
0x71: {  	_ =	shalt  }
0x72: {  	_ =	shalt  }
0x73: {  	_ =	shalt  }
0x74: {  	_ =	shalt  }
0x75: {  	_ =	shalt  }
0x76: {  	_ =	shalt  }
0x77: {  	_ =	shalt  }
0x78: {  	_ =	shalt  }
0x79: {  	_ =	shalt  }
0x7a: {  	_ =	shalt  }
0x7b: {  	_ =	shalt  }
0x7c: {  	_ =	shalt  }
0x7d: {  	_ =	shalt  }
0x7e: {  	_ =	shalt  }
0x7f: {  	_ =	shalt  }
0x80: {  	_ =	shalt  }
0x81: {  	_ =	shalt  }
0x82: {  	_ =	shalt  }
0x83: {  	_ =	shalt  }
0x84: {  	_ =	shalt  }
0x85: {  	_ =	shalt  }
0x86: {  	_ =	shalt  }
0x87: {  	_ =	shalt  }
.Lfunc_end0:
.L_simem_size_0:
called_computation.4_lowered:
.L_overlay_start_0:
0x88: {  	s2 =	sld [smem:$0x3FD9]  }
0x89: {  	s3 =	sld [smem:$0x3FFE];
	_ =	sdelay $0x1  }
0x8a: {  	s1 =	srdreg.scid  }
0x8b: {  	s0 =	sand.u32 $0x1, s1  }
0x8c: {  	s15 =	sshll.u32 s0, $0xA;
	s2 =	sadd.s32 s3, s2  }
0x8d: {  	s2 =	sadd.s32 s2, s15  }
0x8e: {  	[smem:$0x3FAA] =	sst s2  }
0x8f: {  	_ = 	snop  }
0x90: {  	s2 =	sld [smem:$0x3FD0];
	_ =	sdelay $0x2  }
0x91: {  	s16 =	simm.s32 $0xB;
	s4 =	simm.s32 $0x10  }
0x92: {  	[smem:s4], [sflag:s16] =	dma.local [hbm:s2], $0x1  }
0x93: {  	_ =	swait.eq [sflag:s16], $0x1  }
0x94: {  	[sflag:s16] =	ssyncset.done $0x0  }
0x95: {  	[sflag:s16] =	ssyncadd.s32 $0xFFFFFFFF  }
0x96: {  	s17 =	sld [smem:$0x10];
	(tm) =	ssettm $0x1  }
0x97: {  	s18 =	sld [smem:$0x3FFB];
	_ =	sdelay $0x3  }
0x98: {  	_ =	strace s18  }
0x99: {  	s2 =	sld [smem:$0x3FFC];
	_ =	sdelay $0x3  }
0x9a: {  	_ =	strace s2  }
0x9b: {  	s2 =	sld [smem:$0x3FFD];
	_ =	sdelay $0x3  }
0x9c: {  	_ =	strace s2  }
0x9d: {  	_ =	strace $0x8FFFFFFF  }
0x9e: {  	s19 =	sld [smem:$0x3FDB];
	_ =	sdelay $0x1  }
0x9f: {  	s20 =	simm.s32 $_scs_section_size  }
0xa0: {  	s5 =	simm.s32 $_size__tile_overlayer_lowered;
	s6 =	simm.s32 $_tile_overlayer_lowered  }
0xa1: {  	s7 =	simm.s32 $0x1BFF;
	s21 =	sshll.u32 s6, $0x1;
	s4 =	sadd.s32 s20, s19  }
0xa2: {  	s22 =	simm.s32 $0x0;
	s5 =	sshll.u32 s5, $0x1;
	s6 =	sadd.s32 s21, s4  }
0xa3: {  	[timem:s22], [sflag:s7] =	dma.local [hbm:s6], s5  }
0xa4: {  	_ =	swait.ge [sflag:s7], s5  }
0xa5: {  	s5 =	ssub.s32 $0x0, s5;
	[sflag:s7] =	ssyncset.done $0x0  }
0xa6: {  	[sflag:s7] =	ssyncadd.s32 s5;
	_ =	sdelay $0x1  }
0xa7: {  	s23 =	simm.s32 $0x1B8B  }
0xa8: {  	_ =	swait.ge [sflag:s23], $0x1  }
0xa9: {  	[sflag:s23] =	ssyncset.done $0x0  }
0xaa: {  	[sflag:s23] =	ssyncadd.s32 $0xFFFFFFFF  }
0xab: {  	s5 =	sld [smem:$0x0]  }
0xac: {  	s6 =	sand.u32 $0xFFFFFFFE, s1  }
0xad: {  	p0 =	sne.s32 s1, s6  }
0xae: {  	s6 =	sshll.u32 @p0 s6, $0xE  }
0xaf: {  	s6 =	sadd.s32 @p0 $0x11B8D, s6;
	s7 =	sshll.u32 @p0 s5, $0x11  }
0xb0: {  	s6 =	sor.u32 @p0 s7, s6  }
0xb1: {  	[sflag:s6] =	ssyncadd.remote.s32 @p0 $0x1;
	_ =	sdelay $0x1  }
0xb2: {  	s6 =	simm.s32 @p0 $0x1B8D  }
0xb3: {  	_ =	swait.eq @p0 [sflag:s6], $0x1  }
0xb4: {  	[sflag:s6] =	ssyncadd.s32 @p0 $0xFFFFFFFF  }
0xb5: {  	s7 =	sshll.u32 @!p0 s1, $0xE  }
0xb6: {  	s7 =	sor.u32 @!p0 $0x4000, s7;
	s6 =	simm.s32 @!p0 $0x1B8D  }
0xb7: {  	s5 =	sshll.u32 @!p0 s5, $0x11;
	s7 =	sadd.s32 @!p0 $0x11B8D, s7;
	_ =	swait.eq @!p0 [sflag:s6], $0x1  }
0xb8: {  	s5 =	sor.u32 @!p0 s5, s7;
	[sflag:s6] =	ssyncadd.s32 @!p0 $0xFFFFFFFF  }
0xb9: {  	s25 =	simm.s32 $0x1B8E;
	s24 =	sld [smem:$0x3FFE];
	[sflag:s5] =	ssyncadd.remote.s32 @!p0 $0x1  }
0xba: {  	s26 =	simm.s32 $execute0_lowered;
	[smem:$0x3FD2] =	sst s25  }
0xbb: {  	s6 =	sshll.u32 s26, $0x1;
	_ =	strace $0x80000055;
	[dreg:$0x1] =	wrdreg $0xFFFFFFFF  }
0xbc: {  	s28 =	simm.s32 $_size_execute0_lowered;
	s4 =	sadd.s32 s4, s6;
	[dreg:$0x0] =	wrdreg $0x0  }
0xbd: {  	s6 =	sshll.u32 s28, $0x1;
	[dreg:$0x2] =	wrdreg s4  }
0xbe: {  	[dreg:$0x3] =	wrdreg s6  }
0xbf: {  	[dreg:$0x4] =	wrdreg $0xC0  }
0xc0: {  	_ =	task [dreg:s22], $0x5FFFF  }
0xc1: {  	[dreg:$0x1] =	wrdreg $0xFFFFFFFF  }
0xc2: {  	[dreg:$0x0] =	wrdreg $0x60  }
0xc3: {  	[dreg:$0x2] =	wrdreg s24  }
0xc4: {  	[dreg:$0x3] =	wrdreg s17  }
0xc5: {  	[dreg:$0x4] =	wrdreg $0x9  }
0xc6: {  	_ =	task.clear_ibuf [dreg:s22], $0x5FFFF;
	_ =	strace $0x90000055  }
0xc7: {  	s29 =	simm.s32 $0x9;
	_ =	strace $0x80000057  }
0xc8: {  	_ =	swait.ge [sflag:s29], $0x1  }
0xc9: {  	[sflag:s29] =	ssyncadd.s32 $0xFFFFFFFF  }
0xca: {  	_ =	strace $0x90000057  }
0xcb: {  	_ =	sfence  }
0xcc: {  	s30 =	sld [smem:$0x0];
	_ =	sdelay $0x2  }
0xcd: {  	s31 =	sshll.u32 s1, $0xD;
	s1 =	sshrl.u32 s1, $0x2  }
0xce: {  	s4 =	sand.u32 $0x4000, s31;
	s1 =	sadd.s32 s1, s30  }
0xcf: {  	s0 =	sor.u32 s4, s0;
	s1 =	sshll.u32 s1, $0x11  }
0xd0: {  	s0 =	sor.u32 s1, s0  }
0xd1: {  	s0 =	sadd.s32 $0x8F2B, s0  }
0xd2: {  	[sflag:s0] =	ssyncadd.remote.s32 $0x1  }
0xd3: {  	_ =	sfence.sel $0xFFFF  }
0xd4: {  	[dreg:$0x0] =	wrdreg $0xFFFFFFFF;
	(pc) =	sbr.abs _section_cstart, $3  }
0xd5: {  	[dreg:$0x1] =	wrdreg $0xFFFFFFFF  }
0xd6: {  	_ =	task.clear_ibuf [dreg:s22], $0x2FFFF;
	_ =	strace $0x9FFFFFFF  }
0xd7: {  	(tm) =	ssettm $0x7FFFFFFF  }
tec
execute0_lowered:
.L_overlay_start_1:
0x0: {  	(tag) =	ssettag $0x1  }
0x1: {  	s0 =	srdreg.scid  }
0x2: {  	s12 =	sand.u32 $0x1, s0  }
0x3: {  	s0 =	stileid.u32;
	s1 =	sshll.u32 s12, $0x4  }
0x4: {  	s1 =	sor.u32 s0, s1  }
0x5: {  	s11 =	rddreg [dreg:$0x0];
	s8 =	smul.u32 $0x280, s1  }
0x6: {  	s7 =	rddreg [dreg:$0x1];
	s2 =	simm.s32 $0x0  }
0x7: {  	s3 =	simm.s32 $0x1;
	[smem:$0x7FF] =	sst s2;
	s13 =	sadd.s32 s8, s11  }
0x8: {  	s1 =	rddreg [dreg:$0x2];
	_ =	strace $0x80000056;
	s4 =	sadd.s32 $0x7200, s13  }
0x9: {  	[tilespmem:s2], [sflag:$0x1] =	stream.linear.gather [hbm4b:s4+s2], $0x1400, $0x38;
	[tilespmem:$0x9E20] =	vst v63  }
0xa: {  	_ =	swait.ge [sflag:s3], $0x1400  }
0xb: {  	[sflag:s3] =	ssyncset.done $0x0  }
0xc: {  	s6 =	simm.s32 $0x1400;
	s5 =	sadd.s32 $0xC200, s13;
	[sflag:s3] =	ssyncadd.s32 $0xFFFFEC00  }
0xd: {  	[tilespmem:s6], [sflag:$0x1] =	stream.linear.gather [hbm4b:s5+s2], $0x1400, $0x38;
	[tilespmem:$0x9E20] =	vst v63  }
0xe: {  	_ =	swait.ge [sflag:s3], $0x1400  }
0xf: {  	[sflag:s3] =	ssyncset.done $0x0  }
0x10: {  	s7 =	sadd.s32 s7, s8;
	s8 =	simm.s32 $0x2800;
	[sflag:s3] =	ssyncadd.s32 $0xFFFFEC00  }
0x11: {  	[tilespmem:s8], [sflag:$0x1] =	stream.linear.gather [hbm4b:s7+s2], $0x1400, $0x38;
	[tilespmem:$0x9E20] =	vst v63  }
0x12: {  	_ =	swait.ge [sflag:s3], $0x1400  }
0x13: {  	s10 =	simm.s32 $0x5000;
	[sflag:s3] =	ssyncset.done $0x0  }
0x14: {  	s9 =	sadd.s32 $0xB7A00, s11;
	s14 =	ssub.s32 $0x2, s12;
	[sflag:s3] =	ssyncadd.s32 $0xFFFFEC00  }
0x15: {  	[tilespmem:s10], [sflag:$0x1] =	stream.linear.gather [hbm4b:s9+s2], $0x2710, $0x38;
	[tilespmem:$0x9E20] =	vst v63  }
0x16: {  	s15 =	sshrl.u32 s14, $0x1;
	_ =	swait.ge [sflag:s3], $0x2710  }
0x17: {  	s12 =	simm.s32 $0x7710;
	s14 =	ssub.s32 s14, s15;
	[sflag:s3] =	ssyncset.done $0x0  }
0x18: {  	s15 =	smax.u32 s14, $0x1;
	s11 =	sadd.s32 $0x11200, s11;
	[sflag:s3] =	ssyncadd.s32 $0xFFFFD8F0  }
0x19: {  	[tilespmem:s12], [sflag:$0x1] =	stream.linear.gather [hbm4b:s11+s2], $0x2710, $0x38;
	[tilespmem:$0x9E20] =	vst v63  }
0x1a: {  	p0 =	sne.s32 s15, $0x1;
	_ =	swait.ge [sflag:s3], $0x2710  }
.Ltmp0:
0x1b: {  	[sflag:s3] =	ssyncset.done $0x0;
	(pc) =	sbr.rel @!p0 .LBB2_2-.Ltmp0, $4  }
0x1c: {  	s14 =	simm.s32 $0x3C00;
	s13 =	sadd.s32 $0x11800, s13;
	[sflag:s3] =	ssyncadd.s32 $0xFFFFD8F0  }
0x1d: {  	[hbm4b:s13+s2] =	stream.linear.scatter [tilespmem:s14], [sflag:$0x1], $0x1400, $0x38;
	[tilespmem:$0x9E20] =	vst v63  }
0x1e: {  	_ =	swait.ge [sflag:s3], $0x1400  }
0x1f: {  	s15 =	sadd.s32 $0xFFFFFFFF, s15;
	[sflag:s3] =	ssyncset.done $0x0  }
.LBB2_1:
0x20: {  	p0 =	sne.s32 s15, $0x1;
	s15 =	sadd.s32 $0xFFFFFFFF, s15;
	[sflag:s3] =	ssyncadd.s32 $0xFFFFEC00  }
0x21: {  	[tilespmem:s2], [sflag:$0x1] =	stream.linear.gather [hbm4b:s4+s2], $0x1400, $0x38;
	[tilespmem:$0x9E20] =	vst v63  }
0x22: {  	_ =	swait.ge [sflag:s3], $0x1400  }
0x23: {  	[sflag:s3] =	ssyncset.done $0x0  }
0x24: {  	[sflag:s3] =	ssyncadd.s32 $0xFFFFEC00  }
0x25: {  	[tilespmem:s6], [sflag:$0x1] =	stream.linear.gather [hbm4b:s5+s2], $0x1400, $0x38;
	[tilespmem:$0x9E20] =	vst v63  }
0x26: {  	_ =	swait.ge [sflag:s3], $0x1400  }
0x27: {  	[sflag:s3] =	ssyncset.done $0x0  }
0x28: {  	[sflag:s3] =	ssyncadd.s32 $0xFFFFEC00  }
0x29: {  	[tilespmem:s8], [sflag:$0x1] =	stream.linear.gather [hbm4b:s7+s2], $0x1400, $0x38;
	[tilespmem:$0x9E20] =	vst v63  }
0x2a: {  	_ =	swait.ge [sflag:s3], $0x1400  }
0x2b: {  	[sflag:s3] =	ssyncset.done $0x0  }
0x2c: {  	[sflag:s3] =	ssyncadd.s32 $0xFFFFEC00  }
0x2d: {  	[tilespmem:s10], [sflag:$0x1] =	stream.linear.gather [hbm4b:s9+s2], $0x2710, $0x38;
	[tilespmem:$0x9E20] =	vst v63  }
0x2e: {  	_ =	swait.ge [sflag:s3], $0x2710  }
0x2f: {  	[sflag:s3] =	ssyncset.done $0x0  }
0x30: {  	[sflag:s3] =	ssyncadd.s32 $0xFFFFD8F0  }
0x31: {  	[tilespmem:s12], [sflag:$0x1] =	stream.linear.gather [hbm4b:s11+s2], $0x2710, $0x38;
	[tilespmem:$0x9E20] =	vst v63  }
0x32: {  	_ =	swait.ge [sflag:s3], $0x2710  }
.Ltmp1:
0x33: {  	[sflag:s3] =	ssyncset.done $0x0;
	(pc) =	sbr.rel @p0 .LBB2_1-.Ltmp1, $4  }
0x34: {  	[sflag:s3] =	ssyncadd.s32 $0xFFFFD8F0  }
0x35: {  	[hbm4b:s13+s2] =	stream.linear.scatter [tilespmem:s14], [sflag:$0x1], $0x1400, $0x38;
	[tilespmem:$0x9E20] =	vst v63  }
0x36: {  	_ =	swait.ge [sflag:s3], $0x1400  }
0x37: {  	[sflag:s3] =	ssyncset.done $0x0  }
.LBB2_2:
0x38: {  	[sflag:s3] =	ssyncadd.s32 $0xFFFFEC00  }
0x39: {  	_ =	sfence.sel $0x180000  }
0x3a: {  	[bflag:$0x0] =	sbarrier.arrive $0xFFFF  }
0x3b: {  	p0 =	sne.s32 s0, $0x0;
	_ =	strace $0x90000056  }
0x3c: {  	s0 =	sadd.s32 @!p0 $0x100000, s1;
	[bflag:$0x2] =	sbarrier.arrive $0xFFFF  }
0x3d: {  	[sflag:s0] =	ssyncadd.tile.s32 @!p0 $0x1;
	_ =	shalt  }
.Lfunc_end2:
_tile_overlayer_lowered:
.L_overlay_start_2:
0x3e: {  	(tag) =	ssettag $0x2  }
0x3f: {  	s0 =	rddreg [dreg:$0x0];
	s2 =	stileid.u32  }
0x40: {  	s1 =	rddreg [dreg:$0x1];
	p0 =	sne.s32 s2, $0x0  }
0x41: {  	s3 =	rddreg [dreg:$0x2];
	[bflag:$0x3] =	sbarrier.arrive $0xFFFF;
	s2 =	simm.s32 @!p0 $0x1C01  }
0x42: {  	[timem:s3], [sflag:s2] =	dma.local @!p0 [hbm:s0], s1  }
0x43: {  	s0 =	simm.s32 @!p0 $0x1  }
0x44: {  	_ =	swait.ge @!p0 [sflag:s0], s1  }
0x45: {  	s1 =	ssub.s32 @!p0 $0x0, s1;
	[sflag:s0] =	ssyncset.done @!p0 $0x0  }
0x46: {  	[sflag:s0] =	ssyncadd.s32 @!p0 s1  }
0x47: {  	[bflag:$0x3] =	sbarrier.arrive $0xFFFF  }
0x48: {  	_ =	shalt  }

// kernel: kernel.35.cloned.1.call-start
scs
__scs_entry_jumppad:
0x0: {  	(pc) =	sbr.rel $0x88, $3  }
0x1: {  	(tag) =	ssettag $0x0;
	lr =	simm.s32 $0x1  }
0x2: {  	[smem:$0x3F83] =	sst lr;
	_ =	strace $0xD0000000  }
0x3: {  	_ = 	snop  }
0x4: {  	_ = 	snop  }
0x5: {  	_ = 	snop  }
0x6: {  	_ = 	snop  }
0x7: {  	_ = 	snop  }
__scs_overlays_trampoline_lowered:
0x8: {  	[smem:$0x3F92] =	sst s0  }
0x9: {  	[smem:$0x3F93] =	sst s1  }
0xa: {  	[smem:$0x3F94] =	sst s2  }
0xb: {  	[smem:$0x3F95] =	sst s3  }
0xc: {  	[smem:$0x3F96] =	sst s4  }
0xd: {  	[smem:$0x3F97] =	sst s5  }
0xe: {  	[smem:$0x3F98] =	sst s6  }
0xf: {  	[smem:$0x3F99] =	sst s7  }
0x10: {  	[smem:$0x3F9A] =	sst s8  }
0x11: {  	[smem:$0x3F9B] =	sst s9;
	s0 =	simm.s32 @!p0 $0x0  }
0x12: {  	s1 =	sld [smem:$0x3F81];
	s0 =	simm.s32 @p0 $0x1  }
0x13: {  	[smem:$0x3F9C] =	sst s0;
	s0 =	simm.s32 @!p1 $0x0  }
0x14: {  	s2 =	sld [smem:$0x3F80];
	s0 =	simm.s32 @p1 $0x1  }
0x15: {  	[smem:$0x3F9D] =	sst s0;
	s0 =	simm.s32 @!p2 $0x0  }
0x16: {  	s3 =	sld [smem:$0x3FDB];
	s0 =	simm.s32 @p2 $0x1  }
0x17: {  	s4 =	simm.s32 $0x1BF5;
	[smem:$0x3F9F] =	sst s0  }
0x18: {  	s0 =	sld [smem:$0x3F82];
	_ =	swait.ge [sflag:s4], $0x0  }
0x19: {  	s7 =	sld [smem:$0x3F83]  }
0x1a: {  	s8 =	sadd.s32 $0xFFFFE003, lr  }
0x1b: {  	s9 =	sadd.s32 $0xFFFFFEF7, lr;
	s5 =	simm.s32 $0xFFFFFFFF;
	p2 =	slt.u32 s8, $0xFFFFF086  }
0x1c: {  	p1 =	slt.u32 s9, $0xF7A;
	s5 =	simm.s32 @!p2 $0x0  }
0x1d: {  	s5 =	simm.s32 @p1 $0x1;
	p0 =	seq.s32 s7, s2  }
0x1e: {  	s7 =	smul.u32 @!p0 $0xF7A, s2;
	p2 =	seq.s32 @!p0 s5, $0x0  }
0x1f: {  	s9 =	smul.u32 $0xF7A, s1;
	s8 =	simm.s32 @!p0 $0x1BF5;
	p2 =	por !p2, p0  }
0x20: {  	[sflag:s8] =	ssyncset.s32 @!p0 $0xFFFFF086;
	s6 =	sadd.s32 @!p0 s3, s7;
	s7 =	simm.s32 @!p0 $0x108  }
0x21: {  	s3 =	sadd.s32 s3, s9;
	s6 =	sadd.s32 @!p0 $0x88, s6;
	s7 =	simm.s32 @p2 $0x1082  }
0x22: {  	[simem:s7], [sflag:s8] =	dma.local @!p0 [hbm:s6], $0xF7A  }
0x23: {  	s9 =	sor.u32 $0xD0000000, s2;
	s6 =	simm.s32 $0x108;
	_ =	swait.ge @!p0 [sflag:s8], $0x0  }
0x24: {  	s3 =	sadd.s32 $0x88, s3;
	s6 =	simm.s32 @!p1 $0x1082;
	[sflag:s4] =	ssyncset.s32 $0xFFFFF086  }
0x25: {  	[simem:s6], [sflag:s4] =	dma.local [hbm:s3], $0xF7A  }
0x26: {  	[smem:$0x3F83] =	sst s1;
	(tag) =	ssettag s2;
	_ =	strace s9  }
0x27: {  	s1 =	sld [smem:$0x3F93]  }
0x28: {  	s2 =	sld [smem:$0x3F94]  }
0x29: {  	s4 =	sld [smem:$0x3F96]  }
0x2a: {  	p0 =	seq.s32 s5, $0x0;
	s5 =	sld [smem:$0x3F97]  }
0x2b: {  	s6 =	sld [smem:$0x3F98]  }
0x2c: {  	s7 =	sld [smem:$0x3F99]  }
0x2d: {  	s3 =	simm.s32 $0x108;
	s8 =	sld [smem:$0x3F9A]  }
0x2e: {  	s3 =	simm.s32 @!p0 $0x1082;
	s9 =	sld [smem:$0x3F9B]  }
0x2f: {  	lr =	sadd.s32 s0, s3;
	s0 =	sld [smem:$0x3F92]  }
0x30: {  	s3 =	sld [smem:$0x3F95]  }
0x31: {  	[smem:$0x3F9E] =	sst s10  }
0x32: {  	s10 =	sld [smem:$0x3F9C];
	_ =	sdelay $0x3  }
0x33: {  	p0 =	seq.s32 s10, $0x1;
	s10 =	sld [smem:$0x3F9E];
	_ =	sdelay $0x3  }
0x34: {  	[smem:$0x3F9E] =	sst s10  }
0x35: {  	s10 =	sld [smem:$0x3F9D];
	_ =	sdelay $0x3  }
0x36: {  	p1 =	seq.s32 s10, $0x1;
	s10 =	sld [smem:$0x3F9E];
	_ =	sdelay $0x3  }
0x37: {  	[smem:$0x3F9E] =	sst s10  }
0x38: {  	s10 =	sld [smem:$0x3F9F]  }
0x39: {  	_ = 	snop;
	(pc) =	sbr.ind lr, $3  }
0x3a: {  	_ = 	snop  }
0x3b: {  	_ = 	snop  }
0x3c: {  	p2 =	seq.s32 s10, $0x1;
	s10 =	sld [smem:$0x3F9E]  }
0x3d: {  	_ =	shalt  }
0x3e: {  	_ =	shalt  }
0x3f: {  	_ =	shalt  }
0x40: {  	_ =	shalt  }
0x41: {  	_ =	shalt  }
0x42: {  	_ =	shalt  }
0x43: {  	_ =	shalt  }
0x44: {  	_ =	shalt  }
0x45: {  	_ =	shalt  }
0x46: {  	_ =	shalt  }
0x47: {  	_ =	shalt  }
0x48: {  	_ =	shalt  }
0x49: {  	_ =	shalt  }
0x4a: {  	_ =	shalt  }
0x4b: {  	_ =	shalt  }
0x4c: {  	_ =	shalt  }
0x4d: {  	_ =	shalt  }
0x4e: {  	_ =	shalt  }
0x4f: {  	_ =	shalt  }
0x50: {  	_ =	shalt  }
0x51: {  	_ =	shalt  }
0x52: {  	_ =	shalt  }
0x53: {  	_ =	shalt  }
0x54: {  	_ =	shalt  }
0x55: {  	_ =	shalt  }
0x56: {  	_ =	shalt  }
0x57: {  	_ =	shalt  }
0x58: {  	_ =	shalt  }
0x59: {  	_ =	shalt  }
0x5a: {  	_ =	shalt  }
0x5b: {  	_ =	shalt  }
0x5c: {  	_ =	shalt  }
0x5d: {  	_ =	shalt  }
0x5e: {  	_ =	shalt  }
0x5f: {  	_ =	shalt  }
0x60: {  	_ =	shalt  }
0x61: {  	_ =	shalt  }
0x62: {  	_ =	shalt  }
0x63: {  	_ =	shalt  }
0x64: {  	_ =	shalt  }
0x65: {  	_ =	shalt  }
0x66: {  	_ =	shalt  }
0x67: {  	_ =	shalt  }
0x68: {  	_ =	shalt  }
0x69: {  	_ =	shalt  }
0x6a: {  	_ =	shalt  }
0x6b: {  	_ =	shalt  }
0x6c: {  	_ =	shalt  }
0x6d: {  	_ =	shalt  }
0x6e: {  	_ =	shalt  }
0x6f: {  	_ =	shalt  }
0x70: {  	_ =	shalt  }
0x71: {  	_ =	shalt  }
0x72: {  	_ =	shalt  }
0x73: {  	_ =	shalt  }
0x74: {  	_ =	shalt  }
0x75: {  	_ =	shalt  }
0x76: {  	_ =	shalt  }
0x77: {  	_ =	shalt  }
0x78: {  	_ =	shalt  }
0x79: {  	_ =	shalt  }
0x7a: {  	_ =	shalt  }
0x7b: {  	_ =	shalt  }
0x7c: {  	_ =	shalt  }
0x7d: {  	_ =	shalt  }
0x7e: {  	_ =	shalt  }
0x7f: {  	_ =	shalt  }
0x80: {  	_ =	shalt  }
0x81: {  	_ =	shalt  }
0x82: {  	_ =	shalt  }
0x83: {  	_ =	shalt  }
0x84: {  	_ =	shalt  }
0x85: {  	_ =	shalt  }
0x86: {  	_ =	shalt  }
0x87: {  	_ =	shalt  }
.Lfunc_end0:
.L_simem_size_0:
called_computation.5_lowered:
.L_overlay_start_0:
0x88: {  	s2 =	sld [smem:$0x3FD9]  }
0x89: {  	s3 =	sld [smem:$0x3FFE];
	_ =	sdelay $0x1  }
0x8a: {  	s1 =	srdreg.scid  }
0x8b: {  	s0 =	sand.u32 $0x1, s1  }
0x8c: {  	s16 =	sshll.u32 s0, $0xA;
	s2 =	sadd.s32 s3, s2  }
0x8d: {  	s2 =	sadd.s32 s2, s16  }
0x8e: {  	[smem:$0x3FAA] =	sst s2  }
0x8f: {  	_ = 	snop  }
0x90: {  	(tm) =	ssettm $0x1  }
0x91: {  	s17 =	sld [smem:$0x3FFB];
	_ =	sdelay $0x3  }
0x92: {  	_ =	strace s17  }
0x93: {  	s2 =	sld [smem:$0x3FFC];
	_ =	sdelay $0x3  }
0x94: {  	_ =	strace s2  }
0x95: {  	s2 =	sld [smem:$0x3FFD];
	_ =	sdelay $0x3  }
0x96: {  	_ =	strace s2  }
0x97: {  	_ =	strace $0x8FFFFFFF  }
0x98: {  	s18 =	sld [smem:$0x3FDB];
	_ =	sdelay $0x1  }
0x99: {  	s19 =	simm.s32 $_scs_section_size  }
0x9a: {  	s4 =	simm.s32 $_size__tile_overlayer_lowered;
	s5 =	simm.s32 $_tile_overlayer_lowered  }
0x9b: {  	s22 =	simm.s32 $0x1BFF;
	s21 =	sshll.u32 s5, $0x1;
	s2 =	sadd.s32 s19, s18  }
0x9c: {  	s6 =	simm.s32 $0x0;
	s20 =	sshll.u32 s4, $0x1;
	s4 =	sadd.s32 s21, s2  }
0x9d: {  	[timem:s6], [sflag:s22] =	dma.local [hbm:s4], s20  }
0x9e: {  	_ =	swait.ge [sflag:s22], s20  }
0x9f: {  	s3 =	ssub.s32 $0x0, s20;
	[sflag:s22] =	ssyncset.done $0x0  }
0xa0: {  	[sflag:s22] =	ssyncadd.s32 s3;
	_ =	sdelay $0x1  }
0xa1: {  	s23 =	simm.s32 $0x1B8B  }
0xa2: {  	_ =	swait.ge [sflag:s23], $0x1  }
0xa3: {  	[sflag:s23] =	ssyncset.done $0x0  }
0xa4: {  	s25 =	simm.s32 $0x1B8E;
	s24 =	sld [smem:$0x3FFE];
	[sflag:s23] =	ssyncadd.s32 $0xFFFFFFFF  }
0xa5: {  	s26 =	simm.s32 $execute0_lowered;
	[smem:$0x3FD2] =	sst s25  }
0xa6: {  	s4 =	sshll.u32 s26, $0x1;
	_ =	strace $0x80000052;
	[dreg:$0x1] =	wrdreg $0xFFFFFFFF  }
0xa7: {  	s28 =	simm.s32 $_size_execute0_lowered;
	s2 =	sadd.s32 s2, s4;
	[dreg:$0x0] =	wrdreg $0x0  }
0xa8: {  	s4 =	sshll.u32 s28, $0x1;
	[dreg:$0x2] =	wrdreg s2  }
0xa9: {  	[dreg:$0x3] =	wrdreg s4  }
0xaa: {  	[dreg:$0x4] =	wrdreg $0xC0  }
0xab: {  	_ =	task [dreg:s6], $0x5FFFF  }
0xac: {  	[dreg:$0x1] =	wrdreg $0xFFFFFFFF  }
0xad: {  	[dreg:$0x0] =	wrdreg $0x60  }
0xae: {  	[dreg:$0x2] =	wrdreg s24  }
0xaf: {  	[dreg:$0x3] =	wrdreg $0xA  }
0xb0: {  	_ =	task.clear_ibuf [dreg:s6], $0x4FFFF;
	_ =	strace $0x90000052  }
0xb1: {  	s29 =	simm.s32 $0xA;
	_ =	strace $0x80000054  }
0xb2: {  	_ =	swait.ge [sflag:s29], $0x1  }
0xb3: {  	[sflag:s29] =	ssyncadd.s32 $0xFFFFFFFF  }
0xb4: {  	_ =	strace $0x90000054  }
0xb5: {  	_ =	sfence  }
0xb6: {  	s30 =	sld [smem:$0x0];
	_ =	sdelay $0x2  }
0xb7: {  	s31 =	sshll.u32 s1, $0xD;
	s1 =	sshrl.u32 s1, $0x2  }
0xb8: {  	s3 =	sand.u32 $0x4000, s31;
	s1 =	sadd.s32 s1, s30  }
0xb9: {  	s0 =	sor.u32 s3, s0;
	s1 =	sshll.u32 s1, $0x11  }
0xba: {  	s0 =	sor.u32 s1, s0  }
0xbb: {  	s0 =	sadd.s32 $0x8F2B, s0  }
0xbc: {  	[sflag:s0] =	ssyncadd.remote.s32 $0x1  }
0xbd: {  	_ =	sfence.sel $0xFFFF  }
0xbe: {  	[dreg:$0x0] =	wrdreg $0xFFFFFFFF;
	(pc) =	sbr.abs _section_cstart, $3  }
0xbf: {  	[dreg:$0x1] =	wrdreg $0xFFFFFFFF  }
0xc0: {  	_ =	task.clear_ibuf [dreg:s6], $0x2FFFF;
	_ =	strace $0x9FFFFFFF  }
0xc1: {  	(tm) =	ssettm $0x7FFFFFFF  }
tec
execute0_lowered:
.L_overlay_start_1:
0x0: {  	(tag) =	ssettag $0x1  }
0x1: {  	s0 =	srdreg.scid  }
0x2: {  	s12 =	sand.u32 $0x1, s0  }
0x3: {  	s0 =	stileid.u32;
	s1 =	sshll.u32 s12, $0x4  }
0x4: {  	s1 =	sor.u32 s0, s1  }
0x5: {  	s11 =	rddreg [dreg:$0x0];
	s2 =	simm.s32 $0x0;
	s3 =	smul.u32 $0x280, s1  }
0x6: {  	[smem:$0x7FF] =	sst s2  }
0x7: {  	s1 =	rddreg [dreg:$0x1];
	s13 =	sadd.s32 s3, s11  }
0x8: {  	_ =	strace $0x80000053;
	s3 =	simm.s32 $0x1;
	s4 =	sadd.s32 $0xB8200, s13  }
0x9: {  	[tilespmem:s2], [sflag:$0x1] =	stream.linear.gather [hbm4b:s4+s2], $0x1400, $0x38;
	[tilespmem:$0x9E20] =	vst v63  }
0xa: {  	_ =	swait.ge [sflag:s3], $0x1400  }
0xb: {  	[sflag:s3] =	ssyncset.done $0x0  }
0xc: {  	s6 =	simm.s32 $0x1400;
	s5 =	sadd.s32 $0xBD200, s13;
	[sflag:s3] =	ssyncadd.s32 $0xFFFFEC00  }
0xd: {  	[tilespmem:s6], [sflag:$0x1] =	stream.linear.gather [hbm4b:s5+s2], $0x1400, $0x38;
	[tilespmem:$0x9E20] =	vst v63  }
0xe: {  	_ =	swait.ge [sflag:s3], $0x1400  }
0xf: {  	[sflag:s3] =	ssyncset.done $0x0  }
0x10: {  	s8 =	simm.s32 $0x2800;
	s7 =	sadd.s32 $0xC2200, s13;
	[sflag:s3] =	ssyncadd.s32 $0xFFFFEC00  }
0x11: {  	[tilespmem:s8], [sflag:$0x1] =	stream.linear.gather [hbm4b:s7+s2], $0x1400, $0x38;
	[tilespmem:$0x9E20] =	vst v63  }
0x12: {  	_ =	swait.ge [sflag:s3], $0x1400  }
0x13: {  	s10 =	simm.s32 $0x5000;
	[sflag:s3] =	ssyncset.done $0x0  }
0x14: {  	s9 =	sadd.s32 $0xC7200, s11;
	s14 =	ssub.s32 $0x2, s12;
	[sflag:s3] =	ssyncadd.s32 $0xFFFFEC00  }
0x15: {  	[tilespmem:s10], [sflag:$0x1] =	stream.linear.gather [hbm4b:s9+s2], $0x2710, $0x38;
	[tilespmem:$0x9E20] =	vst v63  }
0x16: {  	s15 =	sshrl.u32 s14, $0x1;
	_ =	swait.ge [sflag:s3], $0x2710  }
0x17: {  	s12 =	simm.s32 $0x7710;
	s14 =	ssub.s32 s14, s15;
	[sflag:s3] =	ssyncset.done $0x0  }
0x18: {  	s15 =	smax.u32 s14, $0x1;
	s11 =	sadd.s32 $0xB7400, s11;
	[sflag:s3] =	ssyncadd.s32 $0xFFFFD8F0  }
0x19: {  	[tilespmem:s12], [sflag:$0x1] =	stream.linear.gather [hbm4b:s11+s2], $0x2710, $0x38;
	[tilespmem:$0x9E20] =	vst v63  }
0x1a: {  	p0 =	sne.s32 s15, $0x1;
	_ =	swait.ge [sflag:s3], $0x2710  }
.Ltmp0:
0x1b: {  	[sflag:s3] =	ssyncset.done $0x0;
	(pc) =	sbr.rel @!p0 .LBB2_2-.Ltmp0, $4  }
0x1c: {  	s14 =	simm.s32 $0x3C00;
	s13 =	sadd.s32 $0x38400, s13;
	[sflag:s3] =	ssyncadd.s32 $0xFFFFD8F0  }
0x1d: {  	[hbm4b:s13+s2] =	stream.linear.scatter [tilespmem:s14], [sflag:$0x1], $0x1400, $0x38;
	[tilespmem:$0x9E20] =	vst v63  }
0x1e: {  	_ =	swait.ge [sflag:s3], $0x1400  }
0x1f: {  	s15 =	sadd.s32 $0xFFFFFFFF, s15;
	[sflag:s3] =	ssyncset.done $0x0  }
.LBB2_1:
0x20: {  	p0 =	sne.s32 s15, $0x1;
	s15 =	sadd.s32 $0xFFFFFFFF, s15;
	[sflag:s3] =	ssyncadd.s32 $0xFFFFEC00  }
0x21: {  	[tilespmem:s2], [sflag:$0x1] =	stream.linear.gather [hbm4b:s4+s2], $0x1400, $0x38;
	[tilespmem:$0x9E20] =	vst v63  }
0x22: {  	_ =	swait.ge [sflag:s3], $0x1400  }
0x23: {  	[sflag:s3] =	ssyncset.done $0x0  }
0x24: {  	[sflag:s3] =	ssyncadd.s32 $0xFFFFEC00  }
0x25: {  	[tilespmem:s6], [sflag:$0x1] =	stream.linear.gather [hbm4b:s5+s2], $0x1400, $0x38;
	[tilespmem:$0x9E20] =	vst v63  }
0x26: {  	_ =	swait.ge [sflag:s3], $0x1400  }
0x27: {  	[sflag:s3] =	ssyncset.done $0x0  }
0x28: {  	[sflag:s3] =	ssyncadd.s32 $0xFFFFEC00  }
0x29: {  	[tilespmem:s8], [sflag:$0x1] =	stream.linear.gather [hbm4b:s7+s2], $0x1400, $0x38;
	[tilespmem:$0x9E20] =	vst v63  }
0x2a: {  	_ =	swait.ge [sflag:s3], $0x1400  }
0x2b: {  	[sflag:s3] =	ssyncset.done $0x0  }
0x2c: {  	[sflag:s3] =	ssyncadd.s32 $0xFFFFEC00  }
0x2d: {  	[tilespmem:s10], [sflag:$0x1] =	stream.linear.gather [hbm4b:s9+s2], $0x2710, $0x38;
	[tilespmem:$0x9E20] =	vst v63  }
0x2e: {  	_ =	swait.ge [sflag:s3], $0x2710  }
0x2f: {  	[sflag:s3] =	ssyncset.done $0x0  }
0x30: {  	[sflag:s3] =	ssyncadd.s32 $0xFFFFD8F0  }
0x31: {  	[tilespmem:s12], [sflag:$0x1] =	stream.linear.gather [hbm4b:s11+s2], $0x2710, $0x38;
	[tilespmem:$0x9E20] =	vst v63  }
0x32: {  	_ =	swait.ge [sflag:s3], $0x2710  }
.Ltmp1:
0x33: {  	[sflag:s3] =	ssyncset.done $0x0;
	(pc) =	sbr.rel @p0 .LBB2_1-.Ltmp1, $4  }
0x34: {  	[sflag:s3] =	ssyncadd.s32 $0xFFFFD8F0  }
0x35: {  	[hbm4b:s13+s2] =	stream.linear.scatter [tilespmem:s14], [sflag:$0x1], $0x1400, $0x38;
	[tilespmem:$0x9E20] =	vst v63  }
0x36: {  	_ =	swait.ge [sflag:s3], $0x1400  }
0x37: {  	[sflag:s3] =	ssyncset.done $0x0  }
.LBB2_2:
0x38: {  	[sflag:s3] =	ssyncadd.s32 $0xFFFFEC00  }
0x39: {  	_ =	sfence.sel $0x180000  }
0x3a: {  	[bflag:$0x0] =	sbarrier.arrive $0xFFFF  }
0x3b: {  	p0 =	sne.s32 s0, $0x0;
	_ =	strace $0x90000053  }
0x3c: {  	s0 =	sadd.s32 @!p0 $0x100000, s1;
	[bflag:$0x2] =	sbarrier.arrive $0xFFFF  }
0x3d: {  	[sflag:s0] =	ssyncadd.tile.s32 @!p0 $0x1;
	_ =	shalt  }
.Lfunc_end2:
_tile_overlayer_lowered:
.L_overlay_start_2:
0x3e: {  	(tag) =	ssettag $0x2  }
0x3f: {  	s0 =	rddreg [dreg:$0x0];
	s2 =	stileid.u32  }
0x40: {  	s1 =	rddreg [dreg:$0x1];
	p0 =	sne.s32 s2, $0x0  }
0x41: {  	s3 =	rddreg [dreg:$0x2];
	[bflag:$0x3] =	sbarrier.arrive $0xFFFF;
	s2 =	simm.s32 @!p0 $0x1C01  }
0x42: {  	[timem:s3], [sflag:s2] =	dma.local @!p0 [hbm:s0], s1  }
0x43: {  	s0 =	simm.s32 @!p0 $0x1  }
0x44: {  	_ =	swait.ge @!p0 [sflag:s0], s1  }
0x45: {  	s1 =	ssub.s32 @!p0 $0x0, s1;
	[sflag:s0] =	ssyncset.done @!p0 $0x0  }
0x46: {  	[sflag:s0] =	ssyncadd.s32 @!p0 s1  }
0x47: {  	[bflag:$0x3] =	sbarrier.arrive $0xFFFF  }
0x48: {  	_ =	shalt  }

// kernel: kernel.38.cloned.1.call-start
scs
__scs_entry_jumppad:
0x0: {  	(pc) =	sbr.rel $0x88, $3  }
0x1: {  	(tag) =	ssettag $0x0;
	lr =	simm.s32 $0x1  }
0x2: {  	[smem:$0x3F83] =	sst lr;
	_ =	strace $0xD0000000  }
0x3: {  	_ = 	snop  }
0x4: {  	_ = 	snop  }
0x5: {  	_ = 	snop  }
0x6: {  	_ = 	snop  }
0x7: {  	_ = 	snop  }
__scs_overlays_trampoline_lowered:
0x8: {  	[smem:$0x3F92] =	sst s0  }
0x9: {  	[smem:$0x3F93] =	sst s1  }
0xa: {  	[smem:$0x3F94] =	sst s2  }
0xb: {  	[smem:$0x3F95] =	sst s3  }
0xc: {  	[smem:$0x3F96] =	sst s4  }
0xd: {  	[smem:$0x3F97] =	sst s5  }
0xe: {  	[smem:$0x3F98] =	sst s6  }
0xf: {  	[smem:$0x3F99] =	sst s7  }
0x10: {  	[smem:$0x3F9A] =	sst s8  }
0x11: {  	[smem:$0x3F9B] =	sst s9;
	s0 =	simm.s32 @!p0 $0x0  }
0x12: {  	s1 =	sld [smem:$0x3F81];
	s0 =	simm.s32 @p0 $0x1  }
0x13: {  	[smem:$0x3F9C] =	sst s0;
	s0 =	simm.s32 @!p1 $0x0  }
0x14: {  	s2 =	sld [smem:$0x3F80];
	s0 =	simm.s32 @p1 $0x1  }
0x15: {  	[smem:$0x3F9D] =	sst s0;
	s0 =	simm.s32 @!p2 $0x0  }
0x16: {  	s3 =	sld [smem:$0x3FDB];
	s0 =	simm.s32 @p2 $0x1  }
0x17: {  	s4 =	simm.s32 $0x1BF5;
	[smem:$0x3F9F] =	sst s0  }
0x18: {  	s0 =	sld [smem:$0x3F82];
	_ =	swait.ge [sflag:s4], $0x0  }
0x19: {  	s7 =	sld [smem:$0x3F83]  }
0x1a: {  	s8 =	sadd.s32 $0xFFFFE003, lr  }
0x1b: {  	s9 =	sadd.s32 $0xFFFFFEF7, lr;
	s5 =	simm.s32 $0xFFFFFFFF;
	p2 =	slt.u32 s8, $0xFFFFF086  }
0x1c: {  	p1 =	slt.u32 s9, $0xF7A;
	s5 =	simm.s32 @!p2 $0x0  }
0x1d: {  	s5 =	simm.s32 @p1 $0x1;
	p0 =	seq.s32 s7, s2  }
0x1e: {  	s7 =	smul.u32 @!p0 $0xF7A, s2;
	p2 =	seq.s32 @!p0 s5, $0x0  }
0x1f: {  	s9 =	smul.u32 $0xF7A, s1;
	s8 =	simm.s32 @!p0 $0x1BF5;
	p2 =	por !p2, p0  }
0x20: {  	[sflag:s8] =	ssyncset.s32 @!p0 $0xFFFFF086;
	s6 =	sadd.s32 @!p0 s3, s7;
	s7 =	simm.s32 @!p0 $0x108  }
0x21: {  	s3 =	sadd.s32 s3, s9;
	s6 =	sadd.s32 @!p0 $0x88, s6;
	s7 =	simm.s32 @p2 $0x1082  }
0x22: {  	[simem:s7], [sflag:s8] =	dma.local @!p0 [hbm:s6], $0xF7A  }
0x23: {  	s9 =	sor.u32 $0xD0000000, s2;
	s6 =	simm.s32 $0x108;
	_ =	swait.ge @!p0 [sflag:s8], $0x0  }
0x24: {  	s3 =	sadd.s32 $0x88, s3;
	s6 =	simm.s32 @!p1 $0x1082;
	[sflag:s4] =	ssyncset.s32 $0xFFFFF086  }
0x25: {  	[simem:s6], [sflag:s4] =	dma.local [hbm:s3], $0xF7A  }
0x26: {  	[smem:$0x3F83] =	sst s1;
	(tag) =	ssettag s2;
	_ =	strace s9  }
0x27: {  	s1 =	sld [smem:$0x3F93]  }
0x28: {  	s2 =	sld [smem:$0x3F94]  }
0x29: {  	s4 =	sld [smem:$0x3F96]  }
0x2a: {  	p0 =	seq.s32 s5, $0x0;
	s5 =	sld [smem:$0x3F97]  }
0x2b: {  	s6 =	sld [smem:$0x3F98]  }
0x2c: {  	s7 =	sld [smem:$0x3F99]  }
0x2d: {  	s3 =	simm.s32 $0x108;
	s8 =	sld [smem:$0x3F9A]  }
0x2e: {  	s3 =	simm.s32 @!p0 $0x1082;
	s9 =	sld [smem:$0x3F9B]  }
0x2f: {  	lr =	sadd.s32 s0, s3;
	s0 =	sld [smem:$0x3F92]  }
0x30: {  	s3 =	sld [smem:$0x3F95]  }
0x31: {  	[smem:$0x3F9E] =	sst s10  }
0x32: {  	s10 =	sld [smem:$0x3F9C];
	_ =	sdelay $0x3  }
0x33: {  	p0 =	seq.s32 s10, $0x1;
	s10 =	sld [smem:$0x3F9E];
	_ =	sdelay $0x3  }
0x34: {  	[smem:$0x3F9E] =	sst s10  }
0x35: {  	s10 =	sld [smem:$0x3F9D];
	_ =	sdelay $0x3  }
0x36: {  	p1 =	seq.s32 s10, $0x1;
	s10 =	sld [smem:$0x3F9E];
	_ =	sdelay $0x3  }
0x37: {  	[smem:$0x3F9E] =	sst s10  }
0x38: {  	s10 =	sld [smem:$0x3F9F]  }
0x39: {  	_ = 	snop;
	(pc) =	sbr.ind lr, $3  }
0x3a: {  	_ = 	snop  }
0x3b: {  	_ = 	snop  }
0x3c: {  	p2 =	seq.s32 s10, $0x1;
	s10 =	sld [smem:$0x3F9E]  }
0x3d: {  	_ =	shalt  }
0x3e: {  	_ =	shalt  }
0x3f: {  	_ =	shalt  }
0x40: {  	_ =	shalt  }
0x41: {  	_ =	shalt  }
0x42: {  	_ =	shalt  }
0x43: {  	_ =	shalt  }
0x44: {  	_ =	shalt  }
0x45: {  	_ =	shalt  }
0x46: {  	_ =	shalt  }
0x47: {  	_ =	shalt  }
0x48: {  	_ =	shalt  }
0x49: {  	_ =	shalt  }
0x4a: {  	_ =	shalt  }
0x4b: {  	_ =	shalt  }
0x4c: {  	_ =	shalt  }
0x4d: {  	_ =	shalt  }
0x4e: {  	_ =	shalt  }
0x4f: {  	_ =	shalt  }
0x50: {  	_ =	shalt  }
0x51: {  	_ =	shalt  }
0x52: {  	_ =	shalt  }
0x53: {  	_ =	shalt  }
0x54: {  	_ =	shalt  }
0x55: {  	_ =	shalt  }
0x56: {  	_ =	shalt  }
0x57: {  	_ =	shalt  }
0x58: {  	_ =	shalt  }
0x59: {  	_ =	shalt  }
0x5a: {  	_ =	shalt  }
0x5b: {  	_ =	shalt  }
0x5c: {  	_ =	shalt  }
0x5d: {  	_ =	shalt  }
0x5e: {  	_ =	shalt  }
0x5f: {  	_ =	shalt  }
0x60: {  	_ =	shalt  }
0x61: {  	_ =	shalt  }
0x62: {  	_ =	shalt  }
0x63: {  	_ =	shalt  }
0x64: {  	_ =	shalt  }
0x65: {  	_ =	shalt  }
0x66: {  	_ =	shalt  }
0x67: {  	_ =	shalt  }
0x68: {  	_ =	shalt  }
0x69: {  	_ =	shalt  }
0x6a: {  	_ =	shalt  }
0x6b: {  	_ =	shalt  }
0x6c: {  	_ =	shalt  }
0x6d: {  	_ =	shalt  }
0x6e: {  	_ =	shalt  }
0x6f: {  	_ =	shalt  }
0x70: {  	_ =	shalt  }
0x71: {  	_ =	shalt  }
0x72: {  	_ =	shalt  }
0x73: {  	_ =	shalt  }
0x74: {  	_ =	shalt  }
0x75: {  	_ =	shalt  }
0x76: {  	_ =	shalt  }
0x77: {  	_ =	shalt  }
0x78: {  	_ =	shalt  }
0x79: {  	_ =	shalt  }
0x7a: {  	_ =	shalt  }
0x7b: {  	_ =	shalt  }
0x7c: {  	_ =	shalt  }
0x7d: {  	_ =	shalt  }
0x7e: {  	_ =	shalt  }
0x7f: {  	_ =	shalt  }
0x80: {  	_ =	shalt  }
0x81: {  	_ =	shalt  }
0x82: {  	_ =	shalt  }
0x83: {  	_ =	shalt  }
0x84: {  	_ =	shalt  }
0x85: {  	_ =	shalt  }
0x86: {  	_ =	shalt  }
0x87: {  	_ =	shalt  }
.Lfunc_end0:
.L_simem_size_0:
called_computation.6_lowered:
.L_overlay_start_0:
0x88: {  	s2 =	sld [smem:$0x3FD9]  }
0x89: {  	s3 =	sld [smem:$0x3FFE];
	_ =	sdelay $0x1  }
0x8a: {  	s1 =	srdreg.scid  }
0x8b: {  	s0 =	sand.u32 $0x1, s1  }
0x8c: {  	s17 =	sshll.u32 s0, $0xA;
	s2 =	sadd.s32 s3, s2  }
0x8d: {  	s2 =	sadd.s32 s2, s17  }
0x8e: {  	[smem:$0x3FAA] =	sst s2  }
0x8f: {  	_ = 	snop  }
0x90: {  	(tm) =	ssettm $0x1  }
0x91: {  	s18 =	sld [smem:$0x3FFB];
	_ =	sdelay $0x3  }
0x92: {  	_ =	strace s18  }
0x93: {  	s2 =	sld [smem:$0x3FFC];
	_ =	sdelay $0x3  }
0x94: {  	_ =	strace s2  }
0x95: {  	s2 =	sld [smem:$0x3FFD];
	_ =	sdelay $0x3  }
0x96: {  	_ =	strace s2  }
0x97: {  	_ =	strace $0x8FFFFFFF  }
0x98: {  	s19 =	sld [smem:$0x3FDB];
	_ =	sdelay $0x1  }
0x99: {  	s20 =	simm.s32 $_scs_section_size  }
0x9a: {  	s4 =	simm.s32 $_size__tile_overlayer_lowered;
	s5 =	simm.s32 $_tile_overlayer_lowered  }
0x9b: {  	s6 =	simm.s32 $0x1BFF;
	s21 =	sshll.u32 s5, $0x1;
	s3 =	sadd.s32 s20, s19  }
0x9c: {  	s22 =	simm.s32 $0x0;
	s4 =	sshll.u32 s4, $0x1;
	s5 =	sadd.s32 s21, s3  }
0x9d: {  	[timem:s22], [sflag:s6] =	dma.local [hbm:s5], s4  }
0x9e: {  	_ =	swait.ge [sflag:s6], s4  }
0x9f: {  	s4 =	ssub.s32 $0x0, s4;
	[sflag:s6] =	ssyncset.done $0x0  }
0xa0: {  	[sflag:s6] =	ssyncadd.s32 s4;
	_ =	sdelay $0x1  }
0xa1: {  	s23 =	simm.s32 $0x1B8B  }
0xa2: {  	_ =	swait.ge [sflag:s23], $0x1  }
0xa3: {  	[sflag:s23] =	ssyncset.done $0x0  }
0xa4: {  	[sflag:s23] =	ssyncadd.s32 $0xFFFFFFFF  }
0xa5: {  	s4 =	sld [smem:$0x0]  }
0xa6: {  	s5 =	sand.u32 $0xFFFFFFFE, s1  }
0xa7: {  	p0 =	sne.s32 s1, s5  }
0xa8: {  	s5 =	sshll.u32 @p0 s5, $0xE  }
0xa9: {  	s5 =	sadd.s32 @p0 $0x11B8D, s5;
	s6 =	sshll.u32 @p0 s4, $0x11  }
0xaa: {  	s5 =	sor.u32 @p0 s6, s5  }
0xab: {  	[sflag:s5] =	ssyncadd.remote.s32 @p0 $0x1;
	_ =	sdelay $0x1  }
0xac: {  	s5 =	simm.s32 @p0 $0x1B8D  }
0xad: {  	_ =	swait.eq @p0 [sflag:s5], $0x1  }
0xae: {  	[sflag:s5] =	ssyncadd.s32 @p0 $0xFFFFFFFF  }
0xaf: {  	s6 =	sshll.u32 @!p0 s1, $0xE  }
0xb0: {  	s6 =	sor.u32 @!p0 $0x4000, s6;
	s5 =	simm.s32 @!p0 $0x1B8D  }
0xb1: {  	s4 =	sshll.u32 @!p0 s4, $0x11;
	s6 =	sadd.s32 @!p0 $0x11B8D, s6;
	_ =	swait.eq @!p0 [sflag:s5], $0x1  }
0xb2: {  	s4 =	sor.u32 @!p0 s4, s6;
	[sflag:s5] =	ssyncadd.s32 @!p0 $0xFFFFFFFF  }
0xb3: {  	s25 =	simm.s32 $0x1B8E;
	s24 =	sld [smem:$0x3FFE];
	[sflag:s4] =	ssyncadd.remote.s32 @!p0 $0x1  }
0xb4: {  	s26 =	simm.s32 $execute0_lowered;
	[smem:$0x3FD2] =	sst s25  }
0xb5: {  	s5 =	sshll.u32 s26, $0x1;
	_ =	strace $0x8000005B;
	[dreg:$0x1] =	wrdreg $0xFFFFFFFF  }
0xb6: {  	s28 =	simm.s32 $_size_execute0_lowered;
	s3 =	sadd.s32 s3, s5;
	[dreg:$0x0] =	wrdreg $0x0  }
0xb7: {  	s5 =	sshll.u32 s28, $0x1;
	[dreg:$0x2] =	wrdreg s3  }
0xb8: {  	[dreg:$0x3] =	wrdreg s5  }
0xb9: {  	[dreg:$0x4] =	wrdreg $0xC0  }
0xba: {  	_ =	task [dreg:s22], $0x5FFFF  }
0xbb: {  	[dreg:$0x1] =	wrdreg $0xFFFFFFFF  }
0xbc: {  	[dreg:$0x0] =	wrdreg $0x60  }
0xbd: {  	[dreg:$0x2] =	wrdreg s24  }
0xbe: {  	[dreg:$0x3] =	wrdreg $0x84000  }
0xbf: {  	[dreg:$0x4] =	wrdreg $0x9  }
0xc0: {  	_ =	task.clear_ibuf [dreg:s22], $0x5FFFF;
	_ =	strace $0x9000005B  }
0xc1: {  	s29 =	simm.s32 $0x9;
	_ =	strace $0x8000005D  }
0xc2: {  	_ =	swait.ge [sflag:s29], $0x1  }
0xc3: {  	[sflag:s29] =	ssyncadd.s32 $0xFFFFFFFF  }
0xc4: {  	_ =	strace $0x9000005D  }
0xc5: {  	_ =	sfence  }
0xc6: {  	s30 =	sld [smem:$0x0];
	_ =	sdelay $0x2  }
0xc7: {  	s31 =	sshll.u32 s1, $0xD;
	s1 =	sshrl.u32 s1, $0x2  }
0xc8: {  	s4 =	sand.u32 $0x4000, s31;
	s1 =	sadd.s32 s1, s30  }
0xc9: {  	s0 =	sor.u32 s4, s0;
	s1 =	sshll.u32 s1, $0x11  }
0xca: {  	s0 =	sor.u32 s1, s0  }
0xcb: {  	s0 =	sadd.s32 $0x8F2B, s0  }
0xcc: {  	[sflag:s0] =	ssyncadd.remote.s32 $0x1  }
0xcd: {  	_ =	sfence.sel $0xFFFF  }
0xce: {  	[dreg:$0x0] =	wrdreg $0xFFFFFFFF;
	(pc) =	sbr.abs _section_cstart, $3  }
0xcf: {  	[dreg:$0x1] =	wrdreg $0xFFFFFFFF  }
0xd0: {  	_ =	task.clear_ibuf [dreg:s22], $0x2FFFF;
	_ =	strace $0x9FFFFFFF  }
0xd1: {  	(tm) =	ssettm $0x7FFFFFFF  }
tec
execute0_lowered:
.L_overlay_start_1:
0x0: {  	(tag) =	ssettag $0x1  }
0x1: {  	s0 =	srdreg.scid;
	s5 =	rddreg [dreg:$0x0]  }
0x2: {  	s7 =	stileid.u32;
	s2 =	rddreg [dreg:$0x1]  }
0x3: {  	s3 =	simm.s32 $0x0;
	s20 =	simm.s32 $0x3;
	s23 =	simm.s32 $0x3C00  }
0x4: {  	s24 =	simm.s32 $0x40;
	s28 =	simm.s32 $0x2;
	s29 =	simm.s32 $0x13C0  }
0x5: {  	s30 =	simm.s32 $0x2780;
	s31 =	simm.s32 $0x27C0;
	s0 =	sand.u32 $0x1, s0  }
0x6: {  	s8 =	smul.u32 $0x15F90, s7;
	[smem:$0x7FF] =	sst s3;
	s1 =	sshll.u32 s0, $0x4  }
0x7: {  	s4 =	smul.u32 $0x15F900, s0;
	_ =	strace $0x8000005C;
	s0 =	ssub.s32 $0x2, s0  }
0x8: {  	s1 =	sor.u32 s7, s1;
	s7 =	smul.u32 $0x57E40, s7;
	s25 =	sshrl.u32 s0, $0x1  }
0x9: {  	s1 =	smul.u32 $0x280, s1;
	s4 =	sadd.s32 s8, s4;
	s0 =	ssub.s32 s0, s25  }
0xa: {  	s8 =	sadd.s32 s8, s2;
	s25 =	simm.s32 $0x1;
	s6 =	sshrl.u32 s4, $0x3  }
0xb: {  	s4 =	sadd.s32 $0x69400, s5;
	s9 =	sshrl.u32 s7, $0x2;
	s19 =	smax.u32 s0, $0x1  }
0xc: {  	s1 =	sadd.s32 s1, s5;
	s18 =	sadd.s32 s6, s5;
	s26 =	sadd.s32 s9, s2  }
0xd: {  	s5 =	sadd.s32 $0x7200, s1;
	s6 =	sadd.s32 $0xC200, s1;
	s7 =	sadd.s32 $0x11800, s1  }
0xe: {  	s9 =	sadd.s32 $0x2400, s26;
	s10 =	sadd.s32 $0x4800, s26;
	s11 =	sadd.s32 $0x6C00, s26  }
0xf: {  	s12 =	sadd.s32 $0x9000, s26;
	s13 =	sadd.s32 $0xB400, s26;
	s14 =	sadd.s32 $0xD800, s26  }
0x10: {  	s15 =	sadd.s32 $0xFC00, s26;
	s16 =	sadd.s32 $0x12000, s26;
	s17 =	sadd.s32 $0x14400, s26  }
0x11: {  	v0 =	vimm.f32 $0.0e+00;
	s18 =	sadd.s32 $0x16DA00, s18;
	s26 =	simm.s32 $0x6000;
	s1 =	simm.s32 $0x0  }
.LBB2_1:
0x12: {  	[tilespmem:s3], [sflag:$0x3] =	stream.linear.gather [hbm4b:s5+s3], $0x1400, $0x38;
	[tilespmem:$0x1E390] =	vst v63  }
0x13: {  	_ =	swait.ge [sflag:s20], $0x1400  }
0x14: {  	[sflag:s20] =	ssyncset.done $0x0  }
0x15: {  	s0 =	simm.s32 $0x1400;
	[sflag:s20] =	ssyncadd.s32 $0xFFFFEC00  }
0x16: {  	[tilespmem:s0], [sflag:$0x3] =	stream.linear.gather [hbm4b:s6+s3], $0x1400, $0x38;
	[tilespmem:$0x1E390] =	vst v63  }
0x17: {  	_ =	swait.ge [sflag:s20], $0x1400  }
0x18: {  	[sflag:s20] =	ssyncset.done $0x0  }
0x19: {  	s22 =	simm.s32 $0x2800;
	[sflag:s20] =	ssyncadd.s32 $0xFFFFEC00  }
0x1a: {  	[tilespmem:s22], [sflag:$0x3] =	stream.linear.gather [hbm4b:s7+s3], $0x1400, $0x38;
	[tilespmem:$0x1E390] =	vst v63  }
0x1b: {  	_ =	swait.ge [sflag:s20], $0x1400  }
0x1c: {  	[sflag:s20] =	ssyncset.done $0x0  }
0x1d: {  	s21 =	simm.s32 $0x240;
	s0 =	simm.s32 $0x0;
	[sflag:s20] =	ssyncadd.s32 $0xFFFFEC00  }
.LBB2_2:
0x1e: {  	p0 =	sne.s32 s21, $0x8DC0;
	[tilespmem:s0+$0x3C80] =	vst v0  }
0x1f: {  	[tilespmem:s0+$0x3C00] =	vst v0  }
0x20: {  	[tilespmem:s0+$0x3C10] =	vst v0  }
0x21: {  	[tilespmem:s0+$0x3C20] =	vst v0  }
.Ltmp0:
0x22: {  	[tilespmem:s0+$0x3C30] =	vst v0;
	(pc) =	sbr.rel @p0 .LBB2_2-.Ltmp0, $4  }
0x23: {  	[tilespmem:s0+$0x3C40] =	vst v0  }
0x24: {  	[tilespmem:s0+$0x3C50] =	vst v0  }
0x25: {  	[tilespmem:s0+$0x3C60] =	vst v0  }
0x26: {  	[tilespmem:s0+$0x3C70] =	vst v0;
	s0 =	sshra.s32 s21, $0x2;
	s21 =	sadd.s32 $0x240, s21  }
0x27: {  	[tilespmem:s0+$0x3C80] =	vst v0  }
0x28: {  	[tilespmem:s0+$0x3C00] =	vst v0  }
0x29: {  	[tilespmem:s0+$0x3C10] =	vst v0  }
0x2a: {  	[tilespmem:s0+$0x3C20] =	vst v0  }
0x2b: {  	[tilespmem:s0+$0x3C30] =	vst v0  }
0x2c: {  	[tilespmem:s0+$0x3C40] =	vst v0  }
0x2d: {  	[tilespmem:s0+$0x3C50] =	vst v0  }
0x2e: {  	[tilespmem:s0+$0x3C60] =	vst v0  }
0x2f: {  	[tilespmem:s0+$0x3C70] =	vst v0  }
0x30: {  	[spmem:s8] =	stream.linear.scatter [tilespmem:s23], [sflag:$0x3], $0x2400, $0x38;
	[tilespmem:$0x1E390] =	vst v63  }
0x31: {  	_ =	swait.ge [sflag:s20], $0x2400  }
0x32: {  	[sflag:s20] =	ssyncset.done $0x0  }
0x33: {  	[sflag:s20] =	ssyncadd.s32 $0xFFFFDC00  }
0x34: {  	[spmem:s9] =	stream.linear.scatter [tilespmem:s23], [sflag:$0x3], $0x2400, $0x38;
	[tilespmem:$0x1E390] =	vst v63  }
0x35: {  	_ =	swait.ge [sflag:s20], $0x2400  }
0x36: {  	[sflag:s20] =	ssyncset.done $0x0  }
0x37: {  	[sflag:s20] =	ssyncadd.s32 $0xFFFFDC00  }
0x38: {  	[spmem:s10] =	stream.linear.scatter [tilespmem:s23], [sflag:$0x3], $0x2400, $0x38;
	[tilespmem:$0x1E390] =	vst v63  }
0x39: {  	_ =	swait.ge [sflag:s20], $0x2400  }
0x3a: {  	[sflag:s20] =	ssyncset.done $0x0  }
0x3b: {  	[sflag:s20] =	ssyncadd.s32 $0xFFFFDC00  }
0x3c: {  	[spmem:s11] =	stream.linear.scatter [tilespmem:s23], [sflag:$0x3], $0x2400, $0x38;
	[tilespmem:$0x1E390] =	vst v63  }
0x3d: {  	_ =	swait.ge [sflag:s20], $0x2400  }
0x3e: {  	[sflag:s20] =	ssyncset.done $0x0  }
0x3f: {  	[sflag:s20] =	ssyncadd.s32 $0xFFFFDC00  }
0x40: {  	[spmem:s12] =	stream.linear.scatter [tilespmem:s23], [sflag:$0x3], $0x2400, $0x38;
	[tilespmem:$0x1E390] =	vst v63  }
0x41: {  	_ =	swait.ge [sflag:s20], $0x2400  }
0x42: {  	[sflag:s20] =	ssyncset.done $0x0  }
0x43: {  	[sflag:s20] =	ssyncadd.s32 $0xFFFFDC00  }
0x44: {  	[spmem:s13] =	stream.linear.scatter [tilespmem:s23], [sflag:$0x3], $0x2400, $0x38;
	[tilespmem:$0x1E390] =	vst v63  }
0x45: {  	_ =	swait.ge [sflag:s20], $0x2400  }
0x46: {  	[sflag:s20] =	ssyncset.done $0x0  }
0x47: {  	[sflag:s20] =	ssyncadd.s32 $0xFFFFDC00  }
0x48: {  	[spmem:s14] =	stream.linear.scatter [tilespmem:s23], [sflag:$0x3], $0x2400, $0x38;
	[tilespmem:$0x1E390] =	vst v63  }
0x49: {  	_ =	swait.ge [sflag:s20], $0x2400  }
0x4a: {  	[sflag:s20] =	ssyncset.done $0x0  }
0x4b: {  	[sflag:s20] =	ssyncadd.s32 $0xFFFFDC00  }
0x4c: {  	[spmem:s15] =	stream.linear.scatter [tilespmem:s23], [sflag:$0x3], $0x2400, $0x38;
	[tilespmem:$0x1E390] =	vst v63  }
0x4d: {  	_ =	swait.ge [sflag:s20], $0x2400  }
0x4e: {  	[sflag:s20] =	ssyncset.done $0x0  }
0x4f: {  	[sflag:s20] =	ssyncadd.s32 $0xFFFFDC00  }
0x50: {  	[spmem:s16] =	stream.linear.scatter [tilespmem:s23], [sflag:$0x3], $0x2400, $0x38;
	[tilespmem:$0x1E390] =	vst v63  }
0x51: {  	_ =	swait.ge [sflag:s20], $0x2400  }
0x52: {  	[sflag:s20] =	ssyncset.done $0x0  }
0x53: {  	[sflag:s20] =	ssyncadd.s32 $0xFFFFDC00  }
0x54: {  	[spmem:s17] =	stream.linear.scatter [tilespmem:s23], [sflag:$0x3], $0x1B90, $0x38;
	[tilespmem:$0x1E390] =	vst v63  }
0x55: {  	_ =	swait.ge [sflag:s20], $0x1B90  }
0x56: {  	[sflag:s20] =	ssyncset.done $0x0  }
0x57: {  	s22 =	simm.s32 $0x0;
	[sflag:s20] =	ssyncadd.s32 $0xFFFFE470  }
0x58: {  	[tilespmem:s23], [sflag:$0x1] =	stream.indirect.gather [hbm4b:s4+s24], $0x90, s22, s24, $0xb8;
	[tilespmem:$0x1E390] =	vst v63  }
0x59: {  	[bflag:$0x0] =	sbarrier.arrive $0xFFFF  }
0x5a: {  	_ =	swait.ge [sflag:s25], $0x2400  }
0x5b: {  	[sflag:s25] =	ssyncset.done $0x0  }
0x5c: {  	s21 =	simm.s32 $0x40;
	[sflag:s25] =	ssyncadd.s32 $0xFFFFDC00  }
0x5d: {  	[tilespmem:s26], [sflag:$0x2] =	stream.indirect.gather [hbm4b:s4+s24], $0x90, s21, s24, $0xb8;
	[tilespmem:$0x1E390] =	vst v63  }
0x5e: {  	s22 =	simm.s32 $0x1400  }
0x5f: {  	[spmem:s2] =	stream.indirect.scatter.add.f32 [tilespmem:s23], [sflag:$0x3], $0x90, s22, s24, $0xb8;
	[tilespmem:$0x1E390] =	vst v63  }
0x60: {  	_ =	swait.ge [sflag:s20], $0x2400  }
0x61: {  	[sflag:s20] =	ssyncset.done $0x0  }
0x62: {  	[sflag:s20] =	ssyncadd.s32 $0xFFFFDC00  }
0x63: {  	_ =	swait.ge [sflag:s28], $0x2400  }
0x64: {  	[sflag:s28] =	ssyncset.done $0x0  }
0x65: {  	s21 =	simm.s32 $0x80;
	[sflag:s28] =	ssyncadd.s32 $0xFFFFDC00  }
0x66: {  	[tilespmem:s23], [sflag:$0x1] =	stream.indirect.gather [hbm4b:s4+s24], $0x90, s21, s24, $0xb8;
	[tilespmem:$0x1E390] =	vst v63  }
0x67: {  	s22 =	simm.s32 $0x1440  }
0x68: {  	[spmem:s2] =	stream.indirect.scatter.add.f32 [tilespmem:s26], [sflag:$0x3], $0x90, s22, s24, $0xb8;
	[tilespmem:$0x1E390] =	vst v63  }
0x69: {  	_ =	swait.ge [sflag:s20], $0x2400  }
0x6a: {  	s0 =	simm.s32 $0x200;
	[sflag:s20] =	ssyncset.done $0x0  }
.LBB2_4:
0x6b: {  	p0 =	sne.s32 s0, $0x4C00  }
0x6c: {  	[sflag:s20] =	ssyncadd.s32 $0xFFFFDC00;
	s21 =	smov.u32 s0;
	s0 =	sadd.s32 $0x200, s0  }
0x6d: {  	_ = 	snop  }
0x6e: {  	_ =	swait.ge [sflag:s25], $0x2400  }
0x6f: {  	s21 =	sshra.s32 s21, $0x2;
	[sflag:s25] =	ssyncset.done $0x0  }
0x70: {  	s22 =	sadd.s32 $0x40, s21;
	[sflag:s25] =	ssyncadd.s32 $0xFFFFDC00  }
0x71: {  	[tilespmem:s26], [sflag:$0x2] =	stream.indirect.gather [hbm4b:s4+s24], $0x90, s22, s24, $0xb8;
	[tilespmem:$0x1E390] =	vst v63  }
0x72: {  	s22 =	sadd.s32 $0x1400, s21  }
0x73: {  	[spmem:s2] =	stream.indirect.scatter.add.f32 [tilespmem:s23], [sflag:$0x3], $0x90, s22, s24, $0xb8;
	[tilespmem:$0x1E390] =	vst v63  }
0x74: {  	_ =	swait.ge [sflag:s20], $0x2400  }
0x75: {  	[sflag:s20] =	ssyncset.done $0x0  }
0x76: {  	[sflag:s20] =	ssyncadd.s32 $0xFFFFDC00  }
0x77: {  	_ =	swait.ge [sflag:s28], $0x2400  }
0x78: {  	[sflag:s28] =	ssyncset.done $0x0  }
0x79: {  	s22 =	sadd.s32 $0x80, s21;
	[sflag:s28] =	ssyncadd.s32 $0xFFFFDC00  }
0x7a: {  	[tilespmem:s23], [sflag:$0x1] =	stream.indirect.gather [hbm4b:s4+s24], $0x90, s22, s24, $0xb8;
	[tilespmem:$0x1E390] =	vst v63  }
.Ltmp1:
0x7b: {  	_ = 	snop;
	(pc) =	sbr.rel @p0 .LBB2_4-.Ltmp1, $4  }
0x7c: {  	s21 =	sadd.s32 $0x1440, s21  }
0x7d: {  	[spmem:s2] =	stream.indirect.scatter.add.f32 [tilespmem:s26], [sflag:$0x3], $0x90, s21, s24, $0xb8;
	[tilespmem:$0x1E390] =	vst v63  }
0x7e: {  	_ =	swait.ge [sflag:s20], $0x2400  }
0x7f: {  	[sflag:s20] =	ssyncset.done $0x0  }
0x80: {  	[sflag:s20] =	ssyncadd.s32 $0xFFFFDC00  }
0x81: {  	_ =	swait.ge [sflag:s25], $0x2400  }
0x82: {  	[sflag:s25] =	ssyncset.done $0x0  }
0x83: {  	[sflag:s25] =	ssyncadd.s32 $0xFFFFDC00  }
0x84: {  	[tilespmem:s26], [sflag:$0x2] =	stream.indirect.gather [hbm4b:s4+s24], $0x90, s29, s24, $0xb8;
	[tilespmem:$0x1E390] =	vst v63  }
0x85: {  	_ = 	snop  }
0x86: {  	[spmem:s2] =	stream.indirect.scatter.add.f32 [tilespmem:s23], [sflag:$0x3], $0x90, s30, s24, $0xb8;
	[tilespmem:$0x1E390] =	vst v63  }
0x87: {  	_ =	swait.ge [sflag:s20], $0x2400  }
0x88: {  	[sflag:s20] =	ssyncset.done $0x0  }
0x89: {  	[sflag:s20] =	ssyncadd.s32 $0xFFFFDC00  }
0x8a: {  	_ =	swait.ge [sflag:s28], $0x2400  }
0x8b: {  	[sflag:s28] =	ssyncset.done $0x0  }
0x8c: {  	[sflag:s28] =	ssyncadd.s32 $0xFFFFDC00  }
0x8d: {  	[spmem:s2] =	stream.indirect.scatter.add.f32 [tilespmem:s26], [sflag:$0x3], $0x90, s31, s24, $0xb8;
	[tilespmem:$0x1E390] =	vst v63  }
0x8e: {  	s0 =	stileid.u32;
	_ =	swait.ge [sflag:s20], $0x2400  }
0x8f: {  	s21 =	sshrl.u32 s8, $0x3;
	s1 =	sadd.s32 $0x1, s1;
	[sflag:s20] =	ssyncset.done $0x0  }
0x90: {  	s0 =	sshll.u32 s0, $0x6;
	p0 =	sne.s32 s1, s19;
	[sflag:s20] =	ssyncadd.s32 $0xFFFFDC00  }
.Ltmp2:
0x91: {  	s0 =	sor.u32 $0x1C03, s0;
	[bflag:$0x0] =	sbarrier.arrive $0xFFFF;
	(pc) =	sbr.rel @p0 .LBB2_1-.Ltmp2, $4  }
0x92: {  	[hbm:s18], [sflag:s0] =	dma.local [spmem:s21], $0x2BF2  }
0x93: {  	_ =	swait.ge [sflag:s20], $0x2BF2  }
0x94: {  	[sflag:s20] =	ssyncset.done $0x0  }
0x95: {  	[sflag:s20] =	ssyncadd.s32 $0xFFFFD40E  }
0x96: {  	_ =	sfence.sel $0x180000  }
0x97: {  	[bflag:$0x0] =	sbarrier.arrive $0xFFFF  }
0x98: {  	_ =	strace $0x9000005C  }
0x99: {  	s0 =	stileid.u32;
	[bflag:$0x2] =	sbarrier.arrive $0xFFFF  }
0x9a: {  	p0 =	sne.s32 s0, $0x0;
	s0 =	rddreg [dreg:$0x2]  }
0x9b: {  	s0 =	sadd.s32 @!p0 $0x100000, s0  }
0x9c: {  	[sflag:s0] =	ssyncadd.tile.s32 @!p0 $0x1;
	_ =	shalt  }
.Lfunc_end2:
_tile_overlayer_lowered:
.L_overlay_start_2:
0x9d: {  	(tag) =	ssettag $0x2  }
0x9e: {  	s0 =	rddreg [dreg:$0x0];
	s2 =	stileid.u32  }
0x9f: {  	s1 =	rddreg [dreg:$0x1];
	p0 =	sne.s32 s2, $0x0  }
0xa0: {  	s3 =	rddreg [dreg:$0x2];
	[bflag:$0x3] =	sbarrier.arrive $0xFFFF;
	s2 =	simm.s32 @!p0 $0x1C03  }
0xa1: {  	[timem:s3], [sflag:s2] =	dma.local @!p0 [hbm:s0], s1  }
0xa2: {  	s0 =	simm.s32 @!p0 $0x3  }
0xa3: {  	_ =	swait.ge @!p0 [sflag:s0], s1  }
0xa4: {  	s1 =	ssub.s32 @!p0 $0x0, s1;
	[sflag:s0] =	ssyncset.done @!p0 $0x0  }
0xa5: {  	[sflag:s0] =	ssyncadd.s32 @!p0 s1  }
0xa6: {  	[bflag:$0x3] =	sbarrier.arrive $0xFFFF  }
0xa7: {  	_ =	shalt  }

// kernel: kernel.41.cloned.1.call-start
scs
__scs_entry_jumppad:
0x0: {  	(pc) =	sbr.rel $0x88, $3  }
0x1: {  	(tag) =	ssettag $0x0;
	lr =	simm.s32 $0x1  }
0x2: {  	[smem:$0x3F83] =	sst lr;
	_ =	strace $0xD0000000  }
0x3: {  	_ = 	snop  }
0x4: {  	_ = 	snop  }
0x5: {  	_ = 	snop  }
0x6: {  	_ = 	snop  }
0x7: {  	_ = 	snop  }
__scs_overlays_trampoline_lowered:
0x8: {  	[smem:$0x3F92] =	sst s0  }
0x9: {  	[smem:$0x3F93] =	sst s1  }
0xa: {  	[smem:$0x3F94] =	sst s2  }
0xb: {  	[smem:$0x3F95] =	sst s3  }
0xc: {  	[smem:$0x3F96] =	sst s4  }
0xd: {  	[smem:$0x3F97] =	sst s5  }
0xe: {  	[smem:$0x3F98] =	sst s6  }
0xf: {  	[smem:$0x3F99] =	sst s7  }
0x10: {  	[smem:$0x3F9A] =	sst s8  }
0x11: {  	[smem:$0x3F9B] =	sst s9;
	s0 =	simm.s32 @!p0 $0x0  }
0x12: {  	s1 =	sld [smem:$0x3F81];
	s0 =	simm.s32 @p0 $0x1  }
0x13: {  	[smem:$0x3F9C] =	sst s0;
	s0 =	simm.s32 @!p1 $0x0  }
0x14: {  	s2 =	sld [smem:$0x3F80];
	s0 =	simm.s32 @p1 $0x1  }
0x15: {  	[smem:$0x3F9D] =	sst s0;
	s0 =	simm.s32 @!p2 $0x0  }
0x16: {  	s3 =	sld [smem:$0x3FDB];
	s0 =	simm.s32 @p2 $0x1  }
0x17: {  	s4 =	simm.s32 $0x1BF5;
	[smem:$0x3F9F] =	sst s0  }
0x18: {  	s0 =	sld [smem:$0x3F82];
	_ =	swait.ge [sflag:s4], $0x0  }
0x19: {  	s7 =	sld [smem:$0x3F83]  }
0x1a: {  	s8 =	sadd.s32 $0xFFFFE003, lr  }
0x1b: {  	s9 =	sadd.s32 $0xFFFFFEF7, lr;
	s5 =	simm.s32 $0xFFFFFFFF;
	p2 =	slt.u32 s8, $0xFFFFF086  }
0x1c: {  	p1 =	slt.u32 s9, $0xF7A;
	s5 =	simm.s32 @!p2 $0x0  }
0x1d: {  	s5 =	simm.s32 @p1 $0x1;
	p0 =	seq.s32 s7, s2  }
0x1e: {  	s7 =	smul.u32 @!p0 $0xF7A, s2;
	p2 =	seq.s32 @!p0 s5, $0x0  }
0x1f: {  	s9 =	smul.u32 $0xF7A, s1;
	s8 =	simm.s32 @!p0 $0x1BF5;
	p2 =	por !p2, p0  }
0x20: {  	[sflag:s8] =	ssyncset.s32 @!p0 $0xFFFFF086;
	s6 =	sadd.s32 @!p0 s3, s7;
	s7 =	simm.s32 @!p0 $0x108  }
0x21: {  	s3 =	sadd.s32 s3, s9;
	s6 =	sadd.s32 @!p0 $0x88, s6;
	s7 =	simm.s32 @p2 $0x1082  }
0x22: {  	[simem:s7], [sflag:s8] =	dma.local @!p0 [hbm:s6], $0xF7A  }
0x23: {  	s9 =	sor.u32 $0xD0000000, s2;
	s6 =	simm.s32 $0x108;
	_ =	swait.ge @!p0 [sflag:s8], $0x0  }
0x24: {  	s3 =	sadd.s32 $0x88, s3;
	s6 =	simm.s32 @!p1 $0x1082;
	[sflag:s4] =	ssyncset.s32 $0xFFFFF086  }
0x25: {  	[simem:s6], [sflag:s4] =	dma.local [hbm:s3], $0xF7A  }
0x26: {  	[smem:$0x3F83] =	sst s1;
	(tag) =	ssettag s2;
	_ =	strace s9  }
0x27: {  	s1 =	sld [smem:$0x3F93]  }
0x28: {  	s2 =	sld [smem:$0x3F94]  }
0x29: {  	s4 =	sld [smem:$0x3F96]  }
0x2a: {  	p0 =	seq.s32 s5, $0x0;
	s5 =	sld [smem:$0x3F97]  }
0x2b: {  	s6 =	sld [smem:$0x3F98]  }
0x2c: {  	s7 =	sld [smem:$0x3F99]  }
0x2d: {  	s3 =	simm.s32 $0x108;
	s8 =	sld [smem:$0x3F9A]  }
0x2e: {  	s3 =	simm.s32 @!p0 $0x1082;
	s9 =	sld [smem:$0x3F9B]  }
0x2f: {  	lr =	sadd.s32 s0, s3;
	s0 =	sld [smem:$0x3F92]  }
0x30: {  	s3 =	sld [smem:$0x3F95]  }
0x31: {  	[smem:$0x3F9E] =	sst s10  }
0x32: {  	s10 =	sld [smem:$0x3F9C];
	_ =	sdelay $0x3  }
0x33: {  	p0 =	seq.s32 s10, $0x1;
	s10 =	sld [smem:$0x3F9E];
	_ =	sdelay $0x3  }
0x34: {  	[smem:$0x3F9E] =	sst s10  }
0x35: {  	s10 =	sld [smem:$0x3F9D];
	_ =	sdelay $0x3  }
0x36: {  	p1 =	seq.s32 s10, $0x1;
	s10 =	sld [smem:$0x3F9E];
	_ =	sdelay $0x3  }
0x37: {  	[smem:$0x3F9E] =	sst s10  }
0x38: {  	s10 =	sld [smem:$0x3F9F]  }
0x39: {  	_ = 	snop;
	(pc) =	sbr.ind lr, $3  }
0x3a: {  	_ = 	snop  }
0x3b: {  	_ = 	snop  }
0x3c: {  	p2 =	seq.s32 s10, $0x1;
	s10 =	sld [smem:$0x3F9E]  }
0x3d: {  	_ =	shalt  }
0x3e: {  	_ =	shalt  }
0x3f: {  	_ =	shalt  }
0x40: {  	_ =	shalt  }
0x41: {  	_ =	shalt  }
0x42: {  	_ =	shalt  }
0x43: {  	_ =	shalt  }
0x44: {  	_ =	shalt  }
0x45: {  	_ =	shalt  }
0x46: {  	_ =	shalt  }
0x47: {  	_ =	shalt  }
0x48: {  	_ =	shalt  }
0x49: {  	_ =	shalt  }
0x4a: {  	_ =	shalt  }
0x4b: {  	_ =	shalt  }
0x4c: {  	_ =	shalt  }
0x4d: {  	_ =	shalt  }
0x4e: {  	_ =	shalt  }
0x4f: {  	_ =	shalt  }
0x50: {  	_ =	shalt  }
0x51: {  	_ =	shalt  }
0x52: {  	_ =	shalt  }
0x53: {  	_ =	shalt  }
0x54: {  	_ =	shalt  }
0x55: {  	_ =	shalt  }
0x56: {  	_ =	shalt  }
0x57: {  	_ =	shalt  }
0x58: {  	_ =	shalt  }
0x59: {  	_ =	shalt  }
0x5a: {  	_ =	shalt  }
0x5b: {  	_ =	shalt  }
0x5c: {  	_ =	shalt  }
0x5d: {  	_ =	shalt  }
0x5e: {  	_ =	shalt  }
0x5f: {  	_ =	shalt  }
0x60: {  	_ =	shalt  }
0x61: {  	_ =	shalt  }
0x62: {  	_ =	shalt  }
0x63: {  	_ =	shalt  }
0x64: {  	_ =	shalt  }
0x65: {  	_ =	shalt  }
0x66: {  	_ =	shalt  }
0x67: {  	_ =	shalt  }
0x68: {  	_ =	shalt  }
0x69: {  	_ =	shalt  }
0x6a: {  	_ =	shalt  }
0x6b: {  	_ =	shalt  }
0x6c: {  	_ =	shalt  }
0x6d: {  	_ =	shalt  }
0x6e: {  	_ =	shalt  }
0x6f: {  	_ =	shalt  }
0x70: {  	_ =	shalt  }
0x71: {  	_ =	shalt  }
0x72: {  	_ =	shalt  }
0x73: {  	_ =	shalt  }
0x74: {  	_ =	shalt  }
0x75: {  	_ =	shalt  }
0x76: {  	_ =	shalt  }
0x77: {  	_ =	shalt  }
0x78: {  	_ =	shalt  }
0x79: {  	_ =	shalt  }
0x7a: {  	_ =	shalt  }
0x7b: {  	_ =	shalt  }
0x7c: {  	_ =	shalt  }
0x7d: {  	_ =	shalt  }
0x7e: {  	_ =	shalt  }
0x7f: {  	_ =	shalt  }
0x80: {  	_ =	shalt  }
0x81: {  	_ =	shalt  }
0x82: {  	_ =	shalt  }
0x83: {  	_ =	shalt  }
0x84: {  	_ =	shalt  }
0x85: {  	_ =	shalt  }
0x86: {  	_ =	shalt  }
0x87: {  	_ =	shalt  }
.Lfunc_end0:
.L_simem_size_0:
called_computation.7_lowered:
.L_overlay_start_0:
0x88: {  	s2 =	sld [smem:$0x3FD9]  }
0x89: {  	s3 =	sld [smem:$0x3FFE];
	_ =	sdelay $0x1  }
0x8a: {  	s1 =	srdreg.scid  }
0x8b: {  	s0 =	sand.u32 $0x1, s1  }
0x8c: {  	s17 =	sshll.u32 s0, $0xA;
	s2 =	sadd.s32 s3, s2  }
0x8d: {  	s2 =	sadd.s32 s2, s17  }
0x8e: {  	[smem:$0x3FAA] =	sst s2  }
0x8f: {  	_ = 	snop  }
0x90: {  	(tm) =	ssettm $0x1  }
0x91: {  	s18 =	sld [smem:$0x3FFB];
	_ =	sdelay $0x3  }
0x92: {  	_ =	strace s18  }
0x93: {  	s2 =	sld [smem:$0x3FFC];
	_ =	sdelay $0x3  }
0x94: {  	_ =	strace s2  }
0x95: {  	s2 =	sld [smem:$0x3FFD];
	_ =	sdelay $0x3  }
0x96: {  	_ =	strace s2  }
0x97: {  	_ =	strace $0x8FFFFFFF  }
0x98: {  	s19 =	sld [smem:$0x3FDB];
	_ =	sdelay $0x1  }
0x99: {  	s20 =	simm.s32 $_scs_section_size  }
0x9a: {  	s4 =	simm.s32 $_size__tile_overlayer_lowered;
	s5 =	simm.s32 $_tile_overlayer_lowered  }
0x9b: {  	s6 =	simm.s32 $0x1BFF;
	s21 =	sshll.u32 s5, $0x1;
	s3 =	sadd.s32 s20, s19  }
0x9c: {  	s22 =	simm.s32 $0x0;
	s4 =	sshll.u32 s4, $0x1;
	s5 =	sadd.s32 s21, s3  }
0x9d: {  	[timem:s22], [sflag:s6] =	dma.local [hbm:s5], s4  }
0x9e: {  	_ =	swait.ge [sflag:s6], s4  }
0x9f: {  	s4 =	ssub.s32 $0x0, s4;
	[sflag:s6] =	ssyncset.done $0x0  }
0xa0: {  	[sflag:s6] =	ssyncadd.s32 s4;
	_ =	sdelay $0x1  }
0xa1: {  	s23 =	simm.s32 $0x1B8B  }
0xa2: {  	_ =	swait.ge [sflag:s23], $0x1  }
0xa3: {  	[sflag:s23] =	ssyncset.done $0x0  }
0xa4: {  	[sflag:s23] =	ssyncadd.s32 $0xFFFFFFFF  }
0xa5: {  	s4 =	sld [smem:$0x0]  }
0xa6: {  	s5 =	sand.u32 $0xFFFFFFFE, s1  }
0xa7: {  	p0 =	sne.s32 s1, s5  }
0xa8: {  	s5 =	sshll.u32 @p0 s5, $0xE  }
0xa9: {  	s5 =	sadd.s32 @p0 $0x11B8D, s5;
	s6 =	sshll.u32 @p0 s4, $0x11  }
0xaa: {  	s5 =	sor.u32 @p0 s6, s5  }
0xab: {  	[sflag:s5] =	ssyncadd.remote.s32 @p0 $0x1;
	_ =	sdelay $0x1  }
0xac: {  	s5 =	simm.s32 @p0 $0x1B8D  }
0xad: {  	_ =	swait.eq @p0 [sflag:s5], $0x1  }
0xae: {  	[sflag:s5] =	ssyncadd.s32 @p0 $0xFFFFFFFF  }
0xaf: {  	s6 =	sshll.u32 @!p0 s1, $0xE  }
0xb0: {  	s6 =	sor.u32 @!p0 $0x4000, s6;
	s5 =	simm.s32 @!p0 $0x1B8D  }
0xb1: {  	s4 =	sshll.u32 @!p0 s4, $0x11;
	s6 =	sadd.s32 @!p0 $0x11B8D, s6;
	_ =	swait.eq @!p0 [sflag:s5], $0x1  }
0xb2: {  	s4 =	sor.u32 @!p0 s4, s6;
	[sflag:s5] =	ssyncadd.s32 @!p0 $0xFFFFFFFF  }
0xb3: {  	s25 =	simm.s32 $0x1B8E;
	s24 =	sld [smem:$0x3FFE];
	[sflag:s4] =	ssyncadd.remote.s32 @!p0 $0x1  }
0xb4: {  	s26 =	simm.s32 $execute0_lowered;
	[smem:$0x3FD2] =	sst s25  }
0xb5: {  	s5 =	sshll.u32 s26, $0x1;
	_ =	strace $0x80000058;
	[dreg:$0x1] =	wrdreg $0xFFFFFFFF  }
0xb6: {  	s28 =	simm.s32 $_size_execute0_lowered;
	s3 =	sadd.s32 s3, s5;
	[dreg:$0x0] =	wrdreg $0x0  }
0xb7: {  	s5 =	sshll.u32 s28, $0x1;
	[dreg:$0x2] =	wrdreg s3  }
0xb8: {  	[dreg:$0x3] =	wrdreg s5  }
0xb9: {  	[dreg:$0x4] =	wrdreg $0xC0  }
0xba: {  	_ =	task [dreg:s22], $0x5FFFF  }
0xbb: {  	[dreg:$0x1] =	wrdreg $0xFFFFFFFF  }
0xbc: {  	[dreg:$0x0] =	wrdreg $0x60  }
0xbd: {  	[dreg:$0x2] =	wrdreg s24  }
0xbe: {  	[dreg:$0x3] =	wrdreg $0x84000  }
0xbf: {  	[dreg:$0x4] =	wrdreg $0xA  }
0xc0: {  	_ =	task.clear_ibuf [dreg:s22], $0x5FFFF;
	_ =	strace $0x90000058  }
0xc1: {  	s29 =	simm.s32 $0xA;
	_ =	strace $0x8000005A  }
0xc2: {  	_ =	swait.ge [sflag:s29], $0x1  }
0xc3: {  	[sflag:s29] =	ssyncadd.s32 $0xFFFFFFFF  }
0xc4: {  	_ =	strace $0x9000005A  }
0xc5: {  	_ =	sfence  }
0xc6: {  	s30 =	sld [smem:$0x0];
	_ =	sdelay $0x2  }
0xc7: {  	s31 =	sshll.u32 s1, $0xD;
	s1 =	sshrl.u32 s1, $0x2  }
0xc8: {  	s4 =	sand.u32 $0x4000, s31;
	s1 =	sadd.s32 s1, s30  }
0xc9: {  	s0 =	sor.u32 s4, s0;
	s1 =	sshll.u32 s1, $0x11  }
0xca: {  	s0 =	sor.u32 s1, s0  }
0xcb: {  	s0 =	sadd.s32 $0x8F2B, s0  }
0xcc: {  	[sflag:s0] =	ssyncadd.remote.s32 $0x1  }
0xcd: {  	_ =	sfence.sel $0xFFFF  }
0xce: {  	[dreg:$0x0] =	wrdreg $0xFFFFFFFF;
	(pc) =	sbr.abs _section_cstart, $3  }
0xcf: {  	[dreg:$0x1] =	wrdreg $0xFFFFFFFF  }
0xd0: {  	_ =	task.clear_ibuf [dreg:s22], $0x2FFFF;
	_ =	strace $0x9FFFFFFF  }
0xd1: {  	(tm) =	ssettm $0x7FFFFFFF  }
tec
execute0_lowered:
.L_overlay_start_1:
0x0: {  	(tag) =	ssettag $0x1  }
0x1: {  	s0 =	srdreg.scid;
	s5 =	rddreg [dreg:$0x0]  }
0x2: {  	s7 =	stileid.u32;
	s2 =	rddreg [dreg:$0x1]  }
0x3: {  	s3 =	simm.s32 $0x0;
	s20 =	simm.s32 $0x3;
	s23 =	simm.s32 $0x3C00  }
0x4: {  	s24 =	simm.s32 $0x40;
	s28 =	simm.s32 $0x2;
	s29 =	simm.s32 $0x13C0  }
0x5: {  	s30 =	simm.s32 $0x2780;
	s31 =	simm.s32 $0x27C0;
	s0 =	sand.u32 $0x1, s0  }
0x6: {  	s8 =	smul.u32 $0x15F90, s7;
	[smem:$0x7FF] =	sst s3;
	s1 =	sshll.u32 s0, $0x4  }
0x7: {  	s4 =	smul.u32 $0x15F900, s0;
	_ =	strace $0x80000059;
	s0 =	ssub.s32 $0x2, s0  }
0x8: {  	s1 =	sor.u32 s7, s1;
	s7 =	smul.u32 $0x57E40, s7;
	s25 =	sshrl.u32 s0, $0x1  }
0x9: {  	s1 =	smul.u32 $0x280, s1;
	s4 =	sadd.s32 s8, s4;
	s0 =	ssub.s32 s0, s25  }
0xa: {  	s8 =	sadd.s32 s8, s2;
	s25 =	simm.s32 $0x1;
	s6 =	sshrl.u32 s4, $0x3  }
0xb: {  	s4 =	sadd.s32 $0x3D400, s5;
	s9 =	sshrl.u32 s7, $0x2;
	s19 =	smax.u32 s0, $0x1  }
0xc: {  	s1 =	sadd.s32 s1, s5;
	s18 =	sadd.s32 s6, s5;
	s26 =	sadd.s32 s9, s2  }
0xd: {  	s5 =	sadd.s32 $0xB8200, s1;
	s6 =	sadd.s32 $0xBD200, s1;
	s7 =	sadd.s32 $0x38400, s1  }
0xe: {  	s9 =	sadd.s32 $0x2400, s26;
	s10 =	sadd.s32 $0x4800, s26;
	s11 =	sadd.s32 $0x6C00, s26  }
0xf: {  	s12 =	sadd.s32 $0x9000, s26;
	s13 =	sadd.s32 $0xB400, s26;
	s14 =	sadd.s32 $0xD800, s26  }
0x10: {  	s15 =	sadd.s32 $0xFC00, s26;
	s16 =	sadd.s32 $0x12000, s26;
	s17 =	sadd.s32 $0x14400, s26  }
0x11: {  	v0 =	vimm.f32 $0.0e+00;
	s18 =	sadd.s32 $0x115A00, s18;
	s26 =	simm.s32 $0x6000;
	s1 =	simm.s32 $0x0  }
.LBB2_1:
0x12: {  	[tilespmem:s3], [sflag:$0x3] =	stream.linear.gather [hbm4b:s5+s3], $0x1400, $0x38;
	[tilespmem:$0x1E390] =	vst v63  }
0x13: {  	_ =	swait.ge [sflag:s20], $0x1400  }
0x14: {  	[sflag:s20] =	ssyncset.done $0x0  }
0x15: {  	s0 =	simm.s32 $0x1400;
	[sflag:s20] =	ssyncadd.s32 $0xFFFFEC00  }
0x16: {  	[tilespmem:s0], [sflag:$0x3] =	stream.linear.gather [hbm4b:s6+s3], $0x1400, $0x38;
	[tilespmem:$0x1E390] =	vst v63  }
0x17: {  	_ =	swait.ge [sflag:s20], $0x1400  }
0x18: {  	[sflag:s20] =	ssyncset.done $0x0  }
0x19: {  	s22 =	simm.s32 $0x2800;
	[sflag:s20] =	ssyncadd.s32 $0xFFFFEC00  }
0x1a: {  	[tilespmem:s22], [sflag:$0x3] =	stream.linear.gather [hbm4b:s7+s3], $0x1400, $0x38;
	[tilespmem:$0x1E390] =	vst v63  }
0x1b: {  	_ =	swait.ge [sflag:s20], $0x1400  }
0x1c: {  	[sflag:s20] =	ssyncset.done $0x0  }
0x1d: {  	s21 =	simm.s32 $0x240;
	s0 =	simm.s32 $0x0;
	[sflag:s20] =	ssyncadd.s32 $0xFFFFEC00  }
.LBB2_2:
0x1e: {  	p0 =	sne.s32 s21, $0x8DC0;
	[tilespmem:s0+$0x3C80] =	vst v0  }
0x1f: {  	[tilespmem:s0+$0x3C00] =	vst v0  }
0x20: {  	[tilespmem:s0+$0x3C10] =	vst v0  }
0x21: {  	[tilespmem:s0+$0x3C20] =	vst v0  }
.Ltmp0:
0x22: {  	[tilespmem:s0+$0x3C30] =	vst v0;
	(pc) =	sbr.rel @p0 .LBB2_2-.Ltmp0, $4  }
0x23: {  	[tilespmem:s0+$0x3C40] =	vst v0  }
0x24: {  	[tilespmem:s0+$0x3C50] =	vst v0  }
0x25: {  	[tilespmem:s0+$0x3C60] =	vst v0  }
0x26: {  	[tilespmem:s0+$0x3C70] =	vst v0;
	s0 =	sshra.s32 s21, $0x2;
	s21 =	sadd.s32 $0x240, s21  }
0x27: {  	[tilespmem:s0+$0x3C80] =	vst v0  }
0x28: {  	[tilespmem:s0+$0x3C00] =	vst v0  }
0x29: {  	[tilespmem:s0+$0x3C10] =	vst v0  }
0x2a: {  	[tilespmem:s0+$0x3C20] =	vst v0  }
0x2b: {  	[tilespmem:s0+$0x3C30] =	vst v0  }
0x2c: {  	[tilespmem:s0+$0x3C40] =	vst v0  }
0x2d: {  	[tilespmem:s0+$0x3C50] =	vst v0  }
0x2e: {  	[tilespmem:s0+$0x3C60] =	vst v0  }
0x2f: {  	[tilespmem:s0+$0x3C70] =	vst v0  }
0x30: {  	[spmem:s8] =	stream.linear.scatter [tilespmem:s23], [sflag:$0x3], $0x2400, $0x38;
	[tilespmem:$0x1E390] =	vst v63  }
0x31: {  	_ =	swait.ge [sflag:s20], $0x2400  }
0x32: {  	[sflag:s20] =	ssyncset.done $0x0  }
0x33: {  	[sflag:s20] =	ssyncadd.s32 $0xFFFFDC00  }
0x34: {  	[spmem:s9] =	stream.linear.scatter [tilespmem:s23], [sflag:$0x3], $0x2400, $0x38;
	[tilespmem:$0x1E390] =	vst v63  }
0x35: {  	_ =	swait.ge [sflag:s20], $0x2400  }
0x36: {  	[sflag:s20] =	ssyncset.done $0x0  }
0x37: {  	[sflag:s20] =	ssyncadd.s32 $0xFFFFDC00  }
0x38: {  	[spmem:s10] =	stream.linear.scatter [tilespmem:s23], [sflag:$0x3], $0x2400, $0x38;
	[tilespmem:$0x1E390] =	vst v63  }
0x39: {  	_ =	swait.ge [sflag:s20], $0x2400  }
0x3a: {  	[sflag:s20] =	ssyncset.done $0x0  }
0x3b: {  	[sflag:s20] =	ssyncadd.s32 $0xFFFFDC00  }
0x3c: {  	[spmem:s11] =	stream.linear.scatter [tilespmem:s23], [sflag:$0x3], $0x2400, $0x38;
	[tilespmem:$0x1E390] =	vst v63  }
0x3d: {  	_ =	swait.ge [sflag:s20], $0x2400  }
0x3e: {  	[sflag:s20] =	ssyncset.done $0x0  }
0x3f: {  	[sflag:s20] =	ssyncadd.s32 $0xFFFFDC00  }
0x40: {  	[spmem:s12] =	stream.linear.scatter [tilespmem:s23], [sflag:$0x3], $0x2400, $0x38;
	[tilespmem:$0x1E390] =	vst v63  }
0x41: {  	_ =	swait.ge [sflag:s20], $0x2400  }
0x42: {  	[sflag:s20] =	ssyncset.done $0x0  }
0x43: {  	[sflag:s20] =	ssyncadd.s32 $0xFFFFDC00  }
0x44: {  	[spmem:s13] =	stream.linear.scatter [tilespmem:s23], [sflag:$0x3], $0x2400, $0x38;
	[tilespmem:$0x1E390] =	vst v63  }
0x45: {  	_ =	swait.ge [sflag:s20], $0x2400  }
0x46: {  	[sflag:s20] =	ssyncset.done $0x0  }
0x47: {  	[sflag:s20] =	ssyncadd.s32 $0xFFFFDC00  }
0x48: {  	[spmem:s14] =	stream.linear.scatter [tilespmem:s23], [sflag:$0x3], $0x2400, $0x38;
	[tilespmem:$0x1E390] =	vst v63  }
0x49: {  	_ =	swait.ge [sflag:s20], $0x2400  }
0x4a: {  	[sflag:s20] =	ssyncset.done $0x0  }
0x4b: {  	[sflag:s20] =	ssyncadd.s32 $0xFFFFDC00  }
0x4c: {  	[spmem:s15] =	stream.linear.scatter [tilespmem:s23], [sflag:$0x3], $0x2400, $0x38;
	[tilespmem:$0x1E390] =	vst v63  }
0x4d: {  	_ =	swait.ge [sflag:s20], $0x2400  }
0x4e: {  	[sflag:s20] =	ssyncset.done $0x0  }
0x4f: {  	[sflag:s20] =	ssyncadd.s32 $0xFFFFDC00  }
0x50: {  	[spmem:s16] =	stream.linear.scatter [tilespmem:s23], [sflag:$0x3], $0x2400, $0x38;
	[tilespmem:$0x1E390] =	vst v63  }
0x51: {  	_ =	swait.ge [sflag:s20], $0x2400  }
0x52: {  	[sflag:s20] =	ssyncset.done $0x0  }
0x53: {  	[sflag:s20] =	ssyncadd.s32 $0xFFFFDC00  }
0x54: {  	[spmem:s17] =	stream.linear.scatter [tilespmem:s23], [sflag:$0x3], $0x1B90, $0x38;
	[tilespmem:$0x1E390] =	vst v63  }
0x55: {  	_ =	swait.ge [sflag:s20], $0x1B90  }
0x56: {  	[sflag:s20] =	ssyncset.done $0x0  }
0x57: {  	s22 =	simm.s32 $0x0;
	[sflag:s20] =	ssyncadd.s32 $0xFFFFE470  }
0x58: {  	[tilespmem:s23], [sflag:$0x1] =	stream.indirect.gather [hbm4b:s4+s24], $0x90, s22, s24, $0xb8;
	[tilespmem:$0x1E390] =	vst v63  }
0x59: {  	[bflag:$0x0] =	sbarrier.arrive $0xFFFF  }
0x5a: {  	_ =	swait.ge [sflag:s25], $0x2400  }
0x5b: {  	[sflag:s25] =	ssyncset.done $0x0  }
0x5c: {  	s21 =	simm.s32 $0x40;
	[sflag:s25] =	ssyncadd.s32 $0xFFFFDC00  }
0x5d: {  	[tilespmem:s26], [sflag:$0x2] =	stream.indirect.gather [hbm4b:s4+s24], $0x90, s21, s24, $0xb8;
	[tilespmem:$0x1E390] =	vst v63  }
0x5e: {  	s22 =	simm.s32 $0x1400  }
0x5f: {  	[spmem:s2] =	stream.indirect.scatter.add.f32 [tilespmem:s23], [sflag:$0x3], $0x90, s22, s24, $0xb8;
	[tilespmem:$0x1E390] =	vst v63  }
0x60: {  	_ =	swait.ge [sflag:s20], $0x2400  }
0x61: {  	[sflag:s20] =	ssyncset.done $0x0  }
0x62: {  	[sflag:s20] =	ssyncadd.s32 $0xFFFFDC00  }
0x63: {  	_ =	swait.ge [sflag:s28], $0x2400  }
0x64: {  	[sflag:s28] =	ssyncset.done $0x0  }
0x65: {  	s21 =	simm.s32 $0x80;
	[sflag:s28] =	ssyncadd.s32 $0xFFFFDC00  }
0x66: {  	[tilespmem:s23], [sflag:$0x1] =	stream.indirect.gather [hbm4b:s4+s24], $0x90, s21, s24, $0xb8;
	[tilespmem:$0x1E390] =	vst v63  }
0x67: {  	s22 =	simm.s32 $0x1440  }
0x68: {  	[spmem:s2] =	stream.indirect.scatter.add.f32 [tilespmem:s26], [sflag:$0x3], $0x90, s22, s24, $0xb8;
	[tilespmem:$0x1E390] =	vst v63  }
0x69: {  	_ =	swait.ge [sflag:s20], $0x2400  }
0x6a: {  	s0 =	simm.s32 $0x200;
	[sflag:s20] =	ssyncset.done $0x0  }
.LBB2_4:
0x6b: {  	p0 =	sne.s32 s0, $0x4C00  }
0x6c: {  	[sflag:s20] =	ssyncadd.s32 $0xFFFFDC00;
	s21 =	smov.u32 s0;
	s0 =	sadd.s32 $0x200, s0  }
0x6d: {  	_ = 	snop  }
0x6e: {  	_ =	swait.ge [sflag:s25], $0x2400  }
0x6f: {  	s21 =	sshra.s32 s21, $0x2;
	[sflag:s25] =	ssyncset.done $0x0  }
0x70: {  	s22 =	sadd.s32 $0x40, s21;
	[sflag:s25] =	ssyncadd.s32 $0xFFFFDC00  }
0x71: {  	[tilespmem:s26], [sflag:$0x2] =	stream.indirect.gather [hbm4b:s4+s24], $0x90, s22, s24, $0xb8;
	[tilespmem:$0x1E390] =	vst v63  }
0x72: {  	s22 =	sadd.s32 $0x1400, s21  }
0x73: {  	[spmem:s2] =	stream.indirect.scatter.add.f32 [tilespmem:s23], [sflag:$0x3], $0x90, s22, s24, $0xb8;
	[tilespmem:$0x1E390] =	vst v63  }
0x74: {  	_ =	swait.ge [sflag:s20], $0x2400  }
0x75: {  	[sflag:s20] =	ssyncset.done $0x0  }
0x76: {  	[sflag:s20] =	ssyncadd.s32 $0xFFFFDC00  }
0x77: {  	_ =	swait.ge [sflag:s28], $0x2400  }
0x78: {  	[sflag:s28] =	ssyncset.done $0x0  }
0x79: {  	s22 =	sadd.s32 $0x80, s21;
	[sflag:s28] =	ssyncadd.s32 $0xFFFFDC00  }
0x7a: {  	[tilespmem:s23], [sflag:$0x1] =	stream.indirect.gather [hbm4b:s4+s24], $0x90, s22, s24, $0xb8;
	[tilespmem:$0x1E390] =	vst v63  }
.Ltmp1:
0x7b: {  	_ = 	snop;
	(pc) =	sbr.rel @p0 .LBB2_4-.Ltmp1, $4  }
0x7c: {  	s21 =	sadd.s32 $0x1440, s21  }
0x7d: {  	[spmem:s2] =	stream.indirect.scatter.add.f32 [tilespmem:s26], [sflag:$0x3], $0x90, s21, s24, $0xb8;
	[tilespmem:$0x1E390] =	vst v63  }
0x7e: {  	_ =	swait.ge [sflag:s20], $0x2400  }
0x7f: {  	[sflag:s20] =	ssyncset.done $0x0  }
0x80: {  	[sflag:s20] =	ssyncadd.s32 $0xFFFFDC00  }
0x81: {  	_ =	swait.ge [sflag:s25], $0x2400  }
0x82: {  	[sflag:s25] =	ssyncset.done $0x0  }
0x83: {  	[sflag:s25] =	ssyncadd.s32 $0xFFFFDC00  }
0x84: {  	[tilespmem:s26], [sflag:$0x2] =	stream.indirect.gather [hbm4b:s4+s24], $0x90, s29, s24, $0xb8;
	[tilespmem:$0x1E390] =	vst v63  }
0x85: {  	_ = 	snop  }
0x86: {  	[spmem:s2] =	stream.indirect.scatter.add.f32 [tilespmem:s23], [sflag:$0x3], $0x90, s30, s24, $0xb8;
	[tilespmem:$0x1E390] =	vst v63  }
0x87: {  	_ =	swait.ge [sflag:s20], $0x2400  }
0x88: {  	[sflag:s20] =	ssyncset.done $0x0  }
0x89: {  	[sflag:s20] =	ssyncadd.s32 $0xFFFFDC00  }
0x8a: {  	_ =	swait.ge [sflag:s28], $0x2400  }
0x8b: {  	[sflag:s28] =	ssyncset.done $0x0  }
0x8c: {  	[sflag:s28] =	ssyncadd.s32 $0xFFFFDC00  }
0x8d: {  	[spmem:s2] =	stream.indirect.scatter.add.f32 [tilespmem:s26], [sflag:$0x3], $0x90, s31, s24, $0xb8;
	[tilespmem:$0x1E390] =	vst v63  }
0x8e: {  	s0 =	stileid.u32;
	_ =	swait.ge [sflag:s20], $0x2400  }
0x8f: {  	s21 =	sshrl.u32 s8, $0x3;
	s1 =	sadd.s32 $0x1, s1;
	[sflag:s20] =	ssyncset.done $0x0  }
0x90: {  	s0 =	sshll.u32 s0, $0x6;
	p0 =	sne.s32 s1, s19;
	[sflag:s20] =	ssyncadd.s32 $0xFFFFDC00  }
.Ltmp2:
0x91: {  	s0 =	sor.u32 $0x1C03, s0;
	[bflag:$0x0] =	sbarrier.arrive $0xFFFF;
	(pc) =	sbr.rel @p0 .LBB2_1-.Ltmp2, $4  }
0x92: {  	[hbm:s18], [sflag:s0] =	dma.local [spmem:s21], $0x2BF2  }
0x93: {  	_ =	swait.ge [sflag:s20], $0x2BF2  }
0x94: {  	[sflag:s20] =	ssyncset.done $0x0  }
0x95: {  	[sflag:s20] =	ssyncadd.s32 $0xFFFFD40E  }
0x96: {  	_ =	sfence.sel $0x180000  }
0x97: {  	[bflag:$0x0] =	sbarrier.arrive $0xFFFF  }
0x98: {  	_ =	strace $0x90000059  }
0x99: {  	s0 =	stileid.u32;
	[bflag:$0x2] =	sbarrier.arrive $0xFFFF  }
0x9a: {  	p0 =	sne.s32 s0, $0x0;
	s0 =	rddreg [dreg:$0x2]  }
0x9b: {  	s0 =	sadd.s32 @!p0 $0x100000, s0  }
0x9c: {  	[sflag:s0] =	ssyncadd.tile.s32 @!p0 $0x1;
	_ =	shalt  }
.Lfunc_end2:
_tile_overlayer_lowered:
.L_overlay_start_2:
0x9d: {  	(tag) =	ssettag $0x2  }
0x9e: {  	s0 =	rddreg [dreg:$0x0];
	s2 =	stileid.u32  }
0x9f: {  	s1 =	rddreg [dreg:$0x1];
	p0 =	sne.s32 s2, $0x0  }
0xa0: {  	s3 =	rddreg [dreg:$0x2];
	[bflag:$0x3] =	sbarrier.arrive $0xFFFF;
	s2 =	simm.s32 @!p0 $0x1C03  }
0xa1: {  	[timem:s3], [sflag:s2] =	dma.local @!p0 [hbm:s0], s1  }
0xa2: {  	s0 =	simm.s32 @!p0 $0x3  }
0xa3: {  	_ =	swait.ge @!p0 [sflag:s0], s1  }
0xa4: {  	s1 =	ssub.s32 @!p0 $0x0, s1;
	[sflag:s0] =	ssyncset.done @!p0 $0x0  }
0xa5: {  	[sflag:s0] =	ssyncadd.s32 @!p0 s1  }
0xa6: {  	[bflag:$0x3] =	sbarrier.arrive $0xFFFF  }
0xa7: {  	_ =	shalt  }

</sc_bundles>
